<compile_context>
chip_gen: v7x
topology: tpu7x:2x2x1
jax: 0.10.2.dev20260603
libtpu: 0.0.44.dev20260713+nightly
codegen_flags: <defaults>
</compile_context>

<pallas_src>
import functools

import jax
import jax.numpy as jnp
from jax import lax
from jax.experimental import pallas as pl
from jax.experimental.pallas import tpu as pltpu
from jax.experimental.pallas import tpu_sc as plsc

B, T, D = 4096, 200, 64
NC, NS = 2, 16
NW = NC * NS
BL = B // NW
STEPS = T
MAIN = (STEPS - 2) // 3

WP = 137
_ROWS = pltpu.VMEM((BL, D), jnp.float32)
_IDX = pltpu.VMEM((BL,), jnp.int32)
_WB = pltpu.VMEM((D, WP), jnp.float32)
_SEM = pltpu.SemaphoreType.DMA


@functools.partial(
    pl.kernel,
    out_type=jax.ShapeDtypeStruct((T, 8, NW, 8, 128), jnp.float32),
    mesh=plsc.VectorSubcoreMesh(core_axis_name="c", subcore_axis_name="s"),
    scratch_types=[
        _IDX, _IDX, _IDX, _IDX, _IDX, _IDX, _IDX, _IDX, _IDX,
        _ROWS, _ROWS, _ROWS, _ROWS, _ROWS, _ROWS, _ROWS, _ROWS, _ROWS,
        _WB, _WB, _WB,
        _SEM, _SEM, _SEM, _SEM, _SEM, _SEM, _SEM, _SEM, _SEM,
    ],
    compiler_params=pltpu.CompilerParams(
        use_tc_tiling_on_sc=False, needs_layout_passes=False),
)
def _encode(i1, i2, i3, t1, t2, t3, out,
            xa1, xa2, xa3, xb1, xb2, xb3, xc1, xc2, xc3,
            ra1, ra2, ra3, rb1, rb2, rb3, rc1, rc2, rc3,
            wba, wbb, wbc,
            gsa, gsb, gsc, osa, osb, osc, ia, ib, ic):
    wid = lax.axis_index("s") * NC + lax.axis_index("c")
    b0 = wid * BL
    iota = lax.iota(jnp.int32, 16)

    def issue_idx(s, x1, x2, x3, sem):
        o = s * B + b0
        pltpu.async_copy(i1.at[pl.ds(o, BL)], x1, sem)
        pltpu.async_copy(i2.at[pl.ds(o, BL)], x2, sem)
        pltpu.async_copy(i3.at[pl.ds(o, BL)], x3, sem)

    def wait_idx(x1, x2, x3, sem):
        pltpu.make_async_copy(i1.at[pl.ds(0, BL)], x1, sem).wait()
        pltpu.make_async_copy(i2.at[pl.ds(0, BL)], x2, sem).wait()
        pltpu.make_async_copy(i3.at[pl.ds(0, BL)], x3, sem).wait()

    def issue_g(x1, x2, x3, r1, r2, r3, sem):
        pltpu.async_copy(t1.at[x1], r1, sem)
        pltpu.async_copy(t2.at[x2], r2, sem)
        pltpu.async_copy(t3.at[x3], r3, sem)

    def wait_g(x1, x2, x3, r1, r2, r3, sem):
        pltpu.make_async_copy(t1.at[x1], r1, sem).wait()
        pltpu.make_async_copy(t2.at[x2], r2, sem).wait()
        pltpu.make_async_copy(t3.at[x3], r3, sem).wait()

    d16 = [iota + dg * 16 for dg in range(4)]

    def add_tr(r1, r2, r3, wb):
        @plsc.parallel_loop(0, BL, unroll=16)
        def body(bl):
            colv = jnp.broadcast_to(bl, (16,))
            for dg in range(4):
                sl = pl.ds(dg * 16, 16)
                v = r1[bl, sl] + r2[bl, sl] + r3[bl, sl]
                plsc.store_scatter(wb, [d16[dg], colv], v)

    def issue_w(s, wb, sem):
        for dt in range(8):
            pltpu.async_copy(wb.at[pl.ds(dt * 8, 8), pl.ds(0, 128)],
                             out.at[s, dt, wid], sem)

    def wait_w(wb, sem):
        for dt in range(8):
            pltpu.make_async_copy(wb.at[pl.ds(0, 8), pl.ds(0, 128)],
                                  out.at[0, 0, wid], sem).wait()

    issue_idx(0, xa1, xa2, xa3, ia)
    wait_idx(xa1, xa2, xa3, ia)
    issue_g(xa1, xa2, xa3, ra1, ra2, ra3, gsa)
    issue_idx(1, xb1, xb2, xb3, ib)

    def ring(k, c):
        s0 = k * 3

        @pl.when(k > 0)
        def _():
            wait_w(wbb, osb)
        wait_idx(xb1, xb2, xb3, ib)
        issue_g(xb1, xb2, xb3, rb1, rb2, rb3, gsb)
        issue_idx(s0 + 2, xc1, xc2, xc3, ic)
        wait_g(xa1, xa2, xa3, ra1, ra2, ra3, gsa)
        add_tr(ra1, ra2, ra3, wba)
        issue_w(s0, wba, osa)

        @pl.when(k > 0)
        def _():
            wait_w(wbc, osc)
        wait_idx(xc1, xc2, xc3, ic)
        issue_g(xc1, xc2, xc3, rc1, rc2, rc3, gsc)
        issue_idx(s0 + 3, xa1, xa2, xa3, ia)
        wait_g(xb1, xb2, xb3, rb1, rb2, rb3, gsb)
        add_tr(rb1, rb2, rb3, wbb)
        issue_w(s0 + 1, wbb, osb)

        wait_w(wba, osa)
        wait_idx(xa1, xa2, xa3, ia)
        issue_g(xa1, xa2, xa3, ra1, ra2, ra3, gsa)
        issue_idx(s0 + 4, xb1, xb2, xb3, ib)
        wait_g(xc1, xc2, xc3, rc1, rc2, rc3, gsc)
        add_tr(rc1, rc2, rc3, wbc)
        issue_w(s0 + 2, wbc, osc)
        return c

    lax.fori_loop(0, MAIN, ring, 0)

    wait_w(wbb, osb)
    wait_idx(xb1, xb2, xb3, ib)
    issue_g(xb1, xb2, xb3, rb1, rb2, rb3, gsb)
    wait_g(xa1, xa2, xa3, ra1, ra2, ra3, gsa)
    add_tr(ra1, ra2, ra3, wba)
    issue_w(STEPS - 2, wba, osa)
    wait_w(wbc, osc)
    wait_g(xb1, xb2, xb3, rb1, rb2, rb3, gsb)
    add_tr(rb1, rb2, rb3, wbb)
    issue_w(STEPS - 1, wbb, osb)
    wait_w(wba, osa)
    wait_w(wbb, osb)


def kernel(mcc_code, tr_type, country, seq_lens, emb_mcc, emb_tr, emb_cty):
    t1 = emb_mcc.at[0].set(0.0)
    t2 = emb_tr.at[0].set(0.0)
    t3 = emb_cty.at[0].set(0.0)
    i1 = mcc_code.T.reshape(T * B)
    i2 = tr_type.T.reshape(T * B)
    i3 = country.T.reshape(T * B)
    out5 = _encode(i1, i2, i3, t1, t2, t3)
    x = out5.transpose(2, 4, 0, 1, 3)
    return x.reshape(B, T, D)

# --- scband reference (transcript-rebuilt; emitter-appended) ---
"""Pipeline reference for scband-block-trx-encoder-26396869001522 (READ-ONLY COPY).

The authoritative reference and input builder live on the scoring server;
editing this copy changes nothing except your own understanding.
"""

import jax, jax.numpy as jnp
import numpy as np

B, T, D = 4096, 200, 64
V_MCC, V_TR, V_CTY = 100000, 1000, 1000


def setup_inputs(seed: int = 0) -> dict:
    key = jax.random.key(seed)
    k1, k2, k3, k4, k5, k6, k7 = jax.random.split(key, 7)
    mcc_code = jax.random.randint(k1, (B, T), 0, V_MCC)
    tr_type = jax.random.randint(k2, (B, T), 0, V_TR)
    country = jax.random.randint(k3, (B, T), 0, V_CTY)
    seq_lens = jax.random.randint(k4, (B,), 1, T)
    emb_mcc = jax.random.normal(k5, (V_MCC, D), dtype=jnp.float32)
    emb_tr = jax.random.normal(k6, (V_TR, D), dtype=jnp.float32)
    emb_cty = jax.random.normal(k7, (V_CTY, D), dtype=jnp.float32)
    return {
        "mcc_code": mcc_code,
        "tr_type": tr_type,
        "country": country,
        "seq_lens": seq_lens,
        "emb_mcc": emb_mcc,
        "emb_tr": emb_tr,
        "emb_cty": emb_cty,
    }


def _lookup(idx, table):
    # _smart_clip with clip_replace_value='max': clip(0, num_embeddings - 1)
    n = table.shape[0]
    idx = jnp.clip(idx, 0, n - 1)
    # padding_idx=0 semantics: row 0 acts as a zero vector
    t = table.at[0].set(0.0)
    return jnp.take(t, idx, axis=0)


def reference(mcc_code, tr_type, country, seq_lens, emb_mcc, emb_tr, emb_cty):
    # torch.stack(processed, 2).sum(dim=2) == elementwise sum of per-field embeddings
    out = _lookup(mcc_code, emb_mcc) + _lookup(tr_type, emb_tr) + _lookup(country, emb_cty)
    # PaddedBatch wrapper just carries seq_lens alongside; payload is `out`
    return out

if __name__ == "__main__":
    import jax
    _d = setup_inputs()
    print(jax.jit(kernel)(*tuple(_d.values())))

</pallas_src>

<mosaic_0001>
#map = affine_map<(d0, d1) -> (0)>
#map1 = affine_map<(d0, d1) -> (0, 0)>
#map2 = affine_map<(d0, d1) -> (0, 0, 0, 0, 0)>
module attributes {stable_mosaic.version = 14 : i64} {
  func.func @_encode(%arg0: i32, %arg1: i32, %arg2: memref<819200xi32, #tpu.memory_space<hbm>>, %arg3: memref<819200xi32, #tpu.memory_space<hbm>>, %arg4: memref<819200xi32, #tpu.memory_space<hbm>>, %arg5: memref<100000x64xf32, #tpu.memory_space<hbm>>, %arg6: memref<1000x64xf32, #tpu.memory_space<hbm>>, %arg7: memref<1000x64xf32, #tpu.memory_space<hbm>>, %arg8: memref<200x8x32x8x128xf32, #tpu.memory_space<hbm>>, %arg9: memref<128xi32, #tpu.memory_space<vmem>>, %arg10: memref<128xi32, #tpu.memory_space<vmem>>, %arg11: memref<128xi32, #tpu.memory_space<vmem>>, %arg12: memref<128xi32, #tpu.memory_space<vmem>>, %arg13: memref<128xi32, #tpu.memory_space<vmem>>, %arg14: memref<128xi32, #tpu.memory_space<vmem>>, %arg15: memref<128xi32, #tpu.memory_space<vmem>>, %arg16: memref<128xi32, #tpu.memory_space<vmem>>, %arg17: memref<128xi32, #tpu.memory_space<vmem>>, %arg18: memref<128x64xf32, #tpu.memory_space<vmem>>, %arg19: memref<128x64xf32, #tpu.memory_space<vmem>>, %arg20: memref<128x64xf32, #tpu.memory_space<vmem>>, %arg21: memref<128x64xf32, #tpu.memory_space<vmem>>, %arg22: memref<128x64xf32, #tpu.memory_space<vmem>>, %arg23: memref<128x64xf32, #tpu.memory_space<vmem>>, %arg24: memref<128x64xf32, #tpu.memory_space<vmem>>, %arg25: memref<128x64xf32, #tpu.memory_space<vmem>>, %arg26: memref<128x64xf32, #tpu.memory_space<vmem>>, %arg27: memref<64x137xf32, #tpu.memory_space<vmem>>, %arg28: memref<64x137xf32, #tpu.memory_space<vmem>>, %arg29: memref<64x137xf32, #tpu.memory_space<vmem>>, %arg30: memref<!tpu.dma_semaphore, #tpu.memory_space<semaphore_mem>>, %arg31: memref<!tpu.dma_semaphore, #tpu.memory_space<semaphore_mem>>, %arg32: memref<!tpu.dma_semaphore, #tpu.memory_space<semaphore_mem>>, %arg33: memref<!tpu.dma_semaphore, #tpu.memory_space<semaphore_mem>>, %arg34: memref<!tpu.dma_semaphore, #tpu.memory_space<semaphore_mem>>, %arg35: memref<!tpu.dma_semaphore, #tpu.memory_space<semaphore_mem>>, %arg36: memref<!tpu.dma_semaphore, #tpu.memory_space<semaphore_mem>>, %arg37: memref<!tpu.dma_semaphore, #tpu.memory_space<semaphore_mem>>, %arg38: memref<!tpu.dma_semaphore, #tpu.memory_space<semaphore_mem>>) attributes {dimension_semantics = [#tpu.dimension_semantics<core_parallel>, #tpu.dimension_semantics<subcore_parallel>], iteration_bounds = array<i64: 2, 16>, scalar_prefetch = 0 : i64, scratch_operands = 30 : i64, tpu.core_type = #tpu.core_type<sc_vector_subcore>, window_params = [{transform_indices = #map}, {transform_indices = #map}, {transform_indices = #map}, {transform_indices = #map1}, {transform_indices = #map1}, {transform_indices = #map1}, {transform_indices = #map2}]} {
    %mul3A = arith.constant 2 : i32
    %mul3A_0 = arith.muli %arg1, %mul3A : i32
    %add3A = arith.addi %mul3A_0, %arg0 : i32
    %mul3A_1 = arith.constant 128 : i32
    %mul3A_2 = arith.muli %add3A, %mul3A_1 : i32
    %iota3A = tpu.iota {dimensions = array<i32: 0>} : vector<16xi32>
    %add3A_3 = arith.constant 0 : i32
    %add3A_4 = vector.broadcast %add3A_3 : i32 to vector<16xi32>
    %add3A_5 = arith.addi %iota3A, %add3A_4 : vector<16xi32>
    %add3A_6 = arith.constant 16 : i32
    %add3A_7 = vector.broadcast %add3A_6 : i32 to vector<16xi32>
    %add3A_8 = arith.addi %iota3A, %add3A_7 : vector<16xi32>
    %add3A_9 = arith.constant 32 : i32
    %add3A_10 = vector.broadcast %add3A_9 : i32 to vector<16xi32>
    %add3A_11 = arith.addi %iota3A, %add3A_10 : vector<16xi32>
    %add3A_12 = arith.constant 48 : i32
    %add3A_13 = vector.broadcast %add3A_12 : i32 to vector<16xi32>
    %add3A_14 = arith.addi %iota3A, %add3A_13 : vector<16xi32>
    %add3A_15 = arith.constant 0 : i32
    %add3A_16 = arith.addi %add3A_15, %mul3A_2 : i32
    %dma_start3A = tpu.memref_slice %arg2[%add3A_16] : memref<819200xi32, #tpu.memory_space<hbm>> -> memref<128xi32, #tpu.memory_space<hbm>>
    %dma_start3A_17 = tpu.memref_slice %arg2[%add3A_16] : memref<819200xi32, #tpu.memory_space<hbm>> -> memref<128xi32, #tpu.memory_space<hbm>>
    tpu.enqueue_dma source(%dma_start3A_17 : memref<128xi32, #tpu.memory_space<hbm>>) target(%arg9 : memref<128xi32, #tpu.memory_space<vmem>>) target_semaphore(%arg36 : memref<!tpu.dma_semaphore, #tpu.memory_space<semaphore_mem>>)
    %dma_start3A_18 = tpu.memref_slice %arg3[%add3A_16] : memref<819200xi32, #tpu.memory_space<hbm>> -> memref<128xi32, #tpu.memory_space<hbm>>
    %dma_start3A_19 = tpu.memref_slice %arg3[%add3A_16] : memref<819200xi32, #tpu.memory_space<hbm>> -> memref<128xi32, #tpu.memory_space<hbm>>
    tpu.enqueue_dma source(%dma_start3A_19 : memref<128xi32, #tpu.memory_space<hbm>>) target(%arg10 : memref<128xi32, #tpu.memory_space<vmem>>) target_semaphore(%arg36 : memref<!tpu.dma_semaphore, #tpu.memory_space<semaphore_mem>>)
    %dma_start3A_20 = tpu.memref_slice %arg4[%add3A_16] : memref<819200xi32, #tpu.memory_space<hbm>> -> memref<128xi32, #tpu.memory_space<hbm>>
    %dma_start3A_21 = tpu.memref_slice %arg4[%add3A_16] : memref<819200xi32, #tpu.memory_space<hbm>> -> memref<128xi32, #tpu.memory_space<hbm>>
    tpu.enqueue_dma source(%dma_start3A_21 : memref<128xi32, #tpu.memory_space<hbm>>) target(%arg11 : memref<128xi32, #tpu.memory_space<vmem>>) target_semaphore(%arg36 : memref<!tpu.dma_semaphore, #tpu.memory_space<semaphore_mem>>)
    %dma_wait3A = arith.constant 0 : i32
    %dma_wait3A_22 = tpu.memref_slice %arg2[%dma_wait3A] : memref<819200xi32, #tpu.memory_space<hbm>> -> memref<128xi32, #tpu.memory_space<hbm>>
    %dma_wait3A_23 = arith.constant 0 : i32
    %dma_wait3A_24 = tpu.memref_slice %arg2[%dma_wait3A_23] : memref<819200xi32, #tpu.memory_space<hbm>> -> memref<128xi32, #tpu.memory_space<hbm>>
    tpu.wait_dma2 semaphore(%arg36 : memref<!tpu.dma_semaphore, #tpu.memory_space<semaphore_mem>>) src(%dma_wait3A_24 : memref<128xi32, #tpu.memory_space<hbm>>) dst(%arg9 : memref<128xi32, #tpu.memory_space<vmem>>)
    %dma_wait3A_25 = arith.constant 0 : i32
    %dma_wait3A_26 = tpu.memref_slice %arg3[%dma_wait3A_25] : memref<819200xi32, #tpu.memory_space<hbm>> -> memref<128xi32, #tpu.memory_space<hbm>>
    %dma_wait3A_27 = arith.constant 0 : i32
    %dma_wait3A_28 = tpu.memref_slice %arg3[%dma_wait3A_27] : memref<819200xi32, #tpu.memory_space<hbm>> -> memref<128xi32, #tpu.memory_space<hbm>>
    tpu.wait_dma2 semaphore(%arg36 : memref<!tpu.dma_semaphore, #tpu.memory_space<semaphore_mem>>) src(%dma_wait3A_28 : memref<128xi32, #tpu.memory_space<hbm>>) dst(%arg10 : memref<128xi32, #tpu.memory_space<vmem>>)
    %dma_wait3A_29 = arith.constant 0 : i32
    %dma_wait3A_30 = tpu.memref_slice %arg4[%dma_wait3A_29] : memref<819200xi32, #tpu.memory_space<hbm>> -> memref<128xi32, #tpu.memory_space<hbm>>
    %dma_wait3A_31 = arith.constant 0 : i32
    %dma_wait3A_32 = tpu.memref_slice %arg4[%dma_wait3A_31] : memref<819200xi32, #tpu.memory_space<hbm>> -> memref<128xi32, #tpu.memory_space<hbm>>
    tpu.wait_dma2 semaphore(%arg36 : memref<!tpu.dma_semaphore, #tpu.memory_space<semaphore_mem>>) src(%dma_wait3A_32 : memref<128xi32, #tpu.memory_space<hbm>>) dst(%arg11 : memref<128xi32, #tpu.memory_space<vmem>>)
    %dma_start3A_33 = arith.constant 0 : i32
    %dma_start3A_34 = arith.constant 0 : i32
    %dma_start3A_35 = tpu.memref_slice %arg5[%dma_start3A_33, %dma_start3A_34] : memref<100000x64xf32, #tpu.memory_space<hbm>> -> memref<100000x64xf32, #tpu.memory_space<hbm>>
    tpu.enqueue_indirect_dma source(%dma_start3A_35 : memref<100000x64xf32, #tpu.memory_space<hbm>>) target(%arg18 : memref<128x64xf32, #tpu.memory_space<vmem>>) offsets(%arg9 : memref<128xi32, #tpu.memory_space<vmem>>) semaphore(%arg30 : memref<!tpu.dma_semaphore, #tpu.memory_space<semaphore_mem>>)
    %dma_start3A_36 = arith.constant 0 : i32
    %dma_start3A_37 = arith.constant 0 : i32
    %dma_start3A_38 = tpu.memref_slice %arg6[%dma_start3A_36, %dma_start3A_37] : memref<1000x64xf32, #tpu.memory_space<hbm>> -> memref<1000x64xf32, #tpu.memory_space<hbm>>
    tpu.enqueue_indirect_dma source(%dma_start3A_38 : memref<1000x64xf32, #tpu.memory_space<hbm>>) target(%arg19 : memref<128x64xf32, #tpu.memory_space<vmem>>) offsets(%arg10 : memref<128xi32, #tpu.memory_space<vmem>>) semaphore(%arg30 : memref<!tpu.dma_semaphore, #tpu.memory_space<semaphore_mem>>)
    %dma_start3A_39 = arith.constant 0 : i32
    %dma_start3A_40 = arith.constant 0 : i32
    %dma_start3A_41 = tpu.memref_slice %arg7[%dma_start3A_39, %dma_start3A_40] : memref<1000x64xf32, #tpu.memory_space<hbm>> -> memref<1000x64xf32, #tpu.memory_space<hbm>>
    tpu.enqueue_indirect_dma source(%dma_start3A_41 : memref<1000x64xf32, #tpu.memory_space<hbm>>) target(%arg20 : memref<128x64xf32, #tpu.memory_space<vmem>>) offsets(%arg11 : memref<128xi32, #tpu.memory_space<vmem>>) semaphore(%arg30 : memref<!tpu.dma_semaphore, #tpu.memory_space<semaphore_mem>>)
    %add3A_42 = arith.constant 4096 : i32
    %add3A_43 = arith.addi %add3A_42, %mul3A_2 : i32
    %dma_start3A_44 = tpu.memref_slice %arg2[%add3A_43] : memref<819200xi32, #tpu.memory_space<hbm>> -> memref<128xi32, #tpu.memory_space<hbm>>
    %dma_start3A_45 = tpu.memref_slice %arg2[%add3A_43] : memref<819200xi32, #tpu.memory_space<hbm>> -> memref<128xi32, #tpu.memory_space<hbm>>
    tpu.enqueue_dma source(%dma_start3A_45 : memref<128xi32, #tpu.memory_space<hbm>>) target(%arg12 : memref<128xi32, #tpu.memory_space<vmem>>) target_semaphore(%arg37 : memref<!tpu.dma_semaphore, #tpu.memory_space<semaphore_mem>>)
    %dma_start3A_46 = tpu.memref_slice %arg3[%add3A_43] : memref<819200xi32, #tpu.memory_space<hbm>> -> memref<128xi32, #tpu.memory_space<hbm>>
    %dma_start3A_47 = tpu.memref_slice %arg3[%add3A_43] : memref<819200xi32, #tpu.memory_space<hbm>> -> memref<128xi32, #tpu.memory_space<hbm>>
    tpu.enqueue_dma source(%dma_start3A_47 : memref<128xi32, #tpu.memory_space<hbm>>) target(%arg13 : memref<128xi32, #tpu.memory_space<vmem>>) target_semaphore(%arg37 : memref<!tpu.dma_semaphore, #tpu.memory_space<semaphore_mem>>)
    %dma_start3A_48 = tpu.memref_slice %arg4[%add3A_43] : memref<819200xi32, #tpu.memory_space<hbm>> -> memref<128xi32, #tpu.memory_space<hbm>>
    %dma_start3A_49 = tpu.memref_slice %arg4[%add3A_43] : memref<819200xi32, #tpu.memory_space<hbm>> -> memref<128xi32, #tpu.memory_space<hbm>>
    tpu.enqueue_dma source(%dma_start3A_49 : memref<128xi32, #tpu.memory_space<hbm>>) target(%arg14 : memref<128xi32, #tpu.memory_space<vmem>>) target_semaphore(%arg37 : memref<!tpu.dma_semaphore, #tpu.memory_space<semaphore_mem>>)
    %scan3A = arith.constant 0 : i32
    %scan3A_50 = arith.constant 0 : i32
    %scan3A_51 = arith.constant 66 : i32
    %scan3A_52 = arith.addi %scan3A_50, %scan3A_51 : i32
    %scan3A_53 = arith.constant 1 : i32
    scf.for %scan3A_867 = %scan3A_50 to %scan3A_52 step %scan3A_53  : i32 {
      %mul3A_868 = arith.constant 3 : i32
      %mul3A_869 = arith.muli %scan3A_867, %mul3A_868 : i32
      %gt3A = arith.constant 0 : i32
      %gt3A_870 = arith.cmpi sgt, %scan3A_867, %gt3A : i32
      %convert_element_type3A = arith.extui %gt3A_870 : i1 to i32
      %cond3A = arith.constant 0 : i32
      %cond3A_871 = arith.cmpi ne, %convert_element_type3A, %cond3A : i32
      scf.if %cond3A_871 {
        %dma_wait3A_1501 = arith.constant 0 : i32
        %dma_wait3A_1502 = arith.constant 0 : i32
        %dma_wait3A_1503 = arith.constant 0 : i32
        %dma_wait3A_1504 = arith.constant 0 : i32
        %dma_wait3A_1505 = tpu.memref_slice %arg28[%dma_wait3A_1503, %dma_wait3A_1504] : memref<64x137xf32, #tpu.memory_space<vmem>> -> memref<8x128xf32, #tpu.memory_space<vmem>>
        %dma_wait3A_1506 = arith.constant 0 : i32
        %dma_wait3A_1507 = arith.constant 0 : i32
        %dma_wait3A_1508 = tpu.memref_slice %arg8[%dma_wait3A_1501, %dma_wait3A_1502, %add3A, %dma_wait3A_1506, %dma_wait3A_1507] : memref<200x8x32x8x128xf32, #tpu.memory_space<hbm>> -> memref<1x1x1x8x128xf32, #tpu.memory_space<hbm>>
        %dma_wait3A_1509 = tpu.memref_squeeze %dma_wait3A_1508 : memref<1x1x1x8x128xf32, #tpu.memory_space<hbm>> -> memref<8x128xf32, #tpu.memory_space<hbm>>
        %dma_wait3A_1510 = arith.constant 0 : i32
        %dma_wait3A_1511 = arith.constant 0 : i32
        %dma_wait3A_1512 = tpu.memref_slice %arg8[%dma_wait3A_1501, %dma_wait3A_1502, %add3A, %dma_wait3A_1510, %dma_wait3A_1511] : memref<200x8x32x8x128xf32, #tpu.memory_space<hbm>> -> memref<1x1x1x8x128xf32, #tpu.memory_space<hbm>>
        %dma_wait3A_1513 = tpu.memref_squeeze %dma_wait3A_1512 : memref<1x1x1x8x128xf32, #tpu.memory_space<hbm>> -> memref<8x128xf32, #tpu.memory_space<hbm>>
        %dma_wait3A_1514 = arith.constant 0 : i32
        %dma_wait3A_1515 = arith.constant 0 : i32
        %dma_wait3A_1516 = tpu.memref_slice %arg28[%dma_wait3A_1514, %dma_wait3A_1515] : memref<64x137xf32, #tpu.memory_space<vmem>> -> memref<8x128xf32, #tpu.memory_space<vmem>>
        tpu.wait_dma2 semaphore(%arg34 : memref<!tpu.dma_semaphore, #tpu.memory_space<semaphore_mem>>) src(%dma_wait3A_1516 : memref<8x128xf32, #tpu.memory_space<vmem>>) dst(%dma_wait3A_1513 : memref<8x128xf32, #tpu.memory_space<hbm>>)
        %dma_wait3A_1517 = arith.constant 0 : i32
        %dma_wait3A_1518 = arith.constant 0 : i32
        %dma_wait3A_1519 = arith.constant 0 : i32
        %dma_wait3A_1520 = arith.constant 0 : i32
        %dma_wait3A_1521 = tpu.memref_slice %arg28[%dma_wait3A_1519, %dma_wait3A_1520] : memref<64x137xf32, #tpu.memory_space<vmem>> -> memref<8x128xf32, #tpu.memory_space<vmem>>
        %dma_wait3A_1522 = arith.constant 0 : i32
        %dma_wait3A_1523 = arith.constant 0 : i32
        %dma_wait3A_1524 = tpu.memref_slice %arg8[%dma_wait3A_1517, %dma_wait3A_1518, %add3A, %dma_wait3A_1522, %dma_wait3A_1523] : memref<200x8x32x8x128xf32, #tpu.memory_space<hbm>> -> memref<1x1x1x8x128xf32, #tpu.memory_space<hbm>>
        %dma_wait3A_1525 = tpu.memref_squeeze %dma_wait3A_1524 : memref<1x1x1x8x128xf32, #tpu.memory_space<hbm>> -> memref<8x128xf32, #tpu.memory_space<hbm>>
        %dma_wait3A_1526 = arith.constant 0 : i32
        %dma_wait3A_1527 = arith.constant 0 : i32
        %dma_wait3A_1528 = tpu.memref_slice %arg8[%dma_wait3A_1517, %dma_wait3A_1518, %add3A, %dma_wait3A_1526, %dma_wait3A_1527] : memref<200x8x32x8x128xf32, #tpu.memory_space<hbm>> -> memref<1x1x1x8x128xf32, #tpu.memory_space<hbm>>
        %dma_wait3A_1529 = tpu.memref_squeeze %dma_wait3A_1528 : memref<1x1x1x8x128xf32, #tpu.memory_space<hbm>> -> memref<8x128xf32, #tpu.memory_space<hbm>>
        %dma_wait3A_1530 = arith.constant 0 : i32
        %dma_wait3A_1531 = arith.constant 0 : i32
        %dma_wait3A_1532 = tpu.memref_slice %arg28[%dma_wait3A_1530, %dma_wait3A_1531] : memref<64x137xf32, #tpu.memory_space<vmem>> -> memref<8x128xf32, #tpu.memory_space<vmem>>
        tpu.wait_dma2 semaphore(%arg34 : memref<!tpu.dma_semaphore, #tpu.memory_space<semaphore_mem>>) src(%dma_wait3A_1532 : memref<8x128xf32, #tpu.memory_space<vmem>>) dst(%dma_wait3A_1529 : memref<8x128xf32, #tpu.memory_space<hbm>>)
        %dma_wait3A_1533 = arith.constant 0 : i32
        %dma_wait3A_1534 = arith.constant 0 : i32
        %dma_wait3A_1535 = arith.constant 0 : i32
        %dma_wait3A_1536 = arith.constant 0 : i32
        %dma_wait3A_1537 = tpu.memref_slice %arg28[%dma_wait3A_1535, %dma_wait3A_1536] : memref<64x137xf32, #tpu.memory_space<vmem>> -> memref<8x128xf32, #tpu.memory_space<vmem>>
        %dma_wait3A_1538 = arith.constant 0 : i32
        %dma_wait3A_1539 = arith.constant 0 : i32
        %dma_wait3A_1540 = tpu.memref_slice %arg8[%dma_wait3A_1533, %dma_wait3A_1534, %add3A, %dma_wait3A_1538, %dma_wait3A_1539] : memref<200x8x32x8x128xf32, #tpu.memory_space<hbm>> -> memref<1x1x1x8x128xf32, #tpu.memory_space<hbm>>
        %dma_wait3A_1541 = tpu.memref_squeeze %dma_wait3A_1540 : memref<1x1x1x8x128xf32, #tpu.memory_space<hbm>> -> memref<8x128xf32, #tpu.memory_space<hbm>>
        %dma_wait3A_1542 = arith.constant 0 : i32
        %dma_wait3A_1543 = arith.constant 0 : i32
        %dma_wait3A_1544 = tpu.memref_slice %arg8[%dma_wait3A_1533, %dma_wait3A_1534, %add3A, %dma_wait3A_1542, %dma_wait3A_1543] : memref<200x8x32x8x128xf32, #tpu.memory_space<hbm>> -> memref<1x1x1x8x128xf32, #tpu.memory_space<hbm>>
        %dma_wait3A_1545 = tpu.memref_squeeze %dma_wait3A_1544 : memref<1x1x1x8x128xf32, #tpu.memory_space<hbm>> -> memref<8x128xf32, #tpu.memory_space<hbm>>
        %dma_wait3A_1546 = arith.constant 0 : i32
        %dma_wait3A_1547 = arith.constant 0 : i32
        %dma_wait3A_1548 = tpu.memref_slice %arg28[%dma_wait3A_1546, %dma_wait3A_1547] : memref<64x137xf32, #tpu.memory_space<vmem>> -> memref<8x128xf32, #tpu.memory_space<vmem>>
        tpu.wait_dma2 semaphore(%arg34 : memref<!tpu.dma_semaphore, #tpu.memory_space<semaphore_mem>>) src(%dma_wait3A_1548 : memref<8x128xf32, #tpu.memory_space<vmem>>) dst(%dma_wait3A_1545 : memref<8x128xf32, #tpu.memory_space<hbm>>)
        %dma_wait3A_1549 = arith.constant 0 : i32
        %dma_wait3A_1550 = arith.constant 0 : i32
        %dma_wait3A_1551 = arith.constant 0 : i32
        %dma_wait3A_1552 = arith.constant 0 : i32
        %dma_wait3A_1553 = tpu.memref_slice %arg28[%dma_wait3A_1551, %dma_wait3A_1552] : memref<64x137xf32, #tpu.memory_space<vmem>> -> memref<8x128xf32, #tpu.memory_space<vmem>>
        %dma_wait3A_1554 = arith.constant 0 : i32
        %dma_wait3A_1555 = arith.constant 0 : i32
        %dma_wait3A_1556 = tpu.memref_slice %arg8[%dma_wait3A_1549, %dma_wait3A_1550, %add3A, %dma_wait3A_1554, %dma_wait3A_1555] : memref<200x8x32x8x128xf32, #tpu.memory_space<hbm>> -> memref<1x1x1x8x128xf32, #tpu.memory_space<hbm>>
        %dma_wait3A_1557 = tpu.memref_squeeze %dma_wait3A_1556 : memref<1x1x1x8x128xf32, #tpu.memory_space<hbm>> -> memref<8x128xf32, #tpu.memory_space<hbm>>
        %dma_wait3A_1558 = arith.constant 0 : i32
        %dma_wait3A_1559 = arith.constant 0 : i32
        %dma_wait3A_1560 = tpu.memref_slice %arg8[%dma_wait3A_1549, %dma_wait3A_1550, %add3A, %dma_wait3A_1558, %dma_wait3A_1559] : memref<200x8x32x8x128xf32, #tpu.memory_space<hbm>> -> memref<1x1x1x8x128xf32, #tpu.memory_space<hbm>>
        %dma_wait3A_1561 = tpu.memref_squeeze %dma_wait3A_1560 : memref<1x1x1x8x128xf32, #tpu.memory_space<hbm>> -> memref<8x128xf32, #tpu.memory_space<hbm>>
        %dma_wait3A_1562 = arith.constant 0 : i32
        %dma_wait3A_1563 = arith.constant 0 : i32
        %dma_wait3A_1564 = tpu.memref_slice %arg28[%dma_wait3A_1562, %dma_wait3A_1563] : memref<64x137xf32, #tpu.memory_space<vmem>> -> memref<8x128xf32, #tpu.memory_space<vmem>>
        tpu.wait_dma2 semaphore(%arg34 : memref<!tpu.dma_semaphore, #tpu.memory_space<semaphore_mem>>) src(%dma_wait3A_1564 : memref<8x128xf32, #tpu.memory_space<vmem>>) dst(%dma_wait3A_1561 : memref<8x128xf32, #tpu.memory_space<hbm>>)
        %dma_wait3A_1565 = arith.constant 0 : i32
        %dma_wait3A_1566 = arith.constant 0 : i32
        %dma_wait3A_1567 = arith.constant 0 : i32
        %dma_wait3A_1568 = arith.constant 0 : i32
        %dma_wait3A_1569 = tpu.memref_slice %arg28[%dma_wait3A_1567, %dma_wait3A_1568] : memref<64x137xf32, #tpu.memory_space<vmem>> -> memref<8x128xf32, #tpu.memory_space<vmem>>
        %dma_wait3A_1570 = arith.constant 0 : i32
        %dma_wait3A_1571 = arith.constant 0 : i32
        %dma_wait3A_1572 = tpu.memref_slice %arg8[%dma_wait3A_1565, %dma_wait3A_1566, %add3A, %dma_wait3A_1570, %dma_wait3A_1571] : memref<200x8x32x8x128xf32, #tpu.memory_space<hbm>> -> memref<1x1x1x8x128xf32, #tpu.memory_space<hbm>>
        %dma_wait3A_1573 = tpu.memref_squeeze %dma_wait3A_1572 : memref<1x1x1x8x128xf32, #tpu.memory_space<hbm>> -> memref<8x128xf32, #tpu.memory_space<hbm>>
        %dma_wait3A_1574 = arith.constant 0 : i32
        %dma_wait3A_1575 = arith.constant 0 : i32
        %dma_wait3A_1576 = tpu.memref_slice %arg8[%dma_wait3A_1565, %dma_wait3A_1566, %add3A, %dma_wait3A_1574, %dma_wait3A_1575] : memref<200x8x32x8x128xf32, #tpu.memory_space<hbm>> -> memref<1x1x1x8x128xf32, #tpu.memory_space<hbm>>
        %dma_wait3A_1577 = tpu.memref_squeeze %dma_wait3A_1576 : memref<1x1x1x8x128xf32, #tpu.memory_space<hbm>> -> memref<8x128xf32, #tpu.memory_space<hbm>>
        %dma_wait3A_1578 = arith.constant 0 : i32
        %dma_wait3A_1579 = arith.constant 0 : i32
        %dma_wait3A_1580 = tpu.memref_slice %arg28[%dma_wait3A_1578, %dma_wait3A_1579] : memref<64x137xf32, #tpu.memory_space<vmem>> -> memref<8x128xf32, #tpu.memory_space<vmem>>
        tpu.wait_dma2 semaphore(%arg34 : memref<!tpu.dma_semaphore, #tpu.memory_space<semaphore_mem>>) src(%dma_wait3A_1580 : memref<8x128xf32, #tpu.memory_space<vmem>>) dst(%dma_wait3A_1577 : memref<8x128xf32, #tpu.memory_space<hbm>>)
        %dma_wait3A_1581 = arith.constant 0 : i32
        %dma_wait3A_1582 = arith.constant 0 : i32
        %dma_wait3A_1583 = arith.constant 0 : i32
        %dma_wait3A_1584 = arith.constant 0 : i32
        %dma_wait3A_1585 = tpu.memref_slice %arg28[%dma_wait3A_1583, %dma_wait3A_1584] : memref<64x137xf32, #tpu.memory_space<vmem>> -> memref<8x128xf32, #tpu.memory_space<vmem>>
        %dma_wait3A_1586 = arith.constant 0 : i32
        %dma_wait3A_1587 = arith.constant 0 : i32
        %dma_wait3A_1588 = tpu.memref_slice %arg8[%dma_wait3A_1581, %dma_wait3A_1582, %add3A, %dma_wait3A_1586, %dma_wait3A_1587] : memref<200x8x32x8x128xf32, #tpu.memory_space<hbm>> -> memref<1x1x1x8x128xf32, #tpu.memory_space<hbm>>
        %dma_wait3A_1589 = tpu.memref_squeeze %dma_wait3A_1588 : memref<1x1x1x8x128xf32, #tpu.memory_space<hbm>> -> memref<8x128xf32, #tpu.memory_space<hbm>>
        %dma_wait3A_1590 = arith.constant 0 : i32
        %dma_wait3A_1591 = arith.constant 0 : i32
        %dma_wait3A_1592 = tpu.memref_slice %arg8[%dma_wait3A_1581, %dma_wait3A_1582, %add3A, %dma_wait3A_1590, %dma_wait3A_1591] : memref<200x8x32x8x128xf32, #tpu.memory_space<hbm>> -> memref<1x1x1x8x128xf32, #tpu.memory_space<hbm>>
        %dma_wait3A_1593 = tpu.memref_squeeze %dma_wait3A_1592 : memref<1x1x1x8x128xf32, #tpu.memory_space<hbm>> -> memref<8x128xf32, #tpu.memory_space<hbm>>
        %dma_wait3A_1594 = arith.constant 0 : i32
        %dma_wait3A_1595 = arith.constant 0 : i32
        %dma_wait3A_1596 = tpu.memref_slice %arg28[%dma_wait3A_1594, %dma_wait3A_1595] : memref<64x137xf32, #tpu.memory_space<vmem>> -> memref<8x128xf32, #tpu.memory_space<vmem>>
        tpu.wait_dma2 semaphore(%arg34 : memref<!tpu.dma_semaphore, #tpu.memory_space<semaphore_mem>>) src(%dma_wait3A_1596 : memref<8x128xf32, #tpu.memory_space<vmem>>) dst(%dma_wait3A_1593 : memref<8x128xf32, #tpu.memory_space<hbm>>)
        %dma_wait3A_1597 = arith.constant 0 : i32
        %dma_wait3A_1598 = arith.constant 0 : i32
        %dma_wait3A_1599 = arith.constant 0 : i32
        %dma_wait3A_1600 = arith.constant 0 : i32
        %dma_wait3A_1601 = tpu.memref_slice %arg28[%dma_wait3A_1599, %dma_wait3A_1600] : memref<64x137xf32, #tpu.memory_space<vmem>> -> memref<8x128xf32, #tpu.memory_space<vmem>>
        %dma_wait3A_1602 = arith.constant 0 : i32
        %dma_wait3A_1603 = arith.constant 0 : i32
        %dma_wait3A_1604 = tpu.memref_slice %arg8[%dma_wait3A_1597, %dma_wait3A_1598, %add3A, %dma_wait3A_1602, %dma_wait3A_1603] : memref<200x8x32x8x128xf32, #tpu.memory_space<hbm>> -> memref<1x1x1x8x128xf32, #tpu.memory_space<hbm>>
        %dma_wait3A_1605 = tpu.memref_squeeze %dma_wait3A_1604 : memref<1x1x1x8x128xf32, #tpu.memory_space<hbm>> -> memref<8x128xf32, #tpu.memory_space<hbm>>
        %dma_wait3A_1606 = arith.constant 0 : i32
        %dma_wait3A_1607 = arith.constant 0 : i32
        %dma_wait3A_1608 = tpu.memref_slice %arg8[%dma_wait3A_1597, %dma_wait3A_1598, %add3A, %dma_wait3A_1606, %dma_wait3A_1607] : memref<200x8x32x8x128xf32, #tpu.memory_space<hbm>> -> memref<1x1x1x8x128xf32, #tpu.memory_space<hbm>>
        %dma_wait3A_1609 = tpu.memref_squeeze %dma_wait3A_1608 : memref<1x1x1x8x128xf32, #tpu.memory_space<hbm>> -> memref<8x128xf32, #tpu.memory_space<hbm>>
        %dma_wait3A_1610 = arith.constant 0 : i32
        %dma_wait3A_1611 = arith.constant 0 : i32
        %dma_wait3A_1612 = tpu.memref_slice %arg28[%dma_wait3A_1610, %dma_wait3A_1611] : memref<64x137xf32, #tpu.memory_space<vmem>> -> memref<8x128xf32, #tpu.memory_space<vmem>>
        tpu.wait_dma2 semaphore(%arg34 : memref<!tpu.dma_semaphore, #tpu.memory_space<semaphore_mem>>) src(%dma_wait3A_1612 : memref<8x128xf32, #tpu.memory_space<vmem>>) dst(%dma_wait3A_1609 : memref<8x128xf32, #tpu.memory_space<hbm>>)
        %dma_wait3A_1613 = arith.constant 0 : i32
        %dma_wait3A_1614 = arith.constant 0 : i32
        %dma_wait3A_1615 = arith.constant 0 : i32
        %dma_wait3A_1616 = arith.constant 0 : i32
        %dma_wait3A_1617 = tpu.memref_slice %arg28[%dma_wait3A_1615, %dma_wait3A_1616] : memref<64x137xf32, #tpu.memory_space<vmem>> -> memref<8x128xf32, #tpu.memory_space<vmem>>
        %dma_wait3A_1618 = arith.constant 0 : i32
        %dma_wait3A_1619 = arith.constant 0 : i32
        %dma_wait3A_1620 = tpu.memref_slice %arg8[%dma_wait3A_1613, %dma_wait3A_1614, %add3A, %dma_wait3A_1618, %dma_wait3A_1619] : memref<200x8x32x8x128xf32, #tpu.memory_space<hbm>> -> memref<1x1x1x8x128xf32, #tpu.memory_space<hbm>>
        %dma_wait3A_1621 = tpu.memref_squeeze %dma_wait3A_1620 : memref<1x1x1x8x128xf32, #tpu.memory_space<hbm>> -> memref<8x128xf32, #tpu.memory_space<hbm>>
        %dma_wait3A_1622 = arith.constant 0 : i32
        %dma_wait3A_1623 = arith.constant 0 : i32
        %dma_wait3A_1624 = tpu.memref_slice %arg8[%dma_wait3A_1613, %dma_wait3A_1614, %add3A, %dma_wait3A_1622, %dma_wait3A_1623] : memref<200x8x32x8x128xf32, #tpu.memory_space<hbm>> -> memref<1x1x1x8x128xf32, #tpu.memory_space<hbm>>
        %dma_wait3A_1625 = tpu.memref_squeeze %dma_wait3A_1624 : memref<1x1x1x8x128xf32, #tpu.memory_space<hbm>> -> memref<8x128xf32, #tpu.memory_space<hbm>>
        %dma_wait3A_1626 = arith.constant 0 : i32
        %dma_wait3A_1627 = arith.constant 0 : i32
        %dma_wait3A_1628 = tpu.memref_slice %arg28[%dma_wait3A_1626, %dma_wait3A_1627] : memref<64x137xf32, #tpu.memory_space<vmem>> -> memref<8x128xf32, #tpu.memory_space<vmem>>
        tpu.wait_dma2 semaphore(%arg34 : memref<!tpu.dma_semaphore, #tpu.memory_space<semaphore_mem>>) src(%dma_wait3A_1628 : memref<8x128xf32, #tpu.memory_space<vmem>>) dst(%dma_wait3A_1625 : memref<8x128xf32, #tpu.memory_space<hbm>>)
      } else {
      }
      %dma_wait3A_872 = arith.constant 0 : i32
      %dma_wait3A_873 = tpu.memref_slice %arg2[%dma_wait3A_872] : memref<819200xi32, #tpu.memory_space<hbm>> -> memref<128xi32, #tpu.memory_space<hbm>>
      %dma_wait3A_874 = arith.constant 0 : i32
      %dma_wait3A_875 = tpu.memref_slice %arg2[%dma_wait3A_874] : memref<819200xi32, #tpu.memory_space<hbm>> -> memref<128xi32, #tpu.memory_space<hbm>>
      tpu.wait_dma2 semaphore(%arg37 : memref<!tpu.dma_semaphore, #tpu.memory_space<semaphore_mem>>) src(%dma_wait3A_875 : memref<128xi32, #tpu.memory_space<hbm>>) dst(%arg12 : memref<128xi32, #tpu.memory_space<vmem>>)
      %dma_wait3A_876 = arith.constant 0 : i32
      %dma_wait3A_877 = tpu.memref_slice %arg3[%dma_wait3A_876] : memref<819200xi32, #tpu.memory_space<hbm>> -> memref<128xi32, #tpu.memory_space<hbm>>
      %dma_wait3A_878 = arith.constant 0 : i32
      %dma_wait3A_879 = tpu.memref_slice %arg3[%dma_wait3A_878] : memref<819200xi32, #tpu.memory_space<hbm>> -> memref<128xi32, #tpu.memory_space<hbm>>
      tpu.wait_dma2 semaphore(%arg37 : memref<!tpu.dma_semaphore, #tpu.memory_space<semaphore_mem>>) src(%dma_wait3A_879 : memref<128xi32, #tpu.memory_space<hbm>>) dst(%arg13 : memref<128xi32, #tpu.memory_space<vmem>>)
      %dma_wait3A_880 = arith.constant 0 : i32
      %dma_wait3A_881 = tpu.memref_slice %arg4[%dma_wait3A_880] : memref<819200xi32, #tpu.memory_space<hbm>> -> memref<128xi32, #tpu.memory_space<hbm>>
      %dma_wait3A_882 = arith.constant 0 : i32
      %dma_wait3A_883 = tpu.memref_slice %arg4[%dma_wait3A_882] : memref<819200xi32, #tpu.memory_space<hbm>> -> memref<128xi32, #tpu.memory_space<hbm>>
      tpu.wait_dma2 semaphore(%arg37 : memref<!tpu.dma_semaphore, #tpu.memory_space<semaphore_mem>>) src(%dma_wait3A_883 : memref<128xi32, #tpu.memory_space<hbm>>) dst(%arg14 : memref<128xi32, #tpu.memory_space<vmem>>)
      %dma_start3A_884 = arith.constant 0 : i32
      %dma_start3A_885 = arith.constant 0 : i32
      %dma_start3A_886 = tpu.memref_slice %arg5[%dma_start3A_884, %dma_start3A_885] : memref<100000x64xf32, #tpu.memory_space<hbm>> -> memref<100000x64xf32, #tpu.memory_space<hbm>>
      tpu.enqueue_indirect_dma source(%dma_start3A_886 : memref<100000x64xf32, #tpu.memory_space<hbm>>) target(%arg21 : memref<128x64xf32, #tpu.memory_space<vmem>>) offsets(%arg12 : memref<128xi32, #tpu.memory_space<vmem>>) semaphore(%arg31 : memref<!tpu.dma_semaphore, #tpu.memory_space<semaphore_mem>>)
      %dma_start3A_887 = arith.constant 0 : i32
      %dma_start3A_888 = arith.constant 0 : i32
      %dma_start3A_889 = tpu.memref_slice %arg6[%dma_start3A_887, %dma_start3A_888] : memref<1000x64xf32, #tpu.memory_space<hbm>> -> memref<1000x64xf32, #tpu.memory_space<hbm>>
      tpu.enqueue_indirect_dma source(%dma_start3A_889 : memref<1000x64xf32, #tpu.memory_space<hbm>>) target(%arg22 : memref<128x64xf32, #tpu.memory_space<vmem>>) offsets(%arg13 : memref<128xi32, #tpu.memory_space<vmem>>) semaphore(%arg31 : memref<!tpu.dma_semaphore, #tpu.memory_space<semaphore_mem>>)
      %dma_start3A_890 = arith.constant 0 : i32
      %dma_start3A_891 = arith.constant 0 : i32
      %dma_start3A_892 = tpu.memref_slice %arg7[%dma_start3A_890, %dma_start3A_891] : memref<1000x64xf32, #tpu.memory_space<hbm>> -> memref<1000x64xf32, #tpu.memory_space<hbm>>
      tpu.enqueue_indirect_dma source(%dma_start3A_892 : memref<1000x64xf32, #tpu.memory_space<hbm>>) target(%arg23 : memref<128x64xf32, #tpu.memory_space<vmem>>) offsets(%arg14 : memref<128xi32, #tpu.memory_space<vmem>>) semaphore(%arg31 : memref<!tpu.dma_semaphore, #tpu.memory_space<semaphore_mem>>)
      %add3A_893 = arith.constant 2 : i32
      %add3A_894 = arith.addi %mul3A_869, %add3A_893 : i32
      %mul3A_895 = arith.constant 4096 : i32
      %mul3A_896 = arith.muli %add3A_894, %mul3A_895 : i32
      %add3A_897 = arith.addi %mul3A_896, %mul3A_2 : i32
      %dma_start3A_898 = tpu.memref_slice %arg2[%add3A_897] : memref<819200xi32, #tpu.memory_space<hbm>> -> memref<128xi32, #tpu.memory_space<hbm>>
      %dma_start3A_899 = tpu.memref_slice %arg2[%add3A_897] : memref<819200xi32, #tpu.memory_space<hbm>> -> memref<128xi32, #tpu.memory_space<hbm>>
      tpu.enqueue_dma source(%dma_start3A_899 : memref<128xi32, #tpu.memory_space<hbm>>) target(%arg15 : memref<128xi32, #tpu.memory_space<vmem>>) target_semaphore(%arg38 : memref<!tpu.dma_semaphore, #tpu.memory_space<semaphore_mem>>)
      %dma_start3A_900 = tpu.memref_slice %arg3[%add3A_897] : memref<819200xi32, #tpu.memory_space<hbm>> -> memref<128xi32, #tpu.memory_space<hbm>>
      %dma_start3A_901 = tpu.memref_slice %arg3[%add3A_897] : memref<819200xi32, #tpu.memory_space<hbm>> -> memref<128xi32, #tpu.memory_space<hbm>>
      tpu.enqueue_dma source(%dma_start3A_901 : memref<128xi32, #tpu.memory_space<hbm>>) target(%arg16 : memref<128xi32, #tpu.memory_space<vmem>>) target_semaphore(%arg38 : memref<!tpu.dma_semaphore, #tpu.memory_space<semaphore_mem>>)
      %dma_start3A_902 = tpu.memref_slice %arg4[%add3A_897] : memref<819200xi32, #tpu.memory_space<hbm>> -> memref<128xi32, #tpu.memory_space<hbm>>
      %dma_start3A_903 = tpu.memref_slice %arg4[%add3A_897] : memref<819200xi32, #tpu.memory_space<hbm>> -> memref<128xi32, #tpu.memory_space<hbm>>
      tpu.enqueue_dma source(%dma_start3A_903 : memref<128xi32, #tpu.memory_space<hbm>>) target(%arg17 : memref<128xi32, #tpu.memory_space<vmem>>) target_semaphore(%arg38 : memref<!tpu.dma_semaphore, #tpu.memory_space<semaphore_mem>>)
      %dma_wait3A_904 = arith.constant 0 : i32
      %dma_wait3A_905 = arith.constant 0 : i32
      %dma_wait3A_906 = tpu.memref_slice %arg5[%dma_wait3A_904, %dma_wait3A_905] : memref<100000x64xf32, #tpu.memory_space<hbm>> -> memref<100000x64xf32, #tpu.memory_space<hbm>>
      tpu.wait_indirect_dma semaphore(%arg30 : memref<!tpu.dma_semaphore, #tpu.memory_space<semaphore_mem>>) src(%dma_wait3A_906 : memref<100000x64xf32, #tpu.memory_space<hbm>>) dst(%arg18 : memref<128x64xf32, #tpu.memory_space<vmem>>)
      %dma_wait3A_907 = arith.constant 0 : i32
      %dma_wait3A_908 = arith.constant 0 : i32
      %dma_wait3A_909 = tpu.memref_slice %arg6[%dma_wait3A_907, %dma_wait3A_908] : memref<1000x64xf32, #tpu.memory_space<hbm>> -> memref<1000x64xf32, #tpu.memory_space<hbm>>
      tpu.wait_indirect_dma semaphore(%arg30 : memref<!tpu.dma_semaphore, #tpu.memory_space<semaphore_mem>>) src(%dma_wait3A_909 : memref<1000x64xf32, #tpu.memory_space<hbm>>) dst(%arg19 : memref<128x64xf32, #tpu.memory_space<vmem>>)
      %dma_wait3A_910 = arith.constant 0 : i32
      %dma_wait3A_911 = arith.constant 0 : i32
      %dma_wait3A_912 = tpu.memref_slice %arg7[%dma_wait3A_910, %dma_wait3A_911] : memref<1000x64xf32, #tpu.memory_space<hbm>> -> memref<1000x64xf32, #tpu.memory_space<hbm>>
      tpu.wait_indirect_dma semaphore(%arg30 : memref<!tpu.dma_semaphore, #tpu.memory_space<semaphore_mem>>) src(%dma_wait3A_912 : memref<1000x64xf32, #tpu.memory_space<hbm>>) dst(%arg20 : memref<128x64xf32, #tpu.memory_space<vmem>>)
      %parallel_loop3A_913 = arith.constant 0 : i32
      %parallel_loop3A_914 = arith.constant 128 : i32
      %parallel_loop3A_915 = arith.constant 1 : i32
      scf.for %parallel_loop3A_1501 = %parallel_loop3A_913 to %parallel_loop3A_914 step %parallel_loop3A_915  : i32 {
        %parallel_loop3A_1502 = vector.broadcast %parallel_loop3A_1501 : i32 to vector<16xi32>
        %parallel_loop3A_1503 = arith.index_cast %parallel_loop3A_1501 : i32 to index
        %parallel_loop3A_1504 = arith.constant 0 : index
        %parallel_loop3A_1505 = tpu.vector_load %arg18[%parallel_loop3A_1503, %parallel_loop3A_1504] {strides = array<i32>} : memref<128x64xf32, #tpu.memory_space<vmem>>, vector<16xf32>,
        %parallel_loop3A_1506 = arith.index_cast %parallel_loop3A_1501 : i32 to index
        %parallel_loop3A_1507 = arith.constant 0 : index
        %parallel_loop3A_1508 = tpu.vector_load %arg19[%parallel_loop3A_1506, %parallel_loop3A_1507] {strides = array<i32>} : memref<128x64xf32, #tpu.memory_space<vmem>>, vector<16xf32>,
        %parallel_loop3A_1509 = arith.addf %parallel_loop3A_1505, %parallel_loop3A_1508 : vector<16xf32>
        %parallel_loop3A_1510 = arith.index_cast %parallel_loop3A_1501 : i32 to index
        %parallel_loop3A_1511 = arith.constant 0 : index
        %parallel_loop3A_1512 = tpu.vector_load %arg20[%parallel_loop3A_1510, %parallel_loop3A_1511] {strides = array<i32>} : memref<128x64xf32, #tpu.memory_space<vmem>>, vector<16xf32>,
        %parallel_loop3A_1513 = arith.addf %parallel_loop3A_1509, %parallel_loop3A_1512 : vector<16xf32>
        tpu.vector_store_idx %arg27[%add3A_5, %parallel_loop3A_1502], %parallel_loop3A_1513 : memref<64x137xf32, #tpu.memory_space<vmem>>[vector<16xi32>, vector<16xi32>], vector<16xf32>,
        %parallel_loop3A_1514 = arith.index_cast %parallel_loop3A_1501 : i32 to index
        %parallel_loop3A_1515 = arith.constant 16 : index
        %parallel_loop3A_1516 = tpu.vector_load %arg18[%parallel_loop3A_1514, %parallel_loop3A_1515] {strides = array<i32>} : memref<128x64xf32, #tpu.memory_space<vmem>>, vector<16xf32>,
        %parallel_loop3A_1517 = arith.index_cast %parallel_loop3A_1501 : i32 to index
        %parallel_loop3A_1518 = arith.constant 16 : index
        %parallel_loop3A_1519 = tpu.vector_load %arg19[%parallel_loop3A_1517, %parallel_loop3A_1518] {strides = array<i32>} : memref<128x64xf32, #tpu.memory_space<vmem>>, vector<16xf32>,
        %parallel_loop3A_1520 = arith.addf %parallel_loop3A_1516, %parallel_loop3A_1519 : vector<16xf32>
        %parallel_loop3A_1521 = arith.index_cast %parallel_loop3A_1501 : i32 to index
        %parallel_loop3A_1522 = arith.constant 16 : index
        %parallel_loop3A_1523 = tpu.vector_load %arg20[%parallel_loop3A_1521, %parallel_loop3A_1522] {strides = array<i32>} : memref<128x64xf32, #tpu.memory_space<vmem>>, vector<16xf32>,
        %parallel_loop3A_1524 = arith.addf %parallel_loop3A_1520, %parallel_loop3A_1523 : vector<16xf32>
        tpu.vector_store_idx %arg27[%add3A_8, %parallel_loop3A_1502], %parallel_loop3A_1524 : memref<64x137xf32, #tpu.memory_space<vmem>>[vector<16xi32>, vector<16xi32>], vector<16xf32>,
        %parallel_loop3A_1525 = arith.index_cast %parallel_loop3A_1501 : i32 to index
        %parallel_loop3A_1526 = arith.constant 32 : index
        %parallel_loop3A_1527 = tpu.vector_load %arg18[%parallel_loop3A_1525, %parallel_loop3A_1526] {strides = array<i32>} : memref<128x64xf32, #tpu.memory_space<vmem>>, vector<16xf32>,
        %parallel_loop3A_1528 = arith.index_cast %parallel_loop3A_1501 : i32 to index
        %parallel_loop3A_1529 = arith.constant 32 : index
        %parallel_loop3A_1530 = tpu.vector_load %arg19[%parallel_loop3A_1528, %parallel_loop3A_1529] {strides = array<i32>} : memref<128x64xf32, #tpu.memory_space<vmem>>, vector<16xf32>,
        %parallel_loop3A_1531 = arith.addf %parallel_loop3A_1527, %parallel_loop3A_1530 : vector<16xf32>
        %parallel_loop3A_1532 = arith.index_cast %parallel_loop3A_1501 : i32 to index
        %parallel_loop3A_1533 = arith.constant 32 : index
        %parallel_loop3A_1534 = tpu.vector_load %arg20[%parallel_loop3A_1532, %parallel_loop3A_1533] {strides = array<i32>} : memref<128x64xf32, #tpu.memory_space<vmem>>, vector<16xf32>,
        %parallel_loop3A_1535 = arith.addf %parallel_loop3A_1531, %parallel_loop3A_1534 : vector<16xf32>
        tpu.vector_store_idx %arg27[%add3A_11, %parallel_loop3A_1502], %parallel_loop3A_1535 : memref<64x137xf32, #tpu.memory_space<vmem>>[vector<16xi32>, vector<16xi32>], vector<16xf32>,
        %parallel_loop3A_1536 = arith.index_cast %parallel_loop3A_1501 : i32 to index
        %parallel_loop3A_1537 = arith.constant 48 : index
        %parallel_loop3A_1538 = tpu.vector_load %arg18[%parallel_loop3A_1536, %parallel_loop3A_1537] {strides = array<i32>} : memref<128x64xf32, #tpu.memory_space<vmem>>, vector<16xf32>,
        %parallel_loop3A_1539 = arith.index_cast %parallel_loop3A_1501 : i32 to index
        %parallel_loop3A_1540 = arith.constant 48 : index
        %parallel_loop3A_1541 = tpu.vector_load %arg19[%parallel_loop3A_1539, %parallel_loop3A_1540] {strides = array<i32>} : memref<128x64xf32, #tpu.memory_space<vmem>>, vector<16xf32>,
        %parallel_loop3A_1542 = arith.addf %parallel_loop3A_1538, %parallel_loop3A_1541 : vector<16xf32>
        %parallel_loop3A_1543 = arith.index_cast %parallel_loop3A_1501 : i32 to index
        %parallel_loop3A_1544 = arith.constant 48 : index
        %parallel_loop3A_1545 = tpu.vector_load %arg20[%parallel_loop3A_1543, %parallel_loop3A_1544] {strides = array<i32>} : memref<128x64xf32, #tpu.memory_space<vmem>>, vector<16xf32>,
        %parallel_loop3A_1546 = arith.addf %parallel_loop3A_1542, %parallel_loop3A_1545 : vector<16xf32>
        tpu.vector_store_idx %arg27[%add3A_14, %parallel_loop3A_1502], %parallel_loop3A_1546 : memref<64x137xf32, #tpu.memory_space<vmem>>[vector<16xi32>, vector<16xi32>], vector<16xf32>,
      } {sc.loop_unroll_factor = 16 : i64, sc.parallel_access}
      %dma_start3A_916 = arith.constant 0 : i32
      %dma_start3A_917 = arith.constant 0 : i32
      %dma_start3A_918 = arith.constant 0 : i32
      %dma_start3A_919 = tpu.memref_slice %arg27[%dma_start3A_917, %dma_start3A_918] : memref<64x137xf32, #tpu.memory_space<vmem>> -> memref<8x128xf32, #tpu.memory_space<vmem>>
      %dma_start3A_920 = arith.constant 0 : i32
      %dma_start3A_921 = arith.constant 0 : i32
      %dma_start3A_922 = tpu.memref_slice %arg8[%mul3A_869, %dma_start3A_916, %add3A, %dma_start3A_920, %dma_start3A_921] : memref<200x8x32x8x128xf32, #tpu.memory_space<hbm>> -> memref<1x1x1x8x128xf32, #tpu.memory_space<hbm>>
      %dma_start3A_923 = tpu.memref_squeeze %dma_start3A_922 : memref<1x1x1x8x128xf32, #tpu.memory_space<hbm>> -> memref<8x128xf32, #tpu.memory_space<hbm>>
      %dma_start3A_924 = arith.constant 0 : i32
      %dma_start3A_925 = arith.constant 0 : i32
      %dma_start3A_926 = tpu.memref_slice %arg8[%mul3A_869, %dma_start3A_916, %add3A, %dma_start3A_924, %dma_start3A_925] : memref<200x8x32x8x128xf32, #tpu.memory_space<hbm>> -> memref<1x1x1x8x128xf32, #tpu.memory_space<hbm>>
      %dma_start3A_927 = tpu.memref_squeeze %dma_start3A_926 : memref<1x1x1x8x128xf32, #tpu.memory_space<hbm>> -> memref<8x128xf32, #tpu.memory_space<hbm>>
      %dma_start3A_928 = arith.constant 0 : i32
      %dma_start3A_929 = arith.constant 0 : i32
      %dma_start3A_930 = tpu.memref_slice %arg27[%dma_start3A_928, %dma_start3A_929] : memref<64x137xf32, #tpu.memory_space<vmem>> -> memref<8x128xf32, #tpu.memory_space<vmem>>
      tpu.enqueue_dma source(%dma_start3A_930 : memref<8x128xf32, #tpu.memory_space<vmem>>) target(%dma_start3A_927 : memref<8x128xf32, #tpu.memory_space<hbm>>) target_semaphore(%arg33 : memref<!tpu.dma_semaphore, #tpu.memory_space<semaphore_mem>>)
      %dma_start3A_931 = arith.constant 1 : i32
      %dma_start3A_932 = arith.constant 8 : i32
      %dma_start3A_933 = arith.constant 0 : i32
      %dma_start3A_934 = tpu.memref_slice %arg27[%dma_start3A_932, %dma_start3A_933] : memref<64x137xf32, #tpu.memory_space<vmem>> -> memref<8x128xf32, #tpu.memory_space<vmem>>
      %dma_start3A_935 = arith.constant 0 : i32
      %dma_start3A_936 = arith.constant 0 : i32
      %dma_start3A_937 = tpu.memref_slice %arg8[%mul3A_869, %dma_start3A_931, %add3A, %dma_start3A_935, %dma_start3A_936] : memref<200x8x32x8x128xf32, #tpu.memory_space<hbm>> -> memref<1x1x1x8x128xf32, #tpu.memory_space<hbm>>
      %dma_start3A_938 = tpu.memref_squeeze %dma_start3A_937 : memref<1x1x1x8x128xf32, #tpu.memory_space<hbm>> -> memref<8x128xf32, #tpu.memory_space<hbm>>
      %dma_start3A_939 = arith.constant 0 : i32
      %dma_start3A_940 = arith.constant 0 : i32
      %dma_start3A_941 = tpu.memref_slice %arg8[%mul3A_869, %dma_start3A_931, %add3A, %dma_start3A_939, %dma_start3A_940] : memref<200x8x32x8x128xf32, #tpu.memory_space<hbm>> -> memref<1x1x1x8x128xf32, #tpu.memory_space<hbm>>
      %dma_start3A_942 = tpu.memref_squeeze %dma_start3A_941 : memref<1x1x1x8x128xf32, #tpu.memory_space<hbm>> -> memref<8x128xf32, #tpu.memory_space<hbm>>
      %dma_start3A_943 = arith.constant 8 : i32
      %dma_start3A_944 = arith.constant 0 : i32
      %dma_start3A_945 = tpu.memref_slice %arg27[%dma_start3A_943, %dma_start3A_944] : memref<64x137xf32, #tpu.memory_space<vmem>> -> memref<8x128xf32, #tpu.memory_space<vmem>>
      tpu.enqueue_dma source(%dma_start3A_945 : memref<8x128xf32, #tpu.memory_space<vmem>>) target(%dma_start3A_942 : memref<8x128xf32, #tpu.memory_space<hbm>>) target_semaphore(%arg33 : memref<!tpu.dma_semaphore, #tpu.memory_space<semaphore_mem>>)
      %dma_start3A_946 = arith.constant 2 : i32
      %dma_start3A_947 = arith.constant 16 : i32
      %dma_start3A_948 = arith.constant 0 : i32
      %dma_start3A_949 = tpu.memref_slice %arg27[%dma_start3A_947, %dma_start3A_948] : memref<64x137xf32, #tpu.memory_space<vmem>> -> memref<8x128xf32, #tpu.memory_space<vmem>>
      %dma_start3A_950 = arith.constant 0 : i32
      %dma_start3A_951 = arith.constant 0 : i32
      %dma_start3A_952 = tpu.memref_slice %arg8[%mul3A_869, %dma_start3A_946, %add3A, %dma_start3A_950, %dma_start3A_951] : memref<200x8x32x8x128xf32, #tpu.memory_space<hbm>> -> memref<1x1x1x8x128xf32, #tpu.memory_space<hbm>>
      %dma_start3A_953 = tpu.memref_squeeze %dma_start3A_952 : memref<1x1x1x8x128xf32, #tpu.memory_space<hbm>> -> memref<8x128xf32, #tpu.memory_space<hbm>>
      %dma_start3A_954 = arith.constant 0 : i32
      %dma_start3A_955 = arith.constant 0 : i32
      %dma_start3A_956 = tpu.memref_slice %arg8[%mul3A_869, %dma_start3A_946, %add3A, %dma_start3A_954, %dma_start3A_955] : memref<200x8x32x8x128xf32, #tpu.memory_space<hbm>> -> memref<1x1x1x8x128xf32, #tpu.memory_space<hbm>>
      %dma_start3A_957 = tpu.memref_squeeze %dma_start3A_956 : memref<1x1x1x8x128xf32, #tpu.memory_space<hbm>> -> memref<8x128xf32, #tpu.memory_space<hbm>>
      %dma_start3A_958 = arith.constant 16 : i32
      %dma_start3A_959 = arith.constant 0 : i32
      %dma_start3A_960 = tpu.memref_slice %arg27[%dma_start3A_958, %dma_start3A_959] : memref<64x137xf32, #tpu.memory_space<vmem>> -> memref<8x128xf32, #tpu.memory_space<vmem>>
      tpu.enqueue_dma source(%dma_start3A_960 : memref<8x128xf32, #tpu.memory_space<vmem>>) target(%dma_start3A_957 : memref<8x128xf32, #tpu.memory_space<hbm>>) target_semaphore(%arg33 : memref<!tpu.dma_semaphore, #tpu.memory_space<semaphore_mem>>)
      %dma_start3A_961 = arith.constant 3 : i32
      %dma_start3A_962 = arith.constant 24 : i32
      %dma_start3A_963 = arith.constant 0 : i32
      %dma_start3A_964 = tpu.memref_slice %arg27[%dma_start3A_962, %dma_start3A_963] : memref<64x137xf32, #tpu.memory_space<vmem>> -> memref<8x128xf32, #tpu.memory_space<vmem>>
      %dma_start3A_965 = arith.constant 0 : i32
      %dma_start3A_966 = arith.constant 0 : i32
      %dma_start3A_967 = tpu.memref_slice %arg8[%mul3A_869, %dma_start3A_961, %add3A, %dma_start3A_965, %dma_start3A_966] : memref<200x8x32x8x128xf32, #tpu.memory_space<hbm>> -> memref<1x1x1x8x128xf32, #tpu.memory_space<hbm>>
      %dma_start3A_968 = tpu.memref_squeeze %dma_start3A_967 : memref<1x1x1x8x128xf32, #tpu.memory_space<hbm>> -> memref<8x128xf32, #tpu.memory_space<hbm>>
      %dma_start3A_969 = arith.constant 0 : i32
      %dma_start3A_970 = arith.constant 0 : i32
      %dma_start3A_971 = tpu.memref_slice %arg8[%mul3A_869, %dma_start3A_961, %add3A, %dma_start3A_969, %dma_start3A_970] : memref<200x8x32x8x128xf32, #tpu.memory_space<hbm>> -> memref<1x1x1x8x128xf32, #tpu.memory_space<hbm>>
      %dma_start3A_972 = tpu.memref_squeeze %dma_start3A_971 : memref<1x1x1x8x128xf32, #tpu.memory_space<hbm>> -> memref<8x128xf32, #tpu.memory_space<hbm>>
      %dma_start3A_973 = arith.constant 24 : i32
      %dma_start3A_974 = arith.constant 0 : i32
      %dma_start3A_975 = tpu.memref_slice %arg27[%dma_start3A_973, %dma_start3A_974] : memref<64x137xf32, #tpu.memory_space<vmem>> -> memref<8x128xf32, #tpu.memory_space<vmem>>
      tpu.enqueue_dma source(%dma_start3A_975 : memref<8x128xf32, #tpu.memory_space<vmem>>) target(%dma_start3A_972 : memref<8x128xf32, #tpu.memory_space<hbm>>) target_semaphore(%arg33 : memref<!tpu.dma_semaphore, #tpu.memory_space<semaphore_mem>>)
      %dma_start3A_976 = arith.constant 4 : i32
      %dma_start3A_977 = arith.constant 32 : i32
      %dma_start3A_978 = arith.constant 0 : i32
      %dma_start3A_979 = tpu.memref_slice %arg27[%dma_start3A_977, %dma_start3A_978] : memref<64x137xf32, #tpu.memory_space<vmem>> -> memref<8x128xf32, #tpu.memory_space<vmem>>
      %dma_start3A_980 = arith.constant 0 : i32
      %dma_start3A_981 = arith.constant 0 : i32
      %dma_start3A_982 = tpu.memref_slice %arg8[%mul3A_869, %dma_start3A_976, %add3A, %dma_start3A_980, %dma_start3A_981] : memref<200x8x32x8x128xf32, #tpu.memory_space<hbm>> -> memref<1x1x1x8x128xf32, #tpu.memory_space<hbm>>
      %dma_start3A_983 = tpu.memref_squeeze %dma_start3A_982 : memref<1x1x1x8x128xf32, #tpu.memory_space<hbm>> -> memref<8x128xf32, #tpu.memory_space<hbm>>
      %dma_start3A_984 = arith.constant 0 : i32
      %dma_start3A_985 = arith.constant 0 : i32
      %dma_start3A_986 = tpu.memref_slice %arg8[%mul3A_869, %dma_start3A_976, %add3A, %dma_start3A_984, %dma_start3A_985] : memref<200x8x32x8x128xf32, #tpu.memory_space<hbm>> -> memref<1x1x1x8x128xf32, #tpu.memory_space<hbm>>
      %dma_start3A_987 = tpu.memref_squeeze %dma_start3A_986 : memref<1x1x1x8x128xf32, #tpu.memory_space<hbm>> -> memref<8x128xf32, #tpu.memory_space<hbm>>
      %dma_start3A_988 = arith.constant 32 : i32
      %dma_start3A_989 = arith.constant 0 : i32
      %dma_start3A_990 = tpu.memref_slice %arg27[%dma_start3A_988, %dma_start3A_989] : memref<64x137xf32, #tpu.memory_space<vmem>> -> memref<8x128xf32, #tpu.memory_space<vmem>>
      tpu.enqueue_dma source(%dma_start3A_990 : memref<8x128xf32, #tpu.memory_space<vmem>>) target(%dma_start3A_987 : memref<8x128xf32, #tpu.memory_space<hbm>>) target_semaphore(%arg33 : memref<!tpu.dma_semaphore, #tpu.memory_space<semaphore_mem>>)
      %dma_start3A_991 = arith.constant 5 : i32
      %dma_start3A_992 = arith.constant 40 : i32
      %dma_start3A_993 = arith.constant 0 : i32
      %dma_start3A_994 = tpu.memref_slice %arg27[%dma_start3A_992, %dma_start3A_993] : memref<64x137xf32, #tpu.memory_space<vmem>> -> memref<8x128xf32, #tpu.memory_space<vmem>>
      %dma_start3A_995 = arith.constant 0 : i32
      %dma_start3A_996 = arith.constant 0 : i32
      %dma_start3A_997 = tpu.memref_slice %arg8[%mul3A_869, %dma_start3A_991, %add3A, %dma_start3A_995, %dma_start3A_996] : memref<200x8x32x8x128xf32, #tpu.memory_space<hbm>> -> memref<1x1x1x8x128xf32, #tpu.memory_space<hbm>>
      %dma_start3A_998 = tpu.memref_squeeze %dma_start3A_997 : memref<1x1x1x8x128xf32, #tpu.memory_space<hbm>> -> memref<8x128xf32, #tpu.memory_space<hbm>>
      %dma_start3A_999 = arith.constant 0 : i32
      %dma_start3A_1000 = arith.constant 0 : i32
      %dma_start3A_1001 = tpu.memref_slice %arg8[%mul3A_869, %dma_start3A_991, %add3A, %dma_start3A_999, %dma_start3A_1000] : memref<200x8x32x8x128xf32, #tpu.memory_space<hbm>> -> memref<1x1x1x8x128xf32, #tpu.memory_space<hbm>>
      %dma_start3A_1002 = tpu.memref_squeeze %dma_start3A_1001 : memref<1x1x1x8x128xf32, #tpu.memory_space<hbm>> -> memref<8x128xf32, #tpu.memory_space<hbm>>
      %dma_start3A_1003 = arith.constant 40 : i32
      %dma_start3A_1004 = arith.constant 0 : i32
      %dma_start3A_1005 = tpu.memref_slice %arg27[%dma_start3A_1003, %dma_start3A_1004] : memref<64x137xf32, #tpu.memory_space<vmem>> -> memref<8x128xf32, #tpu.memory_space<vmem>>
      tpu.enqueue_dma source(%dma_start3A_1005 : memref<8x128xf32, #tpu.memory_space<vmem>>) target(%dma_start3A_1002 : memref<8x128xf32, #tpu.memory_space<hbm>>) target_semaphore(%arg33 : memref<!tpu.dma_semaphore, #tpu.memory_space<semaphore_mem>>)
      %dma_start3A_1006 = arith.constant 6 : i32
      %dma_start3A_1007 = arith.constant 48 : i32
      %dma_start3A_1008 = arith.constant 0 : i32
      %dma_start3A_1009 = tpu.memref_slice %arg27[%dma_start3A_1007, %dma_start3A_1008] : memref<64x137xf32, #tpu.memory_space<vmem>> -> memref<8x128xf32, #tpu.memory_space<vmem>>
      %dma_start3A_1010 = arith.constant 0 : i32
      %dma_start3A_1011 = arith.constant 0 : i32
      %dma_start3A_1012 = tpu.memref_slice %arg8[%mul3A_869, %dma_start3A_1006, %add3A, %dma_start3A_1010, %dma_start3A_1011] : memref<200x8x32x8x128xf32, #tpu.memory_space<hbm>> -> memref<1x1x1x8x128xf32, #tpu.memory_space<hbm>>
      %dma_start3A_1013 = tpu.memref_squeeze %dma_start3A_1012 : memref<1x1x1x8x128xf32, #tpu.memory_space<hbm>> -> memref<8x128xf32, #tpu.memory_space<hbm>>
      %dma_start3A_1014 = arith.constant 0 : i32
      %dma_start3A_1015 = arith.constant 0 : i32
      %dma_start3A_1016 = tpu.memref_slice %arg8[%mul3A_869, %dma_start3A_1006, %add3A, %dma_start3A_1014, %dma_start3A_1015] : memref<200x8x32x8x128xf32, #tpu.memory_space<hbm>> -> memref<1x1x1x8x128xf32, #tpu.memory_space<hbm>>
      %dma_start3A_1017 = tpu.memref_squeeze %dma_start3A_1016 : memref<1x1x1x8x128xf32, #tpu.memory_space<hbm>> -> memref<8x128xf32, #tpu.memory_space<hbm>>
      %dma_start3A_1018 = arith.constant 48 : i32
      %dma_start3A_1019 = arith.constant 0 : i32
      %dma_start3A_1020 = tpu.memref_slice %arg27[%dma_start3A_1018, %dma_start3A_1019] : memref<64x137xf32, #tpu.memory_space<vmem>> -> memref<8x128xf32, #tpu.memory_space<vmem>>
      tpu.enqueue_dma source(%dma_start3A_1020 : memref<8x128xf32, #tpu.memory_space<vmem>>) target(%dma_start3A_1017 : memref<8x128xf32, #tpu.memory_space<hbm>>) target_semaphore(%arg33 : memref<!tpu.dma_semaphore, #tpu.memory_space<semaphore_mem>>)
      %dma_start3A_1021 = arith.constant 7 : i32
      %dma_start3A_1022 = arith.constant 56 : i32
      %dma_start3A_1023 = arith.constant 0 : i32
      %dma_start3A_1024 = tpu.memref_slice %arg27[%dma_start3A_1022, %dma_start3A_1023] : memref<64x137xf32, #tpu.memory_space<vmem>> -> memref<8x128xf32, #tpu.memory_space<vmem>>
      %dma_start3A_1025 = arith.constant 0 : i32
      %dma_start3A_1026 = arith.constant 0 : i32
      %dma_start3A_1027 = tpu.memref_slice %arg8[%mul3A_869, %dma_start3A_1021, %add3A, %dma_start3A_1025, %dma_start3A_1026] : memref<200x8x32x8x128xf32, #tpu.memory_space<hbm>> -> memref<1x1x1x8x128xf32, #tpu.memory_space<hbm>>
      %dma_start3A_1028 = tpu.memref_squeeze %dma_start3A_1027 : memref<1x1x1x8x128xf32, #tpu.memory_space<hbm>> -> memref<8x128xf32, #tpu.memory_space<hbm>>
      %dma_start3A_1029 = arith.constant 0 : i32
      %dma_start3A_1030 = arith.constant 0 : i32
      %dma_start3A_1031 = tpu.memref_slice %arg8[%mul3A_869, %dma_start3A_1021, %add3A, %dma_start3A_1029, %dma_start3A_1030] : memref<200x8x32x8x128xf32, #tpu.memory_space<hbm>> -> memref<1x1x1x8x128xf32, #tpu.memory_space<hbm>>
      %dma_start3A_1032 = tpu.memref_squeeze %dma_start3A_1031 : memref<1x1x1x8x128xf32, #tpu.memory_space<hbm>> -> memref<8x128xf32, #tpu.memory_space<hbm>>
      %dma_start3A_1033 = arith.constant 56 : i32
      %dma_start3A_1034 = arith.constant 0 : i32
      %dma_start3A_1035 = tpu.memref_slice %arg27[%dma_start3A_1033, %dma_start3A_1034] : memref<64x137xf32, #tpu.memory_space<vmem>> -> memref<8x128xf32, #tpu.memory_space<vmem>>
      tpu.enqueue_dma source(%dma_start3A_1035 : memref<8x128xf32, #tpu.memory_space<vmem>>) target(%dma_start3A_1032 : memref<8x128xf32, #tpu.memory_space<hbm>>) target_semaphore(%arg33 : memref<!tpu.dma_semaphore, #tpu.memory_space<semaphore_mem>>)
      %gt3A_1036 = arith.constant 0 : i32
      %gt3A_1037 = arith.cmpi sgt, %scan3A_867, %gt3A_1036 : i32
      %convert_element_type3A_1038 = arith.extui %gt3A_1037 : i1 to i32
      %cond3A_1039 = arith.constant 0 : i32
      %cond3A_1040 = arith.cmpi ne, %convert_element_type3A_1038, %cond3A_1039 : i32
      scf.if %cond3A_1040 {
        %dma_wait3A_1501 = arith.constant 0 : i32
        %dma_wait3A_1502 = arith.constant 0 : i32
        %dma_wait3A_1503 = arith.constant 0 : i32
        %dma_wait3A_1504 = arith.constant 0 : i32
        %dma_wait3A_1505 = tpu.memref_slice %arg29[%dma_wait3A_1503, %dma_wait3A_1504] : memref<64x137xf32, #tpu.memory_space<vmem>> -> memref<8x128xf32, #tpu.memory_space<vmem>>
        %dma_wait3A_1506 = arith.constant 0 : i32
        %dma_wait3A_1507 = arith.constant 0 : i32
        %dma_wait3A_1508 = tpu.memref_slice %arg8[%dma_wait3A_1501, %dma_wait3A_1502, %add3A, %dma_wait3A_1506, %dma_wait3A_1507] : memref<200x8x32x8x128xf32, #tpu.memory_space<hbm>> -> memref<1x1x1x8x128xf32, #tpu.memory_space<hbm>>
        %dma_wait3A_1509 = tpu.memref_squeeze %dma_wait3A_1508 : memref<1x1x1x8x128xf32, #tpu.memory_space<hbm>> -> memref<8x128xf32, #tpu.memory_space<hbm>>
        %dma_wait3A_1510 = arith.constant 0 : i32
        %dma_wait3A_1511 = arith.constant 0 : i32
        %dma_wait3A_1512 = tpu.memref_slice %arg8[%dma_wait3A_1501, %dma_wait3A_1502, %add3A, %dma_wait3A_1510, %dma_wait3A_1511] : memref<200x8x32x8x128xf32, #tpu.memory_space<hbm>> -> memref<1x1x1x8x128xf32, #tpu.memory_space<hbm>>
        %dma_wait3A_1513 = tpu.memref_squeeze %dma_wait3A_1512 : memref<1x1x1x8x128xf32, #tpu.memory_space<hbm>> -> memref<8x128xf32, #tpu.memory_space<hbm>>
        %dma_wait3A_1514 = arith.constant 0 : i32
        %dma_wait3A_1515 = arith.constant 0 : i32
        %dma_wait3A_1516 = tpu.memref_slice %arg29[%dma_wait3A_1514, %dma_wait3A_1515] : memref<64x137xf32, #tpu.memory_space<vmem>> -> memref<8x128xf32, #tpu.memory_space<vmem>>
        tpu.wait_dma2 semaphore(%arg35 : memref<!tpu.dma_semaphore, #tpu.memory_space<semaphore_mem>>) src(%dma_wait3A_1516 : memref<8x128xf32, #tpu.memory_space<vmem>>) dst(%dma_wait3A_1513 : memref<8x128xf32, #tpu.memory_space<hbm>>)
        %dma_wait3A_1517 = arith.constant 0 : i32
        %dma_wait3A_1518 = arith.constant 0 : i32
        %dma_wait3A_1519 = arith.constant 0 : i32
        %dma_wait3A_1520 = arith.constant 0 : i32
        %dma_wait3A_1521 = tpu.memref_slice %arg29[%dma_wait3A_1519, %dma_wait3A_1520] : memref<64x137xf32, #tpu.memory_space<vmem>> -> memref<8x128xf32, #tpu.memory_space<vmem>>
        %dma_wait3A_1522 = arith.constant 0 : i32
        %dma_wait3A_1523 = arith.constant 0 : i32
        %dma_wait3A_1524 = tpu.memref_slice %arg8[%dma_wait3A_1517, %dma_wait3A_1518, %add3A, %dma_wait3A_1522, %dma_wait3A_1523] : memref<200x8x32x8x128xf32, #tpu.memory_space<hbm>> -> memref<1x1x1x8x128xf32, #tpu.memory_space<hbm>>
        %dma_wait3A_1525 = tpu.memref_squeeze %dma_wait3A_1524 : memref<1x1x1x8x128xf32, #tpu.memory_space<hbm>> -> memref<8x128xf32, #tpu.memory_space<hbm>>
        %dma_wait3A_1526 = arith.constant 0 : i32
        %dma_wait3A_1527 = arith.constant 0 : i32
        %dma_wait3A_1528 = tpu.memref_slice %arg8[%dma_wait3A_1517, %dma_wait3A_1518, %add3A, %dma_wait3A_1526, %dma_wait3A_1527] : memref<200x8x32x8x128xf32, #tpu.memory_space<hbm>> -> memref<1x1x1x8x128xf32, #tpu.memory_space<hbm>>
        %dma_wait3A_1529 = tpu.memref_squeeze %dma_wait3A_1528 : memref<1x1x1x8x128xf32, #tpu.memory_space<hbm>> -> memref<8x128xf32, #tpu.memory_space<hbm>>
        %dma_wait3A_1530 = arith.constant 0 : i32
        %dma_wait3A_1531 = arith.constant 0 : i32
        %dma_wait3A_1532 = tpu.memref_slice %arg29[%dma_wait3A_1530, %dma_wait3A_1531] : memref<64x137xf32, #tpu.memory_space<vmem>> -> memref<8x128xf32, #tpu.memory_space<vmem>>
        tpu.wait_dma2 semaphore(%arg35 : memref<!tpu.dma_semaphore, #tpu.memory_space<semaphore_mem>>) src(%dma_wait3A_1532 : memref<8x128xf32, #tpu.memory_space<vmem>>) dst(%dma_wait3A_1529 : memref<8x128xf32, #tpu.memory_space<hbm>>)
        %dma_wait3A_1533 = arith.constant 0 : i32
        %dma_wait3A_1534 = arith.constant 0 : i32
        %dma_wait3A_1535 = arith.constant 0 : i32
        %dma_wait3A_1536 = arith.constant 0 : i32
        %dma_wait3A_1537 = tpu.memref_slice %arg29[%dma_wait3A_1535, %dma_wait3A_1536] : memref<64x137xf32, #tpu.memory_space<vmem>> -> memref<8x128xf32, #tpu.memory_space<vmem>>
        %dma_wait3A_1538 = arith.constant 0 : i32
        %dma_wait3A_1539 = arith.constant 0 : i32
        %dma_wait3A_1540 = tpu.memref_slice %arg8[%dma_wait3A_1533, %dma_wait3A_1534, %add3A, %dma_wait3A_1538, %dma_wait3A_1539] : memref<200x8x32x8x128xf32, #tpu.memory_space<hbm>> -> memref<1x1x1x8x128xf32, #tpu.memory_space<hbm>>
        %dma_wait3A_1541 = tpu.memref_squeeze %dma_wait3A_1540 : memref<1x1x1x8x128xf32, #tpu.memory_space<hbm>> -> memref<8x128xf32, #tpu.memory_space<hbm>>
        %dma_wait3A_1542 = arith.constant 0 : i32
        %dma_wait3A_1543 = arith.constant 0 : i32
        %dma_wait3A_1544 = tpu.memref_slice %arg8[%dma_wait3A_1533, %dma_wait3A_1534, %add3A, %dma_wait3A_1542, %dma_wait3A_1543] : memref<200x8x32x8x128xf32, #tpu.memory_space<hbm>> -> memref<1x1x1x8x128xf32, #tpu.memory_space<hbm>>
        %dma_wait3A_1545 = tpu.memref_squeeze %dma_wait3A_1544 : memref<1x1x1x8x128xf32, #tpu.memory_space<hbm>> -> memref<8x128xf32, #tpu.memory_space<hbm>>
        %dma_wait3A_1546 = arith.constant 0 : i32
        %dma_wait3A_1547 = arith.constant 0 : i32
        %dma_wait3A_1548 = tpu.memref_slice %arg29[%dma_wait3A_1546, %dma_wait3A_1547] : memref<64x137xf32, #tpu.memory_space<vmem>> -> memref<8x128xf32, #tpu.memory_space<vmem>>
        tpu.wait_dma2 semaphore(%arg35 : memref<!tpu.dma_semaphore, #tpu.memory_space<semaphore_mem>>) src(%dma_wait3A_1548 : memref<8x128xf32, #tpu.memory_space<vmem>>) dst(%dma_wait3A_1545 : memref<8x128xf32, #tpu.memory_space<hbm>>)
        %dma_wait3A_1549 = arith.constant 0 : i32
        %dma_wait3A_1550 = arith.constant 0 : i32
        %dma_wait3A_1551 = arith.constant 0 : i32
        %dma_wait3A_1552 = arith.constant 0 : i32
        %dma_wait3A_1553 = tpu.memref_slice %arg29[%dma_wait3A_1551, %dma_wait3A_1552] : memref<64x137xf32, #tpu.memory_space<vmem>> -> memref<8x128xf32, #tpu.memory_space<vmem>>
        %dma_wait3A_1554 = arith.constant 0 : i32
        %dma_wait3A_1555 = arith.constant 0 : i32
        %dma_wait3A_1556 = tpu.memref_slice %arg8[%dma_wait3A_1549, %dma_wait3A_1550, %add3A, %dma_wait3A_1554, %dma_wait3A_1555] : memref<200x8x32x8x128xf32, #tpu.memory_space<hbm>> -> memref<1x1x1x8x128xf32, #tpu.memory_space<hbm>>
        %dma_wait3A_1557 = tpu.memref_squeeze %dma_wait3A_1556 : memref<1x1x1x8x128xf32, #tpu.memory_space<hbm>> -> memref<8x128xf32, #tpu.memory_space<hbm>>
        %dma_wait3A_1558 = arith.constant 0 : i32
        %dma_wait3A_1559 = arith.constant 0 : i32
        %dma_wait3A_1560 = tpu.memref_slice %arg8[%dma_wait3A_1549, %dma_wait3A_1550, %add3A, %dma_wait3A_1558, %dma_wait3A_1559] : memref<200x8x32x8x128xf32, #tpu.memory_space<hbm>> -> memref<1x1x1x8x128xf32, #tpu.memory_space<hbm>>
        %dma_wait3A_1561 = tpu.memref_squeeze %dma_wait3A_1560 : memref<1x1x1x8x128xf32, #tpu.memory_space<hbm>> -> memref<8x128xf32, #tpu.memory_space<hbm>>
        %dma_wait3A_1562 = arith.constant 0 : i32
        %dma_wait3A_1563 = arith.constant 0 : i32
        %dma_wait3A_1564 = tpu.memref_slice %arg29[%dma_wait3A_1562, %dma_wait3A_1563] : memref<64x137xf32, #tpu.memory_space<vmem>> -> memref<8x128xf32, #tpu.memory_space<vmem>>
        tpu.wait_dma2 semaphore(%arg35 : memref<!tpu.dma_semaphore, #tpu.memory_space<semaphore_mem>>) src(%dma_wait3A_1564 : memref<8x128xf32, #tpu.memory_space<vmem>>) dst(%dma_wait3A_1561 : memref<8x128xf32, #tpu.memory_space<hbm>>)
        %dma_wait3A_1565 = arith.constant 0 : i32
        %dma_wait3A_1566 = arith.constant 0 : i32
        %dma_wait3A_1567 = arith.constant 0 : i32
        %dma_wait3A_1568 = arith.constant 0 : i32
        %dma_wait3A_1569 = tpu.memref_slice %arg29[%dma_wait3A_1567, %dma_wait3A_1568] : memref<64x137xf32, #tpu.memory_space<vmem>> -> memref<8x128xf32, #tpu.memory_space<vmem>>
        %dma_wait3A_1570 = arith.constant 0 : i32
        %dma_wait3A_1571 = arith.constant 0 : i32
        %dma_wait3A_1572 = tpu.memref_slice %arg8[%dma_wait3A_1565, %dma_wait3A_1566, %add3A, %dma_wait3A_1570, %dma_wait3A_1571] : memref<200x8x32x8x128xf32, #tpu.memory_space<hbm>> -> memref<1x1x1x8x128xf32, #tpu.memory_space<hbm>>
        %dma_wait3A_1573 = tpu.memref_squeeze %dma_wait3A_1572 : memref<1x1x1x8x128xf32, #tpu.memory_space<hbm>> -> memref<8x128xf32, #tpu.memory_space<hbm>>
        %dma_wait3A_1574 = arith.constant 0 : i32
        %dma_wait3A_1575 = arith.constant 0 : i32
        %dma_wait3A_1576 = tpu.memref_slice %arg8[%dma_wait3A_1565, %dma_wait3A_1566, %add3A, %dma_wait3A_1574, %dma_wait3A_1575] : memref<200x8x32x8x128xf32, #tpu.memory_space<hbm>> -> memref<1x1x1x8x128xf32, #tpu.memory_space<hbm>>
        %dma_wait3A_1577 = tpu.memref_squeeze %dma_wait3A_1576 : memref<1x1x1x8x128xf32, #tpu.memory_space<hbm>> -> memref<8x128xf32, #tpu.memory_space<hbm>>
        %dma_wait3A_1578 = arith.constant 0 : i32
        %dma_wait3A_1579 = arith.constant 0 : i32
        %dma_wait3A_1580 = tpu.memref_slice %arg29[%dma_wait3A_1578, %dma_wait3A_1579] : memref<64x137xf32, #tpu.memory_space<vmem>> -> memref<8x128xf32, #tpu.memory_space<vmem>>
        tpu.wait_dma2 semaphore(%arg35 : memref<!tpu.dma_semaphore, #tpu.memory_space<semaphore_mem>>) src(%dma_wait3A_1580 : memref<8x128xf32, #tpu.memory_space<vmem>>) dst(%dma_wait3A_1577 : memref<8x128xf32, #tpu.memory_space<hbm>>)
        %dma_wait3A_1581 = arith.constant 0 : i32
        %dma_wait3A_1582 = arith.constant 0 : i32
        %dma_wait3A_1583 = arith.constant 0 : i32
        %dma_wait3A_1584 = arith.constant 0 : i32
        %dma_wait3A_1585 = tpu.memref_slice %arg29[%dma_wait3A_1583, %dma_wait3A_1584] : memref<64x137xf32, #tpu.memory_space<vmem>> -> memref<8x128xf32, #tpu.memory_space<vmem>>
        %dma_wait3A_1586 = arith.constant 0 : i32
        %dma_wait3A_1587 = arith.constant 0 : i32
        %dma_wait3A_1588 = tpu.memref_slice %arg8[%dma_wait3A_1581, %dma_wait3A_1582, %add3A, %dma_wait3A_1586, %dma_wait3A_1587] : memref<200x8x32x8x128xf32, #tpu.memory_space<hbm>> -> memref<1x1x1x8x128xf32, #tpu.memory_space<hbm>>
        %dma_wait3A_1589 = tpu.memref_squeeze %dma_wait3A_1588 : memref<1x1x1x8x128xf32, #tpu.memory_space<hbm>> -> memref<8x128xf32, #tpu.memory_space<hbm>>
        %dma_wait3A_1590 = arith.constant 0 : i32
        %dma_wait3A_1591 = arith.constant 0 : i32
        %dma_wait3A_1592 = tpu.memref_slice %arg8[%dma_wait3A_1581, %dma_wait3A_1582, %add3A, %dma_wait3A_1590, %dma_wait3A_1591] : memref<200x8x32x8x128xf32, #tpu.memory_space<hbm>> -> memref<1x1x1x8x128xf32, #tpu.memory_space<hbm>>
        %dma_wait3A_1593 = tpu.memref_squeeze %dma_wait3A_1592 : memref<1x1x1x8x128xf32, #tpu.memory_space<hbm>> -> memref<8x128xf32, #tpu.memory_space<hbm>>
        %dma_wait3A_1594 = arith.constant 0 : i32
        %dma_wait3A_1595 = arith.constant 0 : i32
        %dma_wait3A_1596 = tpu.memref_slice %arg29[%dma_wait3A_1594, %dma_wait3A_1595] : memref<64x137xf32, #tpu.memory_space<vmem>> -> memref<8x128xf32, #tpu.memory_space<vmem>>
        tpu.wait_dma2 semaphore(%arg35 : memref<!tpu.dma_semaphore, #tpu.memory_space<semaphore_mem>>) src(%dma_wait3A_1596 : memref<8x128xf32, #tpu.memory_space<vmem>>) dst(%dma_wait3A_1593 : memref<8x128xf32, #tpu.memory_space<hbm>>)
        %dma_wait3A_1597 = arith.constant 0 : i32
        %dma_wait3A_1598 = arith.constant 0 : i32
        %dma_wait3A_1599 = arith.constant 0 : i32
        %dma_wait3A_1600 = arith.constant 0 : i32
        %dma_wait3A_1601 = tpu.memref_slice %arg29[%dma_wait3A_1599, %dma_wait3A_1600] : memref<64x137xf32, #tpu.memory_space<vmem>> -> memref<8x128xf32, #tpu.memory_space<vmem>>
        %dma_wait3A_1602 = arith.constant 0 : i32
        %dma_wait3A_1603 = arith.constant 0 : i32
        %dma_wait3A_1604 = tpu.memref_slice %arg8[%dma_wait3A_1597, %dma_wait3A_1598, %add3A, %dma_wait3A_1602, %dma_wait3A_1603] : memref<200x8x32x8x128xf32, #tpu.memory_space<hbm>> -> memref<1x1x1x8x128xf32, #tpu.memory_space<hbm>>
        %dma_wait3A_1605 = tpu.memref_squeeze %dma_wait3A_1604 : memref<1x1x1x8x128xf32, #tpu.memory_space<hbm>> -> memref<8x128xf32, #tpu.memory_space<hbm>>
        %dma_wait3A_1606 = arith.constant 0 : i32
        %dma_wait3A_1607 = arith.constant 0 : i32
        %dma_wait3A_1608 = tpu.memref_slice %arg8[%dma_wait3A_1597, %dma_wait3A_1598, %add3A, %dma_wait3A_1606, %dma_wait3A_1607] : memref<200x8x32x8x128xf32, #tpu.memory_space<hbm>> -> memref<1x1x1x8x128xf32, #tpu.memory_space<hbm>>
        %dma_wait3A_1609 = tpu.memref_squeeze %dma_wait3A_1608 : memref<1x1x1x8x128xf32, #tpu.memory_space<hbm>> -> memref<8x128xf32, #tpu.memory_space<hbm>>
        %dma_wait3A_1610 = arith.constant 0 : i32
        %dma_wait3A_1611 = arith.constant 0 : i32
        %dma_wait3A_1612 = tpu.memref_slice %arg29[%dma_wait3A_1610, %dma_wait3A_1611] : memref<64x137xf32, #tpu.memory_space<vmem>> -> memref<8x128xf32, #tpu.memory_space<vmem>>
        tpu.wait_dma2 semaphore(%arg35 : memref<!tpu.dma_semaphore, #tpu.memory_space<semaphore_mem>>) src(%dma_wait3A_1612 : memref<8x128xf32, #tpu.memory_space<vmem>>) dst(%dma_wait3A_1609 : memref<8x128xf32, #tpu.memory_space<hbm>>)
        %dma_wait3A_1613 = arith.constant 0 : i32
        %dma_wait3A_1614 = arith.constant 0 : i32
        %dma_wait3A_1615 = arith.constant 0 : i32
        %dma_wait3A_1616 = arith.constant 0 : i32
        %dma_wait3A_1617 = tpu.memref_slice %arg29[%dma_wait3A_1615, %dma_wait3A_1616] : memref<64x137xf32, #tpu.memory_space<vmem>> -> memref<8x128xf32, #tpu.memory_space<vmem>>
        %dma_wait3A_1618 = arith.constant 0 : i32
        %dma_wait3A_1619 = arith.constant 0 : i32
        %dma_wait3A_1620 = tpu.memref_slice %arg8[%dma_wait3A_1613, %dma_wait3A_1614, %add3A, %dma_wait3A_1618, %dma_wait3A_1619] : memref<200x8x32x8x128xf32, #tpu.memory_space<hbm>> -> memref<1x1x1x8x128xf32, #tpu.memory_space<hbm>>
        %dma_wait3A_1621 = tpu.memref_squeeze %dma_wait3A_1620 : memref<1x1x1x8x128xf32, #tpu.memory_space<hbm>> -> memref<8x128xf32, #tpu.memory_space<hbm>>
        %dma_wait3A_1622 = arith.constant 0 : i32
        %dma_wait3A_1623 = arith.constant 0 : i32
        %dma_wait3A_1624 = tpu.memref_slice %arg8[%dma_wait3A_1613, %dma_wait3A_1614, %add3A, %dma_wait3A_1622, %dma_wait3A_1623] : memref<200x8x32x8x128xf32, #tpu.memory_space<hbm>> -> memref<1x1x1x8x128xf32, #tpu.memory_space<hbm>>
        %dma_wait3A_1625 = tpu.memref_squeeze %dma_wait3A_1624 : memref<1x1x1x8x128xf32, #tpu.memory_space<hbm>> -> memref<8x128xf32, #tpu.memory_space<hbm>>
        %dma_wait3A_1626 = arith.constant 0 : i32
        %dma_wait3A_1627 = arith.constant 0 : i32
        %dma_wait3A_1628 = tpu.memref_slice %arg29[%dma_wait3A_1626, %dma_wait3A_1627] : memref<64x137xf32, #tpu.memory_space<vmem>> -> memref<8x128xf32, #tpu.memory_space<vmem>>
        tpu.wait_dma2 semaphore(%arg35 : memref<!tpu.dma_semaphore, #tpu.memory_space<semaphore_mem>>) src(%dma_wait3A_1628 : memref<8x128xf32, #tpu.memory_space<vmem>>) dst(%dma_wait3A_1625 : memref<8x128xf32, #tpu.memory_space<hbm>>)
      } else {
      }
      %dma_wait3A_1041 = arith.constant 0 : i32
      %dma_wait3A_1042 = tpu.memref_slice %arg2[%dma_wait3A_1041] : memref<819200xi32, #tpu.memory_space<hbm>> -> memref<128xi32, #tpu.memory_space<hbm>>
      %dma_wait3A_1043 = arith.constant 0 : i32
      %dma_wait3A_1044 = tpu.memref_slice %arg2[%dma_wait3A_1043] : memref<819200xi32, #tpu.memory_space<hbm>> -> memref<128xi32, #tpu.memory_space<hbm>>
      tpu.wait_dma2 semaphore(%arg38 : memref<!tpu.dma_semaphore, #tpu.memory_space<semaphore_mem>>) src(%dma_wait3A_1044 : memref<128xi32, #tpu.memory_space<hbm>>) dst(%arg15 : memref<128xi32, #tpu.memory_space<vmem>>)
      %dma_wait3A_1045 = arith.constant 0 : i32
      %dma_wait3A_1046 = tpu.memref_slice %arg3[%dma_wait3A_1045] : memref<819200xi32, #tpu.memory_space<hbm>> -> memref<128xi32, #tpu.memory_space<hbm>>
      %dma_wait3A_1047 = arith.constant 0 : i32
      %dma_wait3A_1048 = tpu.memref_slice %arg3[%dma_wait3A_1047] : memref<819200xi32, #tpu.memory_space<hbm>> -> memref<128xi32, #tpu.memory_space<hbm>>
      tpu.wait_dma2 semaphore(%arg38 : memref<!tpu.dma_semaphore, #tpu.memory_space<semaphore_mem>>) src(%dma_wait3A_1048 : memref<128xi32, #tpu.memory_space<hbm>>) dst(%arg16 : memref<128xi32, #tpu.memory_space<vmem>>)
      %dma_wait3A_1049 = arith.constant 0 : i32
      %dma_wait3A_1050 = tpu.memref_slice %arg4[%dma_wait3A_1049] : memref<819200xi32, #tpu.memory_space<hbm>> -> memref<128xi32, #tpu.memory_space<hbm>>
      %dma_wait3A_1051 = arith.constant 0 : i32
      %dma_wait3A_1052 = tpu.memref_slice %arg4[%dma_wait3A_1051] : memref<819200xi32, #tpu.memory_space<hbm>> -> memref<128xi32, #tpu.memory_space<hbm>>
      tpu.wait_dma2 semaphore(%arg38 : memref<!tpu.dma_semaphore, #tpu.memory_space<semaphore_mem>>) src(%dma_wait3A_1052 : memref<128xi32, #tpu.memory_space<hbm>>) dst(%arg17 : memref<128xi32, #tpu.memory_space<vmem>>)
      %dma_start3A_1053 = arith.constant 0 : i32
      %dma_start3A_1054 = arith.constant 0 : i32
      %dma_start3A_1055 = tpu.memref_slice %arg5[%dma_start3A_1053, %dma_start3A_1054] : memref<100000x64xf32, #tpu.memory_space<hbm>> -> memref<100000x64xf32, #tpu.memory_space<hbm>>
      tpu.enqueue_indirect_dma source(%dma_start3A_1055 : memref<100000x64xf32, #tpu.memory_space<hbm>>) target(%arg24 : memref<128x64xf32, #tpu.memory_space<vmem>>) offsets(%arg15 : memref<128xi32, #tpu.memory_space<vmem>>) semaphore(%arg32 : memref<!tpu.dma_semaphore, #tpu.memory_space<semaphore_mem>>)
      %dma_start3A_1056 = arith.constant 0 : i32
      %dma_start3A_1057 = arith.constant 0 : i32
      %dma_start3A_1058 = tpu.memref_slice %arg6[%dma_start3A_1056, %dma_start3A_1057] : memref<1000x64xf32, #tpu.memory_space<hbm>> -> memref<1000x64xf32, #tpu.memory_space<hbm>>
      tpu.enqueue_indirect_dma source(%dma_start3A_1058 : memref<1000x64xf32, #tpu.memory_space<hbm>>) target(%arg25 : memref<128x64xf32, #tpu.memory_space<vmem>>) offsets(%arg16 : memref<128xi32, #tpu.memory_space<vmem>>) semaphore(%arg32 : memref<!tpu.dma_semaphore, #tpu.memory_space<semaphore_mem>>)
      %dma_start3A_1059 = arith.constant 0 : i32
      %dma_start3A_1060 = arith.constant 0 : i32
      %dma_start3A_1061 = tpu.memref_slice %arg7[%dma_start3A_1059, %dma_start3A_1060] : memref<1000x64xf32, #tpu.memory_space<hbm>> -> memref<1000x64xf32, #tpu.memory_space<hbm>>
      tpu.enqueue_indirect_dma source(%dma_start3A_1061 : memref<1000x64xf32, #tpu.memory_space<hbm>>) target(%arg26 : memref<128x64xf32, #tpu.memory_space<vmem>>) offsets(%arg17 : memref<128xi32, #tpu.memory_space<vmem>>) semaphore(%arg32 : memref<!tpu.dma_semaphore, #tpu.memory_space<semaphore_mem>>)
      %add3A_1062 = arith.constant 3 : i32
      %add3A_1063 = arith.addi %mul3A_869, %add3A_1062 : i32
      %mul3A_1064 = arith.constant 4096 : i32
      %mul3A_1065 = arith.muli %add3A_1063, %mul3A_1064 : i32
      %add3A_1066 = arith.addi %mul3A_1065, %mul3A_2 : i32
      %dma_start3A_1067 = tpu.memref_slice %arg2[%add3A_1066] : memref<819200xi32, #tpu.memory_space<hbm>> -> memref<128xi32, #tpu.memory_space<hbm>>
      %dma_start3A_1068 = tpu.memref_slice %arg2[%add3A_1066] : memref<819200xi32, #tpu.memory_space<hbm>> -> memref<128xi32, #tpu.memory_space<hbm>>
      tpu.enqueue_dma source(%dma_start3A_1068 : memref<128xi32, #tpu.memory_space<hbm>>) target(%arg9 : memref<128xi32, #tpu.memory_space<vmem>>) target_semaphore(%arg36 : memref<!tpu.dma_semaphore, #tpu.memory_space<semaphore_mem>>)
      %dma_start3A_1069 = tpu.memref_slice %arg3[%add3A_1066] : memref<819200xi32, #tpu.memory_space<hbm>> -> memref<128xi32, #tpu.memory_space<hbm>>
      %dma_start3A_1070 = tpu.memref_slice %arg3[%add3A_1066] : memref<819200xi32, #tpu.memory_space<hbm>> -> memref<128xi32, #tpu.memory_space<hbm>>
      tpu.enqueue_dma source(%dma_start3A_1070 : memref<128xi32, #tpu.memory_space<hbm>>) target(%arg10 : memref<128xi32, #tpu.memory_space<vmem>>) target_semaphore(%arg36 : memref<!tpu.dma_semaphore, #tpu.memory_space<semaphore_mem>>)
      %dma_start3A_1071 = tpu.memref_slice %arg4[%add3A_1066] : memref<819200xi32, #tpu.memory_space<hbm>> -> memref<128xi32, #tpu.memory_space<hbm>>
      %dma_start3A_1072 = tpu.memref_slice %arg4[%add3A_1066] : memref<819200xi32, #tpu.memory_space<hbm>> -> memref<128xi32, #tpu.memory_space<hbm>>
      tpu.enqueue_dma source(%dma_start3A_1072 : memref<128xi32, #tpu.memory_space<hbm>>) target(%arg11 : memref<128xi32, #tpu.memory_space<vmem>>) target_semaphore(%arg36 : memref<!tpu.dma_semaphore, #tpu.memory_space<semaphore_mem>>)
      %dma_wait3A_1073 = arith.constant 0 : i32
      %dma_wait3A_1074 = arith.constant 0 : i32
      %dma_wait3A_1075 = tpu.memref_slice %arg5[%dma_wait3A_1073, %dma_wait3A_1074] : memref<100000x64xf32, #tpu.memory_space<hbm>> -> memref<100000x64xf32, #tpu.memory_space<hbm>>
      tpu.wait_indirect_dma semaphore(%arg31 : memref<!tpu.dma_semaphore, #tpu.memory_space<semaphore_mem>>) src(%dma_wait3A_1075 : memref<100000x64xf32, #tpu.memory_space<hbm>>) dst(%arg21 : memref<128x64xf32, #tpu.memory_space<vmem>>)
      %dma_wait3A_1076 = arith.constant 0 : i32
      %dma_wait3A_1077 = arith.constant 0 : i32
      %dma_wait3A_1078 = tpu.memref_slice %arg6[%dma_wait3A_1076, %dma_wait3A_1077] : memref<1000x64xf32, #tpu.memory_space<hbm>> -> memref<1000x64xf32, #tpu.memory_space<hbm>>
      tpu.wait_indirect_dma semaphore(%arg31 : memref<!tpu.dma_semaphore, #tpu.memory_space<semaphore_mem>>) src(%dma_wait3A_1078 : memref<1000x64xf32, #tpu.memory_space<hbm>>) dst(%arg22 : memref<128x64xf32, #tpu.memory_space<vmem>>)
      %dma_wait3A_1079 = arith.constant 0 : i32
      %dma_wait3A_1080 = arith.constant 0 : i32
      %dma_wait3A_1081 = tpu.memref_slice %arg7[%dma_wait3A_1079, %dma_wait3A_1080] : memref<1000x64xf32, #tpu.memory_space<hbm>> -> memref<1000x64xf32, #tpu.memory_space<hbm>>
      tpu.wait_indirect_dma semaphore(%arg31 : memref<!tpu.dma_semaphore, #tpu.memory_space<semaphore_mem>>) src(%dma_wait3A_1081 : memref<1000x64xf32, #tpu.memory_space<hbm>>) dst(%arg23 : memref<128x64xf32, #tpu.memory_space<vmem>>)
      %parallel_loop3A_1082 = arith.constant 0 : i32
      %parallel_loop3A_1083 = arith.constant 128 : i32
      %parallel_loop3A_1084 = arith.constant 1 : i32
      scf.for %parallel_loop3A_1501 = %parallel_loop3A_1082 to %parallel_loop3A_1083 step %parallel_loop3A_1084  : i32 {
        %parallel_loop3A_1502 = vector.broadcast %parallel_loop3A_1501 : i32 to vector<16xi32>
        %parallel_loop3A_1503 = arith.index_cast %parallel_loop3A_1501 : i32 to index
        %parallel_loop3A_1504 = arith.constant 0 : index
        %parallel_loop3A_1505 = tpu.vector_load %arg21[%parallel_loop3A_1503, %parallel_loop3A_1504] {strides = array<i32>} : memref<128x64xf32, #tpu.memory_space<vmem>>, vector<16xf32>,
        %parallel_loop3A_1506 = arith.index_cast %parallel_loop3A_1501 : i32 to index
        %parallel_loop3A_1507 = arith.constant 0 : index
        %parallel_loop3A_1508 = tpu.vector_load %arg22[%parallel_loop3A_1506, %parallel_loop3A_1507] {strides = array<i32>} : memref<128x64xf32, #tpu.memory_space<vmem>>, vector<16xf32>,
        %parallel_loop3A_1509 = arith.addf %parallel_loop3A_1505, %parallel_loop3A_1508 : vector<16xf32>
        %parallel_loop3A_1510 = arith.index_cast %parallel_loop3A_1501 : i32 to index
        %parallel_loop3A_1511 = arith.constant 0 : index
        %parallel_loop3A_1512 = tpu.vector_load %arg23[%parallel_loop3A_1510, %parallel_loop3A_1511] {strides = array<i32>} : memref<128x64xf32, #tpu.memory_space<vmem>>, vector<16xf32>,
        %parallel_loop3A_1513 = arith.addf %parallel_loop3A_1509, %parallel_loop3A_1512 : vector<16xf32>
        tpu.vector_store_idx %arg28[%add3A_5, %parallel_loop3A_1502], %parallel_loop3A_1513 : memref<64x137xf32, #tpu.memory_space<vmem>>[vector<16xi32>, vector<16xi32>], vector<16xf32>,
        %parallel_loop3A_1514 = arith.index_cast %parallel_loop3A_1501 : i32 to index
        %parallel_loop3A_1515 = arith.constant 16 : index
        %parallel_loop3A_1516 = tpu.vector_load %arg21[%parallel_loop3A_1514, %parallel_loop3A_1515] {strides = array<i32>} : memref<128x64xf32, #tpu.memory_space<vmem>>, vector<16xf32>,
        %parallel_loop3A_1517 = arith.index_cast %parallel_loop3A_1501 : i32 to index
        %parallel_loop3A_1518 = arith.constant 16 : index
        %parallel_loop3A_1519 = tpu.vector_load %arg22[%parallel_loop3A_1517, %parallel_loop3A_1518] {strides = array<i32>} : memref<128x64xf32, #tpu.memory_space<vmem>>, vector<16xf32>,
        %parallel_loop3A_1520 = arith.addf %parallel_loop3A_1516, %parallel_loop3A_1519 : vector<16xf32>
        %parallel_loop3A_1521 = arith.index_cast %parallel_loop3A_1501 : i32 to index
        %parallel_loop3A_1522 = arith.constant 16 : index
        %parallel_loop3A_1523 = tpu.vector_load %arg23[%parallel_loop3A_1521, %parallel_loop3A_1522] {strides = array<i32>} : memref<128x64xf32, #tpu.memory_space<vmem>>, vector<16xf32>,
        %parallel_loop3A_1524 = arith.addf %parallel_loop3A_1520, %parallel_loop3A_1523 : vector<16xf32>
        tpu.vector_store_idx %arg28[%add3A_8, %parallel_loop3A_1502], %parallel_loop3A_1524 : memref<64x137xf32, #tpu.memory_space<vmem>>[vector<16xi32>, vector<16xi32>], vector<16xf32>,
        %parallel_loop3A_1525 = arith.index_cast %parallel_loop3A_1501 : i32 to index
        %parallel_loop3A_1526 = arith.constant 32 : index
        %parallel_loop3A_1527 = tpu.vector_load %arg21[%parallel_loop3A_1525, %parallel_loop3A_1526] {strides = array<i32>} : memref<128x64xf32, #tpu.memory_space<vmem>>, vector<16xf32>,
        %parallel_loop3A_1528 = arith.index_cast %parallel_loop3A_1501 : i32 to index
        %parallel_loop3A_1529 = arith.constant 32 : index
        %parallel_loop3A_1530 = tpu.vector_load %arg22[%parallel_loop3A_1528, %parallel_loop3A_1529] {strides = array<i32>} : memref<128x64xf32, #tpu.memory_space<vmem>>, vector<16xf32>,
        %parallel_loop3A_1531 = arith.addf %parallel_loop3A_1527, %parallel_loop3A_1530 : vector<16xf32>
        %parallel_loop3A_1532 = arith.index_cast %parallel_loop3A_1501 : i32 to index
        %parallel_loop3A_1533 = arith.constant 32 : index
        %parallel_loop3A_1534 = tpu.vector_load %arg23[%parallel_loop3A_1532, %parallel_loop3A_1533] {strides = array<i32>} : memref<128x64xf32, #tpu.memory_space<vmem>>, vector<16xf32>,
        %parallel_loop3A_1535 = arith.addf %parallel_loop3A_1531, %parallel_loop3A_1534 : vector<16xf32>
        tpu.vector_store_idx %arg28[%add3A_11, %parallel_loop3A_1502], %parallel_loop3A_1535 : memref<64x137xf32, #tpu.memory_space<vmem>>[vector<16xi32>, vector<16xi32>], vector<16xf32>,
        %parallel_loop3A_1536 = arith.index_cast %parallel_loop3A_1501 : i32 to index
        %parallel_loop3A_1537 = arith.constant 48 : index
        %parallel_loop3A_1538 = tpu.vector_load %arg21[%parallel_loop3A_1536, %parallel_loop3A_1537] {strides = array<i32>} : memref<128x64xf32, #tpu.memory_space<vmem>>, vector<16xf32>,
        %parallel_loop3A_1539 = arith.index_cast %parallel_loop3A_1501 : i32 to index
        %parallel_loop3A_1540 = arith.constant 48 : index
        %parallel_loop3A_1541 = tpu.vector_load %arg22[%parallel_loop3A_1539, %parallel_loop3A_1540] {strides = array<i32>} : memref<128x64xf32, #tpu.memory_space<vmem>>, vector<16xf32>,
        %parallel_loop3A_1542 = arith.addf %parallel_loop3A_1538, %parallel_loop3A_1541 : vector<16xf32>
        %parallel_loop3A_1543 = arith.index_cast %parallel_loop3A_1501 : i32 to index
        %parallel_loop3A_1544 = arith.constant 48 : index
        %parallel_loop3A_1545 = tpu.vector_load %arg23[%parallel_loop3A_1543, %parallel_loop3A_1544] {strides = array<i32>} : memref<128x64xf32, #tpu.memory_space<vmem>>, vector<16xf32>,
        %parallel_loop3A_1546 = arith.addf %parallel_loop3A_1542, %parallel_loop3A_1545 : vector<16xf32>
        tpu.vector_store_idx %arg28[%add3A_14, %parallel_loop3A_1502], %parallel_loop3A_1546 : memref<64x137xf32, #tpu.memory_space<vmem>>[vector<16xi32>, vector<16xi32>], vector<16xf32>,
      } {sc.loop_unroll_factor = 16 : i64, sc.parallel_access}
      %add3A_1085 = arith.constant 1 : i32
      %add3A_1086 = arith.addi %mul3A_869, %add3A_1085 : i32
      %dma_start3A_1087 = arith.constant 0 : i32
      %dma_start3A_1088 = arith.constant 0 : i32
      %dma_start3A_1089 = arith.constant 0 : i32
      %dma_start3A_1090 = tpu.memref_slice %arg28[%dma_start3A_1088, %dma_start3A_1089] : memref<64x137xf32, #tpu.memory_space<vmem>> -> memref<8x128xf32, #tpu.memory_space<vmem>>
      %dma_start3A_1091 = arith.constant 0 : i32
      %dma_start3A_1092 = arith.constant 0 : i32
      %dma_start3A_1093 = tpu.memref_slice %arg8[%add3A_1086, %dma_start3A_1087, %add3A, %dma_start3A_1091, %dma_start3A_1092] : memref<200x8x32x8x128xf32, #tpu.memory_space<hbm>> -> memref<1x1x1x8x128xf32, #tpu.memory_space<hbm>>
      %dma_start3A_1094 = tpu.memref_squeeze %dma_start3A_1093 : memref<1x1x1x8x128xf32, #tpu.memory_space<hbm>> -> memref<8x128xf32, #tpu.memory_space<hbm>>
      %dma_start3A_1095 = arith.constant 0 : i32
      %dma_start3A_1096 = arith.constant 0 : i32
      %dma_start3A_1097 = tpu.memref_slice %arg8[%add3A_1086, %dma_start3A_1087, %add3A, %dma_start3A_1095, %dma_start3A_1096] : memref<200x8x32x8x128xf32, #tpu.memory_space<hbm>> -> memref<1x1x1x8x128xf32, #tpu.memory_space<hbm>>
      %dma_start3A_1098 = tpu.memref_squeeze %dma_start3A_1097 : memref<1x1x1x8x128xf32, #tpu.memory_space<hbm>> -> memref<8x128xf32, #tpu.memory_space<hbm>>
      %dma_start3A_1099 = arith.constant 0 : i32
      %dma_start3A_1100 = arith.constant 0 : i32
      %dma_start3A_1101 = tpu.memref_slice %arg28[%dma_start3A_1099, %dma_start3A_1100] : memref<64x137xf32, #tpu.memory_space<vmem>> -> memref<8x128xf32, #tpu.memory_space<vmem>>
      tpu.enqueue_dma source(%dma_start3A_1101 : memref<8x128xf32, #tpu.memory_space<vmem>>) target(%dma_start3A_1098 : memref<8x128xf32, #tpu.memory_space<hbm>>) target_semaphore(%arg34 : memref<!tpu.dma_semaphore, #tpu.memory_space<semaphore_mem>>)
      %dma_start3A_1102 = arith.constant 1 : i32
      %dma_start3A_1103 = arith.constant 8 : i32
      %dma_start3A_1104 = arith.constant 0 : i32
      %dma_start3A_1105 = tpu.memref_slice %arg28[%dma_start3A_1103, %dma_start3A_1104] : memref<64x137xf32, #tpu.memory_space<vmem>> -> memref<8x128xf32, #tpu.memory_space<vmem>>
      %dma_start3A_1106 = arith.constant 0 : i32
      %dma_start3A_1107 = arith.constant 0 : i32
      %dma_start3A_1108 = tpu.memref_slice %arg8[%add3A_1086, %dma_start3A_1102, %add3A, %dma_start3A_1106, %dma_start3A_1107] : memref<200x8x32x8x128xf32, #tpu.memory_space<hbm>> -> memref<1x1x1x8x128xf32, #tpu.memory_space<hbm>>
      %dma_start3A_1109 = tpu.memref_squeeze %dma_start3A_1108 : memref<1x1x1x8x128xf32, #tpu.memory_space<hbm>> -> memref<8x128xf32, #tpu.memory_space<hbm>>
      %dma_start3A_1110 = arith.constant 0 : i32
      %dma_start3A_1111 = arith.constant 0 : i32
      %dma_start3A_1112 = tpu.memref_slice %arg8[%add3A_1086, %dma_start3A_1102, %add3A, %dma_start3A_1110, %dma_start3A_1111] : memref<200x8x32x8x128xf32, #tpu.memory_space<hbm>> -> memref<1x1x1x8x128xf32, #tpu.memory_space<hbm>>
      %dma_start3A_1113 = tpu.memref_squeeze %dma_start3A_1112 : memref<1x1x1x8x128xf32, #tpu.memory_space<hbm>> -> memref<8x128xf32, #tpu.memory_space<hbm>>
      %dma_start3A_1114 = arith.constant 8 : i32
      %dma_start3A_1115 = arith.constant 0 : i32
      %dma_start3A_1116 = tpu.memref_slice %arg28[%dma_start3A_1114, %dma_start3A_1115] : memref<64x137xf32, #tpu.memory_space<vmem>> -> memref<8x128xf32, #tpu.memory_space<vmem>>
      tpu.enqueue_dma source(%dma_start3A_1116 : memref<8x128xf32, #tpu.memory_space<vmem>>) target(%dma_start3A_1113 : memref<8x128xf32, #tpu.memory_space<hbm>>) target_semaphore(%arg34 : memref<!tpu.dma_semaphore, #tpu.memory_space<semaphore_mem>>)
      %dma_start3A_1117 = arith.constant 2 : i32
      %dma_start3A_1118 = arith.constant 16 : i32
      %dma_start3A_1119 = arith.constant 0 : i32
      %dma_start3A_1120 = tpu.memref_slice %arg28[%dma_start3A_1118, %dma_start3A_1119] : memref<64x137xf32, #tpu.memory_space<vmem>> -> memref<8x128xf32, #tpu.memory_space<vmem>>
      %dma_start3A_1121 = arith.constant 0 : i32
      %dma_start3A_1122 = arith.constant 0 : i32
      %dma_start3A_1123 = tpu.memref_slice %arg8[%add3A_1086, %dma_start3A_1117, %add3A, %dma_start3A_1121, %dma_start3A_1122] : memref<200x8x32x8x128xf32, #tpu.memory_space<hbm>> -> memref<1x1x1x8x128xf32, #tpu.memory_space<hbm>>
      %dma_start3A_1124 = tpu.memref_squeeze %dma_start3A_1123 : memref<1x1x1x8x128xf32, #tpu.memory_space<hbm>> -> memref<8x128xf32, #tpu.memory_space<hbm>>
      %dma_start3A_1125 = arith.constant 0 : i32
      %dma_start3A_1126 = arith.constant 0 : i32
      %dma_start3A_1127 = tpu.memref_slice %arg8[%add3A_1086, %dma_start3A_1117, %add3A, %dma_start3A_1125, %dma_start3A_1126] : memref<200x8x32x8x128xf32, #tpu.memory_space<hbm>> -> memref<1x1x1x8x128xf32, #tpu.memory_space<hbm>>
      %dma_start3A_1128 = tpu.memref_squeeze %dma_start3A_1127 : memref<1x1x1x8x128xf32, #tpu.memory_space<hbm>> -> memref<8x128xf32, #tpu.memory_space<hbm>>
      %dma_start3A_1129 = arith.constant 16 : i32
      %dma_start3A_1130 = arith.constant 0 : i32
      %dma_start3A_1131 = tpu.memref_slice %arg28[%dma_start3A_1129, %dma_start3A_1130] : memref<64x137xf32, #tpu.memory_space<vmem>> -> memref<8x128xf32, #tpu.memory_space<vmem>>
      tpu.enqueue_dma source(%dma_start3A_1131 : memref<8x128xf32, #tpu.memory_space<vmem>>) target(%dma_start3A_1128 : memref<8x128xf32, #tpu.memory_space<hbm>>) target_semaphore(%arg34 : memref<!tpu.dma_semaphore, #tpu.memory_space<semaphore_mem>>)
      %dma_start3A_1132 = arith.constant 3 : i32
      %dma_start3A_1133 = arith.constant 24 : i32
      %dma_start3A_1134 = arith.constant 0 : i32
      %dma_start3A_1135 = tpu.memref_slice %arg28[%dma_start3A_1133, %dma_start3A_1134] : memref<64x137xf32, #tpu.memory_space<vmem>> -> memref<8x128xf32, #tpu.memory_space<vmem>>
      %dma_start3A_1136 = arith.constant 0 : i32
      %dma_start3A_1137 = arith.constant 0 : i32
      %dma_start3A_1138 = tpu.memref_slice %arg8[%add3A_1086, %dma_start3A_1132, %add3A, %dma_start3A_1136, %dma_start3A_1137] : memref<200x8x32x8x128xf32, #tpu.memory_space<hbm>> -> memref<1x1x1x8x128xf32, #tpu.memory_space<hbm>>
      %dma_start3A_1139 = tpu.memref_squeeze %dma_start3A_1138 : memref<1x1x1x8x128xf32, #tpu.memory_space<hbm>> -> memref<8x128xf32, #tpu.memory_space<hbm>>
      %dma_start3A_1140 = arith.constant 0 : i32
      %dma_start3A_1141 = arith.constant 0 : i32
      %dma_start3A_1142 = tpu.memref_slice %arg8[%add3A_1086, %dma_start3A_1132, %add3A, %dma_start3A_1140, %dma_start3A_1141] : memref<200x8x32x8x128xf32, #tpu.memory_space<hbm>> -> memref<1x1x1x8x128xf32, #tpu.memory_space<hbm>>
      %dma_start3A_1143 = tpu.memref_squeeze %dma_start3A_1142 : memref<1x1x1x8x128xf32, #tpu.memory_space<hbm>> -> memref<8x128xf32, #tpu.memory_space<hbm>>
      %dma_start3A_1144 = arith.constant 24 : i32
      %dma_start3A_1145 = arith.constant 0 : i32
      %dma_start3A_1146 = tpu.memref_slice %arg28[%dma_start3A_1144, %dma_start3A_1145] : memref<64x137xf32, #tpu.memory_space<vmem>> -> memref<8x128xf32, #tpu.memory_space<vmem>>
      tpu.enqueue_dma source(%dma_start3A_1146 : memref<8x128xf32, #tpu.memory_space<vmem>>) target(%dma_start3A_1143 : memref<8x128xf32, #tpu.memory_space<hbm>>) target_semaphore(%arg34 : memref<!tpu.dma_semaphore, #tpu.memory_space<semaphore_mem>>)
      %dma_start3A_1147 = arith.constant 4 : i32
      %dma_start3A_1148 = arith.constant 32 : i32
      %dma_start3A_1149 = arith.constant 0 : i32
      %dma_start3A_1150 = tpu.memref_slice %arg28[%dma_start3A_1148, %dma_start3A_1149] : memref<64x137xf32, #tpu.memory_space<vmem>> -> memref<8x128xf32, #tpu.memory_space<vmem>>
      %dma_start3A_1151 = arith.constant 0 : i32
      %dma_start3A_1152 = arith.constant 0 : i32
      %dma_start3A_1153 = tpu.memref_slice %arg8[%add3A_1086, %dma_start3A_1147, %add3A, %dma_start3A_1151, %dma_start3A_1152] : memref<200x8x32x8x128xf32, #tpu.memory_space<hbm>> -> memref<1x1x1x8x128xf32, #tpu.memory_space<hbm>>
      %dma_start3A_1154 = tpu.memref_squeeze %dma_start3A_1153 : memref<1x1x1x8x128xf32, #tpu.memory_space<hbm>> -> memref<8x128xf32, #tpu.memory_space<hbm>>
      %dma_start3A_1155 = arith.constant 0 : i32
      %dma_start3A_1156 = arith.constant 0 : i32
      %dma_start3A_1157 = tpu.memref_slice %arg8[%add3A_1086, %dma_start3A_1147, %add3A, %dma_start3A_1155, %dma_start3A_1156] : memref<200x8x32x8x128xf32, #tpu.memory_space<hbm>> -> memref<1x1x1x8x128xf32, #tpu.memory_space<hbm>>
      %dma_start3A_1158 = tpu.memref_squeeze %dma_start3A_1157 : memref<1x1x1x8x128xf32, #tpu.memory_space<hbm>> -> memref<8x128xf32, #tpu.memory_space<hbm>>
      %dma_start3A_1159 = arith.constant 32 : i32
      %dma_start3A_1160 = arith.constant 0 : i32
      %dma_start3A_1161 = tpu.memref_slice %arg28[%dma_start3A_1159, %dma_start3A_1160] : memref<64x137xf32, #tpu.memory_space<vmem>> -> memref<8x128xf32, #tpu.memory_space<vmem>>
      tpu.enqueue_dma source(%dma_start3A_1161 : memref<8x128xf32, #tpu.memory_space<vmem>>) target(%dma_start3A_1158 : memref<8x128xf32, #tpu.memory_space<hbm>>) target_semaphore(%arg34 : memref<!tpu.dma_semaphore, #tpu.memory_space<semaphore_mem>>)
      %dma_start3A_1162 = arith.constant 5 : i32
      %dma_start3A_1163 = arith.constant 40 : i32
      %dma_start3A_1164 = arith.constant 0 : i32
      %dma_start3A_1165 = tpu.memref_slice %arg28[%dma_start3A_1163, %dma_start3A_1164] : memref<64x137xf32, #tpu.memory_space<vmem>> -> memref<8x128xf32, #tpu.memory_space<vmem>>
      %dma_start3A_1166 = arith.constant 0 : i32
      %dma_start3A_1167 = arith.constant 0 : i32
      %dma_start3A_1168 = tpu.memref_slice %arg8[%add3A_1086, %dma_start3A_1162, %add3A, %dma_start3A_1166, %dma_start3A_1167] : memref<200x8x32x8x128xf32, #tpu.memory_space<hbm>> -> memref<1x1x1x8x128xf32, #tpu.memory_space<hbm>>
      %dma_start3A_1169 = tpu.memref_squeeze %dma_start3A_1168 : memref<1x1x1x8x128xf32, #tpu.memory_space<hbm>> -> memref<8x128xf32, #tpu.memory_space<hbm>>
      %dma_start3A_1170 = arith.constant 0 : i32
      %dma_start3A_1171 = arith.constant 0 : i32
      %dma_start3A_1172 = tpu.memref_slice %arg8[%add3A_1086, %dma_start3A_1162, %add3A, %dma_start3A_1170, %dma_start3A_1171] : memref<200x8x32x8x128xf32, #tpu.memory_space<hbm>> -> memref<1x1x1x8x128xf32, #tpu.memory_space<hbm>>
      %dma_start3A_1173 = tpu.memref_squeeze %dma_start3A_1172 : memref<1x1x1x8x128xf32, #tpu.memory_space<hbm>> -> memref<8x128xf32, #tpu.memory_space<hbm>>
      %dma_start3A_1174 = arith.constant 40 : i32
      %dma_start3A_1175 = arith.constant 0 : i32
      %dma_start3A_1176 = tpu.memref_slice %arg28[%dma_start3A_1174, %dma_start3A_1175] : memref<64x137xf32, #tpu.memory_space<vmem>> -> memref<8x128xf32, #tpu.memory_space<vmem>>
      tpu.enqueue_dma source(%dma_start3A_1176 : memref<8x128xf32, #tpu.memory_space<vmem>>) target(%dma_start3A_1173 : memref<8x128xf32, #tpu.memory_space<hbm>>) target_semaphore(%arg34 : memref<!tpu.dma_semaphore, #tpu.memory_space<semaphore_mem>>)
      %dma_start3A_1177 = arith.constant 6 : i32
      %dma_start3A_1178 = arith.constant 48 : i32
      %dma_start3A_1179 = arith.constant 0 : i32
      %dma_start3A_1180 = tpu.memref_slice %arg28[%dma_start3A_1178, %dma_start3A_1179] : memref<64x137xf32, #tpu.memory_space<vmem>> -> memref<8x128xf32, #tpu.memory_space<vmem>>
      %dma_start3A_1181 = arith.constant 0 : i32
      %dma_start3A_1182 = arith.constant 0 : i32
      %dma_start3A_1183 = tpu.memref_slice %arg8[%add3A_1086, %dma_start3A_1177, %add3A, %dma_start3A_1181, %dma_start3A_1182] : memref<200x8x32x8x128xf32, #tpu.memory_space<hbm>> -> memref<1x1x1x8x128xf32, #tpu.memory_space<hbm>>
      %dma_start3A_1184 = tpu.memref_squeeze %dma_start3A_1183 : memref<1x1x1x8x128xf32, #tpu.memory_space<hbm>> -> memref<8x128xf32, #tpu.memory_space<hbm>>
      %dma_start3A_1185 = arith.constant 0 : i32
      %dma_start3A_1186 = arith.constant 0 : i32
      %dma_start3A_1187 = tpu.memref_slice %arg8[%add3A_1086, %dma_start3A_1177, %add3A, %dma_start3A_1185, %dma_start3A_1186] : memref<200x8x32x8x128xf32, #tpu.memory_space<hbm>> -> memref<1x1x1x8x128xf32, #tpu.memory_space<hbm>>
      %dma_start3A_1188 = tpu.memref_squeeze %dma_start3A_1187 : memref<1x1x1x8x128xf32, #tpu.memory_space<hbm>> -> memref<8x128xf32, #tpu.memory_space<hbm>>
      %dma_start3A_1189 = arith.constant 48 : i32
      %dma_start3A_1190 = arith.constant 0 : i32
      %dma_start3A_1191 = tpu.memref_slice %arg28[%dma_start3A_1189, %dma_start3A_1190] : memref<64x137xf32, #tpu.memory_space<vmem>> -> memref<8x128xf32, #tpu.memory_space<vmem>>
      tpu.enqueue_dma source(%dma_start3A_1191 : memref<8x128xf32, #tpu.memory_space<vmem>>) target(%dma_start3A_1188 : memref<8x128xf32, #tpu.memory_space<hbm>>) target_semaphore(%arg34 : memref<!tpu.dma_semaphore, #tpu.memory_space<semaphore_mem>>)
      %dma_start3A_1192 = arith.constant 7 : i32
      %dma_start3A_1193 = arith.constant 56 : i32
      %dma_start3A_1194 = arith.constant 0 : i32
      %dma_start3A_1195 = tpu.memref_slice %arg28[%dma_start3A_1193, %dma_start3A_1194] : memref<64x137xf32, #tpu.memory_space<vmem>> -> memref<8x128xf32, #tpu.memory_space<vmem>>
      %dma_start3A_1196 = arith.constant 0 : i32
      %dma_start3A_1197 = arith.constant 0 : i32
      %dma_start3A_1198 = tpu.memref_slice %arg8[%add3A_1086, %dma_start3A_1192, %add3A, %dma_start3A_1196, %dma_start3A_1197] : memref<200x8x32x8x128xf32, #tpu.memory_space<hbm>> -> memref<1x1x1x8x128xf32, #tpu.memory_space<hbm>>
      %dma_start3A_1199 = tpu.memref_squeeze %dma_start3A_1198 : memref<1x1x1x8x128xf32, #tpu.memory_space<hbm>> -> memref<8x128xf32, #tpu.memory_space<hbm>>
      %dma_start3A_1200 = arith.constant 0 : i32
      %dma_start3A_1201 = arith.constant 0 : i32
      %dma_start3A_1202 = tpu.memref_slice %arg8[%add3A_1086, %dma_start3A_1192, %add3A, %dma_start3A_1200, %dma_start3A_1201] : memref<200x8x32x8x128xf32, #tpu.memory_space<hbm>> -> memref<1x1x1x8x128xf32, #tpu.memory_space<hbm>>
      %dma_start3A_1203 = tpu.memref_squeeze %dma_start3A_1202 : memref<1x1x1x8x128xf32, #tpu.memory_space<hbm>> -> memref<8x128xf32, #tpu.memory_space<hbm>>
      %dma_start3A_1204 = arith.constant 56 : i32
      %dma_start3A_1205 = arith.constant 0 : i32
      %dma_start3A_1206 = tpu.memref_slice %arg28[%dma_start3A_1204, %dma_start3A_1205] : memref<64x137xf32, #tpu.memory_space<vmem>> -> memref<8x128xf32, #tpu.memory_space<vmem>>
      tpu.enqueue_dma source(%dma_start3A_1206 : memref<8x128xf32, #tpu.memory_space<vmem>>) target(%dma_start3A_1203 : memref<8x128xf32, #tpu.memory_space<hbm>>) target_semaphore(%arg34 : memref<!tpu.dma_semaphore, #tpu.memory_space<semaphore_mem>>)
      %dma_wait3A_1207 = arith.constant 0 : i32
      %dma_wait3A_1208 = arith.constant 0 : i32
      %dma_wait3A_1209 = arith.constant 0 : i32
      %dma_wait3A_1210 = arith.constant 0 : i32
      %dma_wait3A_1211 = tpu.memref_slice %arg27[%dma_wait3A_1209, %dma_wait3A_1210] : memref<64x137xf32, #tpu.memory_space<vmem>> -> memref<8x128xf32, #tpu.memory_space<vmem>>
      %dma_wait3A_1212 = arith.constant 0 : i32
      %dma_wait3A_1213 = arith.constant 0 : i32
      %dma_wait3A_1214 = tpu.memref_slice %arg8[%dma_wait3A_1207, %dma_wait3A_1208, %add3A, %dma_wait3A_1212, %dma_wait3A_1213] : memref<200x8x32x8x128xf32, #tpu.memory_space<hbm>> -> memref<1x1x1x8x128xf32, #tpu.memory_space<hbm>>
      %dma_wait3A_1215 = tpu.memref_squeeze %dma_wait3A_1214 : memref<1x1x1x8x128xf32, #tpu.memory_space<hbm>> -> memref<8x128xf32, #tpu.memory_space<hbm>>
      %dma_wait3A_1216 = arith.constant 0 : i32
      %dma_wait3A_1217 = arith.constant 0 : i32
      %dma_wait3A_1218 = tpu.memref_slice %arg8[%dma_wait3A_1207, %dma_wait3A_1208, %add3A, %dma_wait3A_1216, %dma_wait3A_1217] : memref<200x8x32x8x128xf32, #tpu.memory_space<hbm>> -> memref<1x1x1x8x128xf32, #tpu.memory_space<hbm>>
      %dma_wait3A_1219 = tpu.memref_squeeze %dma_wait3A_1218 : memref<1x1x1x8x128xf32, #tpu.memory_space<hbm>> -> memref<8x128xf32, #tpu.memory_space<hbm>>
      %dma_wait3A_1220 = arith.constant 0 : i32
      %dma_wait3A_1221 = arith.constant 0 : i32
      %dma_wait3A_1222 = tpu.memref_slice %arg27[%dma_wait3A_1220, %dma_wait3A_1221] : memref<64x137xf32, #tpu.memory_space<vmem>> -> memref<8x128xf32, #tpu.memory_space<vmem>>
      tpu.wait_dma2 semaphore(%arg33 : memref<!tpu.dma_semaphore, #tpu.memory_space<semaphore_mem>>) src(%dma_wait3A_1222 : memref<8x128xf32, #tpu.memory_space<vmem>>) dst(%dma_wait3A_1219 : memref<8x128xf32, #tpu.memory_space<hbm>>)
      %dma_wait3A_1223 = arith.constant 0 : i32
      %dma_wait3A_1224 = arith.constant 0 : i32
      %dma_wait3A_1225 = arith.constant 0 : i32
      %dma_wait3A_1226 = arith.constant 0 : i32
      %dma_wait3A_1227 = tpu.memref_slice %arg27[%dma_wait3A_1225, %dma_wait3A_1226] : memref<64x137xf32, #tpu.memory_space<vmem>> -> memref<8x128xf32, #tpu.memory_space<vmem>>
      %dma_wait3A_1228 = arith.constant 0 : i32
      %dma_wait3A_1229 = arith.constant 0 : i32
      %dma_wait3A_1230 = tpu.memref_slice %arg8[%dma_wait3A_1223, %dma_wait3A_1224, %add3A, %dma_wait3A_1228, %dma_wait3A_1229] : memref<200x8x32x8x128xf32, #tpu.memory_space<hbm>> -> memref<1x1x1x8x128xf32, #tpu.memory_space<hbm>>
      %dma_wait3A_1231 = tpu.memref_squeeze %dma_wait3A_1230 : memref<1x1x1x8x128xf32, #tpu.memory_space<hbm>> -> memref<8x128xf32, #tpu.memory_space<hbm>>
      %dma_wait3A_1232 = arith.constant 0 : i32
      %dma_wait3A_1233 = arith.constant 0 : i32
      %dma_wait3A_1234 = tpu.memref_slice %arg8[%dma_wait3A_1223, %dma_wait3A_1224, %add3A, %dma_wait3A_1232, %dma_wait3A_1233] : memref<200x8x32x8x128xf32, #tpu.memory_space<hbm>> -> memref<1x1x1x8x128xf32, #tpu.memory_space<hbm>>
      %dma_wait3A_1235 = tpu.memref_squeeze %dma_wait3A_1234 : memref<1x1x1x8x128xf32, #tpu.memory_space<hbm>> -> memref<8x128xf32, #tpu.memory_space<hbm>>
      %dma_wait3A_1236 = arith.constant 0 : i32
      %dma_wait3A_1237 = arith.constant 0 : i32
      %dma_wait3A_1238 = tpu.memref_slice %arg27[%dma_wait3A_1236, %dma_wait3A_1237] : memref<64x137xf32, #tpu.memory_space<vmem>> -> memref<8x128xf32, #tpu.memory_space<vmem>>
      tpu.wait_dma2 semaphore(%arg33 : memref<!tpu.dma_semaphore, #tpu.memory_space<semaphore_mem>>) src(%dma_wait3A_1238 : memref<8x128xf32, #tpu.memory_space<vmem>>) dst(%dma_wait3A_1235 : memref<8x128xf32, #tpu.memory_space<hbm>>)
      %dma_wait3A_1239 = arith.constant 0 : i32
      %dma_wait3A_1240 = arith.constant 0 : i32
      %dma_wait3A_1241 = arith.constant 0 : i32
      %dma_wait3A_1242 = arith.constant 0 : i32
      %dma_wait3A_1243 = tpu.memref_slice %arg27[%dma_wait3A_1241, %dma_wait3A_1242] : memref<64x137xf32, #tpu.memory_space<vmem>> -> memref<8x128xf32, #tpu.memory_space<vmem>>
      %dma_wait3A_1244 = arith.constant 0 : i32
      %dma_wait3A_1245 = arith.constant 0 : i32
      %dma_wait3A_1246 = tpu.memref_slice %arg8[%dma_wait3A_1239, %dma_wait3A_1240, %add3A, %dma_wait3A_1244, %dma_wait3A_1245] : memref<200x8x32x8x128xf32, #tpu.memory_space<hbm>> -> memref<1x1x1x8x128xf32, #tpu.memory_space<hbm>>
      %dma_wait3A_1247 = tpu.memref_squeeze %dma_wait3A_1246 : memref<1x1x1x8x128xf32, #tpu.memory_space<hbm>> -> memref<8x128xf32, #tpu.memory_space<hbm>>
      %dma_wait3A_1248 = arith.constant 0 : i32
      %dma_wait3A_1249 = arith.constant 0 : i32
      %dma_wait3A_1250 = tpu.memref_slice %arg8[%dma_wait3A_1239, %dma_wait3A_1240, %add3A, %dma_wait3A_1248, %dma_wait3A_1249] : memref<200x8x32x8x128xf32, #tpu.memory_space<hbm>> -> memref<1x1x1x8x128xf32, #tpu.memory_space<hbm>>
      %dma_wait3A_1251 = tpu.memref_squeeze %dma_wait3A_1250 : memref<1x1x1x8x128xf32, #tpu.memory_space<hbm>> -> memref<8x128xf32, #tpu.memory_space<hbm>>
      %dma_wait3A_1252 = arith.constant 0 : i32
      %dma_wait3A_1253 = arith.constant 0 : i32
      %dma_wait3A_1254 = tpu.memref_slice %arg27[%dma_wait3A_1252, %dma_wait3A_1253] : memref<64x137xf32, #tpu.memory_space<vmem>> -> memref<8x128xf32, #tpu.memory_space<vmem>>
      tpu.wait_dma2 semaphore(%arg33 : memref<!tpu.dma_semaphore, #tpu.memory_space<semaphore_mem>>) src(%dma_wait3A_1254 : memref<8x128xf32, #tpu.memory_space<vmem>>) dst(%dma_wait3A_1251 : memref<8x128xf32, #tpu.memory_space<hbm>>)
      %dma_wait3A_1255 = arith.constant 0 : i32
      %dma_wait3A_1256 = arith.constant 0 : i32
      %dma_wait3A_1257 = arith.constant 0 : i32
      %dma_wait3A_1258 = arith.constant 0 : i32
      %dma_wait3A_1259 = tpu.memref_slice %arg27[%dma_wait3A_1257, %dma_wait3A_1258] : memref<64x137xf32, #tpu.memory_space<vmem>> -> memref<8x128xf32, #tpu.memory_space<vmem>>
      %dma_wait3A_1260 = arith.constant 0 : i32
      %dma_wait3A_1261 = arith.constant 0 : i32
      %dma_wait3A_1262 = tpu.memref_slice %arg8[%dma_wait3A_1255, %dma_wait3A_1256, %add3A, %dma_wait3A_1260, %dma_wait3A_1261] : memref<200x8x32x8x128xf32, #tpu.memory_space<hbm>> -> memref<1x1x1x8x128xf32, #tpu.memory_space<hbm>>
      %dma_wait3A_1263 = tpu.memref_squeeze %dma_wait3A_1262 : memref<1x1x1x8x128xf32, #tpu.memory_space<hbm>> -> memref<8x128xf32, #tpu.memory_space<hbm>>
      %dma_wait3A_1264 = arith.constant 0 : i32
      %dma_wait3A_1265 = arith.constant 0 : i32
      %dma_wait3A_1266 = tpu.memref_slice %arg8[%dma_wait3A_1255, %dma_wait3A_1256, %add3A, %dma_wait3A_1264, %dma_wait3A_1265] : memref<200x8x32x8x128xf32, #tpu.memory_space<hbm>> -> memref<1x1x1x8x128xf32, #tpu.memory_space<hbm>>
      %dma_wait3A_1267 = tpu.memref_squeeze %dma_wait3A_1266 : memref<1x1x1x8x128xf32, #tpu.memory_space<hbm>> -> memref<8x128xf32, #tpu.memory_space<hbm>>
      %dma_wait3A_1268 = arith.constant 0 : i32
      %dma_wait3A_1269 = arith.constant 0 : i32
      %dma_wait3A_1270 = tpu.memref_slice %arg27[%dma_wait3A_1268, %dma_wait3A_1269] : memref<64x137xf32, #tpu.memory_space<vmem>> -> memref<8x128xf32, #tpu.memory_space<vmem>>
      tpu.wait_dma2 semaphore(%arg33 : memref<!tpu.dma_semaphore, #tpu.memory_space<semaphore_mem>>) src(%dma_wait3A_1270 : memref<8x128xf32, #tpu.memory_space<vmem>>) dst(%dma_wait3A_1267 : memref<8x128xf32, #tpu.memory_space<hbm>>)
      %dma_wait3A_1271 = arith.constant 0 : i32
      %dma_wait3A_1272 = arith.constant 0 : i32
      %dma_wait3A_1273 = arith.constant 0 : i32
      %dma_wait3A_1274 = arith.constant 0 : i32
      %dma_wait3A_1275 = tpu.memref_slice %arg27[%dma_wait3A_1273, %dma_wait3A_1274] : memref<64x137xf32, #tpu.memory_space<vmem>> -> memref<8x128xf32, #tpu.memory_space<vmem>>
      %dma_wait3A_1276 = arith.constant 0 : i32
      %dma_wait3A_1277 = arith.constant 0 : i32
      %dma_wait3A_1278 = tpu.memref_slice %arg8[%dma_wait3A_1271, %dma_wait3A_1272, %add3A, %dma_wait3A_1276, %dma_wait3A_1277] : memref<200x8x32x8x128xf32, #tpu.memory_space<hbm>> -> memref<1x1x1x8x128xf32, #tpu.memory_space<hbm>>
      %dma_wait3A_1279 = tpu.memref_squeeze %dma_wait3A_1278 : memref<1x1x1x8x128xf32, #tpu.memory_space<hbm>> -> memref<8x128xf32, #tpu.memory_space<hbm>>
      %dma_wait3A_1280 = arith.constant 0 : i32
      %dma_wait3A_1281 = arith.constant 0 : i32
      %dma_wait3A_1282 = tpu.memref_slice %arg8[%dma_wait3A_1271, %dma_wait3A_1272, %add3A, %dma_wait3A_1280, %dma_wait3A_1281] : memref<200x8x32x8x128xf32, #tpu.memory_space<hbm>> -> memref<1x1x1x8x128xf32, #tpu.memory_space<hbm>>
      %dma_wait3A_1283 = tpu.memref_squeeze %dma_wait3A_1282 : memref<1x1x1x8x128xf32, #tpu.memory_space<hbm>> -> memref<8x128xf32, #tpu.memory_space<hbm>>
      %dma_wait3A_1284 = arith.constant 0 : i32
      %dma_wait3A_1285 = arith.constant 0 : i32
      %dma_wait3A_1286 = tpu.memref_slice %arg27[%dma_wait3A_1284, %dma_wait3A_1285] : memref<64x137xf32, #tpu.memory_space<vmem>> -> memref<8x128xf32, #tpu.memory_space<vmem>>
      tpu.wait_dma2 semaphore(%arg33 : memref<!tpu.dma_semaphore, #tpu.memory_space<semaphore_mem>>) src(%dma_wait3A_1286 : memref<8x128xf32, #tpu.memory_space<vmem>>) dst(%dma_wait3A_1283 : memref<8x128xf32, #tpu.memory_space<hbm>>)
      %dma_wait3A_1287 = arith.constant 0 : i32
      %dma_wait3A_1288 = arith.constant 0 : i32
      %dma_wait3A_1289 = arith.constant 0 : i32
      %dma_wait3A_1290 = arith.constant 0 : i32
      %dma_wait3A_1291 = tpu.memref_slice %arg27[%dma_wait3A_1289, %dma_wait3A_1290] : memref<64x137xf32, #tpu.memory_space<vmem>> -> memref<8x128xf32, #tpu.memory_space<vmem>>
      %dma_wait3A_1292 = arith.constant 0 : i32
      %dma_wait3A_1293 = arith.constant 0 : i32
      %dma_wait3A_1294 = tpu.memref_slice %arg8[%dma_wait3A_1287, %dma_wait3A_1288, %add3A, %dma_wait3A_1292, %dma_wait3A_1293] : memref<200x8x32x8x128xf32, #tpu.memory_space<hbm>> -> memref<1x1x1x8x128xf32, #tpu.memory_space<hbm>>
      %dma_wait3A_1295 = tpu.memref_squeeze %dma_wait3A_1294 : memref<1x1x1x8x128xf32, #tpu.memory_space<hbm>> -> memref<8x128xf32, #tpu.memory_space<hbm>>
      %dma_wait3A_1296 = arith.constant 0 : i32
      %dma_wait3A_1297 = arith.constant 0 : i32
      %dma_wait3A_1298 = tpu.memref_slice %arg8[%dma_wait3A_1287, %dma_wait3A_1288, %add3A, %dma_wait3A_1296, %dma_wait3A_1297] : memref<200x8x32x8x128xf32, #tpu.memory_space<hbm>> -> memref<1x1x1x8x128xf32, #tpu.memory_space<hbm>>
      %dma_wait3A_1299 = tpu.memref_squeeze %dma_wait3A_1298 : memref<1x1x1x8x128xf32, #tpu.memory_space<hbm>> -> memref<8x128xf32, #tpu.memory_space<hbm>>
      %dma_wait3A_1300 = arith.constant 0 : i32
      %dma_wait3A_1301 = arith.constant 0 : i32
      %dma_wait3A_1302 = tpu.memref_slice %arg27[%dma_wait3A_1300, %dma_wait3A_1301] : memref<64x137xf32, #tpu.memory_space<vmem>> -> memref<8x128xf32, #tpu.memory_space<vmem>>
      tpu.wait_dma2 semaphore(%arg33 : memref<!tpu.dma_semaphore, #tpu.memory_space<semaphore_mem>>) src(%dma_wait3A_1302 : memref<8x128xf32, #tpu.memory_space<vmem>>) dst(%dma_wait3A_1299 : memref<8x128xf32, #tpu.memory_space<hbm>>)
      %dma_wait3A_1303 = arith.constant 0 : i32
      %dma_wait3A_1304 = arith.constant 0 : i32
      %dma_wait3A_1305 = arith.constant 0 : i32
      %dma_wait3A_1306 = arith.constant 0 : i32
      %dma_wait3A_1307 = tpu.memref_slice %arg27[%dma_wait3A_1305, %dma_wait3A_1306] : memref<64x137xf32, #tpu.memory_space<vmem>> -> memref<8x128xf32, #tpu.memory_space<vmem>>
      %dma_wait3A_1308 = arith.constant 0 : i32
      %dma_wait3A_1309 = arith.constant 0 : i32
      %dma_wait3A_1310 = tpu.memref_slice %arg8[%dma_wait3A_1303, %dma_wait3A_1304, %add3A, %dma_wait3A_1308, %dma_wait3A_1309] : memref<200x8x32x8x128xf32, #tpu.memory_space<hbm>> -> memref<1x1x1x8x128xf32, #tpu.memory_space<hbm>>
      %dma_wait3A_1311 = tpu.memref_squeeze %dma_wait3A_1310 : memref<1x1x1x8x128xf32, #tpu.memory_space<hbm>> -> memref<8x128xf32, #tpu.memory_space<hbm>>
      %dma_wait3A_1312 = arith.constant 0 : i32
      %dma_wait3A_1313 = arith.constant 0 : i32
      %dma_wait3A_1314 = tpu.memref_slice %arg8[%dma_wait3A_1303, %dma_wait3A_1304, %add3A, %dma_wait3A_1312, %dma_wait3A_1313] : memref<200x8x32x8x128xf32, #tpu.memory_space<hbm>> -> memref<1x1x1x8x128xf32, #tpu.memory_space<hbm>>
      %dma_wait3A_1315 = tpu.memref_squeeze %dma_wait3A_1314 : memref<1x1x1x8x128xf32, #tpu.memory_space<hbm>> -> memref<8x128xf32, #tpu.memory_space<hbm>>
      %dma_wait3A_1316 = arith.constant 0 : i32
      %dma_wait3A_1317 = arith.constant 0 : i32
      %dma_wait3A_1318 = tpu.memref_slice %arg27[%dma_wait3A_1316, %dma_wait3A_1317] : memref<64x137xf32, #tpu.memory_space<vmem>> -> memref<8x128xf32, #tpu.memory_space<vmem>>
      tpu.wait_dma2 semaphore(%arg33 : memref<!tpu.dma_semaphore, #tpu.memory_space<semaphore_mem>>) src(%dma_wait3A_1318 : memref<8x128xf32, #tpu.memory_space<vmem>>) dst(%dma_wait3A_1315 : memref<8x128xf32, #tpu.memory_space<hbm>>)
      %dma_wait3A_1319 = arith.constant 0 : i32
      %dma_wait3A_1320 = arith.constant 0 : i32
      %dma_wait3A_1321 = arith.constant 0 : i32
      %dma_wait3A_1322 = arith.constant 0 : i32
      %dma_wait3A_1323 = tpu.memref_slice %arg27[%dma_wait3A_1321, %dma_wait3A_1322] : memref<64x137xf32, #tpu.memory_space<vmem>> -> memref<8x128xf32, #tpu.memory_space<vmem>>
      %dma_wait3A_1324 = arith.constant 0 : i32
      %dma_wait3A_1325 = arith.constant 0 : i32
      %dma_wait3A_1326 = tpu.memref_slice %arg8[%dma_wait3A_1319, %dma_wait3A_1320, %add3A, %dma_wait3A_1324, %dma_wait3A_1325] : memref<200x8x32x8x128xf32, #tpu.memory_space<hbm>> -> memref<1x1x1x8x128xf32, #tpu.memory_space<hbm>>
      %dma_wait3A_1327 = tpu.memref_squeeze %dma_wait3A_1326 : memref<1x1x1x8x128xf32, #tpu.memory_space<hbm>> -> memref<8x128xf32, #tpu.memory_space<hbm>>
      %dma_wait3A_1328 = arith.constant 0 : i32
      %dma_wait3A_1329 = arith.constant 0 : i32
      %dma_wait3A_1330 = tpu.memref_slice %arg8[%dma_wait3A_1319, %dma_wait3A_1320, %add3A, %dma_wait3A_1328, %dma_wait3A_1329] : memref<200x8x32x8x128xf32, #tpu.memory_space<hbm>> -> memref<1x1x1x8x128xf32, #tpu.memory_space<hbm>>
      %dma_wait3A_1331 = tpu.memref_squeeze %dma_wait3A_1330 : memref<1x1x1x8x128xf32, #tpu.memory_space<hbm>> -> memref<8x128xf32, #tpu.memory_space<hbm>>
      %dma_wait3A_1332 = arith.constant 0 : i32
      %dma_wait3A_1333 = arith.constant 0 : i32
      %dma_wait3A_1334 = tpu.memref_slice %arg27[%dma_wait3A_1332, %dma_wait3A_1333] : memref<64x137xf32, #tpu.memory_space<vmem>> -> memref<8x128xf32, #tpu.memory_space<vmem>>
      tpu.wait_dma2 semaphore(%arg33 : memref<!tpu.dma_semaphore, #tpu.memory_space<semaphore_mem>>) src(%dma_wait3A_1334 : memref<8x128xf32, #tpu.memory_space<vmem>>) dst(%dma_wait3A_1331 : memref<8x128xf32, #tpu.memory_space<hbm>>)
      %dma_wait3A_1335 = arith.constant 0 : i32
      %dma_wait3A_1336 = tpu.memref_slice %arg2[%dma_wait3A_1335] : memref<819200xi32, #tpu.memory_space<hbm>> -> memref<128xi32, #tpu.memory_space<hbm>>
      %dma_wait3A_1337 = arith.constant 0 : i32
      %dma_wait3A_1338 = tpu.memref_slice %arg2[%dma_wait3A_1337] : memref<819200xi32, #tpu.memory_space<hbm>> -> memref<128xi32, #tpu.memory_space<hbm>>
      tpu.wait_dma2 semaphore(%arg36 : memref<!tpu.dma_semaphore, #tpu.memory_space<semaphore_mem>>) src(%dma_wait3A_1338 : memref<128xi32, #tpu.memory_space<hbm>>) dst(%arg9 : memref<128xi32, #tpu.memory_space<vmem>>)
      %dma_wait3A_1339 = arith.constant 0 : i32
      %dma_wait3A_1340 = tpu.memref_slice %arg3[%dma_wait3A_1339] : memref<819200xi32, #tpu.memory_space<hbm>> -> memref<128xi32, #tpu.memory_space<hbm>>
      %dma_wait3A_1341 = arith.constant 0 : i32
      %dma_wait3A_1342 = tpu.memref_slice %arg3[%dma_wait3A_1341] : memref<819200xi32, #tpu.memory_space<hbm>> -> memref<128xi32, #tpu.memory_space<hbm>>
      tpu.wait_dma2 semaphore(%arg36 : memref<!tpu.dma_semaphore, #tpu.memory_space<semaphore_mem>>) src(%dma_wait3A_1342 : memref<128xi32, #tpu.memory_space<hbm>>) dst(%arg10 : memref<128xi32, #tpu.memory_space<vmem>>)
      %dma_wait3A_1343 = arith.constant 0 : i32
      %dma_wait3A_1344 = tpu.memref_slice %arg4[%dma_wait3A_1343] : memref<819200xi32, #tpu.memory_space<hbm>> -> memref<128xi32, #tpu.memory_space<hbm>>
      %dma_wait3A_1345 = arith.constant 0 : i32
      %dma_wait3A_1346 = tpu.memref_slice %arg4[%dma_wait3A_1345] : memref<819200xi32, #tpu.memory_space<hbm>> -> memref<128xi32, #tpu.memory_space<hbm>>
      tpu.wait_dma2 semaphore(%arg36 : memref<!tpu.dma_semaphore, #tpu.memory_space<semaphore_mem>>) src(%dma_wait3A_1346 : memref<128xi32, #tpu.memory_space<hbm>>) dst(%arg11 : memref<128xi32, #tpu.memory_space<vmem>>)
      %dma_start3A_1347 = arith.constant 0 : i32
      %dma_start3A_1348 = arith.constant 0 : i32
      %dma_start3A_1349 = tpu.memref_slice %arg5[%dma_start3A_1347, %dma_start3A_1348] : memref<100000x64xf32, #tpu.memory_space<hbm>> -> memref<100000x64xf32, #tpu.memory_space<hbm>>
      tpu.enqueue_indirect_dma source(%dma_start3A_1349 : memref<100000x64xf32, #tpu.memory_space<hbm>>) target(%arg18 : memref<128x64xf32, #tpu.memory_space<vmem>>) offsets(%arg9 : memref<128xi32, #tpu.memory_space<vmem>>) semaphore(%arg30 : memref<!tpu.dma_semaphore, #tpu.memory_space<semaphore_mem>>)
      %dma_start3A_1350 = arith.constant 0 : i32
      %dma_start3A_1351 = arith.constant 0 : i32
      %dma_start3A_1352 = tpu.memref_slice %arg6[%dma_start3A_1350, %dma_start3A_1351] : memref<1000x64xf32, #tpu.memory_space<hbm>> -> memref<1000x64xf32, #tpu.memory_space<hbm>>
      tpu.enqueue_indirect_dma source(%dma_start3A_1352 : memref<1000x64xf32, #tpu.memory_space<hbm>>) target(%arg19 : memref<128x64xf32, #tpu.memory_space<vmem>>) offsets(%arg10 : memref<128xi32, #tpu.memory_space<vmem>>) semaphore(%arg30 : memref<!tpu.dma_semaphore, #tpu.memory_space<semaphore_mem>>)
      %dma_start3A_1353 = arith.constant 0 : i32
      %dma_start3A_1354 = arith.constant 0 : i32
      %dma_start3A_1355 = tpu.memref_slice %arg7[%dma_start3A_1353, %dma_start3A_1354] : memref<1000x64xf32, #tpu.memory_space<hbm>> -> memref<1000x64xf32, #tpu.memory_space<hbm>>
      tpu.enqueue_indirect_dma source(%dma_start3A_1355 : memref<1000x64xf32, #tpu.memory_space<hbm>>) target(%arg20 : memref<128x64xf32, #tpu.memory_space<vmem>>) offsets(%arg11 : memref<128xi32, #tpu.memory_space<vmem>>) semaphore(%arg30 : memref<!tpu.dma_semaphore, #tpu.memory_space<semaphore_mem>>)
      %add3A_1356 = arith.constant 4 : i32
      %add3A_1357 = arith.addi %mul3A_869, %add3A_1356 : i32
      %mul3A_1358 = arith.constant 4096 : i32
      %mul3A_1359 = arith.muli %add3A_1357, %mul3A_1358 : i32
      %add3A_1360 = arith.addi %mul3A_1359, %mul3A_2 : i32
      %dma_start3A_1361 = tpu.memref_slice %arg2[%add3A_1360] : memref<819200xi32, #tpu.memory_space<hbm>> -> memref<128xi32, #tpu.memory_space<hbm>>
      %dma_start3A_1362 = tpu.memref_slice %arg2[%add3A_1360] : memref<819200xi32, #tpu.memory_space<hbm>> -> memref<128xi32, #tpu.memory_space<hbm>>
      tpu.enqueue_dma source(%dma_start3A_1362 : memref<128xi32, #tpu.memory_space<hbm>>) target(%arg12 : memref<128xi32, #tpu.memory_space<vmem>>) target_semaphore(%arg37 : memref<!tpu.dma_semaphore, #tpu.memory_space<semaphore_mem>>)
      %dma_start3A_1363 = tpu.memref_slice %arg3[%add3A_1360] : memref<819200xi32, #tpu.memory_space<hbm>> -> memref<128xi32, #tpu.memory_space<hbm>>
      %dma_start3A_1364 = tpu.memref_slice %arg3[%add3A_1360] : memref<819200xi32, #tpu.memory_space<hbm>> -> memref<128xi32, #tpu.memory_space<hbm>>
      tpu.enqueue_dma source(%dma_start3A_1364 : memref<128xi32, #tpu.memory_space<hbm>>) target(%arg13 : memref<128xi32, #tpu.memory_space<vmem>>) target_semaphore(%arg37 : memref<!tpu.dma_semaphore, #tpu.memory_space<semaphore_mem>>)
      %dma_start3A_1365 = tpu.memref_slice %arg4[%add3A_1360] : memref<819200xi32, #tpu.memory_space<hbm>> -> memref<128xi32, #tpu.memory_space<hbm>>
      %dma_start3A_1366 = tpu.memref_slice %arg4[%add3A_1360] : memref<819200xi32, #tpu.memory_space<hbm>> -> memref<128xi32, #tpu.memory_space<hbm>>
      tpu.enqueue_dma source(%dma_start3A_1366 : memref<128xi32, #tpu.memory_space<hbm>>) target(%arg14 : memref<128xi32, #tpu.memory_space<vmem>>) target_semaphore(%arg37 : memref<!tpu.dma_semaphore, #tpu.memory_space<semaphore_mem>>)
      %dma_wait3A_1367 = arith.constant 0 : i32
      %dma_wait3A_1368 = arith.constant 0 : i32
      %dma_wait3A_1369 = tpu.memref_slice %arg5[%dma_wait3A_1367, %dma_wait3A_1368] : memref<100000x64xf32, #tpu.memory_space<hbm>> -> memref<100000x64xf32, #tpu.memory_space<hbm>>
      tpu.wait_indirect_dma semaphore(%arg32 : memref<!tpu.dma_semaphore, #tpu.memory_space<semaphore_mem>>) src(%dma_wait3A_1369 : memref<100000x64xf32, #tpu.memory_space<hbm>>) dst(%arg24 : memref<128x64xf32, #tpu.memory_space<vmem>>)
      %dma_wait3A_1370 = arith.constant 0 : i32
      %dma_wait3A_1371 = arith.constant 0 : i32
      %dma_wait3A_1372 = tpu.memref_slice %arg6[%dma_wait3A_1370, %dma_wait3A_1371] : memref<1000x64xf32, #tpu.memory_space<hbm>> -> memref<1000x64xf32, #tpu.memory_space<hbm>>
      tpu.wait_indirect_dma semaphore(%arg32 : memref<!tpu.dma_semaphore, #tpu.memory_space<semaphore_mem>>) src(%dma_wait3A_1372 : memref<1000x64xf32, #tpu.memory_space<hbm>>) dst(%arg25 : memref<128x64xf32, #tpu.memory_space<vmem>>)
      %dma_wait3A_1373 = arith.constant 0 : i32
      %dma_wait3A_1374 = arith.constant 0 : i32
      %dma_wait3A_1375 = tpu.memref_slice %arg7[%dma_wait3A_1373, %dma_wait3A_1374] : memref<1000x64xf32, #tpu.memory_space<hbm>> -> memref<1000x64xf32, #tpu.memory_space<hbm>>
      tpu.wait_indirect_dma semaphore(%arg32 : memref<!tpu.dma_semaphore, #tpu.memory_space<semaphore_mem>>) src(%dma_wait3A_1375 : memref<1000x64xf32, #tpu.memory_space<hbm>>) dst(%arg26 : memref<128x64xf32, #tpu.memory_space<vmem>>)
      %parallel_loop3A_1376 = arith.constant 0 : i32
      %parallel_loop3A_1377 = arith.constant 128 : i32
      %parallel_loop3A_1378 = arith.constant 1 : i32
      scf.for %parallel_loop3A_1501 = %parallel_loop3A_1376 to %parallel_loop3A_1377 step %parallel_loop3A_1378  : i32 {
        %parallel_loop3A_1502 = vector.broadcast %parallel_loop3A_1501 : i32 to vector<16xi32>
        %parallel_loop3A_1503 = arith.index_cast %parallel_loop3A_1501 : i32 to index
        %parallel_loop3A_1504 = arith.constant 0 : index
        %parallel_loop3A_1505 = tpu.vector_load %arg24[%parallel_loop3A_1503, %parallel_loop3A_1504] {strides = array<i32>} : memref<128x64xf32, #tpu.memory_space<vmem>>, vector<16xf32>,
        %parallel_loop3A_1506 = arith.index_cast %parallel_loop3A_1501 : i32 to index
        %parallel_loop3A_1507 = arith.constant 0 : index
        %parallel_loop3A_1508 = tpu.vector_load %arg25[%parallel_loop3A_1506, %parallel_loop3A_1507] {strides = array<i32>} : memref<128x64xf32, #tpu.memory_space<vmem>>, vector<16xf32>,
        %parallel_loop3A_1509 = arith.addf %parallel_loop3A_1505, %parallel_loop3A_1508 : vector<16xf32>
        %parallel_loop3A_1510 = arith.index_cast %parallel_loop3A_1501 : i32 to index
        %parallel_loop3A_1511 = arith.constant 0 : index
        %parallel_loop3A_1512 = tpu.vector_load %arg26[%parallel_loop3A_1510, %parallel_loop3A_1511] {strides = array<i32>} : memref<128x64xf32, #tpu.memory_space<vmem>>, vector<16xf32>,
        %parallel_loop3A_1513 = arith.addf %parallel_loop3A_1509, %parallel_loop3A_1512 : vector<16xf32>
        tpu.vector_store_idx %arg29[%add3A_5, %parallel_loop3A_1502], %parallel_loop3A_1513 : memref<64x137xf32, #tpu.memory_space<vmem>>[vector<16xi32>, vector<16xi32>], vector<16xf32>,
        %parallel_loop3A_1514 = arith.index_cast %parallel_loop3A_1501 : i32 to index
        %parallel_loop3A_1515 = arith.constant 16 : index
        %parallel_loop3A_1516 = tpu.vector_load %arg24[%parallel_loop3A_1514, %parallel_loop3A_1515] {strides = array<i32>} : memref<128x64xf32, #tpu.memory_space<vmem>>, vector<16xf32>,
        %parallel_loop3A_1517 = arith.index_cast %parallel_loop3A_1501 : i32 to index
        %parallel_loop3A_1518 = arith.constant 16 : index
        %parallel_loop3A_1519 = tpu.vector_load %arg25[%parallel_loop3A_1517, %parallel_loop3A_1518] {strides = array<i32>} : memref<128x64xf32, #tpu.memory_space<vmem>>, vector<16xf32>,
        %parallel_loop3A_1520 = arith.addf %parallel_loop3A_1516, %parallel_loop3A_1519 : vector<16xf32>
        %parallel_loop3A_1521 = arith.index_cast %parallel_loop3A_1501 : i32 to index
        %parallel_loop3A_1522 = arith.constant 16 : index
        %parallel_loop3A_1523 = tpu.vector_load %arg26[%parallel_loop3A_1521, %parallel_loop3A_1522] {strides = array<i32>} : memref<128x64xf32, #tpu.memory_space<vmem>>, vector<16xf32>,
        %parallel_loop3A_1524 = arith.addf %parallel_loop3A_1520, %parallel_loop3A_1523 : vector<16xf32>
        tpu.vector_store_idx %arg29[%add3A_8, %parallel_loop3A_1502], %parallel_loop3A_1524 : memref<64x137xf32, #tpu.memory_space<vmem>>[vector<16xi32>, vector<16xi32>], vector<16xf32>,
        %parallel_loop3A_1525 = arith.index_cast %parallel_loop3A_1501 : i32 to index
        %parallel_loop3A_1526 = arith.constant 32 : index
        %parallel_loop3A_1527 = tpu.vector_load %arg24[%parallel_loop3A_1525, %parallel_loop3A_1526] {strides = array<i32>} : memref<128x64xf32, #tpu.memory_space<vmem>>, vector<16xf32>,
        %parallel_loop3A_1528 = arith.index_cast %parallel_loop3A_1501 : i32 to index
        %parallel_loop3A_1529 = arith.constant 32 : index
        %parallel_loop3A_1530 = tpu.vector_load %arg25[%parallel_loop3A_1528, %parallel_loop3A_1529] {strides = array<i32>} : memref<128x64xf32, #tpu.memory_space<vmem>>, vector<16xf32>,
        %parallel_loop3A_1531 = arith.addf %parallel_loop3A_1527, %parallel_loop3A_1530 : vector<16xf32>
        %parallel_loop3A_1532 = arith.index_cast %parallel_loop3A_1501 : i32 to index
        %parallel_loop3A_1533 = arith.constant 32 : index
        %parallel_loop3A_1534 = tpu.vector_load %arg26[%parallel_loop3A_1532, %parallel_loop3A_1533] {strides = array<i32>} : memref<128x64xf32, #tpu.memory_space<vmem>>, vector<16xf32>,
        %parallel_loop3A_1535 = arith.addf %parallel_loop3A_1531, %parallel_loop3A_1534 : vector<16xf32>
        tpu.vector_store_idx %arg29[%add3A_11, %parallel_loop3A_1502], %parallel_loop3A_1535 : memref<64x137xf32, #tpu.memory_space<vmem>>[vector<16xi32>, vector<16xi32>], vector<16xf32>,
        %parallel_loop3A_1536 = arith.index_cast %parallel_loop3A_1501 : i32 to index
        %parallel_loop3A_1537 = arith.constant 48 : index
        %parallel_loop3A_1538 = tpu.vector_load %arg24[%parallel_loop3A_1536, %parallel_loop3A_1537] {strides = array<i32>} : memref<128x64xf32, #tpu.memory_space<vmem>>, vector<16xf32>,
        %parallel_loop3A_1539 = arith.index_cast %parallel_loop3A_1501 : i32 to index
        %parallel_loop3A_1540 = arith.constant 48 : index
        %parallel_loop3A_1541 = tpu.vector_load %arg25[%parallel_loop3A_1539, %parallel_loop3A_1540] {strides = array<i32>} : memref<128x64xf32, #tpu.memory_space<vmem>>, vector<16xf32>,
        %parallel_loop3A_1542 = arith.addf %parallel_loop3A_1538, %parallel_loop3A_1541 : vector<16xf32>
        %parallel_loop3A_1543 = arith.index_cast %parallel_loop3A_1501 : i32 to index
        %parallel_loop3A_1544 = arith.constant 48 : index
        %parallel_loop3A_1545 = tpu.vector_load %arg26[%parallel_loop3A_1543, %parallel_loop3A_1544] {strides = array<i32>} : memref<128x64xf32, #tpu.memory_space<vmem>>, vector<16xf32>,
        %parallel_loop3A_1546 = arith.addf %parallel_loop3A_1542, %parallel_loop3A_1545 : vector<16xf32>
        tpu.vector_store_idx %arg29[%add3A_14, %parallel_loop3A_1502], %parallel_loop3A_1546 : memref<64x137xf32, #tpu.memory_space<vmem>>[vector<16xi32>, vector<16xi32>], vector<16xf32>,
      } {sc.loop_unroll_factor = 16 : i64, sc.parallel_access}
      %add3A_1379 = arith.constant 2 : i32
      %add3A_1380 = arith.addi %mul3A_869, %add3A_1379 : i32
      %dma_start3A_1381 = arith.constant 0 : i32
      %dma_start3A_1382 = arith.constant 0 : i32
      %dma_start3A_1383 = arith.constant 0 : i32
      %dma_start3A_1384 = tpu.memref_slice %arg29[%dma_start3A_1382, %dma_start3A_1383] : memref<64x137xf32, #tpu.memory_space<vmem>> -> memref<8x128xf32, #tpu.memory_space<vmem>>
      %dma_start3A_1385 = arith.constant 0 : i32
      %dma_start3A_1386 = arith.constant 0 : i32
      %dma_start3A_1387 = tpu.memref_slice %arg8[%add3A_1380, %dma_start3A_1381, %add3A, %dma_start3A_1385, %dma_start3A_1386] : memref<200x8x32x8x128xf32, #tpu.memory_space<hbm>> -> memref<1x1x1x8x128xf32, #tpu.memory_space<hbm>>
      %dma_start3A_1388 = tpu.memref_squeeze %dma_start3A_1387 : memref<1x1x1x8x128xf32, #tpu.memory_space<hbm>> -> memref<8x128xf32, #tpu.memory_space<hbm>>
      %dma_start3A_1389 = arith.constant 0 : i32
      %dma_start3A_1390 = arith.constant 0 : i32
      %dma_start3A_1391 = tpu.memref_slice %arg8[%add3A_1380, %dma_start3A_1381, %add3A, %dma_start3A_1389, %dma_start3A_1390] : memref<200x8x32x8x128xf32, #tpu.memory_space<hbm>> -> memref<1x1x1x8x128xf32, #tpu.memory_space<hbm>>
      %dma_start3A_1392 = tpu.memref_squeeze %dma_start3A_1391 : memref<1x1x1x8x128xf32, #tpu.memory_space<hbm>> -> memref<8x128xf32, #tpu.memory_space<hbm>>
      %dma_start3A_1393 = arith.constant 0 : i32
      %dma_start3A_1394 = arith.constant 0 : i32
      %dma_start3A_1395 = tpu.memref_slice %arg29[%dma_start3A_1393, %dma_start3A_1394] : memref<64x137xf32, #tpu.memory_space<vmem>> -> memref<8x128xf32, #tpu.memory_space<vmem>>
      tpu.enqueue_dma source(%dma_start3A_1395 : memref<8x128xf32, #tpu.memory_space<vmem>>) target(%dma_start3A_1392 : memref<8x128xf32, #tpu.memory_space<hbm>>) target_semaphore(%arg35 : memref<!tpu.dma_semaphore, #tpu.memory_space<semaphore_mem>>)
      %dma_start3A_1396 = arith.constant 1 : i32
      %dma_start3A_1397 = arith.constant 8 : i32
      %dma_start3A_1398 = arith.constant 0 : i32
      %dma_start3A_1399 = tpu.memref_slice %arg29[%dma_start3A_1397, %dma_start3A_1398] : memref<64x137xf32, #tpu.memory_space<vmem>> -> memref<8x128xf32, #tpu.memory_space<vmem>>
      %dma_start3A_1400 = arith.constant 0 : i32
      %dma_start3A_1401 = arith.constant 0 : i32
      %dma_start3A_1402 = tpu.memref_slice %arg8[%add3A_1380, %dma_start3A_1396, %add3A, %dma_start3A_1400, %dma_start3A_1401] : memref<200x8x32x8x128xf32, #tpu.memory_space<hbm>> -> memref<1x1x1x8x128xf32, #tpu.memory_space<hbm>>
      %dma_start3A_1403 = tpu.memref_squeeze %dma_start3A_1402 : memref<1x1x1x8x128xf32, #tpu.memory_space<hbm>> -> memref<8x128xf32, #tpu.memory_space<hbm>>
      %dma_start3A_1404 = arith.constant 0 : i32
      %dma_start3A_1405 = arith.constant 0 : i32
      %dma_start3A_1406 = tpu.memref_slice %arg8[%add3A_1380, %dma_start3A_1396, %add3A, %dma_start3A_1404, %dma_start3A_1405] : memref<200x8x32x8x128xf32, #tpu.memory_space<hbm>> -> memref<1x1x1x8x128xf32, #tpu.memory_space<hbm>>
      %dma_start3A_1407 = tpu.memref_squeeze %dma_start3A_1406 : memref<1x1x1x8x128xf32, #tpu.memory_space<hbm>> -> memref<8x128xf32, #tpu.memory_space<hbm>>
      %dma_start3A_1408 = arith.constant 8 : i32
      %dma_start3A_1409 = arith.constant 0 : i32
      %dma_start3A_1410 = tpu.memref_slice %arg29[%dma_start3A_1408, %dma_start3A_1409] : memref<64x137xf32, #tpu.memory_space<vmem>> -> memref<8x128xf32, #tpu.memory_space<vmem>>
      tpu.enqueue_dma source(%dma_start3A_1410 : memref<8x128xf32, #tpu.memory_space<vmem>>) target(%dma_start3A_1407 : memref<8x128xf32, #tpu.memory_space<hbm>>) target_semaphore(%arg35 : memref<!tpu.dma_semaphore, #tpu.memory_space<semaphore_mem>>)
      %dma_start3A_1411 = arith.constant 2 : i32
      %dma_start3A_1412 = arith.constant 16 : i32
      %dma_start3A_1413 = arith.constant 0 : i32
      %dma_start3A_1414 = tpu.memref_slice %arg29[%dma_start3A_1412, %dma_start3A_1413] : memref<64x137xf32, #tpu.memory_space<vmem>> -> memref<8x128xf32, #tpu.memory_space<vmem>>
      %dma_start3A_1415 = arith.constant 0 : i32
      %dma_start3A_1416 = arith.constant 0 : i32
      %dma_start3A_1417 = tpu.memref_slice %arg8[%add3A_1380, %dma_start3A_1411, %add3A, %dma_start3A_1415, %dma_start3A_1416] : memref<200x8x32x8x128xf32, #tpu.memory_space<hbm>> -> memref<1x1x1x8x128xf32, #tpu.memory_space<hbm>>
      %dma_start3A_1418 = tpu.memref_squeeze %dma_start3A_1417 : memref<1x1x1x8x128xf32, #tpu.memory_space<hbm>> -> memref<8x128xf32, #tpu.memory_space<hbm>>
      %dma_start3A_1419 = arith.constant 0 : i32
      %dma_start3A_1420 = arith.constant 0 : i32
      %dma_start3A_1421 = tpu.memref_slice %arg8[%add3A_1380, %dma_start3A_1411, %add3A, %dma_start3A_1419, %dma_start3A_1420] : memref<200x8x32x8x128xf32, #tpu.memory_space<hbm>> -> memref<1x1x1x8x128xf32, #tpu.memory_space<hbm>>
      %dma_start3A_1422 = tpu.memref_squeeze %dma_start3A_1421 : memref<1x1x1x8x128xf32, #tpu.memory_space<hbm>> -> memref<8x128xf32, #tpu.memory_space<hbm>>
      %dma_start3A_1423 = arith.constant 16 : i32
      %dma_start3A_1424 = arith.constant 0 : i32
      %dma_start3A_1425 = tpu.memref_slice %arg29[%dma_start3A_1423, %dma_start3A_1424] : memref<64x137xf32, #tpu.memory_space<vmem>> -> memref<8x128xf32, #tpu.memory_space<vmem>>
      tpu.enqueue_dma source(%dma_start3A_1425 : memref<8x128xf32, #tpu.memory_space<vmem>>) target(%dma_start3A_1422 : memref<8x128xf32, #tpu.memory_space<hbm>>) target_semaphore(%arg35 : memref<!tpu.dma_semaphore, #tpu.memory_space<semaphore_mem>>)
      %dma_start3A_1426 = arith.constant 3 : i32
      %dma_start3A_1427 = arith.constant 24 : i32
      %dma_start3A_1428 = arith.constant 0 : i32
      %dma_start3A_1429 = tpu.memref_slice %arg29[%dma_start3A_1427, %dma_start3A_1428] : memref<64x137xf32, #tpu.memory_space<vmem>> -> memref<8x128xf32, #tpu.memory_space<vmem>>
      %dma_start3A_1430 = arith.constant 0 : i32
      %dma_start3A_1431 = arith.constant 0 : i32
      %dma_start3A_1432 = tpu.memref_slice %arg8[%add3A_1380, %dma_start3A_1426, %add3A, %dma_start3A_1430, %dma_start3A_1431] : memref<200x8x32x8x128xf32, #tpu.memory_space<hbm>> -> memref<1x1x1x8x128xf32, #tpu.memory_space<hbm>>
      %dma_start3A_1433 = tpu.memref_squeeze %dma_start3A_1432 : memref<1x1x1x8x128xf32, #tpu.memory_space<hbm>> -> memref<8x128xf32, #tpu.memory_space<hbm>>
      %dma_start3A_1434 = arith.constant 0 : i32
      %dma_start3A_1435 = arith.constant 0 : i32
      %dma_start3A_1436 = tpu.memref_slice %arg8[%add3A_1380, %dma_start3A_1426, %add3A, %dma_start3A_1434, %dma_start3A_1435] : memref<200x8x32x8x128xf32, #tpu.memory_space<hbm>> -> memref<1x1x1x8x128xf32, #tpu.memory_space<hbm>>
      %dma_start3A_1437 = tpu.memref_squeeze %dma_start3A_1436 : memref<1x1x1x8x128xf32, #tpu.memory_space<hbm>> -> memref<8x128xf32, #tpu.memory_space<hbm>>
      %dma_start3A_1438 = arith.constant 24 : i32
      %dma_start3A_1439 = arith.constant 0 : i32
      %dma_start3A_1440 = tpu.memref_slice %arg29[%dma_start3A_1438, %dma_start3A_1439] : memref<64x137xf32, #tpu.memory_space<vmem>> -> memref<8x128xf32, #tpu.memory_space<vmem>>
      tpu.enqueue_dma source(%dma_start3A_1440 : memref<8x128xf32, #tpu.memory_space<vmem>>) target(%dma_start3A_1437 : memref<8x128xf32, #tpu.memory_space<hbm>>) target_semaphore(%arg35 : memref<!tpu.dma_semaphore, #tpu.memory_space<semaphore_mem>>)
      %dma_start3A_1441 = arith.constant 4 : i32
      %dma_start3A_1442 = arith.constant 32 : i32
      %dma_start3A_1443 = arith.constant 0 : i32
      %dma_start3A_1444 = tpu.memref_slice %arg29[%dma_start3A_1442, %dma_start3A_1443] : memref<64x137xf32, #tpu.memory_space<vmem>> -> memref<8x128xf32, #tpu.memory_space<vmem>>
      %dma_start3A_1445 = arith.constant 0 : i32
      %dma_start3A_1446 = arith.constant 0 : i32
      %dma_start3A_1447 = tpu.memref_slice %arg8[%add3A_1380, %dma_start3A_1441, %add3A, %dma_start3A_1445, %dma_start3A_1446] : memref<200x8x32x8x128xf32, #tpu.memory_space<hbm>> -> memref<1x1x1x8x128xf32, #tpu.memory_space<hbm>>
      %dma_start3A_1448 = tpu.memref_squeeze %dma_start3A_1447 : memref<1x1x1x8x128xf32, #tpu.memory_space<hbm>> -> memref<8x128xf32, #tpu.memory_space<hbm>>
      %dma_start3A_1449 = arith.constant 0 : i32
      %dma_start3A_1450 = arith.constant 0 : i32
      %dma_start3A_1451 = tpu.memref_slice %arg8[%add3A_1380, %dma_start3A_1441, %add3A, %dma_start3A_1449, %dma_start3A_1450] : memref<200x8x32x8x128xf32, #tpu.memory_space<hbm>> -> memref<1x1x1x8x128xf32, #tpu.memory_space<hbm>>
      %dma_start3A_1452 = tpu.memref_squeeze %dma_start3A_1451 : memref<1x1x1x8x128xf32, #tpu.memory_space<hbm>> -> memref<8x128xf32, #tpu.memory_space<hbm>>
      %dma_start3A_1453 = arith.constant 32 : i32
      %dma_start3A_1454 = arith.constant 0 : i32
      %dma_start3A_1455 = tpu.memref_slice %arg29[%dma_start3A_1453, %dma_start3A_1454] : memref<64x137xf32, #tpu.memory_space<vmem>> -> memref<8x128xf32, #tpu.memory_space<vmem>>
      tpu.enqueue_dma source(%dma_start3A_1455 : memref<8x128xf32, #tpu.memory_space<vmem>>) target(%dma_start3A_1452 : memref<8x128xf32, #tpu.memory_space<hbm>>) target_semaphore(%arg35 : memref<!tpu.dma_semaphore, #tpu.memory_space<semaphore_mem>>)
      %dma_start3A_1456 = arith.constant 5 : i32
      %dma_start3A_1457 = arith.constant 40 : i32
      %dma_start3A_1458 = arith.constant 0 : i32
      %dma_start3A_1459 = tpu.memref_slice %arg29[%dma_start3A_1457, %dma_start3A_1458] : memref<64x137xf32, #tpu.memory_space<vmem>> -> memref<8x128xf32, #tpu.memory_space<vmem>>
      %dma_start3A_1460 = arith.constant 0 : i32
      %dma_start3A_1461 = arith.constant 0 : i32
      %dma_start3A_1462 = tpu.memref_slice %arg8[%add3A_1380, %dma_start3A_1456, %add3A, %dma_start3A_1460, %dma_start3A_1461] : memref<200x8x32x8x128xf32, #tpu.memory_space<hbm>> -> memref<1x1x1x8x128xf32, #tpu.memory_space<hbm>>
      %dma_start3A_1463 = tpu.memref_squeeze %dma_start3A_1462 : memref<1x1x1x8x128xf32, #tpu.memory_space<hbm>> -> memref<8x128xf32, #tpu.memory_space<hbm>>
      %dma_start3A_1464 = arith.constant 0 : i32
      %dma_start3A_1465 = arith.constant 0 : i32
      %dma_start3A_1466 = tpu.memref_slice %arg8[%add3A_1380, %dma_start3A_1456, %add3A, %dma_start3A_1464, %dma_start3A_1465] : memref<200x8x32x8x128xf32, #tpu.memory_space<hbm>> -> memref<1x1x1x8x128xf32, #tpu.memory_space<hbm>>
      %dma_start3A_1467 = tpu.memref_squeeze %dma_start3A_1466 : memref<1x1x1x8x128xf32, #tpu.memory_space<hbm>> -> memref<8x128xf32, #tpu.memory_space<hbm>>
      %dma_start3A_1468 = arith.constant 40 : i32
      %dma_start3A_1469 = arith.constant 0 : i32
      %dma_start3A_1470 = tpu.memref_slice %arg29[%dma_start3A_1468, %dma_start3A_1469] : memref<64x137xf32, #tpu.memory_space<vmem>> -> memref<8x128xf32, #tpu.memory_space<vmem>>
      tpu.enqueue_dma source(%dma_start3A_1470 : memref<8x128xf32, #tpu.memory_space<vmem>>) target(%dma_start3A_1467 : memref<8x128xf32, #tpu.memory_space<hbm>>) target_semaphore(%arg35 : memref<!tpu.dma_semaphore, #tpu.memory_space<semaphore_mem>>)
      %dma_start3A_1471 = arith.constant 6 : i32
      %dma_start3A_1472 = arith.constant 48 : i32
      %dma_start3A_1473 = arith.constant 0 : i32
      %dma_start3A_1474 = tpu.memref_slice %arg29[%dma_start3A_1472, %dma_start3A_1473] : memref<64x137xf32, #tpu.memory_space<vmem>> -> memref<8x128xf32, #tpu.memory_space<vmem>>
      %dma_start3A_1475 = arith.constant 0 : i32
      %dma_start3A_1476 = arith.constant 0 : i32
      %dma_start3A_1477 = tpu.memref_slice %arg8[%add3A_1380, %dma_start3A_1471, %add3A, %dma_start3A_1475, %dma_start3A_1476] : memref<200x8x32x8x128xf32, #tpu.memory_space<hbm>> -> memref<1x1x1x8x128xf32, #tpu.memory_space<hbm>>
      %dma_start3A_1478 = tpu.memref_squeeze %dma_start3A_1477 : memref<1x1x1x8x128xf32, #tpu.memory_space<hbm>> -> memref<8x128xf32, #tpu.memory_space<hbm>>
      %dma_start3A_1479 = arith.constant 0 : i32
      %dma_start3A_1480 = arith.constant 0 : i32
      %dma_start3A_1481 = tpu.memref_slice %arg8[%add3A_1380, %dma_start3A_1471, %add3A, %dma_start3A_1479, %dma_start3A_1480] : memref<200x8x32x8x128xf32, #tpu.memory_space<hbm>> -> memref<1x1x1x8x128xf32, #tpu.memory_space<hbm>>
      %dma_start3A_1482 = tpu.memref_squeeze %dma_start3A_1481 : memref<1x1x1x8x128xf32, #tpu.memory_space<hbm>> -> memref<8x128xf32, #tpu.memory_space<hbm>>
      %dma_start3A_1483 = arith.constant 48 : i32
      %dma_start3A_1484 = arith.constant 0 : i32
      %dma_start3A_1485 = tpu.memref_slice %arg29[%dma_start3A_1483, %dma_start3A_1484] : memref<64x137xf32, #tpu.memory_space<vmem>> -> memref<8x128xf32, #tpu.memory_space<vmem>>
      tpu.enqueue_dma source(%dma_start3A_1485 : memref<8x128xf32, #tpu.memory_space<vmem>>) target(%dma_start3A_1482 : memref<8x128xf32, #tpu.memory_space<hbm>>) target_semaphore(%arg35 : memref<!tpu.dma_semaphore, #tpu.memory_space<semaphore_mem>>)
      %dma_start3A_1486 = arith.constant 7 : i32
      %dma_start3A_1487 = arith.constant 56 : i32
      %dma_start3A_1488 = arith.constant 0 : i32
      %dma_start3A_1489 = tpu.memref_slice %arg29[%dma_start3A_1487, %dma_start3A_1488] : memref<64x137xf32, #tpu.memory_space<vmem>> -> memref<8x128xf32, #tpu.memory_space<vmem>>
      %dma_start3A_1490 = arith.constant 0 : i32
      %dma_start3A_1491 = arith.constant 0 : i32
      %dma_start3A_1492 = tpu.memref_slice %arg8[%add3A_1380, %dma_start3A_1486, %add3A, %dma_start3A_1490, %dma_start3A_1491] : memref<200x8x32x8x128xf32, #tpu.memory_space<hbm>> -> memref<1x1x1x8x128xf32, #tpu.memory_space<hbm>>
      %dma_start3A_1493 = tpu.memref_squeeze %dma_start3A_1492 : memref<1x1x1x8x128xf32, #tpu.memory_space<hbm>> -> memref<8x128xf32, #tpu.memory_space<hbm>>
      %dma_start3A_1494 = arith.constant 0 : i32
      %dma_start3A_1495 = arith.constant 0 : i32
      %dma_start3A_1496 = tpu.memref_slice %arg8[%add3A_1380, %dma_start3A_1486, %add3A, %dma_start3A_1494, %dma_start3A_1495] : memref<200x8x32x8x128xf32, #tpu.memory_space<hbm>> -> memref<1x1x1x8x128xf32, #tpu.memory_space<hbm>>
      %dma_start3A_1497 = tpu.memref_squeeze %dma_start3A_1496 : memref<1x1x1x8x128xf32, #tpu.memory_space<hbm>> -> memref<8x128xf32, #tpu.memory_space<hbm>>
      %dma_start3A_1498 = arith.constant 56 : i32
      %dma_start3A_1499 = arith.constant 0 : i32
      %dma_start3A_1500 = tpu.memref_slice %arg29[%dma_start3A_1498, %dma_start3A_1499] : memref<64x137xf32, #tpu.memory_space<vmem>> -> memref<8x128xf32, #tpu.memory_space<vmem>>
      tpu.enqueue_dma source(%dma_start3A_1500 : memref<8x128xf32, #tpu.memory_space<vmem>>) target(%dma_start3A_1497 : memref<8x128xf32, #tpu.memory_space<hbm>>) target_semaphore(%arg35 : memref<!tpu.dma_semaphore, #tpu.memory_space<semaphore_mem>>)
    }
    %scan3A_54 = arith.constant 66 : i32
    %dma_wait3A_55 = arith.constant 0 : i32
    %dma_wait3A_56 = arith.constant 0 : i32
    %dma_wait3A_57 = arith.constant 0 : i32
    %dma_wait3A_58 = arith.constant 0 : i32
    %dma_wait3A_59 = tpu.memref_slice %arg28[%dma_wait3A_57, %dma_wait3A_58] : memref<64x137xf32, #tpu.memory_space<vmem>> -> memref<8x128xf32, #tpu.memory_space<vmem>>
    %dma_wait3A_60 = arith.constant 0 : i32
    %dma_wait3A_61 = arith.constant 0 : i32
    %dma_wait3A_62 = tpu.memref_slice %arg8[%dma_wait3A_55, %dma_wait3A_56, %add3A, %dma_wait3A_60, %dma_wait3A_61] : memref<200x8x32x8x128xf32, #tpu.memory_space<hbm>> -> memref<1x1x1x8x128xf32, #tpu.memory_space<hbm>>
    %dma_wait3A_63 = tpu.memref_squeeze %dma_wait3A_62 : memref<1x1x1x8x128xf32, #tpu.memory_space<hbm>> -> memref<8x128xf32, #tpu.memory_space<hbm>>
    %dma_wait3A_64 = arith.constant 0 : i32
    %dma_wait3A_65 = arith.constant 0 : i32
    %dma_wait3A_66 = tpu.memref_slice %arg8[%dma_wait3A_55, %dma_wait3A_56, %add3A, %dma_wait3A_64, %dma_wait3A_65] : memref<200x8x32x8x128xf32, #tpu.memory_space<hbm>> -> memref<1x1x1x8x128xf32, #tpu.memory_space<hbm>>
    %dma_wait3A_67 = tpu.memref_squeeze %dma_wait3A_66 : memref<1x1x1x8x128xf32, #tpu.memory_space<hbm>> -> memref<8x128xf32, #tpu.memory_space<hbm>>
    %dma_wait3A_68 = arith.constant 0 : i32
    %dma_wait3A_69 = arith.constant 0 : i32
    %dma_wait3A_70 = tpu.memref_slice %arg28[%dma_wait3A_68, %dma_wait3A_69] : memref<64x137xf32, #tpu.memory_space<vmem>> -> memref<8x128xf32, #tpu.memory_space<vmem>>
    tpu.wait_dma2 semaphore(%arg34 : memref<!tpu.dma_semaphore, #tpu.memory_space<semaphore_mem>>) src(%dma_wait3A_70 : memref<8x128xf32, #tpu.memory_space<vmem>>) dst(%dma_wait3A_67 : memref<8x128xf32, #tpu.memory_space<hbm>>)
    %dma_wait3A_71 = arith.constant 0 : i32
    %dma_wait3A_72 = arith.constant 0 : i32
    %dma_wait3A_73 = arith.constant 0 : i32
    %dma_wait3A_74 = arith.constant 0 : i32
    %dma_wait3A_75 = tpu.memref_slice %arg28[%dma_wait3A_73, %dma_wait3A_74] : memref<64x137xf32, #tpu.memory_space<vmem>> -> memref<8x128xf32, #tpu.memory_space<vmem>>
    %dma_wait3A_76 = arith.constant 0 : i32
    %dma_wait3A_77 = arith.constant 0 : i32
    %dma_wait3A_78 = tpu.memref_slice %arg8[%dma_wait3A_71, %dma_wait3A_72, %add3A, %dma_wait3A_76, %dma_wait3A_77] : memref<200x8x32x8x128xf32, #tpu.memory_space<hbm>> -> memref<1x1x1x8x128xf32, #tpu.memory_space<hbm>>
    %dma_wait3A_79 = tpu.memref_squeeze %dma_wait3A_78 : memref<1x1x1x8x128xf32, #tpu.memory_space<hbm>> -> memref<8x128xf32, #tpu.memory_space<hbm>>
    %dma_wait3A_80 = arith.constant 0 : i32
    %dma_wait3A_81 = arith.constant 0 : i32
    %dma_wait3A_82 = tpu.memref_slice %arg8[%dma_wait3A_71, %dma_wait3A_72, %add3A, %dma_wait3A_80, %dma_wait3A_81] : memref<200x8x32x8x128xf32, #tpu.memory_space<hbm>> -> memref<1x1x1x8x128xf32, #tpu.memory_space<hbm>>
    %dma_wait3A_83 = tpu.memref_squeeze %dma_wait3A_82 : memref<1x1x1x8x128xf32, #tpu.memory_space<hbm>> -> memref<8x128xf32, #tpu.memory_space<hbm>>
    %dma_wait3A_84 = arith.constant 0 : i32
    %dma_wait3A_85 = arith.constant 0 : i32
    %dma_wait3A_86 = tpu.memref_slice %arg28[%dma_wait3A_84, %dma_wait3A_85] : memref<64x137xf32, #tpu.memory_space<vmem>> -> memref<8x128xf32, #tpu.memory_space<vmem>>
    tpu.wait_dma2 semaphore(%arg34 : memref<!tpu.dma_semaphore, #tpu.memory_space<semaphore_mem>>) src(%dma_wait3A_86 : memref<8x128xf32, #tpu.memory_space<vmem>>) dst(%dma_wait3A_83 : memref<8x128xf32, #tpu.memory_space<hbm>>)
    %dma_wait3A_87 = arith.constant 0 : i32
    %dma_wait3A_88 = arith.constant 0 : i32
    %dma_wait3A_89 = arith.constant 0 : i32
    %dma_wait3A_90 = arith.constant 0 : i32
    %dma_wait3A_91 = tpu.memref_slice %arg28[%dma_wait3A_89, %dma_wait3A_90] : memref<64x137xf32, #tpu.memory_space<vmem>> -> memref<8x128xf32, #tpu.memory_space<vmem>>
    %dma_wait3A_92 = arith.constant 0 : i32
    %dma_wait3A_93 = arith.constant 0 : i32
    %dma_wait3A_94 = tpu.memref_slice %arg8[%dma_wait3A_87, %dma_wait3A_88, %add3A, %dma_wait3A_92, %dma_wait3A_93] : memref<200x8x32x8x128xf32, #tpu.memory_space<hbm>> -> memref<1x1x1x8x128xf32, #tpu.memory_space<hbm>>
    %dma_wait3A_95 = tpu.memref_squeeze %dma_wait3A_94 : memref<1x1x1x8x128xf32, #tpu.memory_space<hbm>> -> memref<8x128xf32, #tpu.memory_space<hbm>>
    %dma_wait3A_96 = arith.constant 0 : i32
    %dma_wait3A_97 = arith.constant 0 : i32
    %dma_wait3A_98 = tpu.memref_slice %arg8[%dma_wait3A_87, %dma_wait3A_88, %add3A, %dma_wait3A_96, %dma_wait3A_97] : memref<200x8x32x8x128xf32, #tpu.memory_space<hbm>> -> memref<1x1x1x8x128xf32, #tpu.memory_space<hbm>>
    %dma_wait3A_99 = tpu.memref_squeeze %dma_wait3A_98 : memref<1x1x1x8x128xf32, #tpu.memory_space<hbm>> -> memref<8x128xf32, #tpu.memory_space<hbm>>
    %dma_wait3A_100 = arith.constant 0 : i32
    %dma_wait3A_101 = arith.constant 0 : i32
    %dma_wait3A_102 = tpu.memref_slice %arg28[%dma_wait3A_100, %dma_wait3A_101] : memref<64x137xf32, #tpu.memory_space<vmem>> -> memref<8x128xf32, #tpu.memory_space<vmem>>
    tpu.wait_dma2 semaphore(%arg34 : memref<!tpu.dma_semaphore, #tpu.memory_space<semaphore_mem>>) src(%dma_wait3A_102 : memref<8x128xf32, #tpu.memory_space<vmem>>) dst(%dma_wait3A_99 : memref<8x128xf32, #tpu.memory_space<hbm>>)
    %dma_wait3A_103 = arith.constant 0 : i32
    %dma_wait3A_104 = arith.constant 0 : i32
    %dma_wait3A_105 = arith.constant 0 : i32
    %dma_wait3A_106 = arith.constant 0 : i32
    %dma_wait3A_107 = tpu.memref_slice %arg28[%dma_wait3A_105, %dma_wait3A_106] : memref<64x137xf32, #tpu.memory_space<vmem>> -> memref<8x128xf32, #tpu.memory_space<vmem>>
    %dma_wait3A_108 = arith.constant 0 : i32
    %dma_wait3A_109 = arith.constant 0 : i32
    %dma_wait3A_110 = tpu.memref_slice %arg8[%dma_wait3A_103, %dma_wait3A_104, %add3A, %dma_wait3A_108, %dma_wait3A_109] : memref<200x8x32x8x128xf32, #tpu.memory_space<hbm>> -> memref<1x1x1x8x128xf32, #tpu.memory_space<hbm>>
    %dma_wait3A_111 = tpu.memref_squeeze %dma_wait3A_110 : memref<1x1x1x8x128xf32, #tpu.memory_space<hbm>> -> memref<8x128xf32, #tpu.memory_space<hbm>>
    %dma_wait3A_112 = arith.constant 0 : i32
    %dma_wait3A_113 = arith.constant 0 : i32
    %dma_wait3A_114 = tpu.memref_slice %arg8[%dma_wait3A_103, %dma_wait3A_104, %add3A, %dma_wait3A_112, %dma_wait3A_113] : memref<200x8x32x8x128xf32, #tpu.memory_space<hbm>> -> memref<1x1x1x8x128xf32, #tpu.memory_space<hbm>>
    %dma_wait3A_115 = tpu.memref_squeeze %dma_wait3A_114 : memref<1x1x1x8x128xf32, #tpu.memory_space<hbm>> -> memref<8x128xf32, #tpu.memory_space<hbm>>
    %dma_wait3A_116 = arith.constant 0 : i32
    %dma_wait3A_117 = arith.constant 0 : i32
    %dma_wait3A_118 = tpu.memref_slice %arg28[%dma_wait3A_116, %dma_wait3A_117] : memref<64x137xf32, #tpu.memory_space<vmem>> -> memref<8x128xf32, #tpu.memory_space<vmem>>
    tpu.wait_dma2 semaphore(%arg34 : memref<!tpu.dma_semaphore, #tpu.memory_space<semaphore_mem>>) src(%dma_wait3A_118 : memref<8x128xf32, #tpu.memory_space<vmem>>) dst(%dma_wait3A_115 : memref<8x128xf32, #tpu.memory_space<hbm>>)
    %dma_wait3A_119 = arith.constant 0 : i32
    %dma_wait3A_120 = arith.constant 0 : i32
    %dma_wait3A_121 = arith.constant 0 : i32
    %dma_wait3A_122 = arith.constant 0 : i32
    %dma_wait3A_123 = tpu.memref_slice %arg28[%dma_wait3A_121, %dma_wait3A_122] : memref<64x137xf32, #tpu.memory_space<vmem>> -> memref<8x128xf32, #tpu.memory_space<vmem>>
    %dma_wait3A_124 = arith.constant 0 : i32
    %dma_wait3A_125 = arith.constant 0 : i32
    %dma_wait3A_126 = tpu.memref_slice %arg8[%dma_wait3A_119, %dma_wait3A_120, %add3A, %dma_wait3A_124, %dma_wait3A_125] : memref<200x8x32x8x128xf32, #tpu.memory_space<hbm>> -> memref<1x1x1x8x128xf32, #tpu.memory_space<hbm>>
    %dma_wait3A_127 = tpu.memref_squeeze %dma_wait3A_126 : memref<1x1x1x8x128xf32, #tpu.memory_space<hbm>> -> memref<8x128xf32, #tpu.memory_space<hbm>>
    %dma_wait3A_128 = arith.constant 0 : i32
    %dma_wait3A_129 = arith.constant 0 : i32
    %dma_wait3A_130 = tpu.memref_slice %arg8[%dma_wait3A_119, %dma_wait3A_120, %add3A, %dma_wait3A_128, %dma_wait3A_129] : memref<200x8x32x8x128xf32, #tpu.memory_space<hbm>> -> memref<1x1x1x8x128xf32, #tpu.memory_space<hbm>>
    %dma_wait3A_131 = tpu.memref_squeeze %dma_wait3A_130 : memref<1x1x1x8x128xf32, #tpu.memory_space<hbm>> -> memref<8x128xf32, #tpu.memory_space<hbm>>
    %dma_wait3A_132 = arith.constant 0 : i32
    %dma_wait3A_133 = arith.constant 0 : i32
    %dma_wait3A_134 = tpu.memref_slice %arg28[%dma_wait3A_132, %dma_wait3A_133] : memref<64x137xf32, #tpu.memory_space<vmem>> -> memref<8x128xf32, #tpu.memory_space<vmem>>
    tpu.wait_dma2 semaphore(%arg34 : memref<!tpu.dma_semaphore, #tpu.memory_space<semaphore_mem>>) src(%dma_wait3A_134 : memref<8x128xf32, #tpu.memory_space<vmem>>) dst(%dma_wait3A_131 : memref<8x128xf32, #tpu.memory_space<hbm>>)
    %dma_wait3A_135 = arith.constant 0 : i32
    %dma_wait3A_136 = arith.constant 0 : i32
    %dma_wait3A_137 = arith.constant 0 : i32
    %dma_wait3A_138 = arith.constant 0 : i32
    %dma_wait3A_139 = tpu.memref_slice %arg28[%dma_wait3A_137, %dma_wait3A_138] : memref<64x137xf32, #tpu.memory_space<vmem>> -> memref<8x128xf32, #tpu.memory_space<vmem>>
    %dma_wait3A_140 = arith.constant 0 : i32
    %dma_wait3A_141 = arith.constant 0 : i32
    %dma_wait3A_142 = tpu.memref_slice %arg8[%dma_wait3A_135, %dma_wait3A_136, %add3A, %dma_wait3A_140, %dma_wait3A_141] : memref<200x8x32x8x128xf32, #tpu.memory_space<hbm>> -> memref<1x1x1x8x128xf32, #tpu.memory_space<hbm>>
    %dma_wait3A_143 = tpu.memref_squeeze %dma_wait3A_142 : memref<1x1x1x8x128xf32, #tpu.memory_space<hbm>> -> memref<8x128xf32, #tpu.memory_space<hbm>>
    %dma_wait3A_144 = arith.constant 0 : i32
    %dma_wait3A_145 = arith.constant 0 : i32
    %dma_wait3A_146 = tpu.memref_slice %arg8[%dma_wait3A_135, %dma_wait3A_136, %add3A, %dma_wait3A_144, %dma_wait3A_145] : memref<200x8x32x8x128xf32, #tpu.memory_space<hbm>> -> memref<1x1x1x8x128xf32, #tpu.memory_space<hbm>>
    %dma_wait3A_147 = tpu.memref_squeeze %dma_wait3A_146 : memref<1x1x1x8x128xf32, #tpu.memory_space<hbm>> -> memref<8x128xf32, #tpu.memory_space<hbm>>
    %dma_wait3A_148 = arith.constant 0 : i32
    %dma_wait3A_149 = arith.constant 0 : i32
    %dma_wait3A_150 = tpu.memref_slice %arg28[%dma_wait3A_148, %dma_wait3A_149] : memref<64x137xf32, #tpu.memory_space<vmem>> -> memref<8x128xf32, #tpu.memory_space<vmem>>
    tpu.wait_dma2 semaphore(%arg34 : memref<!tpu.dma_semaphore, #tpu.memory_space<semaphore_mem>>) src(%dma_wait3A_150 : memref<8x128xf32, #tpu.memory_space<vmem>>) dst(%dma_wait3A_147 : memref<8x128xf32, #tpu.memory_space<hbm>>)
    %dma_wait3A_151 = arith.constant 0 : i32
    %dma_wait3A_152 = arith.constant 0 : i32
    %dma_wait3A_153 = arith.constant 0 : i32
    %dma_wait3A_154 = arith.constant 0 : i32
    %dma_wait3A_155 = tpu.memref_slice %arg28[%dma_wait3A_153, %dma_wait3A_154] : memref<64x137xf32, #tpu.memory_space<vmem>> -> memref<8x128xf32, #tpu.memory_space<vmem>>
    %dma_wait3A_156 = arith.constant 0 : i32
    %dma_wait3A_157 = arith.constant 0 : i32
    %dma_wait3A_158 = tpu.memref_slice %arg8[%dma_wait3A_151, %dma_wait3A_152, %add3A, %dma_wait3A_156, %dma_wait3A_157] : memref<200x8x32x8x128xf32, #tpu.memory_space<hbm>> -> memref<1x1x1x8x128xf32, #tpu.memory_space<hbm>>
    %dma_wait3A_159 = tpu.memref_squeeze %dma_wait3A_158 : memref<1x1x1x8x128xf32, #tpu.memory_space<hbm>> -> memref<8x128xf32, #tpu.memory_space<hbm>>
    %dma_wait3A_160 = arith.constant 0 : i32
    %dma_wait3A_161 = arith.constant 0 : i32
    %dma_wait3A_162 = tpu.memref_slice %arg8[%dma_wait3A_151, %dma_wait3A_152, %add3A, %dma_wait3A_160, %dma_wait3A_161] : memref<200x8x32x8x128xf32, #tpu.memory_space<hbm>> -> memref<1x1x1x8x128xf32, #tpu.memory_space<hbm>>
    %dma_wait3A_163 = tpu.memref_squeeze %dma_wait3A_162 : memref<1x1x1x8x128xf32, #tpu.memory_space<hbm>> -> memref<8x128xf32, #tpu.memory_space<hbm>>
    %dma_wait3A_164 = arith.constant 0 : i32
    %dma_wait3A_165 = arith.constant 0 : i32
    %dma_wait3A_166 = tpu.memref_slice %arg28[%dma_wait3A_164, %dma_wait3A_165] : memref<64x137xf32, #tpu.memory_space<vmem>> -> memref<8x128xf32, #tpu.memory_space<vmem>>
    tpu.wait_dma2 semaphore(%arg34 : memref<!tpu.dma_semaphore, #tpu.memory_space<semaphore_mem>>) src(%dma_wait3A_166 : memref<8x128xf32, #tpu.memory_space<vmem>>) dst(%dma_wait3A_163 : memref<8x128xf32, #tpu.memory_space<hbm>>)
    %dma_wait3A_167 = arith.constant 0 : i32
    %dma_wait3A_168 = arith.constant 0 : i32
    %dma_wait3A_169 = arith.constant 0 : i32
    %dma_wait3A_170 = arith.constant 0 : i32
    %dma_wait3A_171 = tpu.memref_slice %arg28[%dma_wait3A_169, %dma_wait3A_170] : memref<64x137xf32, #tpu.memory_space<vmem>> -> memref<8x128xf32, #tpu.memory_space<vmem>>
    %dma_wait3A_172 = arith.constant 0 : i32
    %dma_wait3A_173 = arith.constant 0 : i32
    %dma_wait3A_174 = tpu.memref_slice %arg8[%dma_wait3A_167, %dma_wait3A_168, %add3A, %dma_wait3A_172, %dma_wait3A_173] : memref<200x8x32x8x128xf32, #tpu.memory_space<hbm>> -> memref<1x1x1x8x128xf32, #tpu.memory_space<hbm>>
    %dma_wait3A_175 = tpu.memref_squeeze %dma_wait3A_174 : memref<1x1x1x8x128xf32, #tpu.memory_space<hbm>> -> memref<8x128xf32, #tpu.memory_space<hbm>>
    %dma_wait3A_176 = arith.constant 0 : i32
    %dma_wait3A_177 = arith.constant 0 : i32
    %dma_wait3A_178 = tpu.memref_slice %arg8[%dma_wait3A_167, %dma_wait3A_168, %add3A, %dma_wait3A_176, %dma_wait3A_177] : memref<200x8x32x8x128xf32, #tpu.memory_space<hbm>> -> memref<1x1x1x8x128xf32, #tpu.memory_space<hbm>>
    %dma_wait3A_179 = tpu.memref_squeeze %dma_wait3A_178 : memref<1x1x1x8x128xf32, #tpu.memory_space<hbm>> -> memref<8x128xf32, #tpu.memory_space<hbm>>
    %dma_wait3A_180 = arith.constant 0 : i32
    %dma_wait3A_181 = arith.constant 0 : i32
    %dma_wait3A_182 = tpu.memref_slice %arg28[%dma_wait3A_180, %dma_wait3A_181] : memref<64x137xf32, #tpu.memory_space<vmem>> -> memref<8x128xf32, #tpu.memory_space<vmem>>
    tpu.wait_dma2 semaphore(%arg34 : memref<!tpu.dma_semaphore, #tpu.memory_space<semaphore_mem>>) src(%dma_wait3A_182 : memref<8x128xf32, #tpu.memory_space<vmem>>) dst(%dma_wait3A_179 : memref<8x128xf32, #tpu.memory_space<hbm>>)
    %dma_wait3A_183 = arith.constant 0 : i32
    %dma_wait3A_184 = tpu.memref_slice %arg2[%dma_wait3A_183] : memref<819200xi32, #tpu.memory_space<hbm>> -> memref<128xi32, #tpu.memory_space<hbm>>
    %dma_wait3A_185 = arith.constant 0 : i32
    %dma_wait3A_186 = tpu.memref_slice %arg2[%dma_wait3A_185] : memref<819200xi32, #tpu.memory_space<hbm>> -> memref<128xi32, #tpu.memory_space<hbm>>
    tpu.wait_dma2 semaphore(%arg37 : memref<!tpu.dma_semaphore, #tpu.memory_space<semaphore_mem>>) src(%dma_wait3A_186 : memref<128xi32, #tpu.memory_space<hbm>>) dst(%arg12 : memref<128xi32, #tpu.memory_space<vmem>>)
    %dma_wait3A_187 = arith.constant 0 : i32
    %dma_wait3A_188 = tpu.memref_slice %arg3[%dma_wait3A_187] : memref<819200xi32, #tpu.memory_space<hbm>> -> memref<128xi32, #tpu.memory_space<hbm>>
    %dma_wait3A_189 = arith.constant 0 : i32
    %dma_wait3A_190 = tpu.memref_slice %arg3[%dma_wait3A_189] : memref<819200xi32, #tpu.memory_space<hbm>> -> memref<128xi32, #tpu.memory_space<hbm>>
    tpu.wait_dma2 semaphore(%arg37 : memref<!tpu.dma_semaphore, #tpu.memory_space<semaphore_mem>>) src(%dma_wait3A_190 : memref<128xi32, #tpu.memory_space<hbm>>) dst(%arg13 : memref<128xi32, #tpu.memory_space<vmem>>)
    %dma_wait3A_191 = arith.constant 0 : i32
    %dma_wait3A_192 = tpu.memref_slice %arg4[%dma_wait3A_191] : memref<819200xi32, #tpu.memory_space<hbm>> -> memref<128xi32, #tpu.memory_space<hbm>>
    %dma_wait3A_193 = arith.constant 0 : i32
    %dma_wait3A_194 = tpu.memref_slice %arg4[%dma_wait3A_193] : memref<819200xi32, #tpu.memory_space<hbm>> -> memref<128xi32, #tpu.memory_space<hbm>>
    tpu.wait_dma2 semaphore(%arg37 : memref<!tpu.dma_semaphore, #tpu.memory_space<semaphore_mem>>) src(%dma_wait3A_194 : memref<128xi32, #tpu.memory_space<hbm>>) dst(%arg14 : memref<128xi32, #tpu.memory_space<vmem>>)
    %dma_start3A_195 = arith.constant 0 : i32
    %dma_start3A_196 = arith.constant 0 : i32
    %dma_start3A_197 = tpu.memref_slice %arg5[%dma_start3A_195, %dma_start3A_196] : memref<100000x64xf32, #tpu.memory_space<hbm>> -> memref<100000x64xf32, #tpu.memory_space<hbm>>
    tpu.enqueue_indirect_dma source(%dma_start3A_197 : memref<100000x64xf32, #tpu.memory_space<hbm>>) target(%arg21 : memref<128x64xf32, #tpu.memory_space<vmem>>) offsets(%arg12 : memref<128xi32, #tpu.memory_space<vmem>>) semaphore(%arg31 : memref<!tpu.dma_semaphore, #tpu.memory_space<semaphore_mem>>)
    %dma_start3A_198 = arith.constant 0 : i32
    %dma_start3A_199 = arith.constant 0 : i32
    %dma_start3A_200 = tpu.memref_slice %arg6[%dma_start3A_198, %dma_start3A_199] : memref<1000x64xf32, #tpu.memory_space<hbm>> -> memref<1000x64xf32, #tpu.memory_space<hbm>>
    tpu.enqueue_indirect_dma source(%dma_start3A_200 : memref<1000x64xf32, #tpu.memory_space<hbm>>) target(%arg22 : memref<128x64xf32, #tpu.memory_space<vmem>>) offsets(%arg13 : memref<128xi32, #tpu.memory_space<vmem>>) semaphore(%arg31 : memref<!tpu.dma_semaphore, #tpu.memory_space<semaphore_mem>>)
    %dma_start3A_201 = arith.constant 0 : i32
    %dma_start3A_202 = arith.constant 0 : i32
    %dma_start3A_203 = tpu.memref_slice %arg7[%dma_start3A_201, %dma_start3A_202] : memref<1000x64xf32, #tpu.memory_space<hbm>> -> memref<1000x64xf32, #tpu.memory_space<hbm>>
    tpu.enqueue_indirect_dma source(%dma_start3A_203 : memref<1000x64xf32, #tpu.memory_space<hbm>>) target(%arg23 : memref<128x64xf32, #tpu.memory_space<vmem>>) offsets(%arg14 : memref<128xi32, #tpu.memory_space<vmem>>) semaphore(%arg31 : memref<!tpu.dma_semaphore, #tpu.memory_space<semaphore_mem>>)
    %dma_wait3A_204 = arith.constant 0 : i32
    %dma_wait3A_205 = arith.constant 0 : i32
    %dma_wait3A_206 = tpu.memref_slice %arg5[%dma_wait3A_204, %dma_wait3A_205] : memref<100000x64xf32, #tpu.memory_space<hbm>> -> memref<100000x64xf32, #tpu.memory_space<hbm>>
    tpu.wait_indirect_dma semaphore(%arg30 : memref<!tpu.dma_semaphore, #tpu.memory_space<semaphore_mem>>) src(%dma_wait3A_206 : memref<100000x64xf32, #tpu.memory_space<hbm>>) dst(%arg18 : memref<128x64xf32, #tpu.memory_space<vmem>>)
    %dma_wait3A_207 = arith.constant 0 : i32
    %dma_wait3A_208 = arith.constant 0 : i32
    %dma_wait3A_209 = tpu.memref_slice %arg6[%dma_wait3A_207, %dma_wait3A_208] : memref<1000x64xf32, #tpu.memory_space<hbm>> -> memref<1000x64xf32, #tpu.memory_space<hbm>>
    tpu.wait_indirect_dma semaphore(%arg30 : memref<!tpu.dma_semaphore, #tpu.memory_space<semaphore_mem>>) src(%dma_wait3A_209 : memref<1000x64xf32, #tpu.memory_space<hbm>>) dst(%arg19 : memref<128x64xf32, #tpu.memory_space<vmem>>)
    %dma_wait3A_210 = arith.constant 0 : i32
    %dma_wait3A_211 = arith.constant 0 : i32
    %dma_wait3A_212 = tpu.memref_slice %arg7[%dma_wait3A_210, %dma_wait3A_211] : memref<1000x64xf32, #tpu.memory_space<hbm>> -> memref<1000x64xf32, #tpu.memory_space<hbm>>
    tpu.wait_indirect_dma semaphore(%arg30 : memref<!tpu.dma_semaphore, #tpu.memory_space<semaphore_mem>>) src(%dma_wait3A_212 : memref<1000x64xf32, #tpu.memory_space<hbm>>) dst(%arg20 : memref<128x64xf32, #tpu.memory_space<vmem>>)
    %parallel_loop3A = arith.constant 0 : i32
    %parallel_loop3A_213 = arith.constant 128 : i32
    %parallel_loop3A_214 = arith.constant 1 : i32
    scf.for %parallel_loop3A_867 = %parallel_loop3A to %parallel_loop3A_213 step %parallel_loop3A_214  : i32 {
      %parallel_loop3A_868 = vector.broadcast %parallel_loop3A_867 : i32 to vector<16xi32>
      %parallel_loop3A_869 = arith.index_cast %parallel_loop3A_867 : i32 to index
      %parallel_loop3A_870 = arith.constant 0 : index
      %parallel_loop3A_871 = tpu.vector_load %arg18[%parallel_loop3A_869, %parallel_loop3A_870] {strides = array<i32>} : memref<128x64xf32, #tpu.memory_space<vmem>>, vector<16xf32>,
      %parallel_loop3A_872 = arith.index_cast %parallel_loop3A_867 : i32 to index
      %parallel_loop3A_873 = arith.constant 0 : index
      %parallel_loop3A_874 = tpu.vector_load %arg19[%parallel_loop3A_872, %parallel_loop3A_873] {strides = array<i32>} : memref<128x64xf32, #tpu.memory_space<vmem>>, vector<16xf32>,
      %parallel_loop3A_875 = arith.addf %parallel_loop3A_871, %parallel_loop3A_874 : vector<16xf32>
      %parallel_loop3A_876 = arith.index_cast %parallel_loop3A_867 : i32 to index
      %parallel_loop3A_877 = arith.constant 0 : index
      %parallel_loop3A_878 = tpu.vector_load %arg20[%parallel_loop3A_876, %parallel_loop3A_877] {strides = array<i32>} : memref<128x64xf32, #tpu.memory_space<vmem>>, vector<16xf32>,
      %parallel_loop3A_879 = arith.addf %parallel_loop3A_875, %parallel_loop3A_878 : vector<16xf32>
      tpu.vector_store_idx %arg27[%add3A_5, %parallel_loop3A_868], %parallel_loop3A_879 : memref<64x137xf32, #tpu.memory_space<vmem>>[vector<16xi32>, vector<16xi32>], vector<16xf32>,
      %parallel_loop3A_880 = arith.index_cast %parallel_loop3A_867 : i32 to index
      %parallel_loop3A_881 = arith.constant 16 : index
      %parallel_loop3A_882 = tpu.vector_load %arg18[%parallel_loop3A_880, %parallel_loop3A_881] {strides = array<i32>} : memref<128x64xf32, #tpu.memory_space<vmem>>, vector<16xf32>,
      %parallel_loop3A_883 = arith.index_cast %parallel_loop3A_867 : i32 to index
      %parallel_loop3A_884 = arith.constant 16 : index
      %parallel_loop3A_885 = tpu.vector_load %arg19[%parallel_loop3A_883, %parallel_loop3A_884] {strides = array<i32>} : memref<128x64xf32, #tpu.memory_space<vmem>>, vector<16xf32>,
      %parallel_loop3A_886 = arith.addf %parallel_loop3A_882, %parallel_loop3A_885 : vector<16xf32>
      %parallel_loop3A_887 = arith.index_cast %parallel_loop3A_867 : i32 to index
      %parallel_loop3A_888 = arith.constant 16 : index
      %parallel_loop3A_889 = tpu.vector_load %arg20[%parallel_loop3A_887, %parallel_loop3A_888] {strides = array<i32>} : memref<128x64xf32, #tpu.memory_space<vmem>>, vector<16xf32>,
      %parallel_loop3A_890 = arith.addf %parallel_loop3A_886, %parallel_loop3A_889 : vector<16xf32>
      tpu.vector_store_idx %arg27[%add3A_8, %parallel_loop3A_868], %parallel_loop3A_890 : memref<64x137xf32, #tpu.memory_space<vmem>>[vector<16xi32>, vector<16xi32>], vector<16xf32>,
      %parallel_loop3A_891 = arith.index_cast %parallel_loop3A_867 : i32 to index
      %parallel_loop3A_892 = arith.constant 32 : index
      %parallel_loop3A_893 = tpu.vector_load %arg18[%parallel_loop3A_891, %parallel_loop3A_892] {strides = array<i32>} : memref<128x64xf32, #tpu.memory_space<vmem>>, vector<16xf32>,
      %parallel_loop3A_894 = arith.index_cast %parallel_loop3A_867 : i32 to index
      %parallel_loop3A_895 = arith.constant 32 : index
      %parallel_loop3A_896 = tpu.vector_load %arg19[%parallel_loop3A_894, %parallel_loop3A_895] {strides = array<i32>} : memref<128x64xf32, #tpu.memory_space<vmem>>, vector<16xf32>,
      %parallel_loop3A_897 = arith.addf %parallel_loop3A_893, %parallel_loop3A_896 : vector<16xf32>
      %parallel_loop3A_898 = arith.index_cast %parallel_loop3A_867 : i32 to index
      %parallel_loop3A_899 = arith.constant 32 : index
      %parallel_loop3A_900 = tpu.vector_load %arg20[%parallel_loop3A_898, %parallel_loop3A_899] {strides = array<i32>} : memref<128x64xf32, #tpu.memory_space<vmem>>, vector<16xf32>,
      %parallel_loop3A_901 = arith.addf %parallel_loop3A_897, %parallel_loop3A_900 : vector<16xf32>
      tpu.vector_store_idx %arg27[%add3A_11, %parallel_loop3A_868], %parallel_loop3A_901 : memref<64x137xf32, #tpu.memory_space<vmem>>[vector<16xi32>, vector<16xi32>], vector<16xf32>,
      %parallel_loop3A_902 = arith.index_cast %parallel_loop3A_867 : i32 to index
      %parallel_loop3A_903 = arith.constant 48 : index
      %parallel_loop3A_904 = tpu.vector_load %arg18[%parallel_loop3A_902, %parallel_loop3A_903] {strides = array<i32>} : memref<128x64xf32, #tpu.memory_space<vmem>>, vector<16xf32>,
      %parallel_loop3A_905 = arith.index_cast %parallel_loop3A_867 : i32 to index
      %parallel_loop3A_906 = arith.constant 48 : index
      %parallel_loop3A_907 = tpu.vector_load %arg19[%parallel_loop3A_905, %parallel_loop3A_906] {strides = array<i32>} : memref<128x64xf32, #tpu.memory_space<vmem>>, vector<16xf32>,
      %parallel_loop3A_908 = arith.addf %parallel_loop3A_904, %parallel_loop3A_907 : vector<16xf32>
      %parallel_loop3A_909 = arith.index_cast %parallel_loop3A_867 : i32 to index
      %parallel_loop3A_910 = arith.constant 48 : index
      %parallel_loop3A_911 = tpu.vector_load %arg20[%parallel_loop3A_909, %parallel_loop3A_910] {strides = array<i32>} : memref<128x64xf32, #tpu.memory_space<vmem>>, vector<16xf32>,
      %parallel_loop3A_912 = arith.addf %parallel_loop3A_908, %parallel_loop3A_911 : vector<16xf32>
      tpu.vector_store_idx %arg27[%add3A_14, %parallel_loop3A_868], %parallel_loop3A_912 : memref<64x137xf32, #tpu.memory_space<vmem>>[vector<16xi32>, vector<16xi32>], vector<16xf32>,
    } {sc.loop_unroll_factor = 16 : i64, sc.parallel_access}
    %dma_start3A_215 = arith.constant 198 : i32
    %dma_start3A_216 = arith.constant 0 : i32
    %dma_start3A_217 = arith.constant 0 : i32
    %dma_start3A_218 = arith.constant 0 : i32
    %dma_start3A_219 = tpu.memref_slice %arg27[%dma_start3A_217, %dma_start3A_218] : memref<64x137xf32, #tpu.memory_space<vmem>> -> memref<8x128xf32, #tpu.memory_space<vmem>>
    %dma_start3A_220 = arith.constant 0 : i32
    %dma_start3A_221 = arith.constant 0 : i32
    %dma_start3A_222 = tpu.memref_slice %arg8[%dma_start3A_215, %dma_start3A_216, %add3A, %dma_start3A_220, %dma_start3A_221] : memref<200x8x32x8x128xf32, #tpu.memory_space<hbm>> -> memref<1x1x1x8x128xf32, #tpu.memory_space<hbm>>
    %dma_start3A_223 = tpu.memref_squeeze %dma_start3A_222 : memref<1x1x1x8x128xf32, #tpu.memory_space<hbm>> -> memref<8x128xf32, #tpu.memory_space<hbm>>
    %dma_start3A_224 = arith.constant 0 : i32
    %dma_start3A_225 = arith.constant 0 : i32
    %dma_start3A_226 = tpu.memref_slice %arg8[%dma_start3A_215, %dma_start3A_216, %add3A, %dma_start3A_224, %dma_start3A_225] : memref<200x8x32x8x128xf32, #tpu.memory_space<hbm>> -> memref<1x1x1x8x128xf32, #tpu.memory_space<hbm>>
    %dma_start3A_227 = tpu.memref_squeeze %dma_start3A_226 : memref<1x1x1x8x128xf32, #tpu.memory_space<hbm>> -> memref<8x128xf32, #tpu.memory_space<hbm>>
    %dma_start3A_228 = arith.constant 0 : i32
    %dma_start3A_229 = arith.constant 0 : i32
    %dma_start3A_230 = tpu.memref_slice %arg27[%dma_start3A_228, %dma_start3A_229] : memref<64x137xf32, #tpu.memory_space<vmem>> -> memref<8x128xf32, #tpu.memory_space<vmem>>
    tpu.enqueue_dma source(%dma_start3A_230 : memref<8x128xf32, #tpu.memory_space<vmem>>) target(%dma_start3A_227 : memref<8x128xf32, #tpu.memory_space<hbm>>) target_semaphore(%arg33 : memref<!tpu.dma_semaphore, #tpu.memory_space<semaphore_mem>>)
    %dma_start3A_231 = arith.constant 198 : i32
    %dma_start3A_232 = arith.constant 1 : i32
    %dma_start3A_233 = arith.constant 8 : i32
    %dma_start3A_234 = arith.constant 0 : i32
    %dma_start3A_235 = tpu.memref_slice %arg27[%dma_start3A_233, %dma_start3A_234] : memref<64x137xf32, #tpu.memory_space<vmem>> -> memref<8x128xf32, #tpu.memory_space<vmem>>
    %dma_start3A_236 = arith.constant 0 : i32
    %dma_start3A_237 = arith.constant 0 : i32
    %dma_start3A_238 = tpu.memref_slice %arg8[%dma_start3A_231, %dma_start3A_232, %add3A, %dma_start3A_236, %dma_start3A_237] : memref<200x8x32x8x128xf32, #tpu.memory_space<hbm>> -> memref<1x1x1x8x128xf32, #tpu.memory_space<hbm>>
    %dma_start3A_239 = tpu.memref_squeeze %dma_start3A_238 : memref<1x1x1x8x128xf32, #tpu.memory_space<hbm>> -> memref<8x128xf32, #tpu.memory_space<hbm>>
    %dma_start3A_240 = arith.constant 0 : i32
    %dma_start3A_241 = arith.constant 0 : i32
    %dma_start3A_242 = tpu.memref_slice %arg8[%dma_start3A_231, %dma_start3A_232, %add3A, %dma_start3A_240, %dma_start3A_241] : memref<200x8x32x8x128xf32, #tpu.memory_space<hbm>> -> memref<1x1x1x8x128xf32, #tpu.memory_space<hbm>>
    %dma_start3A_243 = tpu.memref_squeeze %dma_start3A_242 : memref<1x1x1x8x128xf32, #tpu.memory_space<hbm>> -> memref<8x128xf32, #tpu.memory_space<hbm>>
    %dma_start3A_244 = arith.constant 8 : i32
    %dma_start3A_245 = arith.constant 0 : i32
    %dma_start3A_246 = tpu.memref_slice %arg27[%dma_start3A_244, %dma_start3A_245] : memref<64x137xf32, #tpu.memory_space<vmem>> -> memref<8x128xf32, #tpu.memory_space<vmem>>
    tpu.enqueue_dma source(%dma_start3A_246 : memref<8x128xf32, #tpu.memory_space<vmem>>) target(%dma_start3A_243 : memref<8x128xf32, #tpu.memory_space<hbm>>) target_semaphore(%arg33 : memref<!tpu.dma_semaphore, #tpu.memory_space<semaphore_mem>>)
    %dma_start3A_247 = arith.constant 198 : i32
    %dma_start3A_248 = arith.constant 2 : i32
    %dma_start3A_249 = arith.constant 16 : i32
    %dma_start3A_250 = arith.constant 0 : i32
    %dma_start3A_251 = tpu.memref_slice %arg27[%dma_start3A_249, %dma_start3A_250] : memref<64x137xf32, #tpu.memory_space<vmem>> -> memref<8x128xf32, #tpu.memory_space<vmem>>
    %dma_start3A_252 = arith.constant 0 : i32
    %dma_start3A_253 = arith.constant 0 : i32
    %dma_start3A_254 = tpu.memref_slice %arg8[%dma_start3A_247, %dma_start3A_248, %add3A, %dma_start3A_252, %dma_start3A_253] : memref<200x8x32x8x128xf32, #tpu.memory_space<hbm>> -> memref<1x1x1x8x128xf32, #tpu.memory_space<hbm>>
    %dma_start3A_255 = tpu.memref_squeeze %dma_start3A_254 : memref<1x1x1x8x128xf32, #tpu.memory_space<hbm>> -> memref<8x128xf32, #tpu.memory_space<hbm>>
    %dma_start3A_256 = arith.constant 0 : i32
    %dma_start3A_257 = arith.constant 0 : i32
    %dma_start3A_258 = tpu.memref_slice %arg8[%dma_start3A_247, %dma_start3A_248, %add3A, %dma_start3A_256, %dma_start3A_257] : memref<200x8x32x8x128xf32, #tpu.memory_space<hbm>> -> memref<1x1x1x8x128xf32, #tpu.memory_space<hbm>>
    %dma_start3A_259 = tpu.memref_squeeze %dma_start3A_258 : memref<1x1x1x8x128xf32, #tpu.memory_space<hbm>> -> memref<8x128xf32, #tpu.memory_space<hbm>>
    %dma_start3A_260 = arith.constant 16 : i32
    %dma_start3A_261 = arith.constant 0 : i32
    %dma_start3A_262 = tpu.memref_slice %arg27[%dma_start3A_260, %dma_start3A_261] : memref<64x137xf32, #tpu.memory_space<vmem>> -> memref<8x128xf32, #tpu.memory_space<vmem>>
    tpu.enqueue_dma source(%dma_start3A_262 : memref<8x128xf32, #tpu.memory_space<vmem>>) target(%dma_start3A_259 : memref<8x128xf32, #tpu.memory_space<hbm>>) target_semaphore(%arg33 : memref<!tpu.dma_semaphore, #tpu.memory_space<semaphore_mem>>)
    %dma_start3A_263 = arith.constant 198 : i32
    %dma_start3A_264 = arith.constant 3 : i32
    %dma_start3A_265 = arith.constant 24 : i32
    %dma_start3A_266 = arith.constant 0 : i32
    %dma_start3A_267 = tpu.memref_slice %arg27[%dma_start3A_265, %dma_start3A_266] : memref<64x137xf32, #tpu.memory_space<vmem>> -> memref<8x128xf32, #tpu.memory_space<vmem>>
    %dma_start3A_268 = arith.constant 0 : i32
    %dma_start3A_269 = arith.constant 0 : i32
    %dma_start3A_270 = tpu.memref_slice %arg8[%dma_start3A_263, %dma_start3A_264, %add3A, %dma_start3A_268, %dma_start3A_269] : memref<200x8x32x8x128xf32, #tpu.memory_space<hbm>> -> memref<1x1x1x8x128xf32, #tpu.memory_space<hbm>>
    %dma_start3A_271 = tpu.memref_squeeze %dma_start3A_270 : memref<1x1x1x8x128xf32, #tpu.memory_space<hbm>> -> memref<8x128xf32, #tpu.memory_space<hbm>>
    %dma_start3A_272 = arith.constant 0 : i32
    %dma_start3A_273 = arith.constant 0 : i32
    %dma_start3A_274 = tpu.memref_slice %arg8[%dma_start3A_263, %dma_start3A_264, %add3A, %dma_start3A_272, %dma_start3A_273] : memref<200x8x32x8x128xf32, #tpu.memory_space<hbm>> -> memref<1x1x1x8x128xf32, #tpu.memory_space<hbm>>
    %dma_start3A_275 = tpu.memref_squeeze %dma_start3A_274 : memref<1x1x1x8x128xf32, #tpu.memory_space<hbm>> -> memref<8x128xf32, #tpu.memory_space<hbm>>
    %dma_start3A_276 = arith.constant 24 : i32
    %dma_start3A_277 = arith.constant 0 : i32
    %dma_start3A_278 = tpu.memref_slice %arg27[%dma_start3A_276, %dma_start3A_277] : memref<64x137xf32, #tpu.memory_space<vmem>> -> memref<8x128xf32, #tpu.memory_space<vmem>>
    tpu.enqueue_dma source(%dma_start3A_278 : memref<8x128xf32, #tpu.memory_space<vmem>>) target(%dma_start3A_275 : memref<8x128xf32, #tpu.memory_space<hbm>>) target_semaphore(%arg33 : memref<!tpu.dma_semaphore, #tpu.memory_space<semaphore_mem>>)
    %dma_start3A_279 = arith.constant 198 : i32
    %dma_start3A_280 = arith.constant 4 : i32
    %dma_start3A_281 = arith.constant 32 : i32
    %dma_start3A_282 = arith.constant 0 : i32
    %dma_start3A_283 = tpu.memref_slice %arg27[%dma_start3A_281, %dma_start3A_282] : memref<64x137xf32, #tpu.memory_space<vmem>> -> memref<8x128xf32, #tpu.memory_space<vmem>>
    %dma_start3A_284 = arith.constant 0 : i32
    %dma_start3A_285 = arith.constant 0 : i32
    %dma_start3A_286 = tpu.memref_slice %arg8[%dma_start3A_279, %dma_start3A_280, %add3A, %dma_start3A_284, %dma_start3A_285] : memref<200x8x32x8x128xf32, #tpu.memory_space<hbm>> -> memref<1x1x1x8x128xf32, #tpu.memory_space<hbm>>
    %dma_start3A_287 = tpu.memref_squeeze %dma_start3A_286 : memref<1x1x1x8x128xf32, #tpu.memory_space<hbm>> -> memref<8x128xf32, #tpu.memory_space<hbm>>
    %dma_start3A_288 = arith.constant 0 : i32
    %dma_start3A_289 = arith.constant 0 : i32
    %dma_start3A_290 = tpu.memref_slice %arg8[%dma_start3A_279, %dma_start3A_280, %add3A, %dma_start3A_288, %dma_start3A_289] : memref<200x8x32x8x128xf32, #tpu.memory_space<hbm>> -> memref<1x1x1x8x128xf32, #tpu.memory_space<hbm>>
    %dma_start3A_291 = tpu.memref_squeeze %dma_start3A_290 : memref<1x1x1x8x128xf32, #tpu.memory_space<hbm>> -> memref<8x128xf32, #tpu.memory_space<hbm>>
    %dma_start3A_292 = arith.constant 32 : i32
    %dma_start3A_293 = arith.constant 0 : i32
    %dma_start3A_294 = tpu.memref_slice %arg27[%dma_start3A_292, %dma_start3A_293] : memref<64x137xf32, #tpu.memory_space<vmem>> -> memref<8x128xf32, #tpu.memory_space<vmem>>
    tpu.enqueue_dma source(%dma_start3A_294 : memref<8x128xf32, #tpu.memory_space<vmem>>) target(%dma_start3A_291 : memref<8x128xf32, #tpu.memory_space<hbm>>) target_semaphore(%arg33 : memref<!tpu.dma_semaphore, #tpu.memory_space<semaphore_mem>>)
    %dma_start3A_295 = arith.constant 198 : i32
    %dma_start3A_296 = arith.constant 5 : i32
    %dma_start3A_297 = arith.constant 40 : i32
    %dma_start3A_298 = arith.constant 0 : i32
    %dma_start3A_299 = tpu.memref_slice %arg27[%dma_start3A_297, %dma_start3A_298] : memref<64x137xf32, #tpu.memory_space<vmem>> -> memref<8x128xf32, #tpu.memory_space<vmem>>
    %dma_start3A_300 = arith.constant 0 : i32
    %dma_start3A_301 = arith.constant 0 : i32
    %dma_start3A_302 = tpu.memref_slice %arg8[%dma_start3A_295, %dma_start3A_296, %add3A, %dma_start3A_300, %dma_start3A_301] : memref<200x8x32x8x128xf32, #tpu.memory_space<hbm>> -> memref<1x1x1x8x128xf32, #tpu.memory_space<hbm>>
    %dma_start3A_303 = tpu.memref_squeeze %dma_start3A_302 : memref<1x1x1x8x128xf32, #tpu.memory_space<hbm>> -> memref<8x128xf32, #tpu.memory_space<hbm>>
    %dma_start3A_304 = arith.constant 0 : i32
    %dma_start3A_305 = arith.constant 0 : i32
    %dma_start3A_306 = tpu.memref_slice %arg8[%dma_start3A_295, %dma_start3A_296, %add3A, %dma_start3A_304, %dma_start3A_305] : memref<200x8x32x8x128xf32, #tpu.memory_space<hbm>> -> memref<1x1x1x8x128xf32, #tpu.memory_space<hbm>>
    %dma_start3A_307 = tpu.memref_squeeze %dma_start3A_306 : memref<1x1x1x8x128xf32, #tpu.memory_space<hbm>> -> memref<8x128xf32, #tpu.memory_space<hbm>>
    %dma_start3A_308 = arith.constant 40 : i32
    %dma_start3A_309 = arith.constant 0 : i32
    %dma_start3A_310 = tpu.memref_slice %arg27[%dma_start3A_308, %dma_start3A_309] : memref<64x137xf32, #tpu.memory_space<vmem>> -> memref<8x128xf32, #tpu.memory_space<vmem>>
    tpu.enqueue_dma source(%dma_start3A_310 : memref<8x128xf32, #tpu.memory_space<vmem>>) target(%dma_start3A_307 : memref<8x128xf32, #tpu.memory_space<hbm>>) target_semaphore(%arg33 : memref<!tpu.dma_semaphore, #tpu.memory_space<semaphore_mem>>)
    %dma_start3A_311 = arith.constant 198 : i32
    %dma_start3A_312 = arith.constant 6 : i32
    %dma_start3A_313 = arith.constant 48 : i32
    %dma_start3A_314 = arith.constant 0 : i32
    %dma_start3A_315 = tpu.memref_slice %arg27[%dma_start3A_313, %dma_start3A_314] : memref<64x137xf32, #tpu.memory_space<vmem>> -> memref<8x128xf32, #tpu.memory_space<vmem>>
    %dma_start3A_316 = arith.constant 0 : i32
    %dma_start3A_317 = arith.constant 0 : i32
    %dma_start3A_318 = tpu.memref_slice %arg8[%dma_start3A_311, %dma_start3A_312, %add3A, %dma_start3A_316, %dma_start3A_317] : memref<200x8x32x8x128xf32, #tpu.memory_space<hbm>> -> memref<1x1x1x8x128xf32, #tpu.memory_space<hbm>>
    %dma_start3A_319 = tpu.memref_squeeze %dma_start3A_318 : memref<1x1x1x8x128xf32, #tpu.memory_space<hbm>> -> memref<8x128xf32, #tpu.memory_space<hbm>>
    %dma_start3A_320 = arith.constant 0 : i32
    %dma_start3A_321 = arith.constant 0 : i32
    %dma_start3A_322 = tpu.memref_slice %arg8[%dma_start3A_311, %dma_start3A_312, %add3A, %dma_start3A_320, %dma_start3A_321] : memref<200x8x32x8x128xf32, #tpu.memory_space<hbm>> -> memref<1x1x1x8x128xf32, #tpu.memory_space<hbm>>
    %dma_start3A_323 = tpu.memref_squeeze %dma_start3A_322 : memref<1x1x1x8x128xf32, #tpu.memory_space<hbm>> -> memref<8x128xf32, #tpu.memory_space<hbm>>
    %dma_start3A_324 = arith.constant 48 : i32
    %dma_start3A_325 = arith.constant 0 : i32
    %dma_start3A_326 = tpu.memref_slice %arg27[%dma_start3A_324, %dma_start3A_325] : memref<64x137xf32, #tpu.memory_space<vmem>> -> memref<8x128xf32, #tpu.memory_space<vmem>>
    tpu.enqueue_dma source(%dma_start3A_326 : memref<8x128xf32, #tpu.memory_space<vmem>>) target(%dma_start3A_323 : memref<8x128xf32, #tpu.memory_space<hbm>>) target_semaphore(%arg33 : memref<!tpu.dma_semaphore, #tpu.memory_space<semaphore_mem>>)
    %dma_start3A_327 = arith.constant 198 : i32
    %dma_start3A_328 = arith.constant 7 : i32
    %dma_start3A_329 = arith.constant 56 : i32
    %dma_start3A_330 = arith.constant 0 : i32
    %dma_start3A_331 = tpu.memref_slice %arg27[%dma_start3A_329, %dma_start3A_330] : memref<64x137xf32, #tpu.memory_space<vmem>> -> memref<8x128xf32, #tpu.memory_space<vmem>>
    %dma_start3A_332 = arith.constant 0 : i32
    %dma_start3A_333 = arith.constant 0 : i32
    %dma_start3A_334 = tpu.memref_slice %arg8[%dma_start3A_327, %dma_start3A_328, %add3A, %dma_start3A_332, %dma_start3A_333] : memref<200x8x32x8x128xf32, #tpu.memory_space<hbm>> -> memref<1x1x1x8x128xf32, #tpu.memory_space<hbm>>
    %dma_start3A_335 = tpu.memref_squeeze %dma_start3A_334 : memref<1x1x1x8x128xf32, #tpu.memory_space<hbm>> -> memref<8x128xf32, #tpu.memory_space<hbm>>
    %dma_start3A_336 = arith.constant 0 : i32
    %dma_start3A_337 = arith.constant 0 : i32
    %dma_start3A_338 = tpu.memref_slice %arg8[%dma_start3A_327, %dma_start3A_328, %add3A, %dma_start3A_336, %dma_start3A_337] : memref<200x8x32x8x128xf32, #tpu.memory_space<hbm>> -> memref<1x1x1x8x128xf32, #tpu.memory_space<hbm>>
    %dma_start3A_339 = tpu.memref_squeeze %dma_start3A_338 : memref<1x1x1x8x128xf32, #tpu.memory_space<hbm>> -> memref<8x128xf32, #tpu.memory_space<hbm>>
    %dma_start3A_340 = arith.constant 56 : i32
    %dma_start3A_341 = arith.constant 0 : i32
    %dma_start3A_342 = tpu.memref_slice %arg27[%dma_start3A_340, %dma_start3A_341] : memref<64x137xf32, #tpu.memory_space<vmem>> -> memref<8x128xf32, #tpu.memory_space<vmem>>
    tpu.enqueue_dma source(%dma_start3A_342 : memref<8x128xf32, #tpu.memory_space<vmem>>) target(%dma_start3A_339 : memref<8x128xf32, #tpu.memory_space<hbm>>) target_semaphore(%arg33 : memref<!tpu.dma_semaphore, #tpu.memory_space<semaphore_mem>>)
    %dma_wait3A_343 = arith.constant 0 : i32
    %dma_wait3A_344 = arith.constant 0 : i32
    %dma_wait3A_345 = arith.constant 0 : i32
    %dma_wait3A_346 = arith.constant 0 : i32
    %dma_wait3A_347 = tpu.memref_slice %arg29[%dma_wait3A_345, %dma_wait3A_346] : memref<64x137xf32, #tpu.memory_space<vmem>> -> memref<8x128xf32, #tpu.memory_space<vmem>>
    %dma_wait3A_348 = arith.constant 0 : i32
    %dma_wait3A_349 = arith.constant 0 : i32
    %dma_wait3A_350 = tpu.memref_slice %arg8[%dma_wait3A_343, %dma_wait3A_344, %add3A, %dma_wait3A_348, %dma_wait3A_349] : memref<200x8x32x8x128xf32, #tpu.memory_space<hbm>> -> memref<1x1x1x8x128xf32, #tpu.memory_space<hbm>>
    %dma_wait3A_351 = tpu.memref_squeeze %dma_wait3A_350 : memref<1x1x1x8x128xf32, #tpu.memory_space<hbm>> -> memref<8x128xf32, #tpu.memory_space<hbm>>
    %dma_wait3A_352 = arith.constant 0 : i32
    %dma_wait3A_353 = arith.constant 0 : i32
    %dma_wait3A_354 = tpu.memref_slice %arg8[%dma_wait3A_343, %dma_wait3A_344, %add3A, %dma_wait3A_352, %dma_wait3A_353] : memref<200x8x32x8x128xf32, #tpu.memory_space<hbm>> -> memref<1x1x1x8x128xf32, #tpu.memory_space<hbm>>
    %dma_wait3A_355 = tpu.memref_squeeze %dma_wait3A_354 : memref<1x1x1x8x128xf32, #tpu.memory_space<hbm>> -> memref<8x128xf32, #tpu.memory_space<hbm>>
    %dma_wait3A_356 = arith.constant 0 : i32
    %dma_wait3A_357 = arith.constant 0 : i32
    %dma_wait3A_358 = tpu.memref_slice %arg29[%dma_wait3A_356, %dma_wait3A_357] : memref<64x137xf32, #tpu.memory_space<vmem>> -> memref<8x128xf32, #tpu.memory_space<vmem>>
    tpu.wait_dma2 semaphore(%arg35 : memref<!tpu.dma_semaphore, #tpu.memory_space<semaphore_mem>>) src(%dma_wait3A_358 : memref<8x128xf32, #tpu.memory_space<vmem>>) dst(%dma_wait3A_355 : memref<8x128xf32, #tpu.memory_space<hbm>>)
    %dma_wait3A_359 = arith.constant 0 : i32
    %dma_wait3A_360 = arith.constant 0 : i32
    %dma_wait3A_361 = arith.constant 0 : i32
    %dma_wait3A_362 = arith.constant 0 : i32
    %dma_wait3A_363 = tpu.memref_slice %arg29[%dma_wait3A_361, %dma_wait3A_362] : memref<64x137xf32, #tpu.memory_space<vmem>> -> memref<8x128xf32, #tpu.memory_space<vmem>>
    %dma_wait3A_364 = arith.constant 0 : i32
    %dma_wait3A_365 = arith.constant 0 : i32
    %dma_wait3A_366 = tpu.memref_slice %arg8[%dma_wait3A_359, %dma_wait3A_360, %add3A, %dma_wait3A_364, %dma_wait3A_365] : memref<200x8x32x8x128xf32, #tpu.memory_space<hbm>> -> memref<1x1x1x8x128xf32, #tpu.memory_space<hbm>>
    %dma_wait3A_367 = tpu.memref_squeeze %dma_wait3A_366 : memref<1x1x1x8x128xf32, #tpu.memory_space<hbm>> -> memref<8x128xf32, #tpu.memory_space<hbm>>
    %dma_wait3A_368 = arith.constant 0 : i32
    %dma_wait3A_369 = arith.constant 0 : i32
    %dma_wait3A_370 = tpu.memref_slice %arg8[%dma_wait3A_359, %dma_wait3A_360, %add3A, %dma_wait3A_368, %dma_wait3A_369] : memref<200x8x32x8x128xf32, #tpu.memory_space<hbm>> -> memref<1x1x1x8x128xf32, #tpu.memory_space<hbm>>
    %dma_wait3A_371 = tpu.memref_squeeze %dma_wait3A_370 : memref<1x1x1x8x128xf32, #tpu.memory_space<hbm>> -> memref<8x128xf32, #tpu.memory_space<hbm>>
    %dma_wait3A_372 = arith.constant 0 : i32
    %dma_wait3A_373 = arith.constant 0 : i32
    %dma_wait3A_374 = tpu.memref_slice %arg29[%dma_wait3A_372, %dma_wait3A_373] : memref<64x137xf32, #tpu.memory_space<vmem>> -> memref<8x128xf32, #tpu.memory_space<vmem>>
    tpu.wait_dma2 semaphore(%arg35 : memref<!tpu.dma_semaphore, #tpu.memory_space<semaphore_mem>>) src(%dma_wait3A_374 : memref<8x128xf32, #tpu.memory_space<vmem>>) dst(%dma_wait3A_371 : memref<8x128xf32, #tpu.memory_space<hbm>>)
    %dma_wait3A_375 = arith.constant 0 : i32
    %dma_wait3A_376 = arith.constant 0 : i32
    %dma_wait3A_377 = arith.constant 0 : i32
    %dma_wait3A_378 = arith.constant 0 : i32
    %dma_wait3A_379 = tpu.memref_slice %arg29[%dma_wait3A_377, %dma_wait3A_378] : memref<64x137xf32, #tpu.memory_space<vmem>> -> memref<8x128xf32, #tpu.memory_space<vmem>>
    %dma_wait3A_380 = arith.constant 0 : i32
    %dma_wait3A_381 = arith.constant 0 : i32
    %dma_wait3A_382 = tpu.memref_slice %arg8[%dma_wait3A_375, %dma_wait3A_376, %add3A, %dma_wait3A_380, %dma_wait3A_381] : memref<200x8x32x8x128xf32, #tpu.memory_space<hbm>> -> memref<1x1x1x8x128xf32, #tpu.memory_space<hbm>>
    %dma_wait3A_383 = tpu.memref_squeeze %dma_wait3A_382 : memref<1x1x1x8x128xf32, #tpu.memory_space<hbm>> -> memref<8x128xf32, #tpu.memory_space<hbm>>
    %dma_wait3A_384 = arith.constant 0 : i32
    %dma_wait3A_385 = arith.constant 0 : i32
    %dma_wait3A_386 = tpu.memref_slice %arg8[%dma_wait3A_375, %dma_wait3A_376, %add3A, %dma_wait3A_384, %dma_wait3A_385] : memref<200x8x32x8x128xf32, #tpu.memory_space<hbm>> -> memref<1x1x1x8x128xf32, #tpu.memory_space<hbm>>
    %dma_wait3A_387 = tpu.memref_squeeze %dma_wait3A_386 : memref<1x1x1x8x128xf32, #tpu.memory_space<hbm>> -> memref<8x128xf32, #tpu.memory_space<hbm>>
    %dma_wait3A_388 = arith.constant 0 : i32
    %dma_wait3A_389 = arith.constant 0 : i32
    %dma_wait3A_390 = tpu.memref_slice %arg29[%dma_wait3A_388, %dma_wait3A_389] : memref<64x137xf32, #tpu.memory_space<vmem>> -> memref<8x128xf32, #tpu.memory_space<vmem>>
    tpu.wait_dma2 semaphore(%arg35 : memref<!tpu.dma_semaphore, #tpu.memory_space<semaphore_mem>>) src(%dma_wait3A_390 : memref<8x128xf32, #tpu.memory_space<vmem>>) dst(%dma_wait3A_387 : memref<8x128xf32, #tpu.memory_space<hbm>>)
    %dma_wait3A_391 = arith.constant 0 : i32
    %dma_wait3A_392 = arith.constant 0 : i32
    %dma_wait3A_393 = arith.constant 0 : i32
    %dma_wait3A_394 = arith.constant 0 : i32
    %dma_wait3A_395 = tpu.memref_slice %arg29[%dma_wait3A_393, %dma_wait3A_394] : memref<64x137xf32, #tpu.memory_space<vmem>> -> memref<8x128xf32, #tpu.memory_space<vmem>>
    %dma_wait3A_396 = arith.constant 0 : i32
    %dma_wait3A_397 = arith.constant 0 : i32
    %dma_wait3A_398 = tpu.memref_slice %arg8[%dma_wait3A_391, %dma_wait3A_392, %add3A, %dma_wait3A_396, %dma_wait3A_397] : memref<200x8x32x8x128xf32, #tpu.memory_space<hbm>> -> memref<1x1x1x8x128xf32, #tpu.memory_space<hbm>>
    %dma_wait3A_399 = tpu.memref_squeeze %dma_wait3A_398 : memref<1x1x1x8x128xf32, #tpu.memory_space<hbm>> -> memref<8x128xf32, #tpu.memory_space<hbm>>
    %dma_wait3A_400 = arith.constant 0 : i32
    %dma_wait3A_401 = arith.constant 0 : i32
    %dma_wait3A_402 = tpu.memref_slice %arg8[%dma_wait3A_391, %dma_wait3A_392, %add3A, %dma_wait3A_400, %dma_wait3A_401] : memref<200x8x32x8x128xf32, #tpu.memory_space<hbm>> -> memref<1x1x1x8x128xf32, #tpu.memory_space<hbm>>
    %dma_wait3A_403 = tpu.memref_squeeze %dma_wait3A_402 : memref<1x1x1x8x128xf32, #tpu.memory_space<hbm>> -> memref<8x128xf32, #tpu.memory_space<hbm>>
    %dma_wait3A_404 = arith.constant 0 : i32
    %dma_wait3A_405 = arith.constant 0 : i32
    %dma_wait3A_406 = tpu.memref_slice %arg29[%dma_wait3A_404, %dma_wait3A_405] : memref<64x137xf32, #tpu.memory_space<vmem>> -> memref<8x128xf32, #tpu.memory_space<vmem>>
    tpu.wait_dma2 semaphore(%arg35 : memref<!tpu.dma_semaphore, #tpu.memory_space<semaphore_mem>>) src(%dma_wait3A_406 : memref<8x128xf32, #tpu.memory_space<vmem>>) dst(%dma_wait3A_403 : memref<8x128xf32, #tpu.memory_space<hbm>>)
    %dma_wait3A_407 = arith.constant 0 : i32
    %dma_wait3A_408 = arith.constant 0 : i32
    %dma_wait3A_409 = arith.constant 0 : i32
    %dma_wait3A_410 = arith.constant 0 : i32
    %dma_wait3A_411 = tpu.memref_slice %arg29[%dma_wait3A_409, %dma_wait3A_410] : memref<64x137xf32, #tpu.memory_space<vmem>> -> memref<8x128xf32, #tpu.memory_space<vmem>>
    %dma_wait3A_412 = arith.constant 0 : i32
    %dma_wait3A_413 = arith.constant 0 : i32
    %dma_wait3A_414 = tpu.memref_slice %arg8[%dma_wait3A_407, %dma_wait3A_408, %add3A, %dma_wait3A_412, %dma_wait3A_413] : memref<200x8x32x8x128xf32, #tpu.memory_space<hbm>> -> memref<1x1x1x8x128xf32, #tpu.memory_space<hbm>>
    %dma_wait3A_415 = tpu.memref_squeeze %dma_wait3A_414 : memref<1x1x1x8x128xf32, #tpu.memory_space<hbm>> -> memref<8x128xf32, #tpu.memory_space<hbm>>
    %dma_wait3A_416 = arith.constant 0 : i32
    %dma_wait3A_417 = arith.constant 0 : i32
    %dma_wait3A_418 = tpu.memref_slice %arg8[%dma_wait3A_407, %dma_wait3A_408, %add3A, %dma_wait3A_416, %dma_wait3A_417] : memref<200x8x32x8x128xf32, #tpu.memory_space<hbm>> -> memref<1x1x1x8x128xf32, #tpu.memory_space<hbm>>
    %dma_wait3A_419 = tpu.memref_squeeze %dma_wait3A_418 : memref<1x1x1x8x128xf32, #tpu.memory_space<hbm>> -> memref<8x128xf32, #tpu.memory_space<hbm>>
    %dma_wait3A_420 = arith.constant 0 : i32
    %dma_wait3A_421 = arith.constant 0 : i32
    %dma_wait3A_422 = tpu.memref_slice %arg29[%dma_wait3A_420, %dma_wait3A_421] : memref<64x137xf32, #tpu.memory_space<vmem>> -> memref<8x128xf32, #tpu.memory_space<vmem>>
    tpu.wait_dma2 semaphore(%arg35 : memref<!tpu.dma_semaphore, #tpu.memory_space<semaphore_mem>>) src(%dma_wait3A_422 : memref<8x128xf32, #tpu.memory_space<vmem>>) dst(%dma_wait3A_419 : memref<8x128xf32, #tpu.memory_space<hbm>>)
    %dma_wait3A_423 = arith.constant 0 : i32
    %dma_wait3A_424 = arith.constant 0 : i32
    %dma_wait3A_425 = arith.constant 0 : i32
    %dma_wait3A_426 = arith.constant 0 : i32
    %dma_wait3A_427 = tpu.memref_slice %arg29[%dma_wait3A_425, %dma_wait3A_426] : memref<64x137xf32, #tpu.memory_space<vmem>> -> memref<8x128xf32, #tpu.memory_space<vmem>>
    %dma_wait3A_428 = arith.constant 0 : i32
    %dma_wait3A_429 = arith.constant 0 : i32
    %dma_wait3A_430 = tpu.memref_slice %arg8[%dma_wait3A_423, %dma_wait3A_424, %add3A, %dma_wait3A_428, %dma_wait3A_429] : memref<200x8x32x8x128xf32, #tpu.memory_space<hbm>> -> memref<1x1x1x8x128xf32, #tpu.memory_space<hbm>>
    %dma_wait3A_431 = tpu.memref_squeeze %dma_wait3A_430 : memref<1x1x1x8x128xf32, #tpu.memory_space<hbm>> -> memref<8x128xf32, #tpu.memory_space<hbm>>
    %dma_wait3A_432 = arith.constant 0 : i32
    %dma_wait3A_433 = arith.constant 0 : i32
    %dma_wait3A_434 = tpu.memref_slice %arg8[%dma_wait3A_423, %dma_wait3A_424, %add3A, %dma_wait3A_432, %dma_wait3A_433] : memref<200x8x32x8x128xf32, #tpu.memory_space<hbm>> -> memref<1x1x1x8x128xf32, #tpu.memory_space<hbm>>
    %dma_wait3A_435 = tpu.memref_squeeze %dma_wait3A_434 : memref<1x1x1x8x128xf32, #tpu.memory_space<hbm>> -> memref<8x128xf32, #tpu.memory_space<hbm>>
    %dma_wait3A_436 = arith.constant 0 : i32
    %dma_wait3A_437 = arith.constant 0 : i32
    %dma_wait3A_438 = tpu.memref_slice %arg29[%dma_wait3A_436, %dma_wait3A_437] : memref<64x137xf32, #tpu.memory_space<vmem>> -> memref<8x128xf32, #tpu.memory_space<vmem>>
    tpu.wait_dma2 semaphore(%arg35 : memref<!tpu.dma_semaphore, #tpu.memory_space<semaphore_mem>>) src(%dma_wait3A_438 : memref<8x128xf32, #tpu.memory_space<vmem>>) dst(%dma_wait3A_435 : memref<8x128xf32, #tpu.memory_space<hbm>>)
    %dma_wait3A_439 = arith.constant 0 : i32
    %dma_wait3A_440 = arith.constant 0 : i32
    %dma_wait3A_441 = arith.constant 0 : i32
    %dma_wait3A_442 = arith.constant 0 : i32
    %dma_wait3A_443 = tpu.memref_slice %arg29[%dma_wait3A_441, %dma_wait3A_442] : memref<64x137xf32, #tpu.memory_space<vmem>> -> memref<8x128xf32, #tpu.memory_space<vmem>>
    %dma_wait3A_444 = arith.constant 0 : i32
    %dma_wait3A_445 = arith.constant 0 : i32
    %dma_wait3A_446 = tpu.memref_slice %arg8[%dma_wait3A_439, %dma_wait3A_440, %add3A, %dma_wait3A_444, %dma_wait3A_445] : memref<200x8x32x8x128xf32, #tpu.memory_space<hbm>> -> memref<1x1x1x8x128xf32, #tpu.memory_space<hbm>>
    %dma_wait3A_447 = tpu.memref_squeeze %dma_wait3A_446 : memref<1x1x1x8x128xf32, #tpu.memory_space<hbm>> -> memref<8x128xf32, #tpu.memory_space<hbm>>
    %dma_wait3A_448 = arith.constant 0 : i32
    %dma_wait3A_449 = arith.constant 0 : i32
    %dma_wait3A_450 = tpu.memref_slice %arg8[%dma_wait3A_439, %dma_wait3A_440, %add3A, %dma_wait3A_448, %dma_wait3A_449] : memref<200x8x32x8x128xf32, #tpu.memory_space<hbm>> -> memref<1x1x1x8x128xf32, #tpu.memory_space<hbm>>
    %dma_wait3A_451 = tpu.memref_squeeze %dma_wait3A_450 : memref<1x1x1x8x128xf32, #tpu.memory_space<hbm>> -> memref<8x128xf32, #tpu.memory_space<hbm>>
    %dma_wait3A_452 = arith.constant 0 : i32
    %dma_wait3A_453 = arith.constant 0 : i32
    %dma_wait3A_454 = tpu.memref_slice %arg29[%dma_wait3A_452, %dma_wait3A_453] : memref<64x137xf32, #tpu.memory_space<vmem>> -> memref<8x128xf32, #tpu.memory_space<vmem>>
    tpu.wait_dma2 semaphore(%arg35 : memref<!tpu.dma_semaphore, #tpu.memory_space<semaphore_mem>>) src(%dma_wait3A_454 : memref<8x128xf32, #tpu.memory_space<vmem>>) dst(%dma_wait3A_451 : memref<8x128xf32, #tpu.memory_space<hbm>>)
    %dma_wait3A_455 = arith.constant 0 : i32
    %dma_wait3A_456 = arith.constant 0 : i32
    %dma_wait3A_457 = arith.constant 0 : i32
    %dma_wait3A_458 = arith.constant 0 : i32
    %dma_wait3A_459 = tpu.memref_slice %arg29[%dma_wait3A_457, %dma_wait3A_458] : memref<64x137xf32, #tpu.memory_space<vmem>> -> memref<8x128xf32, #tpu.memory_space<vmem>>
    %dma_wait3A_460 = arith.constant 0 : i32
    %dma_wait3A_461 = arith.constant 0 : i32
    %dma_wait3A_462 = tpu.memref_slice %arg8[%dma_wait3A_455, %dma_wait3A_456, %add3A, %dma_wait3A_460, %dma_wait3A_461] : memref<200x8x32x8x128xf32, #tpu.memory_space<hbm>> -> memref<1x1x1x8x128xf32, #tpu.memory_space<hbm>>
    %dma_wait3A_463 = tpu.memref_squeeze %dma_wait3A_462 : memref<1x1x1x8x128xf32, #tpu.memory_space<hbm>> -> memref<8x128xf32, #tpu.memory_space<hbm>>
    %dma_wait3A_464 = arith.constant 0 : i32
    %dma_wait3A_465 = arith.constant 0 : i32
    %dma_wait3A_466 = tpu.memref_slice %arg8[%dma_wait3A_455, %dma_wait3A_456, %add3A, %dma_wait3A_464, %dma_wait3A_465] : memref<200x8x32x8x128xf32, #tpu.memory_space<hbm>> -> memref<1x1x1x8x128xf32, #tpu.memory_space<hbm>>
    %dma_wait3A_467 = tpu.memref_squeeze %dma_wait3A_466 : memref<1x1x1x8x128xf32, #tpu.memory_space<hbm>> -> memref<8x128xf32, #tpu.memory_space<hbm>>
    %dma_wait3A_468 = arith.constant 0 : i32
    %dma_wait3A_469 = arith.constant 0 : i32
    %dma_wait3A_470 = tpu.memref_slice %arg29[%dma_wait3A_468, %dma_wait3A_469] : memref<64x137xf32, #tpu.memory_space<vmem>> -> memref<8x128xf32, #tpu.memory_space<vmem>>
    tpu.wait_dma2 semaphore(%arg35 : memref<!tpu.dma_semaphore, #tpu.memory_space<semaphore_mem>>) src(%dma_wait3A_470 : memref<8x128xf32, #tpu.memory_space<vmem>>) dst(%dma_wait3A_467 : memref<8x128xf32, #tpu.memory_space<hbm>>)
    %dma_wait3A_471 = arith.constant 0 : i32
    %dma_wait3A_472 = arith.constant 0 : i32
    %dma_wait3A_473 = tpu.memref_slice %arg5[%dma_wait3A_471, %dma_wait3A_472] : memref<100000x64xf32, #tpu.memory_space<hbm>> -> memref<100000x64xf32, #tpu.memory_space<hbm>>
    tpu.wait_indirect_dma semaphore(%arg31 : memref<!tpu.dma_semaphore, #tpu.memory_space<semaphore_mem>>) src(%dma_wait3A_473 : memref<100000x64xf32, #tpu.memory_space<hbm>>) dst(%arg21 : memref<128x64xf32, #tpu.memory_space<vmem>>)
    %dma_wait3A_474 = arith.constant 0 : i32
    %dma_wait3A_475 = arith.constant 0 : i32
    %dma_wait3A_476 = tpu.memref_slice %arg6[%dma_wait3A_474, %dma_wait3A_475] : memref<1000x64xf32, #tpu.memory_space<hbm>> -> memref<1000x64xf32, #tpu.memory_space<hbm>>
    tpu.wait_indirect_dma semaphore(%arg31 : memref<!tpu.dma_semaphore, #tpu.memory_space<semaphore_mem>>) src(%dma_wait3A_476 : memref<1000x64xf32, #tpu.memory_space<hbm>>) dst(%arg22 : memref<128x64xf32, #tpu.memory_space<vmem>>)
    %dma_wait3A_477 = arith.constant 0 : i32
    %dma_wait3A_478 = arith.constant 0 : i32
    %dma_wait3A_479 = tpu.memref_slice %arg7[%dma_wait3A_477, %dma_wait3A_478] : memref<1000x64xf32, #tpu.memory_space<hbm>> -> memref<1000x64xf32, #tpu.memory_space<hbm>>
    tpu.wait_indirect_dma semaphore(%arg31 : memref<!tpu.dma_semaphore, #tpu.memory_space<semaphore_mem>>) src(%dma_wait3A_479 : memref<1000x64xf32, #tpu.memory_space<hbm>>) dst(%arg23 : memref<128x64xf32, #tpu.memory_space<vmem>>)
    %parallel_loop3A_480 = arith.constant 0 : i32
    %parallel_loop3A_481 = arith.constant 128 : i32
    %parallel_loop3A_482 = arith.constant 1 : i32
    scf.for %parallel_loop3A_867 = %parallel_loop3A_480 to %parallel_loop3A_481 step %parallel_loop3A_482  : i32 {
      %parallel_loop3A_868 = vector.broadcast %parallel_loop3A_867 : i32 to vector<16xi32>
      %parallel_loop3A_869 = arith.index_cast %parallel_loop3A_867 : i32 to index
      %parallel_loop3A_870 = arith.constant 0 : index
      %parallel_loop3A_871 = tpu.vector_load %arg21[%parallel_loop3A_869, %parallel_loop3A_870] {strides = array<i32>} : memref<128x64xf32, #tpu.memory_space<vmem>>, vector<16xf32>,
      %parallel_loop3A_872 = arith.index_cast %parallel_loop3A_867 : i32 to index
      %parallel_loop3A_873 = arith.constant 0 : index
      %parallel_loop3A_874 = tpu.vector_load %arg22[%parallel_loop3A_872, %parallel_loop3A_873] {strides = array<i32>} : memref<128x64xf32, #tpu.memory_space<vmem>>, vector<16xf32>,
      %parallel_loop3A_875 = arith.addf %parallel_loop3A_871, %parallel_loop3A_874 : vector<16xf32>
      %parallel_loop3A_876 = arith.index_cast %parallel_loop3A_867 : i32 to index
      %parallel_loop3A_877 = arith.constant 0 : index
      %parallel_loop3A_878 = tpu.vector_load %arg23[%parallel_loop3A_876, %parallel_loop3A_877] {strides = array<i32>} : memref<128x64xf32, #tpu.memory_space<vmem>>, vector<16xf32>,
      %parallel_loop3A_879 = arith.addf %parallel_loop3A_875, %parallel_loop3A_878 : vector<16xf32>
      tpu.vector_store_idx %arg28[%add3A_5, %parallel_loop3A_868], %parallel_loop3A_879 : memref<64x137xf32, #tpu.memory_space<vmem>>[vector<16xi32>, vector<16xi32>], vector<16xf32>,
      %parallel_loop3A_880 = arith.index_cast %parallel_loop3A_867 : i32 to index
      %parallel_loop3A_881 = arith.constant 16 : index
      %parallel_loop3A_882 = tpu.vector_load %arg21[%parallel_loop3A_880, %parallel_loop3A_881] {strides = array<i32>} : memref<128x64xf32, #tpu.memory_space<vmem>>, vector<16xf32>,
      %parallel_loop3A_883 = arith.index_cast %parallel_loop3A_867 : i32 to index
      %parallel_loop3A_884 = arith.constant 16 : index
      %parallel_loop3A_885 = tpu.vector_load %arg22[%parallel_loop3A_883, %parallel_loop3A_884] {strides = array<i32>} : memref<128x64xf32, #tpu.memory_space<vmem>>, vector<16xf32>,
      %parallel_loop3A_886 = arith.addf %parallel_loop3A_882, %parallel_loop3A_885 : vector<16xf32>
      %parallel_loop3A_887 = arith.index_cast %parallel_loop3A_867 : i32 to index
      %parallel_loop3A_888 = arith.constant 16 : index
      %parallel_loop3A_889 = tpu.vector_load %arg23[%parallel_loop3A_887, %parallel_loop3A_888] {strides = array<i32>} : memref<128x64xf32, #tpu.memory_space<vmem>>, vector<16xf32>,
      %parallel_loop3A_890 = arith.addf %parallel_loop3A_886, %parallel_loop3A_889 : vector<16xf32>
      tpu.vector_store_idx %arg28[%add3A_8, %parallel_loop3A_868], %parallel_loop3A_890 : memref<64x137xf32, #tpu.memory_space<vmem>>[vector<16xi32>, vector<16xi32>], vector<16xf32>,
      %parallel_loop3A_891 = arith.index_cast %parallel_loop3A_867 : i32 to index
      %parallel_loop3A_892 = arith.constant 32 : index
      %parallel_loop3A_893 = tpu.vector_load %arg21[%parallel_loop3A_891, %parallel_loop3A_892] {strides = array<i32>} : memref<128x64xf32, #tpu.memory_space<vmem>>, vector<16xf32>,
      %parallel_loop3A_894 = arith.index_cast %parallel_loop3A_867 : i32 to index
      %parallel_loop3A_895 = arith.constant 32 : index
      %parallel_loop3A_896 = tpu.vector_load %arg22[%parallel_loop3A_894, %parallel_loop3A_895] {strides = array<i32>} : memref<128x64xf32, #tpu.memory_space<vmem>>, vector<16xf32>,
      %parallel_loop3A_897 = arith.addf %parallel_loop3A_893, %parallel_loop3A_896 : vector<16xf32>
      %parallel_loop3A_898 = arith.index_cast %parallel_loop3A_867 : i32 to index
      %parallel_loop3A_899 = arith.constant 32 : index
      %parallel_loop3A_900 = tpu.vector_load %arg23[%parallel_loop3A_898, %parallel_loop3A_899] {strides = array<i32>} : memref<128x64xf32, #tpu.memory_space<vmem>>, vector<16xf32>,
      %parallel_loop3A_901 = arith.addf %parallel_loop3A_897, %parallel_loop3A_900 : vector<16xf32>
      tpu.vector_store_idx %arg28[%add3A_11, %parallel_loop3A_868], %parallel_loop3A_901 : memref<64x137xf32, #tpu.memory_space<vmem>>[vector<16xi32>, vector<16xi32>], vector<16xf32>,
      %parallel_loop3A_902 = arith.index_cast %parallel_loop3A_867 : i32 to index
      %parallel_loop3A_903 = arith.constant 48 : index
      %parallel_loop3A_904 = tpu.vector_load %arg21[%parallel_loop3A_902, %parallel_loop3A_903] {strides = array<i32>} : memref<128x64xf32, #tpu.memory_space<vmem>>, vector<16xf32>,
      %parallel_loop3A_905 = arith.index_cast %parallel_loop3A_867 : i32 to index
      %parallel_loop3A_906 = arith.constant 48 : index
      %parallel_loop3A_907 = tpu.vector_load %arg22[%parallel_loop3A_905, %parallel_loop3A_906] {strides = array<i32>} : memref<128x64xf32, #tpu.memory_space<vmem>>, vector<16xf32>,
      %parallel_loop3A_908 = arith.addf %parallel_loop3A_904, %parallel_loop3A_907 : vector<16xf32>
      %parallel_loop3A_909 = arith.index_cast %parallel_loop3A_867 : i32 to index
      %parallel_loop3A_910 = arith.constant 48 : index
      %parallel_loop3A_911 = tpu.vector_load %arg23[%parallel_loop3A_909, %parallel_loop3A_910] {strides = array<i32>} : memref<128x64xf32, #tpu.memory_space<vmem>>, vector<16xf32>,
      %parallel_loop3A_912 = arith.addf %parallel_loop3A_908, %parallel_loop3A_911 : vector<16xf32>
      tpu.vector_store_idx %arg28[%add3A_14, %parallel_loop3A_868], %parallel_loop3A_912 : memref<64x137xf32, #tpu.memory_space<vmem>>[vector<16xi32>, vector<16xi32>], vector<16xf32>,
    } {sc.loop_unroll_factor = 16 : i64, sc.parallel_access}
    %dma_start3A_483 = arith.constant 199 : i32
    %dma_start3A_484 = arith.constant 0 : i32
    %dma_start3A_485 = arith.constant 0 : i32
    %dma_start3A_486 = arith.constant 0 : i32
    %dma_start3A_487 = tpu.memref_slice %arg28[%dma_start3A_485, %dma_start3A_486] : memref<64x137xf32, #tpu.memory_space<vmem>> -> memref<8x128xf32, #tpu.memory_space<vmem>>
    %dma_start3A_488 = arith.constant 0 : i32
    %dma_start3A_489 = arith.constant 0 : i32
    %dma_start3A_490 = tpu.memref_slice %arg8[%dma_start3A_483, %dma_start3A_484, %add3A, %dma_start3A_488, %dma_start3A_489] : memref<200x8x32x8x128xf32, #tpu.memory_space<hbm>> -> memref<1x1x1x8x128xf32, #tpu.memory_space<hbm>>
    %dma_start3A_491 = tpu.memref_squeeze %dma_start3A_490 : memref<1x1x1x8x128xf32, #tpu.memory_space<hbm>> -> memref<8x128xf32, #tpu.memory_space<hbm>>
    %dma_start3A_492 = arith.constant 0 : i32
    %dma_start3A_493 = arith.constant 0 : i32
    %dma_start3A_494 = tpu.memref_slice %arg8[%dma_start3A_483, %dma_start3A_484, %add3A, %dma_start3A_492, %dma_start3A_493] : memref<200x8x32x8x128xf32, #tpu.memory_space<hbm>> -> memref<1x1x1x8x128xf32, #tpu.memory_space<hbm>>
    %dma_start3A_495 = tpu.memref_squeeze %dma_start3A_494 : memref<1x1x1x8x128xf32, #tpu.memory_space<hbm>> -> memref<8x128xf32, #tpu.memory_space<hbm>>
    %dma_start3A_496 = arith.constant 0 : i32
    %dma_start3A_497 = arith.constant 0 : i32
    %dma_start3A_498 = tpu.memref_slice %arg28[%dma_start3A_496, %dma_start3A_497] : memref<64x137xf32, #tpu.memory_space<vmem>> -> memref<8x128xf32, #tpu.memory_space<vmem>>
    tpu.enqueue_dma source(%dma_start3A_498 : memref<8x128xf32, #tpu.memory_space<vmem>>) target(%dma_start3A_495 : memref<8x128xf32, #tpu.memory_space<hbm>>) target_semaphore(%arg34 : memref<!tpu.dma_semaphore, #tpu.memory_space<semaphore_mem>>)
    %dma_start3A_499 = arith.constant 199 : i32
    %dma_start3A_500 = arith.constant 1 : i32
    %dma_start3A_501 = arith.constant 8 : i32
    %dma_start3A_502 = arith.constant 0 : i32
    %dma_start3A_503 = tpu.memref_slice %arg28[%dma_start3A_501, %dma_start3A_502] : memref<64x137xf32, #tpu.memory_space<vmem>> -> memref<8x128xf32, #tpu.memory_space<vmem>>
    %dma_start3A_504 = arith.constant 0 : i32
    %dma_start3A_505 = arith.constant 0 : i32
    %dma_start3A_506 = tpu.memref_slice %arg8[%dma_start3A_499, %dma_start3A_500, %add3A, %dma_start3A_504, %dma_start3A_505] : memref<200x8x32x8x128xf32, #tpu.memory_space<hbm>> -> memref<1x1x1x8x128xf32, #tpu.memory_space<hbm>>
    %dma_start3A_507 = tpu.memref_squeeze %dma_start3A_506 : memref<1x1x1x8x128xf32, #tpu.memory_space<hbm>> -> memref<8x128xf32, #tpu.memory_space<hbm>>
    %dma_start3A_508 = arith.constant 0 : i32
    %dma_start3A_509 = arith.constant 0 : i32
    %dma_start3A_510 = tpu.memref_slice %arg8[%dma_start3A_499, %dma_start3A_500, %add3A, %dma_start3A_508, %dma_start3A_509] : memref<200x8x32x8x128xf32, #tpu.memory_space<hbm>> -> memref<1x1x1x8x128xf32, #tpu.memory_space<hbm>>
    %dma_start3A_511 = tpu.memref_squeeze %dma_start3A_510 : memref<1x1x1x8x128xf32, #tpu.memory_space<hbm>> -> memref<8x128xf32, #tpu.memory_space<hbm>>
    %dma_start3A_512 = arith.constant 8 : i32
    %dma_start3A_513 = arith.constant 0 : i32
    %dma_start3A_514 = tpu.memref_slice %arg28[%dma_start3A_512, %dma_start3A_513] : memref<64x137xf32, #tpu.memory_space<vmem>> -> memref<8x128xf32, #tpu.memory_space<vmem>>
    tpu.enqueue_dma source(%dma_start3A_514 : memref<8x128xf32, #tpu.memory_space<vmem>>) target(%dma_start3A_511 : memref<8x128xf32, #tpu.memory_space<hbm>>) target_semaphore(%arg34 : memref<!tpu.dma_semaphore, #tpu.memory_space<semaphore_mem>>)
    %dma_start3A_515 = arith.constant 199 : i32
    %dma_start3A_516 = arith.constant 2 : i32
    %dma_start3A_517 = arith.constant 16 : i32
    %dma_start3A_518 = arith.constant 0 : i32
    %dma_start3A_519 = tpu.memref_slice %arg28[%dma_start3A_517, %dma_start3A_518] : memref<64x137xf32, #tpu.memory_space<vmem>> -> memref<8x128xf32, #tpu.memory_space<vmem>>
    %dma_start3A_520 = arith.constant 0 : i32
    %dma_start3A_521 = arith.constant 0 : i32
    %dma_start3A_522 = tpu.memref_slice %arg8[%dma_start3A_515, %dma_start3A_516, %add3A, %dma_start3A_520, %dma_start3A_521] : memref<200x8x32x8x128xf32, #tpu.memory_space<hbm>> -> memref<1x1x1x8x128xf32, #tpu.memory_space<hbm>>
    %dma_start3A_523 = tpu.memref_squeeze %dma_start3A_522 : memref<1x1x1x8x128xf32, #tpu.memory_space<hbm>> -> memref<8x128xf32, #tpu.memory_space<hbm>>
    %dma_start3A_524 = arith.constant 0 : i32
    %dma_start3A_525 = arith.constant 0 : i32
    %dma_start3A_526 = tpu.memref_slice %arg8[%dma_start3A_515, %dma_start3A_516, %add3A, %dma_start3A_524, %dma_start3A_525] : memref<200x8x32x8x128xf32, #tpu.memory_space<hbm>> -> memref<1x1x1x8x128xf32, #tpu.memory_space<hbm>>
    %dma_start3A_527 = tpu.memref_squeeze %dma_start3A_526 : memref<1x1x1x8x128xf32, #tpu.memory_space<hbm>> -> memref<8x128xf32, #tpu.memory_space<hbm>>
    %dma_start3A_528 = arith.constant 16 : i32
    %dma_start3A_529 = arith.constant 0 : i32
    %dma_start3A_530 = tpu.memref_slice %arg28[%dma_start3A_528, %dma_start3A_529] : memref<64x137xf32, #tpu.memory_space<vmem>> -> memref<8x128xf32, #tpu.memory_space<vmem>>
    tpu.enqueue_dma source(%dma_start3A_530 : memref<8x128xf32, #tpu.memory_space<vmem>>) target(%dma_start3A_527 : memref<8x128xf32, #tpu.memory_space<hbm>>) target_semaphore(%arg34 : memref<!tpu.dma_semaphore, #tpu.memory_space<semaphore_mem>>)
    %dma_start3A_531 = arith.constant 199 : i32
    %dma_start3A_532 = arith.constant 3 : i32
    %dma_start3A_533 = arith.constant 24 : i32
    %dma_start3A_534 = arith.constant 0 : i32
    %dma_start3A_535 = tpu.memref_slice %arg28[%dma_start3A_533, %dma_start3A_534] : memref<64x137xf32, #tpu.memory_space<vmem>> -> memref<8x128xf32, #tpu.memory_space<vmem>>
    %dma_start3A_536 = arith.constant 0 : i32
    %dma_start3A_537 = arith.constant 0 : i32
    %dma_start3A_538 = tpu.memref_slice %arg8[%dma_start3A_531, %dma_start3A_532, %add3A, %dma_start3A_536, %dma_start3A_537] : memref<200x8x32x8x128xf32, #tpu.memory_space<hbm>> -> memref<1x1x1x8x128xf32, #tpu.memory_space<hbm>>
    %dma_start3A_539 = tpu.memref_squeeze %dma_start3A_538 : memref<1x1x1x8x128xf32, #tpu.memory_space<hbm>> -> memref<8x128xf32, #tpu.memory_space<hbm>>
    %dma_start3A_540 = arith.constant 0 : i32
    %dma_start3A_541 = arith.constant 0 : i32
    %dma_start3A_542 = tpu.memref_slice %arg8[%dma_start3A_531, %dma_start3A_532, %add3A, %dma_start3A_540, %dma_start3A_541] : memref<200x8x32x8x128xf32, #tpu.memory_space<hbm>> -> memref<1x1x1x8x128xf32, #tpu.memory_space<hbm>>
    %dma_start3A_543 = tpu.memref_squeeze %dma_start3A_542 : memref<1x1x1x8x128xf32, #tpu.memory_space<hbm>> -> memref<8x128xf32, #tpu.memory_space<hbm>>
    %dma_start3A_544 = arith.constant 24 : i32
    %dma_start3A_545 = arith.constant 0 : i32
    %dma_start3A_546 = tpu.memref_slice %arg28[%dma_start3A_544, %dma_start3A_545] : memref<64x137xf32, #tpu.memory_space<vmem>> -> memref<8x128xf32, #tpu.memory_space<vmem>>
    tpu.enqueue_dma source(%dma_start3A_546 : memref<8x128xf32, #tpu.memory_space<vmem>>) target(%dma_start3A_543 : memref<8x128xf32, #tpu.memory_space<hbm>>) target_semaphore(%arg34 : memref<!tpu.dma_semaphore, #tpu.memory_space<semaphore_mem>>)
    %dma_start3A_547 = arith.constant 199 : i32
    %dma_start3A_548 = arith.constant 4 : i32
    %dma_start3A_549 = arith.constant 32 : i32
    %dma_start3A_550 = arith.constant 0 : i32
    %dma_start3A_551 = tpu.memref_slice %arg28[%dma_start3A_549, %dma_start3A_550] : memref<64x137xf32, #tpu.memory_space<vmem>> -> memref<8x128xf32, #tpu.memory_space<vmem>>
    %dma_start3A_552 = arith.constant 0 : i32
    %dma_start3A_553 = arith.constant 0 : i32
    %dma_start3A_554 = tpu.memref_slice %arg8[%dma_start3A_547, %dma_start3A_548, %add3A, %dma_start3A_552, %dma_start3A_553] : memref<200x8x32x8x128xf32, #tpu.memory_space<hbm>> -> memref<1x1x1x8x128xf32, #tpu.memory_space<hbm>>
    %dma_start3A_555 = tpu.memref_squeeze %dma_start3A_554 : memref<1x1x1x8x128xf32, #tpu.memory_space<hbm>> -> memref<8x128xf32, #tpu.memory_space<hbm>>
    %dma_start3A_556 = arith.constant 0 : i32
    %dma_start3A_557 = arith.constant 0 : i32
    %dma_start3A_558 = tpu.memref_slice %arg8[%dma_start3A_547, %dma_start3A_548, %add3A, %dma_start3A_556, %dma_start3A_557] : memref<200x8x32x8x128xf32, #tpu.memory_space<hbm>> -> memref<1x1x1x8x128xf32, #tpu.memory_space<hbm>>
    %dma_start3A_559 = tpu.memref_squeeze %dma_start3A_558 : memref<1x1x1x8x128xf32, #tpu.memory_space<hbm>> -> memref<8x128xf32, #tpu.memory_space<hbm>>
    %dma_start3A_560 = arith.constant 32 : i32
    %dma_start3A_561 = arith.constant 0 : i32
    %dma_start3A_562 = tpu.memref_slice %arg28[%dma_start3A_560, %dma_start3A_561] : memref<64x137xf32, #tpu.memory_space<vmem>> -> memref<8x128xf32, #tpu.memory_space<vmem>>
    tpu.enqueue_dma source(%dma_start3A_562 : memref<8x128xf32, #tpu.memory_space<vmem>>) target(%dma_start3A_559 : memref<8x128xf32, #tpu.memory_space<hbm>>) target_semaphore(%arg34 : memref<!tpu.dma_semaphore, #tpu.memory_space<semaphore_mem>>)
    %dma_start3A_563 = arith.constant 199 : i32
    %dma_start3A_564 = arith.constant 5 : i32
    %dma_start3A_565 = arith.constant 40 : i32
    %dma_start3A_566 = arith.constant 0 : i32
    %dma_start3A_567 = tpu.memref_slice %arg28[%dma_start3A_565, %dma_start3A_566] : memref<64x137xf32, #tpu.memory_space<vmem>> -> memref<8x128xf32, #tpu.memory_space<vmem>>
    %dma_start3A_568 = arith.constant 0 : i32
    %dma_start3A_569 = arith.constant 0 : i32
    %dma_start3A_570 = tpu.memref_slice %arg8[%dma_start3A_563, %dma_start3A_564, %add3A, %dma_start3A_568, %dma_start3A_569] : memref<200x8x32x8x128xf32, #tpu.memory_space<hbm>> -> memref<1x1x1x8x128xf32, #tpu.memory_space<hbm>>
    %dma_start3A_571 = tpu.memref_squeeze %dma_start3A_570 : memref<1x1x1x8x128xf32, #tpu.memory_space<hbm>> -> memref<8x128xf32, #tpu.memory_space<hbm>>
    %dma_start3A_572 = arith.constant 0 : i32
    %dma_start3A_573 = arith.constant 0 : i32
    %dma_start3A_574 = tpu.memref_slice %arg8[%dma_start3A_563, %dma_start3A_564, %add3A, %dma_start3A_572, %dma_start3A_573] : memref<200x8x32x8x128xf32, #tpu.memory_space<hbm>> -> memref<1x1x1x8x128xf32, #tpu.memory_space<hbm>>
    %dma_start3A_575 = tpu.memref_squeeze %dma_start3A_574 : memref<1x1x1x8x128xf32, #tpu.memory_space<hbm>> -> memref<8x128xf32, #tpu.memory_space<hbm>>
    %dma_start3A_576 = arith.constant 40 : i32
    %dma_start3A_577 = arith.constant 0 : i32
    %dma_start3A_578 = tpu.memref_slice %arg28[%dma_start3A_576, %dma_start3A_577] : memref<64x137xf32, #tpu.memory_space<vmem>> -> memref<8x128xf32, #tpu.memory_space<vmem>>
    tpu.enqueue_dma source(%dma_start3A_578 : memref<8x128xf32, #tpu.memory_space<vmem>>) target(%dma_start3A_575 : memref<8x128xf32, #tpu.memory_space<hbm>>) target_semaphore(%arg34 : memref<!tpu.dma_semaphore, #tpu.memory_space<semaphore_mem>>)
    %dma_start3A_579 = arith.constant 199 : i32
    %dma_start3A_580 = arith.constant 6 : i32
    %dma_start3A_581 = arith.constant 48 : i32
    %dma_start3A_582 = arith.constant 0 : i32
    %dma_start3A_583 = tpu.memref_slice %arg28[%dma_start3A_581, %dma_start3A_582] : memref<64x137xf32, #tpu.memory_space<vmem>> -> memref<8x128xf32, #tpu.memory_space<vmem>>
    %dma_start3A_584 = arith.constant 0 : i32
    %dma_start3A_585 = arith.constant 0 : i32
    %dma_start3A_586 = tpu.memref_slice %arg8[%dma_start3A_579, %dma_start3A_580, %add3A, %dma_start3A_584, %dma_start3A_585] : memref<200x8x32x8x128xf32, #tpu.memory_space<hbm>> -> memref<1x1x1x8x128xf32, #tpu.memory_space<hbm>>
    %dma_start3A_587 = tpu.memref_squeeze %dma_start3A_586 : memref<1x1x1x8x128xf32, #tpu.memory_space<hbm>> -> memref<8x128xf32, #tpu.memory_space<hbm>>
    %dma_start3A_588 = arith.constant 0 : i32
    %dma_start3A_589 = arith.constant 0 : i32
    %dma_start3A_590 = tpu.memref_slice %arg8[%dma_start3A_579, %dma_start3A_580, %add3A, %dma_start3A_588, %dma_start3A_589] : memref<200x8x32x8x128xf32, #tpu.memory_space<hbm>> -> memref<1x1x1x8x128xf32, #tpu.memory_space<hbm>>
    %dma_start3A_591 = tpu.memref_squeeze %dma_start3A_590 : memref<1x1x1x8x128xf32, #tpu.memory_space<hbm>> -> memref<8x128xf32, #tpu.memory_space<hbm>>
    %dma_start3A_592 = arith.constant 48 : i32
    %dma_start3A_593 = arith.constant 0 : i32
    %dma_start3A_594 = tpu.memref_slice %arg28[%dma_start3A_592, %dma_start3A_593] : memref<64x137xf32, #tpu.memory_space<vmem>> -> memref<8x128xf32, #tpu.memory_space<vmem>>
    tpu.enqueue_dma source(%dma_start3A_594 : memref<8x128xf32, #tpu.memory_space<vmem>>) target(%dma_start3A_591 : memref<8x128xf32, #tpu.memory_space<hbm>>) target_semaphore(%arg34 : memref<!tpu.dma_semaphore, #tpu.memory_space<semaphore_mem>>)
    %dma_start3A_595 = arith.constant 199 : i32
    %dma_start3A_596 = arith.constant 7 : i32
    %dma_start3A_597 = arith.constant 56 : i32
    %dma_start3A_598 = arith.constant 0 : i32
    %dma_start3A_599 = tpu.memref_slice %arg28[%dma_start3A_597, %dma_start3A_598] : memref<64x137xf32, #tpu.memory_space<vmem>> -> memref<8x128xf32, #tpu.memory_space<vmem>>
    %dma_start3A_600 = arith.constant 0 : i32
    %dma_start3A_601 = arith.constant 0 : i32
    %dma_start3A_602 = tpu.memref_slice %arg8[%dma_start3A_595, %dma_start3A_596, %add3A, %dma_start3A_600, %dma_start3A_601] : memref<200x8x32x8x128xf32, #tpu.memory_space<hbm>> -> memref<1x1x1x8x128xf32, #tpu.memory_space<hbm>>
    %dma_start3A_603 = tpu.memref_squeeze %dma_start3A_602 : memref<1x1x1x8x128xf32, #tpu.memory_space<hbm>> -> memref<8x128xf32, #tpu.memory_space<hbm>>
    %dma_start3A_604 = arith.constant 0 : i32
    %dma_start3A_605 = arith.constant 0 : i32
    %dma_start3A_606 = tpu.memref_slice %arg8[%dma_start3A_595, %dma_start3A_596, %add3A, %dma_start3A_604, %dma_start3A_605] : memref<200x8x32x8x128xf32, #tpu.memory_space<hbm>> -> memref<1x1x1x8x128xf32, #tpu.memory_space<hbm>>
    %dma_start3A_607 = tpu.memref_squeeze %dma_start3A_606 : memref<1x1x1x8x128xf32, #tpu.memory_space<hbm>> -> memref<8x128xf32, #tpu.memory_space<hbm>>
    %dma_start3A_608 = arith.constant 56 : i32
    %dma_start3A_609 = arith.constant 0 : i32
    %dma_start3A_610 = tpu.memref_slice %arg28[%dma_start3A_608, %dma_start3A_609] : memref<64x137xf32, #tpu.memory_space<vmem>> -> memref<8x128xf32, #tpu.memory_space<vmem>>
    tpu.enqueue_dma source(%dma_start3A_610 : memref<8x128xf32, #tpu.memory_space<vmem>>) target(%dma_start3A_607 : memref<8x128xf32, #tpu.memory_space<hbm>>) target_semaphore(%arg34 : memref<!tpu.dma_semaphore, #tpu.memory_space<semaphore_mem>>)
    %dma_wait3A_611 = arith.constant 0 : i32
    %dma_wait3A_612 = arith.constant 0 : i32
    %dma_wait3A_613 = arith.constant 0 : i32
    %dma_wait3A_614 = arith.constant 0 : i32
    %dma_wait3A_615 = tpu.memref_slice %arg27[%dma_wait3A_613, %dma_wait3A_614] : memref<64x137xf32, #tpu.memory_space<vmem>> -> memref<8x128xf32, #tpu.memory_space<vmem>>
    %dma_wait3A_616 = arith.constant 0 : i32
    %dma_wait3A_617 = arith.constant 0 : i32
    %dma_wait3A_618 = tpu.memref_slice %arg8[%dma_wait3A_611, %dma_wait3A_612, %add3A, %dma_wait3A_616, %dma_wait3A_617] : memref<200x8x32x8x128xf32, #tpu.memory_space<hbm>> -> memref<1x1x1x8x128xf32, #tpu.memory_space<hbm>>
    %dma_wait3A_619 = tpu.memref_squeeze %dma_wait3A_618 : memref<1x1x1x8x128xf32, #tpu.memory_space<hbm>> -> memref<8x128xf32, #tpu.memory_space<hbm>>
    %dma_wait3A_620 = arith.constant 0 : i32
    %dma_wait3A_621 = arith.constant 0 : i32
    %dma_wait3A_622 = tpu.memref_slice %arg8[%dma_wait3A_611, %dma_wait3A_612, %add3A, %dma_wait3A_620, %dma_wait3A_621] : memref<200x8x32x8x128xf32, #tpu.memory_space<hbm>> -> memref<1x1x1x8x128xf32, #tpu.memory_space<hbm>>
    %dma_wait3A_623 = tpu.memref_squeeze %dma_wait3A_622 : memref<1x1x1x8x128xf32, #tpu.memory_space<hbm>> -> memref<8x128xf32, #tpu.memory_space<hbm>>
    %dma_wait3A_624 = arith.constant 0 : i32
    %dma_wait3A_625 = arith.constant 0 : i32
    %dma_wait3A_626 = tpu.memref_slice %arg27[%dma_wait3A_624, %dma_wait3A_625] : memref<64x137xf32, #tpu.memory_space<vmem>> -> memref<8x128xf32, #tpu.memory_space<vmem>>
    tpu.wait_dma2 semaphore(%arg33 : memref<!tpu.dma_semaphore, #tpu.memory_space<semaphore_mem>>) src(%dma_wait3A_626 : memref<8x128xf32, #tpu.memory_space<vmem>>) dst(%dma_wait3A_623 : memref<8x128xf32, #tpu.memory_space<hbm>>)
    %dma_wait3A_627 = arith.constant 0 : i32
    %dma_wait3A_628 = arith.constant 0 : i32
    %dma_wait3A_629 = arith.constant 0 : i32
    %dma_wait3A_630 = arith.constant 0 : i32
    %dma_wait3A_631 = tpu.memref_slice %arg27[%dma_wait3A_629, %dma_wait3A_630] : memref<64x137xf32, #tpu.memory_space<vmem>> -> memref<8x128xf32, #tpu.memory_space<vmem>>
    %dma_wait3A_632 = arith.constant 0 : i32
    %dma_wait3A_633 = arith.constant 0 : i32
    %dma_wait3A_634 = tpu.memref_slice %arg8[%dma_wait3A_627, %dma_wait3A_628, %add3A, %dma_wait3A_632, %dma_wait3A_633] : memref<200x8x32x8x128xf32, #tpu.memory_space<hbm>> -> memref<1x1x1x8x128xf32, #tpu.memory_space<hbm>>
    %dma_wait3A_635 = tpu.memref_squeeze %dma_wait3A_634 : memref<1x1x1x8x128xf32, #tpu.memory_space<hbm>> -> memref<8x128xf32, #tpu.memory_space<hbm>>
    %dma_wait3A_636 = arith.constant 0 : i32
    %dma_wait3A_637 = arith.constant 0 : i32
    %dma_wait3A_638 = tpu.memref_slice %arg8[%dma_wait3A_627, %dma_wait3A_628, %add3A, %dma_wait3A_636, %dma_wait3A_637] : memref<200x8x32x8x128xf32, #tpu.memory_space<hbm>> -> memref<1x1x1x8x128xf32, #tpu.memory_space<hbm>>
    %dma_wait3A_639 = tpu.memref_squeeze %dma_wait3A_638 : memref<1x1x1x8x128xf32, #tpu.memory_space<hbm>> -> memref<8x128xf32, #tpu.memory_space<hbm>>
    %dma_wait3A_640 = arith.constant 0 : i32
    %dma_wait3A_641 = arith.constant 0 : i32
    %dma_wait3A_642 = tpu.memref_slice %arg27[%dma_wait3A_640, %dma_wait3A_641] : memref<64x137xf32, #tpu.memory_space<vmem>> -> memref<8x128xf32, #tpu.memory_space<vmem>>
    tpu.wait_dma2 semaphore(%arg33 : memref<!tpu.dma_semaphore, #tpu.memory_space<semaphore_mem>>) src(%dma_wait3A_642 : memref<8x128xf32, #tpu.memory_space<vmem>>) dst(%dma_wait3A_639 : memref<8x128xf32, #tpu.memory_space<hbm>>)
    %dma_wait3A_643 = arith.constant 0 : i32
    %dma_wait3A_644 = arith.constant 0 : i32
    %dma_wait3A_645 = arith.constant 0 : i32
    %dma_wait3A_646 = arith.constant 0 : i32
    %dma_wait3A_647 = tpu.memref_slice %arg27[%dma_wait3A_645, %dma_wait3A_646] : memref<64x137xf32, #tpu.memory_space<vmem>> -> memref<8x128xf32, #tpu.memory_space<vmem>>
    %dma_wait3A_648 = arith.constant 0 : i32
    %dma_wait3A_649 = arith.constant 0 : i32
    %dma_wait3A_650 = tpu.memref_slice %arg8[%dma_wait3A_643, %dma_wait3A_644, %add3A, %dma_wait3A_648, %dma_wait3A_649] : memref<200x8x32x8x128xf32, #tpu.memory_space<hbm>> -> memref<1x1x1x8x128xf32, #tpu.memory_space<hbm>>
    %dma_wait3A_651 = tpu.memref_squeeze %dma_wait3A_650 : memref<1x1x1x8x128xf32, #tpu.memory_space<hbm>> -> memref<8x128xf32, #tpu.memory_space<hbm>>
    %dma_wait3A_652 = arith.constant 0 : i32
    %dma_wait3A_653 = arith.constant 0 : i32
    %dma_wait3A_654 = tpu.memref_slice %arg8[%dma_wait3A_643, %dma_wait3A_644, %add3A, %dma_wait3A_652, %dma_wait3A_653] : memref<200x8x32x8x128xf32, #tpu.memory_space<hbm>> -> memref<1x1x1x8x128xf32, #tpu.memory_space<hbm>>
    %dma_wait3A_655 = tpu.memref_squeeze %dma_wait3A_654 : memref<1x1x1x8x128xf32, #tpu.memory_space<hbm>> -> memref<8x128xf32, #tpu.memory_space<hbm>>
    %dma_wait3A_656 = arith.constant 0 : i32
    %dma_wait3A_657 = arith.constant 0 : i32
    %dma_wait3A_658 = tpu.memref_slice %arg27[%dma_wait3A_656, %dma_wait3A_657] : memref<64x137xf32, #tpu.memory_space<vmem>> -> memref<8x128xf32, #tpu.memory_space<vmem>>
    tpu.wait_dma2 semaphore(%arg33 : memref<!tpu.dma_semaphore, #tpu.memory_space<semaphore_mem>>) src(%dma_wait3A_658 : memref<8x128xf32, #tpu.memory_space<vmem>>) dst(%dma_wait3A_655 : memref<8x128xf32, #tpu.memory_space<hbm>>)
    %dma_wait3A_659 = arith.constant 0 : i32
    %dma_wait3A_660 = arith.constant 0 : i32
    %dma_wait3A_661 = arith.constant 0 : i32
    %dma_wait3A_662 = arith.constant 0 : i32
    %dma_wait3A_663 = tpu.memref_slice %arg27[%dma_wait3A_661, %dma_wait3A_662] : memref<64x137xf32, #tpu.memory_space<vmem>> -> memref<8x128xf32, #tpu.memory_space<vmem>>
    %dma_wait3A_664 = arith.constant 0 : i32
    %dma_wait3A_665 = arith.constant 0 : i32
    %dma_wait3A_666 = tpu.memref_slice %arg8[%dma_wait3A_659, %dma_wait3A_660, %add3A, %dma_wait3A_664, %dma_wait3A_665] : memref<200x8x32x8x128xf32, #tpu.memory_space<hbm>> -> memref<1x1x1x8x128xf32, #tpu.memory_space<hbm>>
    %dma_wait3A_667 = tpu.memref_squeeze %dma_wait3A_666 : memref<1x1x1x8x128xf32, #tpu.memory_space<hbm>> -> memref<8x128xf32, #tpu.memory_space<hbm>>
    %dma_wait3A_668 = arith.constant 0 : i32
    %dma_wait3A_669 = arith.constant 0 : i32
    %dma_wait3A_670 = tpu.memref_slice %arg8[%dma_wait3A_659, %dma_wait3A_660, %add3A, %dma_wait3A_668, %dma_wait3A_669] : memref<200x8x32x8x128xf32, #tpu.memory_space<hbm>> -> memref<1x1x1x8x128xf32, #tpu.memory_space<hbm>>
    %dma_wait3A_671 = tpu.memref_squeeze %dma_wait3A_670 : memref<1x1x1x8x128xf32, #tpu.memory_space<hbm>> -> memref<8x128xf32, #tpu.memory_space<hbm>>
    %dma_wait3A_672 = arith.constant 0 : i32
    %dma_wait3A_673 = arith.constant 0 : i32
    %dma_wait3A_674 = tpu.memref_slice %arg27[%dma_wait3A_672, %dma_wait3A_673] : memref<64x137xf32, #tpu.memory_space<vmem>> -> memref<8x128xf32, #tpu.memory_space<vmem>>
    tpu.wait_dma2 semaphore(%arg33 : memref<!tpu.dma_semaphore, #tpu.memory_space<semaphore_mem>>) src(%dma_wait3A_674 : memref<8x128xf32, #tpu.memory_space<vmem>>) dst(%dma_wait3A_671 : memref<8x128xf32, #tpu.memory_space<hbm>>)
    %dma_wait3A_675 = arith.constant 0 : i32
    %dma_wait3A_676 = arith.constant 0 : i32
    %dma_wait3A_677 = arith.constant 0 : i32
    %dma_wait3A_678 = arith.constant 0 : i32
    %dma_wait3A_679 = tpu.memref_slice %arg27[%dma_wait3A_677, %dma_wait3A_678] : memref<64x137xf32, #tpu.memory_space<vmem>> -> memref<8x128xf32, #tpu.memory_space<vmem>>
    %dma_wait3A_680 = arith.constant 0 : i32
    %dma_wait3A_681 = arith.constant 0 : i32
    %dma_wait3A_682 = tpu.memref_slice %arg8[%dma_wait3A_675, %dma_wait3A_676, %add3A, %dma_wait3A_680, %dma_wait3A_681] : memref<200x8x32x8x128xf32, #tpu.memory_space<hbm>> -> memref<1x1x1x8x128xf32, #tpu.memory_space<hbm>>
    %dma_wait3A_683 = tpu.memref_squeeze %dma_wait3A_682 : memref<1x1x1x8x128xf32, #tpu.memory_space<hbm>> -> memref<8x128xf32, #tpu.memory_space<hbm>>
    %dma_wait3A_684 = arith.constant 0 : i32
    %dma_wait3A_685 = arith.constant 0 : i32
    %dma_wait3A_686 = tpu.memref_slice %arg8[%dma_wait3A_675, %dma_wait3A_676, %add3A, %dma_wait3A_684, %dma_wait3A_685] : memref<200x8x32x8x128xf32, #tpu.memory_space<hbm>> -> memref<1x1x1x8x128xf32, #tpu.memory_space<hbm>>
    %dma_wait3A_687 = tpu.memref_squeeze %dma_wait3A_686 : memref<1x1x1x8x128xf32, #tpu.memory_space<hbm>> -> memref<8x128xf32, #tpu.memory_space<hbm>>
    %dma_wait3A_688 = arith.constant 0 : i32
    %dma_wait3A_689 = arith.constant 0 : i32
    %dma_wait3A_690 = tpu.memref_slice %arg27[%dma_wait3A_688, %dma_wait3A_689] : memref<64x137xf32, #tpu.memory_space<vmem>> -> memref<8x128xf32, #tpu.memory_space<vmem>>
    tpu.wait_dma2 semaphore(%arg33 : memref<!tpu.dma_semaphore, #tpu.memory_space<semaphore_mem>>) src(%dma_wait3A_690 : memref<8x128xf32, #tpu.memory_space<vmem>>) dst(%dma_wait3A_687 : memref<8x128xf32, #tpu.memory_space<hbm>>)
    %dma_wait3A_691 = arith.constant 0 : i32
    %dma_wait3A_692 = arith.constant 0 : i32
    %dma_wait3A_693 = arith.constant 0 : i32
    %dma_wait3A_694 = arith.constant 0 : i32
    %dma_wait3A_695 = tpu.memref_slice %arg27[%dma_wait3A_693, %dma_wait3A_694] : memref<64x137xf32, #tpu.memory_space<vmem>> -> memref<8x128xf32, #tpu.memory_space<vmem>>
    %dma_wait3A_696 = arith.constant 0 : i32
    %dma_wait3A_697 = arith.constant 0 : i32
    %dma_wait3A_698 = tpu.memref_slice %arg8[%dma_wait3A_691, %dma_wait3A_692, %add3A, %dma_wait3A_696, %dma_wait3A_697] : memref<200x8x32x8x128xf32, #tpu.memory_space<hbm>> -> memref<1x1x1x8x128xf32, #tpu.memory_space<hbm>>
    %dma_wait3A_699 = tpu.memref_squeeze %dma_wait3A_698 : memref<1x1x1x8x128xf32, #tpu.memory_space<hbm>> -> memref<8x128xf32, #tpu.memory_space<hbm>>
    %dma_wait3A_700 = arith.constant 0 : i32
    %dma_wait3A_701 = arith.constant 0 : i32
    %dma_wait3A_702 = tpu.memref_slice %arg8[%dma_wait3A_691, %dma_wait3A_692, %add3A, %dma_wait3A_700, %dma_wait3A_701] : memref<200x8x32x8x128xf32, #tpu.memory_space<hbm>> -> memref<1x1x1x8x128xf32, #tpu.memory_space<hbm>>
    %dma_wait3A_703 = tpu.memref_squeeze %dma_wait3A_702 : memref<1x1x1x8x128xf32, #tpu.memory_space<hbm>> -> memref<8x128xf32, #tpu.memory_space<hbm>>
    %dma_wait3A_704 = arith.constant 0 : i32
    %dma_wait3A_705 = arith.constant 0 : i32
    %dma_wait3A_706 = tpu.memref_slice %arg27[%dma_wait3A_704, %dma_wait3A_705] : memref<64x137xf32, #tpu.memory_space<vmem>> -> memref<8x128xf32, #tpu.memory_space<vmem>>
    tpu.wait_dma2 semaphore(%arg33 : memref<!tpu.dma_semaphore, #tpu.memory_space<semaphore_mem>>) src(%dma_wait3A_706 : memref<8x128xf32, #tpu.memory_space<vmem>>) dst(%dma_wait3A_703 : memref<8x128xf32, #tpu.memory_space<hbm>>)
    %dma_wait3A_707 = arith.constant 0 : i32
    %dma_wait3A_708 = arith.constant 0 : i32
    %dma_wait3A_709 = arith.constant 0 : i32
    %dma_wait3A_710 = arith.constant 0 : i32
    %dma_wait3A_711 = tpu.memref_slice %arg27[%dma_wait3A_709, %dma_wait3A_710] : memref<64x137xf32, #tpu.memory_space<vmem>> -> memref<8x128xf32, #tpu.memory_space<vmem>>
    %dma_wait3A_712 = arith.constant 0 : i32
    %dma_wait3A_713 = arith.constant 0 : i32
    %dma_wait3A_714 = tpu.memref_slice %arg8[%dma_wait3A_707, %dma_wait3A_708, %add3A, %dma_wait3A_712, %dma_wait3A_713] : memref<200x8x32x8x128xf32, #tpu.memory_space<hbm>> -> memref<1x1x1x8x128xf32, #tpu.memory_space<hbm>>
    %dma_wait3A_715 = tpu.memref_squeeze %dma_wait3A_714 : memref<1x1x1x8x128xf32, #tpu.memory_space<hbm>> -> memref<8x128xf32, #tpu.memory_space<hbm>>
    %dma_wait3A_716 = arith.constant 0 : i32
    %dma_wait3A_717 = arith.constant 0 : i32
    %dma_wait3A_718 = tpu.memref_slice %arg8[%dma_wait3A_707, %dma_wait3A_708, %add3A, %dma_wait3A_716, %dma_wait3A_717] : memref<200x8x32x8x128xf32, #tpu.memory_space<hbm>> -> memref<1x1x1x8x128xf32, #tpu.memory_space<hbm>>
    %dma_wait3A_719 = tpu.memref_squeeze %dma_wait3A_718 : memref<1x1x1x8x128xf32, #tpu.memory_space<hbm>> -> memref<8x128xf32, #tpu.memory_space<hbm>>
    %dma_wait3A_720 = arith.constant 0 : i32
    %dma_wait3A_721 = arith.constant 0 : i32
    %dma_wait3A_722 = tpu.memref_slice %arg27[%dma_wait3A_720, %dma_wait3A_721] : memref<64x137xf32, #tpu.memory_space<vmem>> -> memref<8x128xf32, #tpu.memory_space<vmem>>
    tpu.wait_dma2 semaphore(%arg33 : memref<!tpu.dma_semaphore, #tpu.memory_space<semaphore_mem>>) src(%dma_wait3A_722 : memref<8x128xf32, #tpu.memory_space<vmem>>) dst(%dma_wait3A_719 : memref<8x128xf32, #tpu.memory_space<hbm>>)
    %dma_wait3A_723 = arith.constant 0 : i32
    %dma_wait3A_724 = arith.constant 0 : i32
    %dma_wait3A_725 = arith.constant 0 : i32
    %dma_wait3A_726 = arith.constant 0 : i32
    %dma_wait3A_727 = tpu.memref_slice %arg27[%dma_wait3A_725, %dma_wait3A_726] : memref<64x137xf32, #tpu.memory_space<vmem>> -> memref<8x128xf32, #tpu.memory_space<vmem>>
    %dma_wait3A_728 = arith.constant 0 : i32
    %dma_wait3A_729 = arith.constant 0 : i32
    %dma_wait3A_730 = tpu.memref_slice %arg8[%dma_wait3A_723, %dma_wait3A_724, %add3A, %dma_wait3A_728, %dma_wait3A_729] : memref<200x8x32x8x128xf32, #tpu.memory_space<hbm>> -> memref<1x1x1x8x128xf32, #tpu.memory_space<hbm>>
    %dma_wait3A_731 = tpu.memref_squeeze %dma_wait3A_730 : memref<1x1x1x8x128xf32, #tpu.memory_space<hbm>> -> memref<8x128xf32, #tpu.memory_space<hbm>>
    %dma_wait3A_732 = arith.constant 0 : i32
    %dma_wait3A_733 = arith.constant 0 : i32
    %dma_wait3A_734 = tpu.memref_slice %arg8[%dma_wait3A_723, %dma_wait3A_724, %add3A, %dma_wait3A_732, %dma_wait3A_733] : memref<200x8x32x8x128xf32, #tpu.memory_space<hbm>> -> memref<1x1x1x8x128xf32, #tpu.memory_space<hbm>>
    %dma_wait3A_735 = tpu.memref_squeeze %dma_wait3A_734 : memref<1x1x1x8x128xf32, #tpu.memory_space<hbm>> -> memref<8x128xf32, #tpu.memory_space<hbm>>
    %dma_wait3A_736 = arith.constant 0 : i32
    %dma_wait3A_737 = arith.constant 0 : i32
    %dma_wait3A_738 = tpu.memref_slice %arg27[%dma_wait3A_736, %dma_wait3A_737] : memref<64x137xf32, #tpu.memory_space<vmem>> -> memref<8x128xf32, #tpu.memory_space<vmem>>
    tpu.wait_dma2 semaphore(%arg33 : memref<!tpu.dma_semaphore, #tpu.memory_space<semaphore_mem>>) src(%dma_wait3A_738 : memref<8x128xf32, #tpu.memory_space<vmem>>) dst(%dma_wait3A_735 : memref<8x128xf32, #tpu.memory_space<hbm>>)
    %dma_wait3A_739 = arith.constant 0 : i32
    %dma_wait3A_740 = arith.constant 0 : i32
    %dma_wait3A_741 = arith.constant 0 : i32
    %dma_wait3A_742 = arith.constant 0 : i32
    %dma_wait3A_743 = tpu.memref_slice %arg28[%dma_wait3A_741, %dma_wait3A_742] : memref<64x137xf32, #tpu.memory_space<vmem>> -> memref<8x128xf32, #tpu.memory_space<vmem>>
    %dma_wait3A_744 = arith.constant 0 : i32
    %dma_wait3A_745 = arith.constant 0 : i32
    %dma_wait3A_746 = tpu.memref_slice %arg8[%dma_wait3A_739, %dma_wait3A_740, %add3A, %dma_wait3A_744, %dma_wait3A_745] : memref<200x8x32x8x128xf32, #tpu.memory_space<hbm>> -> memref<1x1x1x8x128xf32, #tpu.memory_space<hbm>>
    %dma_wait3A_747 = tpu.memref_squeeze %dma_wait3A_746 : memref<1x1x1x8x128xf32, #tpu.memory_space<hbm>> -> memref<8x128xf32, #tpu.memory_space<hbm>>
    %dma_wait3A_748 = arith.constant 0 : i32
    %dma_wait3A_749 = arith.constant 0 : i32
    %dma_wait3A_750 = tpu.memref_slice %arg8[%dma_wait3A_739, %dma_wait3A_740, %add3A, %dma_wait3A_748, %dma_wait3A_749] : memref<200x8x32x8x128xf32, #tpu.memory_space<hbm>> -> memref<1x1x1x8x128xf32, #tpu.memory_space<hbm>>
    %dma_wait3A_751 = tpu.memref_squeeze %dma_wait3A_750 : memref<1x1x1x8x128xf32, #tpu.memory_space<hbm>> -> memref<8x128xf32, #tpu.memory_space<hbm>>
    %dma_wait3A_752 = arith.constant 0 : i32
    %dma_wait3A_753 = arith.constant 0 : i32
    %dma_wait3A_754 = tpu.memref_slice %arg28[%dma_wait3A_752, %dma_wait3A_753] : memref<64x137xf32, #tpu.memory_space<vmem>> -> memref<8x128xf32, #tpu.memory_space<vmem>>
    tpu.wait_dma2 semaphore(%arg34 : memref<!tpu.dma_semaphore, #tpu.memory_space<semaphore_mem>>) src(%dma_wait3A_754 : memref<8x128xf32, #tpu.memory_space<vmem>>) dst(%dma_wait3A_751 : memref<8x128xf32, #tpu.memory_space<hbm>>)
    %dma_wait3A_755 = arith.constant 0 : i32
    %dma_wait3A_756 = arith.constant 0 : i32
    %dma_wait3A_757 = arith.constant 0 : i32
    %dma_wait3A_758 = arith.constant 0 : i32
    %dma_wait3A_759 = tpu.memref_slice %arg28[%dma_wait3A_757, %dma_wait3A_758] : memref<64x137xf32, #tpu.memory_space<vmem>> -> memref<8x128xf32, #tpu.memory_space<vmem>>
    %dma_wait3A_760 = arith.constant 0 : i32
    %dma_wait3A_761 = arith.constant 0 : i32
    %dma_wait3A_762 = tpu.memref_slice %arg8[%dma_wait3A_755, %dma_wait3A_756, %add3A, %dma_wait3A_760, %dma_wait3A_761] : memref<200x8x32x8x128xf32, #tpu.memory_space<hbm>> -> memref<1x1x1x8x128xf32, #tpu.memory_space<hbm>>
    %dma_wait3A_763 = tpu.memref_squeeze %dma_wait3A_762 : memref<1x1x1x8x128xf32, #tpu.memory_space<hbm>> -> memref<8x128xf32, #tpu.memory_space<hbm>>
    %dma_wait3A_764 = arith.constant 0 : i32
    %dma_wait3A_765 = arith.constant 0 : i32
    %dma_wait3A_766 = tpu.memref_slice %arg8[%dma_wait3A_755, %dma_wait3A_756, %add3A, %dma_wait3A_764, %dma_wait3A_765] : memref<200x8x32x8x128xf32, #tpu.memory_space<hbm>> -> memref<1x1x1x8x128xf32, #tpu.memory_space<hbm>>
    %dma_wait3A_767 = tpu.memref_squeeze %dma_wait3A_766 : memref<1x1x1x8x128xf32, #tpu.memory_space<hbm>> -> memref<8x128xf32, #tpu.memory_space<hbm>>
    %dma_wait3A_768 = arith.constant 0 : i32
    %dma_wait3A_769 = arith.constant 0 : i32
    %dma_wait3A_770 = tpu.memref_slice %arg28[%dma_wait3A_768, %dma_wait3A_769] : memref<64x137xf32, #tpu.memory_space<vmem>> -> memref<8x128xf32, #tpu.memory_space<vmem>>
    tpu.wait_dma2 semaphore(%arg34 : memref<!tpu.dma_semaphore, #tpu.memory_space<semaphore_mem>>) src(%dma_wait3A_770 : memref<8x128xf32, #tpu.memory_space<vmem>>) dst(%dma_wait3A_767 : memref<8x128xf32, #tpu.memory_space<hbm>>)
    %dma_wait3A_771 = arith.constant 0 : i32
    %dma_wait3A_772 = arith.constant 0 : i32
    %dma_wait3A_773 = arith.constant 0 : i32
    %dma_wait3A_774 = arith.constant 0 : i32
    %dma_wait3A_775 = tpu.memref_slice %arg28[%dma_wait3A_773, %dma_wait3A_774] : memref<64x137xf32, #tpu.memory_space<vmem>> -> memref<8x128xf32, #tpu.memory_space<vmem>>
    %dma_wait3A_776 = arith.constant 0 : i32
    %dma_wait3A_777 = arith.constant 0 : i32
    %dma_wait3A_778 = tpu.memref_slice %arg8[%dma_wait3A_771, %dma_wait3A_772, %add3A, %dma_wait3A_776, %dma_wait3A_777] : memref<200x8x32x8x128xf32, #tpu.memory_space<hbm>> -> memref<1x1x1x8x128xf32, #tpu.memory_space<hbm>>
    %dma_wait3A_779 = tpu.memref_squeeze %dma_wait3A_778 : memref<1x1x1x8x128xf32, #tpu.memory_space<hbm>> -> memref<8x128xf32, #tpu.memory_space<hbm>>
    %dma_wait3A_780 = arith.constant 0 : i32
    %dma_wait3A_781 = arith.constant 0 : i32
    %dma_wait3A_782 = tpu.memref_slice %arg8[%dma_wait3A_771, %dma_wait3A_772, %add3A, %dma_wait3A_780, %dma_wait3A_781] : memref<200x8x32x8x128xf32, #tpu.memory_space<hbm>> -> memref<1x1x1x8x128xf32, #tpu.memory_space<hbm>>
    %dma_wait3A_783 = tpu.memref_squeeze %dma_wait3A_782 : memref<1x1x1x8x128xf32, #tpu.memory_space<hbm>> -> memref<8x128xf32, #tpu.memory_space<hbm>>
    %dma_wait3A_784 = arith.constant 0 : i32
    %dma_wait3A_785 = arith.constant 0 : i32
    %dma_wait3A_786 = tpu.memref_slice %arg28[%dma_wait3A_784, %dma_wait3A_785] : memref<64x137xf32, #tpu.memory_space<vmem>> -> memref<8x128xf32, #tpu.memory_space<vmem>>
    tpu.wait_dma2 semaphore(%arg34 : memref<!tpu.dma_semaphore, #tpu.memory_space<semaphore_mem>>) src(%dma_wait3A_786 : memref<8x128xf32, #tpu.memory_space<vmem>>) dst(%dma_wait3A_783 : memref<8x128xf32, #tpu.memory_space<hbm>>)
    %dma_wait3A_787 = arith.constant 0 : i32
    %dma_wait3A_788 = arith.constant 0 : i32
    %dma_wait3A_789 = arith.constant 0 : i32
    %dma_wait3A_790 = arith.constant 0 : i32
    %dma_wait3A_791 = tpu.memref_slice %arg28[%dma_wait3A_789, %dma_wait3A_790] : memref<64x137xf32, #tpu.memory_space<vmem>> -> memref<8x128xf32, #tpu.memory_space<vmem>>
    %dma_wait3A_792 = arith.constant 0 : i32
    %dma_wait3A_793 = arith.constant 0 : i32
    %dma_wait3A_794 = tpu.memref_slice %arg8[%dma_wait3A_787, %dma_wait3A_788, %add3A, %dma_wait3A_792, %dma_wait3A_793] : memref<200x8x32x8x128xf32, #tpu.memory_space<hbm>> -> memref<1x1x1x8x128xf32, #tpu.memory_space<hbm>>
    %dma_wait3A_795 = tpu.memref_squeeze %dma_wait3A_794 : memref<1x1x1x8x128xf32, #tpu.memory_space<hbm>> -> memref<8x128xf32, #tpu.memory_space<hbm>>
    %dma_wait3A_796 = arith.constant 0 : i32
    %dma_wait3A_797 = arith.constant 0 : i32
    %dma_wait3A_798 = tpu.memref_slice %arg8[%dma_wait3A_787, %dma_wait3A_788, %add3A, %dma_wait3A_796, %dma_wait3A_797] : memref<200x8x32x8x128xf32, #tpu.memory_space<hbm>> -> memref<1x1x1x8x128xf32, #tpu.memory_space<hbm>>
    %dma_wait3A_799 = tpu.memref_squeeze %dma_wait3A_798 : memref<1x1x1x8x128xf32, #tpu.memory_space<hbm>> -> memref<8x128xf32, #tpu.memory_space<hbm>>
    %dma_wait3A_800 = arith.constant 0 : i32
    %dma_wait3A_801 = arith.constant 0 : i32
    %dma_wait3A_802 = tpu.memref_slice %arg28[%dma_wait3A_800, %dma_wait3A_801] : memref<64x137xf32, #tpu.memory_space<vmem>> -> memref<8x128xf32, #tpu.memory_space<vmem>>
    tpu.wait_dma2 semaphore(%arg34 : memref<!tpu.dma_semaphore, #tpu.memory_space<semaphore_mem>>) src(%dma_wait3A_802 : memref<8x128xf32, #tpu.memory_space<vmem>>) dst(%dma_wait3A_799 : memref<8x128xf32, #tpu.memory_space<hbm>>)
    %dma_wait3A_803 = arith.constant 0 : i32
    %dma_wait3A_804 = arith.constant 0 : i32
    %dma_wait3A_805 = arith.constant 0 : i32
    %dma_wait3A_806 = arith.constant 0 : i32
    %dma_wait3A_807 = tpu.memref_slice %arg28[%dma_wait3A_805, %dma_wait3A_806] : memref<64x137xf32, #tpu.memory_space<vmem>> -> memref<8x128xf32, #tpu.memory_space<vmem>>
    %dma_wait3A_808 = arith.constant 0 : i32
    %dma_wait3A_809 = arith.constant 0 : i32
    %dma_wait3A_810 = tpu.memref_slice %arg8[%dma_wait3A_803, %dma_wait3A_804, %add3A, %dma_wait3A_808, %dma_wait3A_809] : memref<200x8x32x8x128xf32, #tpu.memory_space<hbm>> -> memref<1x1x1x8x128xf32, #tpu.memory_space<hbm>>
    %dma_wait3A_811 = tpu.memref_squeeze %dma_wait3A_810 : memref<1x1x1x8x128xf32, #tpu.memory_space<hbm>> -> memref<8x128xf32, #tpu.memory_space<hbm>>
    %dma_wait3A_812 = arith.constant 0 : i32
    %dma_wait3A_813 = arith.constant 0 : i32
    %dma_wait3A_814 = tpu.memref_slice %arg8[%dma_wait3A_803, %dma_wait3A_804, %add3A, %dma_wait3A_812, %dma_wait3A_813] : memref<200x8x32x8x128xf32, #tpu.memory_space<hbm>> -> memref<1x1x1x8x128xf32, #tpu.memory_space<hbm>>
    %dma_wait3A_815 = tpu.memref_squeeze %dma_wait3A_814 : memref<1x1x1x8x128xf32, #tpu.memory_space<hbm>> -> memref<8x128xf32, #tpu.memory_space<hbm>>
    %dma_wait3A_816 = arith.constant 0 : i32
    %dma_wait3A_817 = arith.constant 0 : i32
    %dma_wait3A_818 = tpu.memref_slice %arg28[%dma_wait3A_816, %dma_wait3A_817] : memref<64x137xf32, #tpu.memory_space<vmem>> -> memref<8x128xf32, #tpu.memory_space<vmem>>
    tpu.wait_dma2 semaphore(%arg34 : memref<!tpu.dma_semaphore, #tpu.memory_space<semaphore_mem>>) src(%dma_wait3A_818 : memref<8x128xf32, #tpu.memory_space<vmem>>) dst(%dma_wait3A_815 : memref<8x128xf32, #tpu.memory_space<hbm>>)
    %dma_wait3A_819 = arith.constant 0 : i32
    %dma_wait3A_820 = arith.constant 0 : i32
    %dma_wait3A_821 = arith.constant 0 : i32
    %dma_wait3A_822 = arith.constant 0 : i32
    %dma_wait3A_823 = tpu.memref_slice %arg28[%dma_wait3A_821, %dma_wait3A_822] : memref<64x137xf32, #tpu.memory_space<vmem>> -> memref<8x128xf32, #tpu.memory_space<vmem>>
    %dma_wait3A_824 = arith.constant 0 : i32
    %dma_wait3A_825 = arith.constant 0 : i32
    %dma_wait3A_826 = tpu.memref_slice %arg8[%dma_wait3A_819, %dma_wait3A_820, %add3A, %dma_wait3A_824, %dma_wait3A_825] : memref<200x8x32x8x128xf32, #tpu.memory_space<hbm>> -> memref<1x1x1x8x128xf32, #tpu.memory_space<hbm>>
    %dma_wait3A_827 = tpu.memref_squeeze %dma_wait3A_826 : memref<1x1x1x8x128xf32, #tpu.memory_space<hbm>> -> memref<8x128xf32, #tpu.memory_space<hbm>>
    %dma_wait3A_828 = arith.constant 0 : i32
    %dma_wait3A_829 = arith.constant 0 : i32
    %dma_wait3A_830 = tpu.memref_slice %arg8[%dma_wait3A_819, %dma_wait3A_820, %add3A, %dma_wait3A_828, %dma_wait3A_829] : memref<200x8x32x8x128xf32, #tpu.memory_space<hbm>> -> memref<1x1x1x8x128xf32, #tpu.memory_space<hbm>>
    %dma_wait3A_831 = tpu.memref_squeeze %dma_wait3A_830 : memref<1x1x1x8x128xf32, #tpu.memory_space<hbm>> -> memref<8x128xf32, #tpu.memory_space<hbm>>
    %dma_wait3A_832 = arith.constant 0 : i32
    %dma_wait3A_833 = arith.constant 0 : i32
    %dma_wait3A_834 = tpu.memref_slice %arg28[%dma_wait3A_832, %dma_wait3A_833] : memref<64x137xf32, #tpu.memory_space<vmem>> -> memref<8x128xf32, #tpu.memory_space<vmem>>
    tpu.wait_dma2 semaphore(%arg34 : memref<!tpu.dma_semaphore, #tpu.memory_space<semaphore_mem>>) src(%dma_wait3A_834 : memref<8x128xf32, #tpu.memory_space<vmem>>) dst(%dma_wait3A_831 : memref<8x128xf32, #tpu.memory_space<hbm>>)
    %dma_wait3A_835 = arith.constant 0 : i32
    %dma_wait3A_836 = arith.constant 0 : i32
    %dma_wait3A_837 = arith.constant 0 : i32
    %dma_wait3A_838 = arith.constant 0 : i32
    %dma_wait3A_839 = tpu.memref_slice %arg28[%dma_wait3A_837, %dma_wait3A_838] : memref<64x137xf32, #tpu.memory_space<vmem>> -> memref<8x128xf32, #tpu.memory_space<vmem>>
    %dma_wait3A_840 = arith.constant 0 : i32
    %dma_wait3A_841 = arith.constant 0 : i32
    %dma_wait3A_842 = tpu.memref_slice %arg8[%dma_wait3A_835, %dma_wait3A_836, %add3A, %dma_wait3A_840, %dma_wait3A_841] : memref<200x8x32x8x128xf32, #tpu.memory_space<hbm>> -> memref<1x1x1x8x128xf32, #tpu.memory_space<hbm>>
    %dma_wait3A_843 = tpu.memref_squeeze %dma_wait3A_842 : memref<1x1x1x8x128xf32, #tpu.memory_space<hbm>> -> memref<8x128xf32, #tpu.memory_space<hbm>>
    %dma_wait3A_844 = arith.constant 0 : i32
    %dma_wait3A_845 = arith.constant 0 : i32
    %dma_wait3A_846 = tpu.memref_slice %arg8[%dma_wait3A_835, %dma_wait3A_836, %add3A, %dma_wait3A_844, %dma_wait3A_845] : memref<200x8x32x8x128xf32, #tpu.memory_space<hbm>> -> memref<1x1x1x8x128xf32, #tpu.memory_space<hbm>>
    %dma_wait3A_847 = tpu.memref_squeeze %dma_wait3A_846 : memref<1x1x1x8x128xf32, #tpu.memory_space<hbm>> -> memref<8x128xf32, #tpu.memory_space<hbm>>
    %dma_wait3A_848 = arith.constant 0 : i32
    %dma_wait3A_849 = arith.constant 0 : i32
    %dma_wait3A_850 = tpu.memref_slice %arg28[%dma_wait3A_848, %dma_wait3A_849] : memref<64x137xf32, #tpu.memory_space<vmem>> -> memref<8x128xf32, #tpu.memory_space<vmem>>
    tpu.wait_dma2 semaphore(%arg34 : memref<!tpu.dma_semaphore, #tpu.memory_space<semaphore_mem>>) src(%dma_wait3A_850 : memref<8x128xf32, #tpu.memory_space<vmem>>) dst(%dma_wait3A_847 : memref<8x128xf32, #tpu.memory_space<hbm>>)
    %dma_wait3A_851 = arith.constant 0 : i32
    %dma_wait3A_852 = arith.constant 0 : i32
    %dma_wait3A_853 = arith.constant 0 : i32
    %dma_wait3A_854 = arith.constant 0 : i32
    %dma_wait3A_855 = tpu.memref_slice %arg28[%dma_wait3A_853, %dma_wait3A_854] : memref<64x137xf32, #tpu.memory_space<vmem>> -> memref<8x128xf32, #tpu.memory_space<vmem>>
    %dma_wait3A_856 = arith.constant 0 : i32
    %dma_wait3A_857 = arith.constant 0 : i32
    %dma_wait3A_858 = tpu.memref_slice %arg8[%dma_wait3A_851, %dma_wait3A_852, %add3A, %dma_wait3A_856, %dma_wait3A_857] : memref<200x8x32x8x128xf32, #tpu.memory_space<hbm>> -> memref<1x1x1x8x128xf32, #tpu.memory_space<hbm>>
    %dma_wait3A_859 = tpu.memref_squeeze %dma_wait3A_858 : memref<1x1x1x8x128xf32, #tpu.memory_space<hbm>> -> memref<8x128xf32, #tpu.memory_space<hbm>>
    %dma_wait3A_860 = arith.constant 0 : i32
    %dma_wait3A_861 = arith.constant 0 : i32
    %dma_wait3A_862 = tpu.memref_slice %arg8[%dma_wait3A_851, %dma_wait3A_852, %add3A, %dma_wait3A_860, %dma_wait3A_861] : memref<200x8x32x8x128xf32, #tpu.memory_space<hbm>> -> memref<1x1x1x8x128xf32, #tpu.memory_space<hbm>>
    %dma_wait3A_863 = tpu.memref_squeeze %dma_wait3A_862 : memref<1x1x1x8x128xf32, #tpu.memory_space<hbm>> -> memref<8x128xf32, #tpu.memory_space<hbm>>
    %dma_wait3A_864 = arith.constant 0 : i32
    %dma_wait3A_865 = arith.constant 0 : i32
    %dma_wait3A_866 = tpu.memref_slice %arg28[%dma_wait3A_864, %dma_wait3A_865] : memref<64x137xf32, #tpu.memory_space<vmem>> -> memref<8x128xf32, #tpu.memory_space<vmem>>
    tpu.wait_dma2 semaphore(%arg34 : memref<!tpu.dma_semaphore, #tpu.memory_space<semaphore_mem>>) src(%dma_wait3A_866 : memref<8x128xf32, #tpu.memory_space<vmem>>) dst(%dma_wait3A_863 : memref<8x128xf32, #tpu.memory_space<hbm>>)
    return
  }
}

</mosaic_0001>

<sc_bundles>
// kernel: kernel.3.cloned.1.call-start
scs
__scs_entry_jumppad:
0x0: {  	(pc) =	sbr.rel $0x88, $3  }
0x1: {  	(tag) =	ssettag $0x0;
	lr =	simm.s32 $0x1  }
0x2: {  	[smem:$0x3F9B] =	sst lr;
	_ =	strace $0xD0000000  }
0x3: {  	_ = 	snop  }
0x4: {  	_ = 	snop  }
0x5: {  	_ = 	snop  }
0x6: {  	_ = 	snop  }
0x7: {  	_ = 	snop  }
__scs_overlays_trampoline_lowered:
0x8: {  	[smem:$0x3FAA] =	sst s0  }
0x9: {  	[smem:$0x3FAB] =	sst s1  }
0xa: {  	[smem:$0x3FAC] =	sst s2  }
0xb: {  	[smem:$0x3FAD] =	sst s3  }
0xc: {  	[smem:$0x3FAE] =	sst s4  }
0xd: {  	[smem:$0x3FAF] =	sst s5  }
0xe: {  	[smem:$0x3FB0] =	sst s6  }
0xf: {  	[smem:$0x3FB1] =	sst s7  }
0x10: {  	[smem:$0x3FB2] =	sst s8  }
0x11: {  	[smem:$0x3FB3] =	sst s9;
	s0 =	simm.s32 @!p0 $0x0  }
0x12: {  	s1 =	sld [smem:$0x3F99];
	s0 =	simm.s32 @p0 $0x1  }
0x13: {  	[smem:$0x3FB4] =	sst s0;
	s0 =	simm.s32 @!p1 $0x0  }
0x14: {  	s2 =	sld [smem:$0x3F98];
	s0 =	simm.s32 @p1 $0x1  }
0x15: {  	[smem:$0x3FB5] =	sst s0;
	s0 =	simm.s32 @!p2 $0x0  }
0x16: {  	s3 =	sld [smem:$0x3FDB];
	s0 =	simm.s32 @p2 $0x1  }
0x17: {  	s4 =	simm.s32 $0x1BF5;
	[smem:$0x3FB7] =	sst s0  }
0x18: {  	s0 =	sld [smem:$0x3F9A];
	_ =	swait.ge [sflag:s4], $0x0  }
0x19: {  	s7 =	sld [smem:$0x3F9B]  }
0x1a: {  	s8 =	sadd.s32 $0xFFFFE003, lr  }
0x1b: {  	s9 =	sadd.s32 $0xFFFFFEF7, lr;
	s5 =	simm.s32 $0xFFFFFFFF;
	p2 =	slt.u32 s8, $0xFFFFF086  }
0x1c: {  	p1 =	slt.u32 s9, $0xF7A;
	s5 =	simm.s32 @!p2 $0x0  }
0x1d: {  	s5 =	simm.s32 @p1 $0x1;
	p0 =	seq.s32 s7, s2  }
0x1e: {  	s7 =	smul.u32 @!p0 $0xF7A, s2;
	p2 =	seq.s32 @!p0 s5, $0x0  }
0x1f: {  	s9 =	smul.u32 $0xF7A, s1;
	s8 =	simm.s32 @!p0 $0x1BF5;
	p2 =	por !p2, p0  }
0x20: {  	[sflag:s8] =	ssyncset.s32 @!p0 $0xFFFFF086;
	s6 =	sadd.s32 @!p0 s3, s7;
	s7 =	simm.s32 @!p0 $0x108  }
0x21: {  	s3 =	sadd.s32 s3, s9;
	s6 =	sadd.s32 @!p0 $0x88, s6;
	s7 =	simm.s32 @p2 $0x1082  }
0x22: {  	[simem:s7], [sflag:s8] =	dma.local @!p0 [hbm:s6], $0xF7A  }
0x23: {  	s9 =	sor.u32 $0xD0000000, s2;
	s6 =	simm.s32 $0x108;
	_ =	swait.ge @!p0 [sflag:s8], $0x0  }
0x24: {  	s3 =	sadd.s32 $0x88, s3;
	s6 =	simm.s32 @!p1 $0x1082;
	[sflag:s4] =	ssyncset.s32 $0xFFFFF086  }
0x25: {  	[simem:s6], [sflag:s4] =	dma.local [hbm:s3], $0xF7A  }
0x26: {  	[smem:$0x3F9B] =	sst s1;
	(tag) =	ssettag s2;
	_ =	strace s9  }
0x27: {  	s1 =	sld [smem:$0x3FAB]  }
0x28: {  	s2 =	sld [smem:$0x3FAC]  }
0x29: {  	s4 =	sld [smem:$0x3FAE]  }
0x2a: {  	p0 =	seq.s32 s5, $0x0;
	s5 =	sld [smem:$0x3FAF]  }
0x2b: {  	s6 =	sld [smem:$0x3FB0]  }
0x2c: {  	s7 =	sld [smem:$0x3FB1]  }
0x2d: {  	s3 =	simm.s32 $0x108;
	s8 =	sld [smem:$0x3FB2]  }
0x2e: {  	s3 =	simm.s32 @!p0 $0x1082;
	s9 =	sld [smem:$0x3FB3]  }
0x2f: {  	lr =	sadd.s32 s0, s3;
	s0 =	sld [smem:$0x3FAA]  }
0x30: {  	s3 =	sld [smem:$0x3FAD]  }
0x31: {  	[smem:$0x3FB6] =	sst s10  }
0x32: {  	s10 =	sld [smem:$0x3FB4];
	_ =	sdelay $0x3  }
0x33: {  	p0 =	seq.s32 s10, $0x1;
	s10 =	sld [smem:$0x3FB6];
	_ =	sdelay $0x3  }
0x34: {  	[smem:$0x3FB6] =	sst s10  }
0x35: {  	s10 =	sld [smem:$0x3FB5];
	_ =	sdelay $0x3  }
0x36: {  	p1 =	seq.s32 s10, $0x1;
	s10 =	sld [smem:$0x3FB6];
	_ =	sdelay $0x3  }
0x37: {  	[smem:$0x3FB6] =	sst s10  }
0x38: {  	s10 =	sld [smem:$0x3FB7]  }
0x39: {  	_ = 	snop;
	(pc) =	sbr.ind lr, $3  }
0x3a: {  	_ = 	snop  }
0x3b: {  	_ = 	snop  }
0x3c: {  	p2 =	seq.s32 s10, $0x1;
	s10 =	sld [smem:$0x3FB6]  }
0x3d: {  	_ =	shalt  }
0x3e: {  	_ =	shalt  }
0x3f: {  	_ =	shalt  }
0x40: {  	_ =	shalt  }
0x41: {  	_ =	shalt  }
0x42: {  	_ =	shalt  }
0x43: {  	_ =	shalt  }
0x44: {  	_ =	shalt  }
0x45: {  	_ =	shalt  }
0x46: {  	_ =	shalt  }
0x47: {  	_ =	shalt  }
0x48: {  	_ =	shalt  }
0x49: {  	_ =	shalt  }
0x4a: {  	_ =	shalt  }
0x4b: {  	_ =	shalt  }
0x4c: {  	_ =	shalt  }
0x4d: {  	_ =	shalt  }
0x4e: {  	_ =	shalt  }
0x4f: {  	_ =	shalt  }
0x50: {  	_ =	shalt  }
0x51: {  	_ =	shalt  }
0x52: {  	_ =	shalt  }
0x53: {  	_ =	shalt  }
0x54: {  	_ =	shalt  }
0x55: {  	_ =	shalt  }
0x56: {  	_ =	shalt  }
0x57: {  	_ =	shalt  }
0x58: {  	_ =	shalt  }
0x59: {  	_ =	shalt  }
0x5a: {  	_ =	shalt  }
0x5b: {  	_ =	shalt  }
0x5c: {  	_ =	shalt  }
0x5d: {  	_ =	shalt  }
0x5e: {  	_ =	shalt  }
0x5f: {  	_ =	shalt  }
0x60: {  	_ =	shalt  }
0x61: {  	_ =	shalt  }
0x62: {  	_ =	shalt  }
0x63: {  	_ =	shalt  }
0x64: {  	_ =	shalt  }
0x65: {  	_ =	shalt  }
0x66: {  	_ =	shalt  }
0x67: {  	_ =	shalt  }
0x68: {  	_ =	shalt  }
0x69: {  	_ =	shalt  }
0x6a: {  	_ =	shalt  }
0x6b: {  	_ =	shalt  }
0x6c: {  	_ =	shalt  }
0x6d: {  	_ =	shalt  }
0x6e: {  	_ =	shalt  }
0x6f: {  	_ =	shalt  }
0x70: {  	_ =	shalt  }
0x71: {  	_ =	shalt  }
0x72: {  	_ =	shalt  }
0x73: {  	_ =	shalt  }
0x74: {  	_ =	shalt  }
0x75: {  	_ =	shalt  }
0x76: {  	_ =	shalt  }
0x77: {  	_ =	shalt  }
0x78: {  	_ =	shalt  }
0x79: {  	_ =	shalt  }
0x7a: {  	_ =	shalt  }
0x7b: {  	_ =	shalt  }
0x7c: {  	_ =	shalt  }
0x7d: {  	_ =	shalt  }
0x7e: {  	_ =	shalt  }
0x7f: {  	_ =	shalt  }
0x80: {  	_ =	shalt  }
0x81: {  	_ =	shalt  }
0x82: {  	_ =	shalt  }
0x83: {  	_ =	shalt  }
0x84: {  	_ =	shalt  }
0x85: {  	_ =	shalt  }
0x86: {  	_ =	shalt  }
0x87: {  	_ =	shalt  }
.Lfunc_end0:
.L_simem_size_0:
called_computation_lowered:
.L_overlay_start_0:
0x88: {  	s2 =	sld [smem:$0x3FD9]  }
0x89: {  	s3 =	sld [smem:$0x3FFE];
	_ =	sdelay $0x1  }
0x8a: {  	s1 =	srdreg.scid  }
0x8b: {  	s0 =	sand.u32 $0x1, s1  }
0x8c: {  	s17 =	sshll.u32 s0, $0xA;
	s2 =	sadd.s32 s3, s2  }
0x8d: {  	s2 =	sadd.s32 s2, s17  }
0x8e: {  	[smem:$0x3FC2] =	sst s2  }
0x8f: {  	_ = 	snop  }
0x90: {  	s2 =	sld [smem:$0x3FD0];
	(tm) =	ssettm $0x1  }
0x91: {  	s18 =	sld [smem:$0x3FFB];
	_ =	sdelay $0x3  }
0x92: {  	_ =	strace s18  }
0x93: {  	s3 =	sld [smem:$0x3FFC];
	_ =	sdelay $0x3  }
0x94: {  	_ =	strace s3  }
0x95: {  	s3 =	sld [smem:$0x3FFD];
	_ =	sdelay $0x3  }
0x96: {  	_ =	strace s3  }
0x97: {  	_ =	strace $0x8FFFFFFF  }
0x98: {  	s19 =	sld [smem:$0x3FDB];
	_ =	sdelay $0x1  }
0x99: {  	s4 =	simm.s32 $_scs_section_size  }
0x9a: {  	s5 =	simm.s32 $_size__tile_overlayer_lowered;
	s6 =	simm.s32 $_tile_overlayer_lowered  }
0x9b: {  	s22 =	simm.s32 $0x1BFF;
	s21 =	sshll.u32 s6, $0x1;
	s3 =	sadd.s32 s4, s19  }
0x9c: {  	s7 =	simm.s32 $0x0;
	s20 =	sshll.u32 s5, $0x1;
	s5 =	sadd.s32 s21, s3  }
0x9d: {  	[timem:s7], [sflag:s22] =	dma.local [hbm:s5], s20  }
0x9e: {  	_ =	swait.ge [sflag:s22], s20  }
0x9f: {  	s4 =	ssub.s32 $0x0, s20;
	[sflag:s22] =	ssyncset.done $0x0  }
0xa0: {  	[sflag:s22] =	ssyncadd.s32 s4;
	_ =	sdelay $0x1  }
0xa1: {  	s23 =	simm.s32 $0x1B8B  }
0xa2: {  	_ =	swait.ge [sflag:s23], $0x1  }
0xa3: {  	[sflag:s23] =	ssyncset.done $0x0  }
0xa4: {  	s25 =	simm.s32 $0x1B8E;
	s24 =	sld [smem:$0x3FFE];
	[sflag:s23] =	ssyncadd.s32 $0xFFFFFFFF  }
0xa5: {  	s26 =	simm.s32 $execute0_lowered;
	[smem:$0x3FD2] =	sst s25  }
0xa6: {  	s5 =	sshll.u32 s26, $0x1;
	_ =	strace $0x80000046;
	[dreg:$0x1] =	wrdreg $0xFFFFFFFF  }
0xa7: {  	s28 =	simm.s32 $_size_execute0_lowered;
	s3 =	sadd.s32 s3, s5;
	[dreg:$0x0] =	wrdreg $0x0  }
0xa8: {  	s5 =	sshll.u32 s28, $0x1;
	[dreg:$0x2] =	wrdreg s3  }
0xa9: {  	[dreg:$0x3] =	wrdreg s5  }
0xaa: {  	[dreg:$0x4] =	wrdreg $0xC0  }
0xab: {  	_ =	task [dreg:s7], $0x5FFFF  }
0xac: {  	[dreg:$0x1] =	wrdreg $0xFFFFFFFF  }
0xad: {  	[dreg:$0x0] =	wrdreg $0x60  }
0xae: {  	[dreg:$0x2] =	wrdreg s24  }
0xaf: {  	[dreg:$0x3] =	wrdreg s2  }
0xb0: {  	[dreg:$0x4] =	wrdreg $0x9  }
0xb1: {  	_ =	task.clear_ibuf [dreg:s7], $0x5FFFF;
	_ =	strace $0x90000046  }
0xb2: {  	s29 =	simm.s32 $0x9;
	_ =	strace $0x80000048  }
0xb3: {  	_ =	swait.ge [sflag:s29], $0x1  }
0xb4: {  	[sflag:s29] =	ssyncadd.s32 $0xFFFFFFFF  }
0xb5: {  	_ =	strace $0x90000048  }
0xb6: {  	_ =	sfence  }
0xb7: {  	s30 =	sld [smem:$0x0];
	_ =	sdelay $0x2  }
0xb8: {  	s31 =	sshll.u32 s1, $0xD;
	s1 =	sshrl.u32 s1, $0x2  }
0xb9: {  	s3 =	sand.u32 $0x4000, s31;
	s1 =	sadd.s32 s1, s30  }
0xba: {  	s0 =	sor.u32 s3, s0;
	s1 =	sshll.u32 s1, $0x11  }
0xbb: {  	s0 =	sor.u32 s1, s0  }
0xbc: {  	s0 =	sadd.s32 $0x8F2B, s0  }
0xbd: {  	[sflag:s0] =	ssyncadd.remote.s32 $0x1  }
0xbe: {  	_ =	sfence.sel $0xFFFF  }
0xbf: {  	[dreg:$0x0] =	wrdreg $0xFFFFFFFF;
	(pc) =	sbr.abs _section_cstart, $3  }
0xc0: {  	[dreg:$0x1] =	wrdreg $0xFFFFFFFF  }
0xc1: {  	_ =	task.clear_ibuf [dreg:s7], $0x2FFFF;
	_ =	strace $0x9FFFFFFF  }
0xc2: {  	(tm) =	ssettm $0x7FFFFFFF  }
0xc3: {  	_ =	shalt  }
tec
execute0_lowered:
.L_overlay_start_1:
0x0: {  	(tag) =	ssettag $0x1  }
0x1: {  	s0 =	rddreg [dreg:$0x0]  }
0x2: {  	s5 =	rddreg [dreg:$0x1];
	s2 =	simm.s32 $0x0;
	s1 =	srdreg.scid  }
0x3: {  	s4 =	stileid.u32;
	[smem:$0x7FF] =	sst s2;
	s6 =	sadd.s32 $0x4800, s0  }
0x4: {  	s10 =	sadd.s32 $0x1D800, s0;
	s1 =	sand.u32 $0x1, s1;
	s4 =	sshll.u32 s4, $0x1  }
0x5: {  	s11 =	sadd.s32 $0x36800, s0;
	s3 =	ssub.s32 $0x2, s1;
	s1 =	sor.u32 s1, s4  }
0x6: {  	s7 =	sadd.s32 $0x4F800, s0;
	s8 =	sadd.s32 $0x800, s0;
	s14 =	sshll.u32 s1, $0x4  }
0x7: {  	s9 =	sadd.s32 $0x2800, s0;
	_ =	strace $0x80000047;
	s15 =	sadd.s32 s6, s14  }
0x8: {  	s13 =	sshrl.u32 s3, $0x1;
	s16 =	sadd.s32 s10, s14;
	[dreg:$0x4] =	wrdreg s15  }
0x9: {  	v0 =	vlaneseq.u32;
	s0 =	ssub.s32 s3, s13;
	s3 =	sadd.s32 s11, s14;
	[dreg:$0x5] =	wrdreg s16  }
0xa: {  	v13 =	vmul.u32 $0x90, v0;
	s13 =	sshll.u32 s1, $0x7;
	s17 =	sor.u32 $0x200, s14;
	[dreg:$0x6] =	wrdreg s3  }
0xb: {  	s18 =	sadd.s32 s6, s17;
	[dreg:$0x3] =	wrdreg s13  }
0xc: {  	v14 =	vadd.s32 $0x900, v13;
	[tilespmem:$0x1FE10] =	vst v13;
	s19 =	sadd.s32 s10, s17;
	[dreg:$0x7] =	wrdreg s18  }
0xd: {  	v15 =	vadd.s32 $0x1200, v13;
	[tilespmem:$0x1FE20] =	vst v14;
	s20 =	sadd.s32 s11, s17;
	[dreg:$0x8] =	wrdreg s19  }
0xe: {  	v16 =	vor.u32 $0x1, v13;
	[tilespmem:$0x1FE30] =	vst v15;
	s0 =	smax.u32 s0, $0x1;
	[dreg:$0x9] =	wrdreg s20  }
0xf: {  	v17 =	vadd.s32 $0x901, v13;
	[tilespmem:$0x1FE40] =	vst v16;
	s3 =	sshll.u32 s1, $0xA;
	s21 =	sadd.s32 s13, s5;
	[dreg:$0x1b] =	wrdreg s0  }
0x10: {  	v18 =	vadd.s32 $0x1201, v13;
	[tilespmem:$0x1FE50] =	vst v17;
	s22 =	sadd.s32 $0x630000, s21;
	[dreg:$0xa] =	wrdreg s3  }
0x11: {  	v39 =	vadd.s32 $0x1B01, v13;
	[tilespmem:$0x1FE60] =	vst v18;
	s23 =	sadd.s32 $0x631000, s21;
	[dreg:$0xb] =	wrdreg s22  }
0x12: {  	v19 =	vor.u32 $0x2, v13;
	[tilespmem:$0x1FE70] =	vst v39;
	s24 =	sadd.s32 $0x632000, s21;
	[dreg:$0xc] =	wrdreg s23  }
0x13: {  	v20 =	vadd.s32 $0x902, v13;
	[tilespmem:$0x1FE80] =	vst v19;
	s25 =	sadd.s32 $0x633000, s21;
	[dreg:$0xd] =	wrdreg s24  }
0x14: {  	v21 =	vadd.s32 $0x1202, v13;
	[tilespmem:$0x1FE90] =	vst v20;
	s26 =	sadd.s32 $0x634000, s21;
	[dreg:$0xe] =	wrdreg s25  }
0x15: {  	v40 =	vadd.s32 $0x1B02, v13;
	[tilespmem:$0x1FEA0] =	vst v21;
	s30 =	sadd.s32 $0x635000, s21;
	[dreg:$0xf] =	wrdreg s26  }
0x16: {  	v22 =	vor.u32 $0x3, v13;
	[tilespmem:$0x1FEB0] =	vst v40;
	s31 =	sadd.s32 $0x636000, s21;
	[dreg:$0x10] =	wrdreg s30  }
0x17: {  	s12 =	smov.u32 s6;
	v23 =	vadd.s32 $0x903, v13;
	[tilespmem:$0x1FEC0] =	vst v22;
	s6 =	sadd.s32 $0x637000, s21;
	[dreg:$0x11] =	wrdreg s31  }
0x18: {  	v24 =	vadd.s32 $0x1203, v13;
	[tilespmem:$0x1FED0] =	vst v23;
	s18 =	smov.u32 s10;
	s10 =	sadd.s32 $0x638000, s21;
	[dreg:$0x12] =	wrdreg s6  }
0x19: {  	v41 =	vadd.s32 $0x1B03, v13;
	[tilespmem:$0x1FEE0] =	vst v24;
	s19 =	smov.u32 s11;
	s11 =	sadd.s32 $0x639000, s21;
	[dreg:$0x13] =	wrdreg s10  }
0x1a: {  	v25 =	vor.u32 $0x4, v13;
	[tilespmem:$0x1FEF0] =	vst v41;
	s14 =	sadd.s32 $0x63A000, s21;
	[dreg:$0x14] =	wrdreg s11  }
0x1b: {  	v27 =	vadd.s32 $0x904, v13;
	[tilespmem:$0x1FF00] =	vst v25;
	s15 =	sadd.s32 $0x63B000, s21;
	[dreg:$0x15] =	wrdreg s14  }
0x1c: {  	v26 =	vadd.s32 $0x1204, v13;
	[tilespmem:$0x1FF10] =	vst v27;
	s16 =	sadd.s32 $0x63C000, s21;
	[dreg:$0x16] =	wrdreg s15  }
0x1d: {  	v37 =	vadd.s32 $0x1B04, v13;
	[tilespmem:$0x1FF20] =	vst v26;
	s17 =	sadd.s32 $0x63D000, s21;
	[dreg:$0x17] =	wrdreg s16  }
0x1e: {  	v28 =	vor.u32 $0x5, v13;
	[tilespmem:$0x1FF30] =	vst v37;
	s20 =	sadd.s32 $0x63E000, s21;
	[dreg:$0x18] =	wrdreg s17  }
0x1f: {  	v29 =	vadd.s32 $0x905, v13;
	[tilespmem:$0x1FF40] =	vst v28;
	s1 =	sadd.s32 $0x63F000, s21;
	[dreg:$0x19] =	wrdreg s20  }
0x20: {  	s28 =	simm.s32 $0x1;
	v62 =	vadd.s32 $0x1205, v13;
	[tilespmem:$0x1FF50] =	vst v29;
	s21 =	sor.u32 $0x3000, s13;
	[dreg:$0x1a] =	wrdreg s1  }
0x21: {  	s29 =	simm.s32 $0x4;
	s4 =	simm.s32 $0x8;
	v42 =	vadd.s32 $0x1B05, v13;
	[tilespmem:$0x1FF60] =	vst v62;
	[dreg:$0x1c] =	wrdreg s21  }
0x22: {  	v30 =	vadd.s32 $0x1B00, v13;
	[tilespmem:$0x1FF70] =	vst v42;
	s22 =	sor.u32 $0x4000, s13;
	s23 =	sadd.s32 $0x1000, s5;
	s24 =	sadd.s32 $0x2000, s5  }
0x23: {  	v43 =	vadd.s32 $0x906, v13;
	[tilespmem:$0x1FF80] =	vst v30;
	s25 =	sadd.s32 $0x3000, s5;
	s26 =	sadd.s32 $0x4000, s5;
	[dreg:$0x1d] =	wrdreg s22  }
0x24: {  	v60 =	vadd.s32 $0x1206, v13;
	[tilespmem:$0x1FF90] =	vst v43;
	s30 =	sadd.s32 $0x5000, s5;
	s20 =	sadd.s32 $0x6000, s5;
	[dreg:$0x1e] =	wrdreg s23  }
0x25: {  	v44 =	vadd.s32 $0x1B06, v13;
	[tilespmem:$0x1FFA0] =	vst v60;
	s21 =	sadd.s32 $0x7000, s5;
	s31 =	sor.u32 $0x40000, s3;
	[dreg:$0x1f] =	wrdreg s24  }
0x26: {  	v52 =	vor.u32 $0x7, v13;
	[tilespmem:$0x1FFB0] =	vst v44;
	s17 =	simm.s32 $0x180;
	s16 =	simm.s32 $0x200;
	[smem:$0x7FA] =	sst s25  }
0x27: {  	v45 =	vadd.s32 $0x907, v13;
	[tilespmem:$0x1FFC0] =	vst v52;
	s10 =	simm.s32 $0x12480;
	s13 =	simm.s32 $0x9;
	[smem:$0x7FB] =	sst s26  }
0x28: {  	v59 =	vadd.s32 $0x1207, v13;
	[tilespmem:$0x1FFD0] =	vst v45;
	s14 =	simm.s32 $0x2;
	s11 =	simm.s32 $0x3;
	[smem:$0x7FC] =	sst s30  }
0x29: {  	vm0 =	vcmask $0x300;
	v0 =	vimm.s32 $0x0;
	v33 =	vadd.s32 $0x1B07, v13;
	[tilespmem:$0x1FFE0] =	vst v59;
	s1 =	simm.s32 $0x0;
	[smem:$0x7FD] =	sst s31;
	s23 =	simm.s32 $0x80  }
0x2a: {  	v1 =	vsel vm0, $0x3, v0;
	v31 =	vor.u32 $0x6, v13;
	[tilespmem:$0x1FFF0] =	vst v33;
	s25 =	simm.s32 $0x7;
	s22 =	simm.s32 $0x14880;
	s26 =	simm.s32 $0x16C80  }
.LBB2_1:
0x2b: {  	[smem:$0x7F9] =	sst s1  }
0x2c: {  	s0 =	rddreg [dreg:$0x4]  }
0x2d: {  	[tilespmem:s2], [sflag:$0x7] =	stream.linear.gather [hbm4b:s0+s2], $0x80, $0x38;
	[tilespmem:$0x19080] =	vst v63  }
0x2e: {  	s24 =	rddreg [dreg:$0x5]  }
0x2f: {  	[tilespmem:s23], [sflag:$0x7] =	stream.linear.gather [hbm4b:s24+s2], $0x80, $0x38;
	[tilespmem:$0x19080] =	vst v63  }
0x30: {  	s30 =	rddreg [dreg:$0x6];
	s31 =	simm.s32 $0x100  }
0x31: {  	[tilespmem:s31], [sflag:$0x7] =	stream.linear.gather [hbm4b:s30+s2], $0x80, $0x38;
	[tilespmem:$0x19080] =	vst v63  }
0x32: {  	_ =	swait.ge [sflag:s25], $0x80  }
0x33: {  	[sflag:s25] =	ssyncset.done $0x0  }
0x34: {  	[sflag:s25] =	ssyncadd.s32 $0xFFFFFF80  }
0x35: {  	_ =	swait.ge [sflag:s25], $0x80  }
0x36: {  	[sflag:s25] =	ssyncset.done $0x0  }
0x37: {  	[sflag:s25] =	ssyncadd.s32 $0xFFFFFF80  }
0x38: {  	_ =	swait.ge [sflag:s25], $0x80  }
0x39: {  	[sflag:s25] =	ssyncset.done $0x0  }
0x3a: {  	s3 =	simm.s32 $0x480;
	[sflag:s25] =	ssyncadd.s32 $0xFFFFFF80  }
0x3b: {  	[tilespmem:s3], [sflag:$0x1] =	stream.indirect.gather [hbm4b:s7+s23], $0x40, s2, s23, $0xb8;
	[tilespmem:$0x19080] =	vst v63  }
0x3c: {  	s5 =	simm.s32 $0x2480  }
0x3d: {  	[tilespmem:s5], [sflag:$0x1] =	stream.indirect.gather [hbm4b:s8+s23], $0x40, s23, s23, $0xb8;
	[tilespmem:$0x19080] =	vst v63  }
0x3e: {  	s6 =	simm.s32 $0x4480  }
0x3f: {  	[tilespmem:s6], [sflag:$0x1] =	stream.indirect.gather [hbm4b:s9+s23], $0x40, s31, s23, $0xb8;
	[tilespmem:$0x19080] =	vst v63  }
0x40: {  	s15 =	rddreg [dreg:$0x7]  }
0x41: {  	[tilespmem:s17], [sflag:$0x8] =	stream.linear.gather [hbm4b:s15+s2], $0x80, $0x38;
	[tilespmem:$0x19080] =	vst v63  }
0x42: {  	s24 =	rddreg [dreg:$0x8]  }
0x43: {  	[tilespmem:s16], [sflag:$0x8] =	stream.linear.gather [hbm4b:s24+s2], $0x80, $0x38;
	[tilespmem:$0x19080] =	vst v63  }
0x44: {  	s30 =	rddreg [dreg:$0x9];
	s31 =	simm.s32 $0x280;
	s24 =	simm.s32 $0x0  }
0x45: {  	[tilespmem:s31], [sflag:$0x8] =	stream.linear.gather [hbm4b:s30+s2], $0x80, $0x38;
	[tilespmem:$0x19080] =	vst v63  }
.LBB2_2:
0x46: {  	p0 =	seq.s32 s24, $0x0  }
0x47: {  	s0 =	simm.s32 @!p0 $0x5  }
0x48: {  	_ =	swait.ge @!p0 [sflag:s0], $0x400  }
0x49: {  	[sflag:s0] =	ssyncset.done @!p0 $0x0  }
0x4a: {  	[sflag:s0] =	ssyncadd.s32 @!p0 $0xFFFFFC00  }
0x4b: {  	_ =	swait.ge @!p0 [sflag:s0], $0x400  }
0x4c: {  	[sflag:s0] =	ssyncset.done @!p0 $0x0  }
0x4d: {  	[sflag:s0] =	ssyncadd.s32 @!p0 $0xFFFFFC00  }
0x4e: {  	_ =	swait.ge @!p0 [sflag:s0], $0x400  }
0x4f: {  	[sflag:s0] =	ssyncset.done @!p0 $0x0  }
0x50: {  	[sflag:s0] =	ssyncadd.s32 @!p0 $0xFFFFFC00  }
0x51: {  	_ =	swait.ge @!p0 [sflag:s0], $0x400  }
0x52: {  	[sflag:s0] =	ssyncset.done @!p0 $0x0  }
0x53: {  	[sflag:s0] =	ssyncadd.s32 @!p0 $0xFFFFFC00  }
0x54: {  	_ =	swait.ge @!p0 [sflag:s0], $0x400  }
0x55: {  	[sflag:s0] =	ssyncset.done @!p0 $0x0  }
0x56: {  	[sflag:s0] =	ssyncadd.s32 @!p0 $0xFFFFFC00  }
0x57: {  	_ =	swait.ge @!p0 [sflag:s0], $0x400  }
0x58: {  	[sflag:s0] =	ssyncset.done @!p0 $0x0  }
0x59: {  	[sflag:s0] =	ssyncadd.s32 @!p0 $0xFFFFFC00  }
0x5a: {  	_ =	swait.ge @!p0 [sflag:s0], $0x400  }
0x5b: {  	[sflag:s0] =	ssyncset.done @!p0 $0x0  }
0x5c: {  	[sflag:s0] =	ssyncadd.s32 @!p0 $0xFFFFFC00  }
0x5d: {  	_ =	swait.ge @!p0 [sflag:s0], $0x400  }
0x5e: {  	[sflag:s0] =	ssyncset.done @!p0 $0x0  }
0x5f: {  	[sflag:s0] =	ssyncadd.s32 @!p0 $0xFFFFFC00  }
0x60: {  	_ =	swait.ge [sflag:s4], $0x80  }
0x61: {  	[sflag:s4] =	ssyncset.done $0x0  }
0x62: {  	[sflag:s4] =	ssyncadd.s32 $0xFFFFFF80  }
0x63: {  	_ =	swait.ge [sflag:s4], $0x80  }
0x64: {  	[sflag:s4] =	ssyncset.done $0x0  }
0x65: {  	[sflag:s4] =	ssyncadd.s32 $0xFFFFFF80  }
0x66: {  	s5 =	smul.u32 $0x3, s24;
	_ =	swait.ge [sflag:s4], $0x80  }
0x67: {  	[sflag:s4] =	ssyncset.done $0x0  }
0x68: {  	s1 =	simm.s32 $0x6480;
	s30 =	sadd.s32 $0x2, s5;
	[sflag:s4] =	ssyncadd.s32 $0xFFFFFF80  }
0x69: {  	[tilespmem:s1], [sflag:$0x2] =	stream.indirect.gather [hbm4b:s7+s23], $0x40, s17, s23, $0xb8;
	[tilespmem:$0x19080] =	vst v63  }
0x6a: {  	s3 =	simm.s32 $0x8480;
	s0 =	sshll.u32 s30, $0xC;
	s6 =	rddreg [dreg:$0x3]  }
0x6b: {  	[tilespmem:s3], [sflag:$0x2] =	stream.indirect.gather [hbm4b:s8+s23], $0x40, s16, s23, $0xb8;
	[tilespmem:$0x19080] =	vst v63  }
0x6c: {  	s0 =	sor.u32 s6, s0;
	s1 =	simm.s32 $0x280;
	s3 =	simm.s32 $0xA480  }
0x6d: {  	[tilespmem:s3], [sflag:$0x2] =	stream.indirect.gather [hbm4b:s9+s23], $0x40, s1, s23, $0xb8;
	[tilespmem:$0x19080] =	vst v63  }
0x6e: {  	s1 =	sshrl.u32 s0, $0x3  }
0x6f: {  	s5 =	simm.s32 $0x300;
	s0 =	simm.s32 $0x0;
	s15 =	sadd.s32 s12, s1  }
0x70: {  	[tilespmem:s5], [sflag:$0x9] =	stream.linear.gather [hbm4b:s15+s0], $0x80, $0x38;
	[tilespmem:$0x19080] =	vst v63  }
0x71: {  	s17 =	simm.s32 $0x380;
	s16 =	sadd.s32 s18, s1  }
0x72: {  	[tilespmem:s17], [sflag:$0x9] =	stream.linear.gather [hbm4b:s16+s0], $0x80, $0x38;
	[tilespmem:$0x19080] =	vst v63  }
0x73: {  	s31 =	simm.s32 $0x400;
	s1 =	sadd.s32 s19, s1  }
0x74: {  	[tilespmem:s31], [sflag:$0x9] =	stream.linear.gather [hbm4b:s1+s0], $0x80, $0x38;
	[tilespmem:$0x19080] =	vst v63  }
0x75: {  	_ =	swait.ge [sflag:s28], $0x2000  }
0x76: {  	[sflag:s28] =	ssyncset.done $0x0  }
0x77: {  	[sflag:s28] =	ssyncadd.s32 $0xFFFFE000  }
0x78: {  	_ =	swait.ge [sflag:s28], $0x2000  }
0x79: {  	[sflag:s28] =	ssyncset.done $0x0  }
0x7a: {  	[sflag:s28] =	ssyncadd.s32 $0xFFFFE000  }
0x7b: {  	_ =	swait.ge [sflag:s28], $0x2000  }
0x7c: {  	[sflag:s28] =	ssyncset.done $0x0  }
0x7d: {  	[sflag:s28] =	ssyncadd.s32 $0xFFFFE000  }
.LBB2_3:
0x7e: {  	s5 =	sshll.u32 s0, $0x6  }
0x7f: {  	v0 =	vmov s0;
	v2 =	vld [tilespmem:s5+$0x480]  }
0x80: {  	s3 =	sor.u32 $0x1, s0;
	v3 =	vld [tilespmem:s5+$0x2480];
	v0 =	vshrl.u32 v0, $0x3  }
0x81: {  	v4 =	vld [tilespmem:s5+$0x4480];
	s1 =	sshll.u32 s3, $0x6;
	v0 =	vshll.u32 v0, v1  }
0x82: {  	v5 =	vld [tilespmem:s1+$0x480];
	v33 =	vbroadcast v0, $0x0;
	v0 =	vmov s3  }
0x83: {  	v6 =	vld [tilespmem:s1+$0x2480];
	v0 =	vshrl.u32 v0, $0x3  }
0x84: {  	v7 =	vadd.s32 v13, v33;
	v0 =	vshll.u32 v0, v1  }
0x85: {  	v2 =	vadd.f32 v3, v2;
	v3 =	vld [tilespmem:s1+$0x4480];
	v34 =	vbroadcast v0, $0x0;
	_ =	sdelay $0x1  }
0x86: {  	v0 =	vadd.f32 v4, v2;
	v2 =	vadd.s32 v16, v34  }
0x87: {  	v35 =	vadd.f32 v6, v5  }
0x88: {  	[tilespmem:v7+s10+$0x0] =	vst.idx.msk $0xffff, v0  }
0x89: {  	v0 =	vld [tilespmem:s5+$0x490];
	v3 =	vadd.f32 v3, v35  }
0x8a: {  	v36 =	vld [tilespmem:s5+$0x2490]  }
0x8b: {  	v37 =	vld [tilespmem:s5+$0x4490];
	[tilespmem:v2+s10+$0x0] =	vst.idx.msk $0xffff, v3  }
0x8c: {  	v2 =	vld [tilespmem:s1+$0x490]  }
0x8d: {  	v3 =	vld [tilespmem:s1+$0x2490]  }
0x8e: {  	v38 =	vadd.s32 v14, v33  }
0x8f: {  	s16 =	sor.u32 $0x2, s0;
	v39 =	vld [tilespmem:s1+$0x4490];
	v0 =	vadd.f32 v36, v0  }
0x90: {  	s15 =	sshll.u32 s16, $0x6  }
0x91: {  	s6 =	sor.u32 $0x3, s0;
	v8 =	vld [tilespmem:s15+$0x480];
	v40 =	vadd.s32 v17, v34;
	v0 =	vadd.f32 v37, v0  }
0x92: {  	v10 =	vld [tilespmem:s15+$0x2480];
	s3 =	sshll.u32 s6, $0x6;
	v2 =	vadd.f32 v3, v2  }
0x93: {  	v11 =	vld [tilespmem:s3+$0x480];
	[tilespmem:v38+s10+$0x0] =	vst.idx.msk $0xffff, v0  }
0x94: {  	v0 =	vld [tilespmem:s5+$0x4A0];
	v2 =	vadd.f32 v39, v2  }
0x95: {  	v3 =	vld [tilespmem:s5+$0x24A0]  }
0x96: {  	v41 =	vld [tilespmem:s5+$0x44A0];
	[tilespmem:v40+s10+$0x0] =	vst.idx.msk $0xffff, v2  }
0x97: {  	v2 =	vld [tilespmem:s1+$0x4A0]  }
0x98: {  	v43 =	vmov s16;
	v5 =	vld [tilespmem:s1+$0x24A0]  }
0x99: {  	v12 =	vld [tilespmem:s3+$0x2480];
	v9 =	vadd.s32 v15, v33;
	v7 =	vshrl.u32 v43, $0x3  }
0x9a: {  	s17 =	sor.u32 $0x4, s0;
	v7 =	vshll.u32 v7, v1;
	v42 =	vld [tilespmem:s1+$0x44A0];
	v0 =	vadd.f32 v3, v0  }
0x9b: {  	v44 =	vmov s6;
	s6 =	sshll.u32 s17, $0x6;
	v35 =	vbroadcast v7, $0x0;
	v3 =	vld [tilespmem:s15+$0x4480]  }
0x9c: {  	v53 =	vld [tilespmem:s6+$0x480];
	v45 =	vadd.s32 v18, v34;
	v7 =	vshrl.u32 v44, $0x3;
	v0 =	vadd.f32 v41, v0  }
0x9d: {  	v54 =	vld [tilespmem:s6+$0x2480];
	v7 =	vshll.u32 v7, v1;
	v46 =	vadd.s32 v19, v35;
	v2 =	vadd.f32 v5, v2  }
0x9e: {  	v47 =	vld [tilespmem:s3+$0x4480];
	v36 =	vbroadcast v7, $0x0;
	[tilespmem:v9+s10+$0x0] =	vst.idx.msk $0xffff, v0;
	v0 =	vadd.f32 v10, v8  }
0x9f: {  	v39 =	vld [tilespmem:s5+$0x4B0];
	v2 =	vadd.f32 v42, v2  }
0xa0: {  	s31 =	sor.u32 $0x5, s0;
	v40 =	vld [tilespmem:s5+$0x24B0];
	v0 =	vadd.f32 v3, v0;
	v3 =	vadd.s32 v22, v36  }
0xa1: {  	v38 =	vld [tilespmem:s5+$0x44B0];
	s5 =	sshll.u32 s31, $0x6;
	[tilespmem:v45+s10+$0x0] =	vst.idx.msk $0xffff, v2;
	v2 =	vadd.f32 v12, v11  }
0xa2: {  	v56 =	vadd.f32 v54, v53;
	v54 =	vld [tilespmem:s5+$0x480];
	[tilespmem:v46+s10+$0x0] =	vst.idx.msk $0xffff, v0  }
0xa3: {  	v0 =	vld [tilespmem:s15+$0x490];
	v2 =	vadd.f32 v47, v2  }
0xa4: {  	v48 =	vld [tilespmem:s15+$0x2490]  }
0xa5: {  	v5 =	vld [tilespmem:s15+$0x4490];
	[tilespmem:v3+s10+$0x0] =	vst.idx.msk $0xffff, v2  }
0xa6: {  	v2 =	vld [tilespmem:s3+$0x490]  }
0xa7: {  	v3 =	vld [tilespmem:s3+$0x2490]  }
0xa8: {  	v49 =	vadd.s32 v20, v35;
	v41 =	vld [tilespmem:s1+$0x4B0]  }
0xa9: {  	v50 =	vld [tilespmem:s3+$0x4490];
	v0 =	vadd.f32 v48, v0  }
0xaa: {  	v51 =	vmov s17;
	s16 =	sor.u32 $0x6, s0;
	v42 =	vld [tilespmem:s1+$0x24B0]  }
0xab: {  	s17 =	sshll.u32 s16, $0x6;
	v4 =	vshrl.u32 v51, $0x3;
	v55 =	vadd.s32 v23, v36;
	v43 =	vld [tilespmem:s1+$0x44B0];
	v0 =	vadd.f32 v5, v0  }
0xac: {  	v4 =	vshll.u32 v4, v1;
	v46 =	vld [tilespmem:s17+$0x480];
	v2 =	vadd.f32 v3, v2  }
0xad: {  	v37 =	vbroadcast v4, $0x0;
	v3 =	vld [tilespmem:s6+$0x4480];
	[tilespmem:v49+s10+$0x0] =	vst.idx.msk $0xffff, v0  }
0xae: {  	v0 =	vld [tilespmem:s15+$0x4A0];
	v2 =	vadd.f32 v50, v2  }
0xaf: {  	v4 =	vadd.s32 v25, v37;
	v6 =	vld [tilespmem:s15+$0x24A0]  }
0xb0: {  	v57 =	vld [tilespmem:s15+$0x44A0];
	[tilespmem:v55+s10+$0x0] =	vst.idx.msk $0xffff, v2  }
0xb1: {  	v2 =	vld [tilespmem:s3+$0x4A0]  }
0xb2: {  	v3 =	vadd.f32 v3, v56;
	v5 =	vld [tilespmem:s3+$0x24A0]  }
0xb3: {  	v61 =	vld [tilespmem:s3+$0x44A0]  }
0xb4: {  	v58 =	vadd.s32 v21, v35;
	v56 =	vadd.s32 v27, v37;
	v27 =	vld [tilespmem:$0x1FF10];
	[tilespmem:v4+s10+$0x0] =	vst.idx.msk $0xffff, v3  }
0xb5: {  	v0 =	vadd.f32 v6, v0;
	v3 =	vld [tilespmem:s6+$0x490]  }
0xb6: {  	v4 =	vld [tilespmem:s6+$0x2490]  }
0xb7: {  	v63 =	vld [tilespmem:s6+$0x4490];
	v0 =	vadd.f32 v57, v0  }
0xb8: {  	v32 =	vadd.s32 v24, v36;
	v57 =	vld [tilespmem:s5+$0x4480]  }
0xb9: {  	[tilespmem:v58+s10+$0x0] =	vst.idx.msk $0xffff, v0;
	v0 =	vadd.f32 v5, v2;
	v2 =	vld [tilespmem:s5+$0x2480]  }
0xba: {  	v53 =	vmov s31;
	v45 =	vld [tilespmem:s15+$0x4B0]  }
0xbb: {  	v55 =	vshrl.u32 v53, $0x3;
	v49 =	vld [tilespmem:s15+$0x24B0];
	v0 =	vadd.f32 v61, v0;
	v3 =	vadd.f32 v4, v3  }
0xbc: {  	v5 =	vshll.u32 v55, v1;
	v47 =	vld [tilespmem:s15+$0x44B0]  }
0xbd: {  	v44 =	vbroadcast v5, $0x0;
	[tilespmem:v32+s10+$0x0] =	vst.idx.msk $0xffff, v0;
	v0 =	vadd.f32 v63, v3;
	v63 =	vld [tilespmem:s17+$0x2480]  }
0xbe: {  	v50 =	vld [tilespmem:s3+$0x4B0]  }
0xbf: {  	v3 =	vadd.s32 v28, v44;
	v32 =	vmov s16;
	v51 =	vld [tilespmem:s3+$0x24B0]  }
0xc0: {  	v2 =	vadd.f32 v2, v54;
	v7 =	vshrl.u32 v32, $0x3;
	v32 =	vld [tilespmem:s17+$0x4480]  }
0xc1: {  	v54 =	vld [tilespmem:$0x1FFD0];
	[tilespmem:v56+s10+$0x0] =	vst.idx.msk $0xffff, v0  }
0xc2: {  	v0 =	vld [tilespmem:s6+$0x4A0];
	v2 =	vadd.f32 v57, v2  }
0xc3: {  	v58 =	vld [tilespmem:s6+$0x24A0]  }
0xc4: {  	v61 =	vld [tilespmem:s6+$0x44A0];
	[tilespmem:v3+s10+$0x0] =	vst.idx.msk $0xffff, v2  }
0xc5: {  	s16 =	sor.u32 $0x7, s0;
	v2 =	vld [tilespmem:s5+$0x490]  }
0xc6: {  	s1 =	sshll.u32 s16, $0x6;
	v3 =	vld [tilespmem:s5+$0x2490]  }
0xc7: {  	v53 =	vadd.s32 v26, v37;
	v11 =	vld [tilespmem:s1+$0x480]  }
0xc8: {  	v7 =	vshll.u32 v7, v1;
	v6 =	vld [tilespmem:s5+$0x4490];
	v0 =	vadd.f32 v58, v0  }
0xc9: {  	s31 =	sor.u32 $0x8, s0;
	v12 =	vld [tilespmem:s1+$0x2480];
	v48 =	vbroadcast v7, $0x0;
	v58 =	vmov s16  }
0xca: {  	v56 =	vld [tilespmem:s3+$0x44B0];
	s3 =	sshll.u32 s31, $0x6;
	v7 =	vshrl.u32 v58, $0x3;
	v0 =	vadd.f32 v61, v0;
	v61 =	vadd.s32 v29, v44  }
0xcb: {  	v9 =	vld [tilespmem:s3+$0x480];
	v7 =	vshll.u32 v7, v1;
	v2 =	vadd.f32 v3, v2;
	v3 =	vadd.s32 v31, v48  }
0xcc: {  	[tilespmem:v53+s10+$0x0] =	vst.idx.msk $0xffff, v0;
	v0 =	vadd.f32 v63, v46;
	v63 =	vld [tilespmem:s1+$0x4480];
	v46 =	vbroadcast v7, $0x0  }
0xcd: {  	v58 =	vld [tilespmem:$0x1FF90];
	v2 =	vadd.f32 v6, v2  }
0xce: {  	v53 =	vld [tilespmem:s6+$0x4B0];
	v0 =	vadd.f32 v32, v0;
	v32 =	vadd.s32 v52, v46  }
0xcf: {  	v55 =	vld [tilespmem:s6+$0x24B0];
	[tilespmem:v61+s10+$0x0] =	vst.idx.msk $0xffff, v2;
	v2 =	vadd.f32 v12, v11  }
0xd0: {  	v52 =	vld [tilespmem:s6+$0x44B0];
	[tilespmem:v3+s10+$0x0] =	vst.idx.msk $0xffff, v0  }
0xd1: {  	v0 =	vld [tilespmem:s17+$0x490];
	v2 =	vadd.f32 v63, v2  }
0xd2: {  	v3 =	vld [tilespmem:s17+$0x2490]  }
0xd3: {  	v57 =	vld [tilespmem:s17+$0x4490];
	[tilespmem:v32+s10+$0x0] =	vst.idx.msk $0xffff, v2  }
0xd4: {  	v2 =	vld [tilespmem:s1+$0x490]  }
0xd5: {  	v4 =	vld [tilespmem:s1+$0x2490]  }
0xd6: {  	v7 =	vadd.s32 v58, v48;
	v5 =	vld [tilespmem:s5+$0x4A0]  }
0xd7: {  	v61 =	vld [tilespmem:s1+$0x4490];
	v0 =	vadd.f32 v3, v0;
	v3 =	vmov s31  }
0xd8: {  	v63 =	vld [tilespmem:s3+$0x2480];
	v3 =	vshrl.u32 v3, $0x3  }
0xd9: {  	v6 =	vadd.s32 v54, v46;
	v32 =	vld [tilespmem:s5+$0x24A0];
	v0 =	vadd.f32 v57, v0;
	v3 =	vshll.u32 v3, v1  }
0xda: {  	v57 =	vld [tilespmem:s3+$0x4480];
	v2 =	vadd.f32 v4, v2;
	v54 =	vbroadcast v3, $0x0  }
0xdb: {  	v3 =	vld [tilespmem:s5+$0x44A0];
	[tilespmem:v7+s10+$0x0] =	vst.idx.msk $0xffff, v0  }
0xdc: {  	v0 =	vld [tilespmem:s17+$0x4A0];
	v2 =	vadd.f32 v61, v2;
	v58 =	vadd.s32 v13, v54  }
0xdd: {  	v9 =	vadd.f32 v63, v9;
	v61 =	vld [tilespmem:s17+$0x24A0]  }
0xde: {  	v63 =	vadd.s32 v62, v44;
	v12 =	vld [tilespmem:s17+$0x44A0];
	[tilespmem:v6+s10+$0x0] =	vst.idx.msk $0xffff, v2  }
0xdf: {  	v2 =	vadd.f32 v32, v5;
	v4 =	vadd.f32 v57, v9;
	v32 =	vld [tilespmem:s1+$0x4A0]  }
0xe0: {  	v6 =	vld [tilespmem:s1+$0x24A0]  }
0xe1: {  	v2 =	vadd.f32 v3, v2;
	v3 =	vld [tilespmem:s1+$0x44A0];
	[tilespmem:v58+s10+$0x0] =	vst.idx.msk $0xffff, v4  }
0xe2: {  	v7 =	vld [tilespmem:s3+$0x490]  }
0xe3: {  	v57 =	vadd.s32 v60, v48;
	[tilespmem:v63+s10+$0x0] =	vst.idx.msk $0xffff, v2;
	v58 =	vld [tilespmem:s3+$0x2490]  }
0xe4: {  	v0 =	vadd.f32 v61, v0;
	v62 =	vld [tilespmem:s5+$0x4B0]  }
0xe5: {  	v2 =	vld [tilespmem:s5+$0x24B0]  }
0xe6: {  	v0 =	vadd.f32 v12, v0;
	v60 =	vld [tilespmem:s5+$0x44B0];
	s5 =	sor.u32 $0x9, s0  }
0xe7: {  	v10 =	vld [tilespmem:s3+$0x4490];
	s15 =	sshll.u32 s5, $0x6  }
0xe8: {  	[tilespmem:v57+s10+$0x0] =	vst.idx.msk $0xffff, v0;
	v8 =	vld [tilespmem:s15+$0x2480]  }
0xe9: {  	v63 =	vld [tilespmem:s17+$0x4B0]  }
0xea: {  	v9 =	vadd.s32 v59, v46;
	v0 =	vld [tilespmem:s17+$0x24B0]  }
0xeb: {  	s16 =	sor.u32 $0xA, s0;
	v5 =	vadd.f32 v6, v32;
	v59 =	vld [tilespmem:s17+$0x44B0]  }
0xec: {  	v11 =	vadd.s32 v14, v54;
	s17 =	sshll.u32 s16, $0x6;
	v32 =	vadd.f32 v58, v7;
	v7 =	vld [tilespmem:s15+$0x480]  }
0xed: {  	v3 =	vadd.f32 v3, v5;
	v12 =	vld [tilespmem:s17+$0x2480]  }
0xee: {  	v14 =	vld [tilespmem:s17+$0x4480]  }
0xef: {  	[tilespmem:v9+s10+$0x0] =	vst.idx.msk $0xffff, v3;
	v9 =	vld [tilespmem:s15+$0x4480];
	v3 =	vadd.f32 v10, v32  }
0xf0: {  	v2 =	vadd.f32 v2, v62;
	v62 =	vld [tilespmem:$0x1FF60]  }
0xf1: {  	v57 =	vld [tilespmem:s1+$0x4B0];
	[tilespmem:v11+s10+$0x0] =	vst.idx.msk $0xffff, v3  }
0xf2: {  	v3 =	vld [tilespmem:s3+$0x4A0]  }
0xf3: {  	v61 =	vmov s5;
	v4 =	vld [tilespmem:s3+$0x24A0]  }
0xf4: {  	v6 =	vshrl.u32 v61, $0x3;
	v58 =	vld [tilespmem:s1+$0x24B0]  }
0xf5: {  	v6 =	vshll.u32 v6, v1;
	v32 =	vmov s16;
	v5 =	vld [tilespmem:s3+$0x44A0]  }
0xf6: {  	s31 =	sor.u32 $0xB, s0;
	v61 =	vbroadcast v6, $0x0;
	v10 =	vld [tilespmem:s17+$0x480];
	v6 =	vshrl.u32 v32, $0x3  }
0xf7: {  	s6 =	sshll.u32 s31, $0x6;
	v2 =	vadd.f32 v60, v2;
	v60 =	vld [tilespmem:$0x1FFA0];
	v11 =	vadd.s32 v15, v54;
	v0 =	vadd.f32 v0, v63  }
0xf8: {  	v13 =	vadd.s32 v16, v61;
	v15 =	vld [tilespmem:s6+$0x2480];
	v4 =	vadd.f32 v4, v3;
	v3 =	vshll.u32 v6, v1  }
0xf9: {  	v0 =	vadd.f32 v59, v0;
	v59 =	vld [tilespmem:$0x1FFE0];
	v6 =	vadd.f32 v8, v7;
	v3 =	vbroadcast v3, $0x0  }
0xfa: {  	v32 =	vmov s31;
	v8 =	vld [tilespmem:s6+$0x480];
	v4 =	vadd.f32 v5, v4  }
0xfb: {  	s16 =	sor.u32 $0xC, s0;
	v7 =	vshrl.u32 v32, $0x3;
	v32 =	vld [tilespmem:s6+$0x4480];
	v9 =	vadd.f32 v9, v6;
	v16 =	vadd.s32 v19, v3  }
0xfc: {  	v5 =	vld [tilespmem:s1+$0x44B0];
	v6 =	vshll.u32 v7, v1;
	v7 =	vadd.f32 v12, v10;
	s1 =	sshll.u32 s16, $0x6;
	[tilespmem:v11+s10+$0x0] =	vst.idx.msk $0xffff, v4  }
0xfd: {  	v19 =	vld [tilespmem:s1+$0x480];
	v4 =	vbroadcast v6, $0x0;
	[tilespmem:v13+s10+$0x0] =	vst.idx.msk $0xffff, v9  }
0xfe: {  	v7 =	vadd.f32 v14, v7;
	v9 =	vld [tilespmem:s15+$0x490]  }
0xff: {  	v12 =	vld [tilespmem:s15+$0x2490];
	v11 =	vadd.s32 v22, v4  }
0x100: {  	v8 =	vadd.f32 v15, v8;
	v13 =	vld [tilespmem:s15+$0x4490];
	[tilespmem:v16+s10+$0x0] =	vst.idx.msk $0xffff, v7  }
0x101: {  	v7 =	vld [tilespmem:s17+$0x490]  }
0x102: {  	v8 =	vadd.f32 v32, v8;
	v32 =	vld [tilespmem:s17+$0x2490]  }
0x103: {  	v14 =	vadd.s32 v17, v61;
	v6 =	vld [tilespmem:s3+$0x4B0]  }
0x104: {  	v15 =	vld [tilespmem:s17+$0x4490];
	v9 =	vadd.f32 v12, v9;
	[tilespmem:v11+s10+$0x0] =	vst.idx.msk $0xffff, v8  }
0x105: {  	v11 =	vld [tilespmem:s6+$0x490]  }
0x106: {  	v12 =	vld [tilespmem:s6+$0x2490];
	v9 =	vadd.f32 v13, v9;
	v13 =	vadd.s32 v20, v3  }
0x107: {  	v8 =	vld [tilespmem:s3+$0x24B0];
	v10 =	vadd.f32 v32, v7  }
0x108: {  	v16 =	vld [tilespmem:s6+$0x4490];
	[tilespmem:v14+s10+$0x0] =	vst.idx.msk $0xffff, v9  }
0x109: {  	v9 =	vld [tilespmem:s15+$0x4A0];
	v10 =	vadd.f32 v15, v10  }
0x10a: {  	v14 =	vadd.s32 v23, v4;
	v15 =	vld [tilespmem:s15+$0x24A0]  }
0x10b: {  	v11 =	vadd.f32 v12, v11;
	v12 =	vld [tilespmem:s15+$0x44A0];
	[tilespmem:v13+s10+$0x0] =	vst.idx.msk $0xffff, v10  }
0x10c: {  	v10 =	vld [tilespmem:s17+$0x4A0]  }
0x10d: {  	v11 =	vadd.f32 v16, v11;
	v13 =	vld [tilespmem:s17+$0x24A0]  }
0x10e: {  	v7 =	vld [tilespmem:s3+$0x44B0]  }
0x10f: {  	v16 =	vadd.s32 v18, v61;
	v17 =	vld [tilespmem:s17+$0x44A0];
	[tilespmem:v14+s10+$0x0] =	vst.idx.msk $0xffff, v11  }
0x110: {  	v9 =	vadd.f32 v15, v9;
	v11 =	vld [tilespmem:s6+$0x4A0]  }
0x111: {  	v18 =	vadd.s32 v21, v3;
	v15 =	vmov s16;
	v14 =	vld [tilespmem:s6+$0x24A0]  }
0x112: {  	v15 =	vshrl.u32 v15, $0x3;
	v9 =	vadd.f32 v12, v9;
	v32 =	vadd.f32 v13, v10;
	v13 =	vld [tilespmem:s1+$0x2480]  }
0x113: {  	v21 =	vld [tilespmem:s1+$0x4480];
	v15 =	vshll.u32 v15, v1  }
0x114: {  	v12 =	vld [tilespmem:s6+$0x44A0];
	[tilespmem:v16+s10+$0x0] =	vst.idx.msk $0xffff, v9;
	v9 =	vbroadcast v15, $0x0;
	v16 =	vadd.f32 v17, v32  }
0x115: {  	v10 =	vld [tilespmem:s15+$0x4B0]  }
0x116: {  	v15 =	vld [tilespmem:s15+$0x24B0];
	[tilespmem:v18+s10+$0x0] =	vst.idx.msk $0xffff, v16;
	v18 =	vadd.s32 v25, v9  }
0x117: {  	v14 =	vadd.f32 v14, v11;
	v16 =	vld [tilespmem:s17+$0x4B0];
	v13 =	vadd.f32 v13, v19  }
0x118: {  	v20 =	vadd.s32 v24, v4;
	v17 =	vld [tilespmem:s17+$0x24B0]  }
0x119: {  	v12 =	vadd.f32 v12, v14;
	v14 =	vld [tilespmem:s17+$0x44B0];
	s17 =	sor.u32 $0xD, s0;
	v19 =	vadd.f32 v21, v13  }
0x11a: {  	v11 =	vld [tilespmem:s15+$0x44B0];
	s5 =	sshll.u32 s17, $0x6  }
0x11b: {  	v22 =	vld [tilespmem:s5+$0x480];
	[tilespmem:v18+s10+$0x0] =	vst.idx.msk $0xffff, v19  }
0x11c: {  	v19 =	vld [tilespmem:s1+$0x490]  }
0x11d: {  	[tilespmem:v20+s10+$0x0] =	vst.idx.msk $0xffff, v12;
	v20 =	vld [tilespmem:s1+$0x2490]  }
0x11e: {  	v23 =	vld [tilespmem:s5+$0x2480]  }
0x11f: {  	v24 =	vld [tilespmem:s5+$0x4480]  }
0x120: {  	v12 =	vld [tilespmem:s6+$0x4B0]  }
0x121: {  	v13 =	vld [tilespmem:s6+$0x24B0]  }
0x122: {  	s31 =	sor.u32 $0xE, s0;
	v18 =	vmov s17;
	v20 =	vadd.f32 v20, v19;
	v19 =	vld [tilespmem:$0x1FF40]  }
0x123: {  	s17 =	sshll.u32 s31, $0x6;
	v21 =	vld [tilespmem:s1+$0x4490];
	v18 =	vshrl.u32 v18, $0x3  }
0x124: {  	v26 =	vld [tilespmem:s17+$0x480];
	v18 =	vshll.u32 v18, v1  }
0x125: {  	v27 =	vadd.s32 v27, v9;
	v28 =	vld [tilespmem:s17+$0x2480];
	v18 =	vbroadcast v18, $0x0  }
0x126: {  	s3 =	sor.u32 $0xF, s0;
	v32 =	vmov v31;
	v31 =	vld [tilespmem:s6+$0x44B0]  }
0x127: {  	s16 =	sshll.u32 s3, $0x6;
	v25 =	vmov s31;
	v30 =	vld [tilespmem:s17+$0x4480];
	v29 =	vadd.s32 v19, v18  }
0x128: {  	v25 =	vshrl.u32 v25, $0x3;
	v22 =	vadd.f32 v23, v22;
	v23 =	vld [tilespmem:s16+$0x480];
	v20 =	vadd.f32 v21, v20  }
0x129: {  	v21 =	vld [tilespmem:s16+$0x2480];
	v19 =	vshll.u32 v25, v1  }
0x12a: {  	v22 =	vadd.f32 v24, v22;
	[tilespmem:v27+s10+$0x0] =	vst.idx.msk $0xffff, v20;
	v20 =	vadd.f32 v28, v26;
	v26 =	vld [tilespmem:s16+$0x4480];
	v19 =	vbroadcast v19, $0x0  }
0x12b: {  	v28 =	vld [tilespmem:$0x1FFC0]  }
0x12c: {  	v25 =	vmov s3;
	v24 =	vadd.s32 v32, v19;
	[tilespmem:v29+s10+$0x0] =	vst.idx.msk $0xffff, v22;
	v22 =	vld [tilespmem:s1+$0x4A0]  }
0x12d: {  	v25 =	vshrl.u32 v25, $0x3;
	v29 =	vadd.f32 v40, v39;
	v40 =	vld [tilespmem:$0x1FEB0]  }
0x12e: {  	v25 =	vshll.u32 v25, v1;
	v39 =	vld [tilespmem:$0x1FE70]  }
0x12f: {  	v20 =	vadd.f32 v30, v20;
	v25 =	vbroadcast v25, $0x0;
	v27 =	vld [tilespmem:s5+$0x490]  }
0x130: {  	v21 =	vadd.f32 v21, v23;
	v23 =	vld [tilespmem:s5+$0x2490]  }
0x131: {  	v28 =	vadd.s32 v28, v25;
	[tilespmem:v24+s10+$0x0] =	vst.idx.msk $0xffff, v20;
	v20 =	vld [tilespmem:s5+$0x4490]  }
0x132: {  	v24 =	vld [tilespmem:$0x1FF80]  }
0x133: {  	v21 =	vadd.f32 v26, v21;
	v26 =	vld [tilespmem:s17+$0x490]  }
0x134: {  	v30 =	vadd.s32 v39, v34;
	v34 =	vadd.f32 v42, v41;
	v42 =	vld [tilespmem:$0x1FF70]  }
0x135: {  	v41 =	vld [tilespmem:$0x1FEF0]  }
0x136: {  	[tilespmem:v28+s10+$0x0] =	vst.idx.msk $0xffff, v21;
	v21 =	vld [tilespmem:$0x1FF50]  }
0x137: {  	v28 =	vld [tilespmem:s17+$0x4490]  }
0x138: {  	v34 =	vadd.f32 v43, v34;
	v43 =	vld [tilespmem:$0x1FF90]  }
0x139: {  	v23 =	vadd.f32 v23, v27;
	v27 =	vld [tilespmem:s16+$0x490]  }
0x13a: {  	v24 =	vadd.s32 v24, v33;
	v33 =	vld [tilespmem:s17+$0x2490]  }
0x13b: {  	v29 =	vadd.f32 v38, v29;
	v38 =	vld [tilespmem:s16+$0x2490];
	v21 =	vadd.s32 v21, v18  }
0x13c: {  	v20 =	vadd.f32 v20, v23;
	[tilespmem:v30+s10+$0x0] =	vst.idx.msk $0xffff, v34;
	v30 =	vld [tilespmem:s16+$0x4490]  }
0x13d: {  	v23 =	vadd.s32 v43, v19;
	v43 =	vadd.f32 v51, v50;
	v51 =	vadd.f32 v17, v16;
	v17 =	vld [tilespmem:$0x1FE50]  }
0x13e: {  	v16 =	vld [tilespmem:$0x1FE40]  }
0x13f: {  	[tilespmem:v24+s10+$0x0] =	vst.idx.msk $0xffff, v29;
	v24 =	vld [tilespmem:s1+$0x24A0];
	v29 =	vadd.s32 v40, v35;
	v26 =	vadd.f32 v33, v26  }
0x140: {  	v33 =	vld [tilespmem:s1+$0x44A0];
	[tilespmem:v21+s10+$0x0] =	vst.idx.msk $0xffff, v20;
	v20 =	vadd.f32 v49, v45;
	v21 =	vadd.s32 v41, v36  }
0x141: {  	v49 =	vld [tilespmem:$0x1FFD0];
	v26 =	vadd.f32 v28, v26  }
0x142: {  	v35 =	vld [tilespmem:s5+$0x4A0];
	v20 =	vadd.f32 v47, v20  }
0x143: {  	v50 =	vld [tilespmem:s5+$0x24A0];
	[tilespmem:v23+s10+$0x0] =	vst.idx.msk $0xffff, v26;
	v23 =	vadd.f32 v56, v43  }
0x144: {  	v27 =	vadd.f32 v38, v27;
	v22 =	vadd.f32 v24, v22;
	v24 =	vld [tilespmem:s5+$0x44A0];
	[tilespmem:v29+s10+$0x0] =	vst.idx.msk $0xffff, v20  }
0x145: {  	[tilespmem:v21+s10+$0x0] =	vst.idx.msk $0xffff, v23;
	v21 =	vld [tilespmem:$0x1FF30]  }
0x146: {  	v20 =	vadd.f32 v30, v27;
	v27 =	vadd.s32 v42, v44;
	v44 =	vld [tilespmem:$0x1FFB0];
	v28 =	vadd.s32 v49, v25  }
0x147: {  	v49 =	vld [tilespmem:$0x1FF20]  }
0x148: {  	v26 =	vld [tilespmem:s17+$0x4A0]  }
0x149: {  	v23 =	vld [tilespmem:s17+$0x24A0]  }
0x14a: {  	v21 =	vadd.s32 v21, v37;
	v37 =	vld [tilespmem:$0x1FF30]  }
0x14b: {  	[tilespmem:v28+s10+$0x0] =	vst.idx.msk $0xffff, v20;
	v28 =	vld [tilespmem:s17+$0x44A0]  }
0x14c: {  	v30 =	vadd.s32 v44, v48;
	v36 =	vadd.s32 v49, v9;
	v49 =	vld [tilespmem:$0x1FFF0]  }
0x14d: {  	v20 =	vadd.f32 v55, v53;
	v55 =	vadd.f32 v14, v51;
	v14 =	vld [tilespmem:$0x1FE20]  }
0x14e: {  	[tilespmem:v27+s10+$0x0] =	vst.idx.msk $0xffff, v2;
	v27 =	vadd.f32 v58, v57;
	v29 =	vld [tilespmem:s16+$0x4A0]  }
0x14f: {  	v3 =	vadd.s32 v40, v3;
	v45 =	vld [tilespmem:s16+$0x24A0]  }
0x150: {  	v22 =	vadd.f32 v33, v22;
	v5 =	vadd.f32 v5, v27;
	v27 =	vld [tilespmem:$0x1FF10]  }
0x151: {  	v20 =	vadd.f32 v52, v20;
	v52 =	vld [tilespmem:$0x1FFC0];
	[tilespmem:v30+s10+$0x0] =	vst.idx.msk $0xffff, v0  }
0x152: {  	v30 =	vld [tilespmem:$0x1FF80];
	[tilespmem:v36+s10+$0x0] =	vst.idx.msk $0xffff, v22;
	v22 =	vadd.s32 v62, v18  }
0x153: {  	v43 =	vadd.f32 v50, v35;
	[tilespmem:v21+s10+$0x0] =	vst.idx.msk $0xffff, v20;
	v21 =	vadd.f32 v23, v26;
	v23 =	vld [tilespmem:s16+$0x44A0]  }
0x154: {  	[tilespmem:v3+s10+$0x0] =	vst.idx.msk $0xffff, v55;
	v3 =	vadd.s32 v42, v18;
	v18 =	vld [tilespmem:$0x1FE60]  }
0x155: {  	v48 =	vadd.s32 v60, v19;
	v20 =	vadd.f32 v24, v43;
	v47 =	vld [tilespmem:s1+$0x4B0]  }
0x156: {  	v2 =	vld [tilespmem:s1+$0x24B0]  }
0x157: {  	v24 =	vld [tilespmem:s1+$0x44B0];
	[tilespmem:v22+s10+$0x0] =	vst.idx.msk $0xffff, v20  }
0x158: {  	v20 =	vadd.f32 v28, v21;
	v26 =	vld [tilespmem:s5+$0x4B0]  }
0x159: {  	v22 =	vadd.f32 v45, v29;
	v29 =	vld [tilespmem:s5+$0x44B0]  }
0x15a: {  	[tilespmem:v48+s10+$0x0] =	vst.idx.msk $0xffff, v20;
	v20 =	vld [tilespmem:s5+$0x24B0]  }
0x15b: {  	v21 =	vadd.s32 v59, v25;
	v50 =	vadd.f32 v23, v22;
	v23 =	vld [tilespmem:$0x1FED0]  }
0x15c: {  	v10 =	vadd.f32 v15, v10;
	v28 =	vadd.s32 v30, v54;
	v15 =	vld [tilespmem:s17+$0x4B0]  }
0x15d: {  	v6 =	vadd.f32 v8, v6;
	v0 =	vadd.s32 v49, v46;
	v2 =	vadd.f32 v2, v47;
	v53 =	vld [tilespmem:s17+$0x24B0]  }
0x15e: {  	v57 =	vld [tilespmem:s17+$0x44B0]  }
0x15f: {  	v6 =	vadd.f32 v7, v6;
	v22 =	vadd.s32 v39, v61;
	v2 =	vadd.f32 v24, v2;
	v24 =	vld [tilespmem:$0x1FEE0]  }
0x160: {  	[tilespmem:v21+s10+$0x0] =	vst.idx.msk $0xffff, v50;
	v21 =	vld [tilespmem:$0x1FEA0]  }
0x161: {  	[tilespmem:v28+s10+$0x0] =	vst.idx.msk $0xffff, v6;
	v28 =	vld [tilespmem:$0x1FF40]  }
0x162: {  	[tilespmem:v0+s10+$0x0] =	vst.idx.msk $0xffff, v5;
	v0 =	vadd.f32 v11, v10;
	v54 =	vld [tilespmem:s16+$0x4B0]  }
0x163: {  	v4 =	vadd.s32 v41, v4;
	v56 =	vld [tilespmem:s16+$0x24B0]  }
0x164: {  	v9 =	vadd.s32 v37, v9;
	v58 =	vld [tilespmem:s16+$0x44B0];
	[tilespmem:v22+s10+$0x0] =	vst.idx.msk $0xffff, v0;
	v0 =	vadd.f32 v13, v12  }
0x165: {  	v22 =	vld [tilespmem:$0x1FEC0]  }
0x166: {  	v61 =	vadd.f32 v20, v26;
	v26 =	vld [tilespmem:$0x1FF20];
	v12 =	vadd.s32 v44, v19;
	v0 =	vadd.f32 v31, v0  }
0x167: {  	p1 =	slt.u32 s0, $0x70;
	v20 =	vld [tilespmem:$0x1FE90];
	v13 =	vadd.s32 v49, v25;
	v8 =	vadd.f32 v53, v15  }
.Ltmp0:
0x168: {  	v19 =	vld [tilespmem:$0x1FE80];
	[tilespmem:v4+s10+$0x0] =	vst.idx.msk $0xffff, v0;
	v0 =	vadd.f32 v29, v61;
	v63 =	vadd.f32 v56, v54;
	(pc) =	sbr.rel @p1 .LBB2_3-.Ltmp0, $4  }
0x169: {  	[tilespmem:v9+s10+$0x0] =	vst.idx.msk $0xffff, v2;
	v25 =	vld [tilespmem:$0x1FF00];
	v2 =	vadd.f32 v57, v8  }
0x16a: {  	v15 =	vld [tilespmem:$0x1FE30];
	[tilespmem:v3+s10+$0x0] =	vst.idx.msk $0xffff, v0;
	v0 =	vadd.f32 v58, v63  }
0x16b: {  	s31 =	sadd.s32 $0x10, s0;
	v29 =	vld [tilespmem:$0x1FF50];
	[tilespmem:v12+s10+$0x0] =	vst.idx.msk $0xffff, v2  }
0x16c: {  	s0 =	smov.u32 s31;
	v31 =	vmov v32;
	[tilespmem:v13+s10+$0x0] =	vst.idx.msk $0xffff, v0;
	v13 =	vld [tilespmem:$0x1FE10]  }
0x16d: {  	s31 =	smul.u32 $0xC0000, s24  }
0x16e: {  	s0 =	rddreg [dreg:$0xa]  }
0x16f: {  	s0 =	sor.u32 s0, s31  }
0x170: {  	s1 =	rddreg [dreg:$0x1];
	s0 =	sshrl.u32 s0, $0x3  }
0x171: {  	s1 =	sadd.s32 s1, s0  }
0x172: {  	[hbm4b:s1+s2] =	stream.linear.scatter [tilespmem:s10], [sflag:$0x4], $0x80, $0x38;
	[tilespmem:$0x19080] =	vst v63  }
0x173: {  	s5 =	simm.s32 $0x12510;
	s3 =	sadd.s32 $0x10, s1  }
0x174: {  	[hbm4b:s3+s2] =	stream.linear.scatter [tilespmem:s5], [sflag:$0x4], $0x80, $0x38;
	[tilespmem:$0x19080] =	vst v63  }
0x175: {  	s17 =	simm.s32 $0x125A0;
	s16 =	sadd.s32 $0x20, s1  }
0x176: {  	[hbm4b:s16+s2] =	stream.linear.scatter [tilespmem:s17], [sflag:$0x4], $0x80, $0x38;
	[tilespmem:$0x19080] =	vst v63  }
0x177: {  	s15 =	simm.s32 $0x12630;
	s6 =	sadd.s32 $0x30, s1  }
0x178: {  	[hbm4b:s6+s2] =	stream.linear.scatter [tilespmem:s15], [sflag:$0x4], $0x80, $0x38;
	[tilespmem:$0x19080] =	vst v63  }
0x179: {  	s16 =	sadd.s32 $0x40, s1;
	s17 =	simm.s32 $0x126C0  }
0x17a: {  	[hbm4b:s16+s2] =	stream.linear.scatter [tilespmem:s17], [sflag:$0x4], $0x80, $0x38;
	[tilespmem:$0x19080] =	vst v63  }
0x17b: {  	s5 =	sadd.s32 $0x50, s1;
	s6 =	simm.s32 $0x12750  }
0x17c: {  	[hbm4b:s5+s2] =	stream.linear.scatter [tilespmem:s6], [sflag:$0x4], $0x80, $0x38;
	[tilespmem:$0x19080] =	vst v63  }
0x17d: {  	s15 =	sadd.s32 $0x60, s1;
	s16 =	simm.s32 $0x127E0  }
0x17e: {  	[hbm4b:s15+s2] =	stream.linear.scatter [tilespmem:s16], [sflag:$0x4], $0x80, $0x38;
	[tilespmem:$0x19080] =	vst v63  }
0x17f: {  	s3 =	rddreg [dreg:$0x1e];
	s1 =	sadd.s32 $0x70, s1;
	s17 =	simm.s32 $0x12870  }
0x180: {  	[hbm4b:s1+s2] =	stream.linear.scatter [tilespmem:s17], [sflag:$0x4], $0x80, $0x38;
	[tilespmem:$0x19080] =	vst v63  }
0x181: {  	s5 =	simm.s32 $0x12900;
	s1 =	sadd.s32 s0, s3  }
0x182: {  	[hbm4b:s1+s2] =	stream.linear.scatter [tilespmem:s5], [sflag:$0x4], $0x80, $0x38;
	[tilespmem:$0x19080] =	vst v63  }
0x183: {  	s15 =	simm.s32 $0x12990;
	s6 =	sadd.s32 $0x10, s1  }
0x184: {  	[hbm4b:s6+s2] =	stream.linear.scatter [tilespmem:s15], [sflag:$0x4], $0x80, $0x38;
	[tilespmem:$0x19080] =	vst v63  }
0x185: {  	s17 =	simm.s32 $0x12A20;
	s16 =	sadd.s32 $0x20, s1  }
0x186: {  	[hbm4b:s16+s2] =	stream.linear.scatter [tilespmem:s17], [sflag:$0x4], $0x80, $0x38;
	[tilespmem:$0x19080] =	vst v63  }
0x187: {  	s6 =	sadd.s32 $0x30, s1;
	s15 =	simm.s32 $0x12AB0  }
0x188: {  	[hbm4b:s6+s2] =	stream.linear.scatter [tilespmem:s15], [sflag:$0x4], $0x80, $0x38;
	[tilespmem:$0x19080] =	vst v63  }
0x189: {  	s16 =	sadd.s32 $0x40, s1;
	s17 =	simm.s32 $0x12B40  }
0x18a: {  	[hbm4b:s16+s2] =	stream.linear.scatter [tilespmem:s17], [sflag:$0x4], $0x80, $0x38;
	[tilespmem:$0x19080] =	vst v63  }
0x18b: {  	s5 =	sadd.s32 $0x50, s1;
	s6 =	simm.s32 $0x12BD0  }
0x18c: {  	[hbm4b:s5+s2] =	stream.linear.scatter [tilespmem:s6], [sflag:$0x4], $0x80, $0x38;
	[tilespmem:$0x19080] =	vst v63  }
0x18d: {  	s15 =	sadd.s32 $0x60, s1;
	s16 =	simm.s32 $0x12C60  }
0x18e: {  	[hbm4b:s15+s2] =	stream.linear.scatter [tilespmem:s16], [sflag:$0x4], $0x80, $0x38;
	[tilespmem:$0x19080] =	vst v63  }
0x18f: {  	s3 =	rddreg [dreg:$0x1f];
	s1 =	sadd.s32 $0x70, s1;
	s17 =	simm.s32 $0x12CF0  }
0x190: {  	[hbm4b:s1+s2] =	stream.linear.scatter [tilespmem:s17], [sflag:$0x4], $0x80, $0x38;
	[tilespmem:$0x19080] =	vst v63  }
0x191: {  	s5 =	simm.s32 $0x12D80;
	s1 =	sadd.s32 s0, s3  }
0x192: {  	[hbm4b:s1+s2] =	stream.linear.scatter [tilespmem:s5], [sflag:$0x4], $0x80, $0x38;
	[tilespmem:$0x19080] =	vst v63  }
0x193: {  	s15 =	simm.s32 $0x12E10;
	s6 =	sadd.s32 $0x10, s1  }
0x194: {  	[hbm4b:s6+s2] =	stream.linear.scatter [tilespmem:s15], [sflag:$0x4], $0x80, $0x38;
	[tilespmem:$0x19080] =	vst v63  }
0x195: {  	s17 =	simm.s32 $0x12EA0;
	s16 =	sadd.s32 $0x20, s1  }
0x196: {  	[hbm4b:s16+s2] =	stream.linear.scatter [tilespmem:s17], [sflag:$0x4], $0x80, $0x38;
	[tilespmem:$0x19080] =	vst v63  }
0x197: {  	s6 =	sadd.s32 $0x30, s1;
	s15 =	simm.s32 $0x12F30  }
0x198: {  	[hbm4b:s6+s2] =	stream.linear.scatter [tilespmem:s15], [sflag:$0x4], $0x80, $0x38;
	[tilespmem:$0x19080] =	vst v63  }
0x199: {  	s16 =	sadd.s32 $0x40, s1;
	s17 =	simm.s32 $0x12FC0  }
0x19a: {  	[hbm4b:s16+s2] =	stream.linear.scatter [tilespmem:s17], [sflag:$0x4], $0x80, $0x38;
	[tilespmem:$0x19080] =	vst v63  }
0x19b: {  	s5 =	sadd.s32 $0x50, s1;
	s6 =	simm.s32 $0x13050  }
0x19c: {  	[hbm4b:s5+s2] =	stream.linear.scatter [tilespmem:s6], [sflag:$0x4], $0x80, $0x38;
	[tilespmem:$0x19080] =	vst v63  }
0x19d: {  	s3 =	sld [smem:$0x7FA];
	s15 =	sadd.s32 $0x60, s1;
	s16 =	simm.s32 $0x130E0  }
0x19e: {  	[hbm4b:s15+s2] =	stream.linear.scatter [tilespmem:s16], [sflag:$0x4], $0x80, $0x38;
	[tilespmem:$0x19080] =	vst v63  }
0x19f: {  	s1 =	sadd.s32 $0x70, s1;
	s17 =	simm.s32 $0x13170  }
0x1a0: {  	[hbm4b:s1+s2] =	stream.linear.scatter [tilespmem:s17], [sflag:$0x4], $0x80, $0x38;
	[tilespmem:$0x19080] =	vst v63  }
0x1a1: {  	s5 =	simm.s32 $0x13200;
	s1 =	sadd.s32 s0, s3  }
0x1a2: {  	[hbm4b:s1+s2] =	stream.linear.scatter [tilespmem:s5], [sflag:$0x4], $0x80, $0x38;
	[tilespmem:$0x19080] =	vst v63  }
0x1a3: {  	s15 =	simm.s32 $0x13290;
	s6 =	sadd.s32 $0x10, s1  }
0x1a4: {  	[hbm4b:s6+s2] =	stream.linear.scatter [tilespmem:s15], [sflag:$0x4], $0x80, $0x38;
	[tilespmem:$0x19080] =	vst v63  }
0x1a5: {  	s17 =	simm.s32 $0x13320;
	s16 =	sadd.s32 $0x20, s1  }
0x1a6: {  	[hbm4b:s16+s2] =	stream.linear.scatter [tilespmem:s17], [sflag:$0x4], $0x80, $0x38;
	[tilespmem:$0x19080] =	vst v63  }
0x1a7: {  	s6 =	sadd.s32 $0x30, s1;
	s15 =	simm.s32 $0x133B0  }
0x1a8: {  	[hbm4b:s6+s2] =	stream.linear.scatter [tilespmem:s15], [sflag:$0x4], $0x80, $0x38;
	[tilespmem:$0x19080] =	vst v63  }
0x1a9: {  	s16 =	sadd.s32 $0x40, s1;
	s17 =	simm.s32 $0x13440  }
0x1aa: {  	[hbm4b:s16+s2] =	stream.linear.scatter [tilespmem:s17], [sflag:$0x4], $0x80, $0x38;
	[tilespmem:$0x19080] =	vst v63  }
0x1ab: {  	s5 =	sadd.s32 $0x50, s1;
	s6 =	simm.s32 $0x134D0  }
0x1ac: {  	[hbm4b:s5+s2] =	stream.linear.scatter [tilespmem:s6], [sflag:$0x4], $0x80, $0x38;
	[tilespmem:$0x19080] =	vst v63  }
0x1ad: {  	s3 =	sld [smem:$0x7FB];
	s15 =	sadd.s32 $0x60, s1;
	s16 =	simm.s32 $0x13560  }
0x1ae: {  	[hbm4b:s15+s2] =	stream.linear.scatter [tilespmem:s16], [sflag:$0x4], $0x80, $0x38;
	[tilespmem:$0x19080] =	vst v63  }
0x1af: {  	s1 =	sadd.s32 $0x70, s1;
	s17 =	simm.s32 $0x135F0  }
0x1b0: {  	[hbm4b:s1+s2] =	stream.linear.scatter [tilespmem:s17], [sflag:$0x4], $0x80, $0x38;
	[tilespmem:$0x19080] =	vst v63  }
0x1b1: {  	s5 =	simm.s32 $0x13680;
	s1 =	sadd.s32 s0, s3  }
0x1b2: {  	[hbm4b:s1+s2] =	stream.linear.scatter [tilespmem:s5], [sflag:$0x4], $0x80, $0x38;
	[tilespmem:$0x19080] =	vst v63  }
0x1b3: {  	s15 =	simm.s32 $0x13710;
	s6 =	sadd.s32 $0x10, s1  }
0x1b4: {  	[hbm4b:s6+s2] =	stream.linear.scatter [tilespmem:s15], [sflag:$0x4], $0x80, $0x38;
	[tilespmem:$0x19080] =	vst v63  }
0x1b5: {  	s17 =	simm.s32 $0x137A0;
	s16 =	sadd.s32 $0x20, s1  }
0x1b6: {  	[hbm4b:s16+s2] =	stream.linear.scatter [tilespmem:s17], [sflag:$0x4], $0x80, $0x38;
	[tilespmem:$0x19080] =	vst v63  }
0x1b7: {  	s6 =	sadd.s32 $0x30, s1;
	s15 =	simm.s32 $0x13830  }
0x1b8: {  	[hbm4b:s6+s2] =	stream.linear.scatter [tilespmem:s15], [sflag:$0x4], $0x80, $0x38;
	[tilespmem:$0x19080] =	vst v63  }
0x1b9: {  	s16 =	sadd.s32 $0x40, s1;
	s17 =	simm.s32 $0x138C0  }
0x1ba: {  	[hbm4b:s16+s2] =	stream.linear.scatter [tilespmem:s17], [sflag:$0x4], $0x80, $0x38;
	[tilespmem:$0x19080] =	vst v63  }
0x1bb: {  	s5 =	sadd.s32 $0x50, s1;
	s6 =	simm.s32 $0x13950  }
0x1bc: {  	[hbm4b:s5+s2] =	stream.linear.scatter [tilespmem:s6], [sflag:$0x4], $0x80, $0x38;
	[tilespmem:$0x19080] =	vst v63  }
0x1bd: {  	s3 =	sld [smem:$0x7FC];
	s15 =	sadd.s32 $0x60, s1;
	s16 =	simm.s32 $0x139E0  }
0x1be: {  	[hbm4b:s15+s2] =	stream.linear.scatter [tilespmem:s16], [sflag:$0x4], $0x80, $0x38;
	[tilespmem:$0x19080] =	vst v63  }
0x1bf: {  	s1 =	sadd.s32 $0x70, s1;
	s17 =	simm.s32 $0x13A70  }
0x1c0: {  	[hbm4b:s1+s2] =	stream.linear.scatter [tilespmem:s17], [sflag:$0x4], $0x80, $0x38;
	[tilespmem:$0x19080] =	vst v63  }
0x1c1: {  	s5 =	simm.s32 $0x13B00;
	s1 =	sadd.s32 s0, s3  }
0x1c2: {  	[hbm4b:s1+s2] =	stream.linear.scatter [tilespmem:s5], [sflag:$0x4], $0x80, $0x38;
	[tilespmem:$0x19080] =	vst v63  }
0x1c3: {  	s15 =	simm.s32 $0x13B90;
	s6 =	sadd.s32 $0x10, s1  }
0x1c4: {  	[hbm4b:s6+s2] =	stream.linear.scatter [tilespmem:s15], [sflag:$0x4], $0x80, $0x38;
	[tilespmem:$0x19080] =	vst v63  }
0x1c5: {  	s17 =	simm.s32 $0x13C20;
	s16 =	sadd.s32 $0x20, s1  }
0x1c6: {  	[hbm4b:s16+s2] =	stream.linear.scatter [tilespmem:s17], [sflag:$0x4], $0x80, $0x38;
	[tilespmem:$0x19080] =	vst v63  }
0x1c7: {  	s6 =	sadd.s32 $0x30, s1;
	s15 =	simm.s32 $0x13CB0  }
0x1c8: {  	[hbm4b:s6+s2] =	stream.linear.scatter [tilespmem:s15], [sflag:$0x4], $0x80, $0x38;
	[tilespmem:$0x19080] =	vst v63  }
0x1c9: {  	s16 =	sadd.s32 $0x40, s1;
	s17 =	simm.s32 $0x13D40  }
0x1ca: {  	[hbm4b:s16+s2] =	stream.linear.scatter [tilespmem:s17], [sflag:$0x4], $0x80, $0x38;
	[tilespmem:$0x19080] =	vst v63  }
0x1cb: {  	s5 =	sadd.s32 $0x50, s1;
	s6 =	simm.s32 $0x13DD0  }
0x1cc: {  	[hbm4b:s5+s2] =	stream.linear.scatter [tilespmem:s6], [sflag:$0x4], $0x80, $0x38;
	[tilespmem:$0x19080] =	vst v63  }
0x1cd: {  	s15 =	sadd.s32 $0x60, s1;
	s16 =	simm.s32 $0x13E60  }
0x1ce: {  	[hbm4b:s15+s2] =	stream.linear.scatter [tilespmem:s16], [sflag:$0x4], $0x80, $0x38;
	[tilespmem:$0x19080] =	vst v63  }
0x1cf: {  	s1 =	sadd.s32 $0x70, s1;
	s17 =	simm.s32 $0x13EF0  }
0x1d0: {  	[hbm4b:s1+s2] =	stream.linear.scatter [tilespmem:s17], [sflag:$0x4], $0x80, $0x38;
	[tilespmem:$0x19080] =	vst v63  }
0x1d1: {  	s5 =	simm.s32 $0x13F80;
	s1 =	sadd.s32 s0, s20  }
0x1d2: {  	[hbm4b:s1+s2] =	stream.linear.scatter [tilespmem:s5], [sflag:$0x4], $0x80, $0x38;
	[tilespmem:$0x19080] =	vst v63  }
0x1d3: {  	s15 =	simm.s32 $0x14010;
	s6 =	sadd.s32 $0x10, s1  }
0x1d4: {  	[hbm4b:s6+s2] =	stream.linear.scatter [tilespmem:s15], [sflag:$0x4], $0x80, $0x38;
	[tilespmem:$0x19080] =	vst v63  }
0x1d5: {  	s17 =	simm.s32 $0x140A0;
	s16 =	sadd.s32 $0x20, s1  }
0x1d6: {  	[hbm4b:s16+s2] =	stream.linear.scatter [tilespmem:s17], [sflag:$0x4], $0x80, $0x38;
	[tilespmem:$0x19080] =	vst v63  }
0x1d7: {  	s6 =	sadd.s32 $0x30, s1;
	s15 =	simm.s32 $0x14130  }
0x1d8: {  	[hbm4b:s6+s2] =	stream.linear.scatter [tilespmem:s15], [sflag:$0x4], $0x80, $0x38;
	[tilespmem:$0x19080] =	vst v63  }
0x1d9: {  	s16 =	sadd.s32 $0x40, s1;
	s17 =	simm.s32 $0x141C0  }
0x1da: {  	[hbm4b:s16+s2] =	stream.linear.scatter [tilespmem:s17], [sflag:$0x4], $0x80, $0x38;
	[tilespmem:$0x19080] =	vst v63  }
0x1db: {  	s6 =	sadd.s32 $0x50, s1;
	s15 =	simm.s32 $0x14250  }
0x1dc: {  	[hbm4b:s6+s2] =	stream.linear.scatter [tilespmem:s15], [sflag:$0x4], $0x80, $0x38;
	[tilespmem:$0x19080] =	vst v63  }
0x1dd: {  	s16 =	sadd.s32 $0x60, s1;
	s17 =	simm.s32 $0x142E0  }
0x1de: {  	[hbm4b:s16+s2] =	stream.linear.scatter [tilespmem:s17], [sflag:$0x4], $0x80, $0x38;
	[tilespmem:$0x19080] =	vst v63  }
0x1df: {  	s1 =	sadd.s32 $0x70, s1;
	s6 =	simm.s32 $0x14370  }
0x1e0: {  	[hbm4b:s1+s2] =	stream.linear.scatter [tilespmem:s6], [sflag:$0x4], $0x80, $0x38;
	[tilespmem:$0x19080] =	vst v63  }
0x1e1: {  	s0 =	sadd.s32 s0, s21;
	s15 =	simm.s32 $0x14400  }
0x1e2: {  	[hbm4b:s0+s2] =	stream.linear.scatter [tilespmem:s15], [sflag:$0x4], $0x80, $0x38;
	[tilespmem:$0x19080] =	vst v63  }
0x1e3: {  	s16 =	sadd.s32 $0x10, s0;
	s17 =	simm.s32 $0x14490  }
0x1e4: {  	[hbm4b:s16+s2] =	stream.linear.scatter [tilespmem:s17], [sflag:$0x4], $0x80, $0x38;
	[tilespmem:$0x19080] =	vst v63  }
0x1e5: {  	s3 =	sadd.s32 $0x20, s0;
	s5 =	simm.s32 $0x14520  }
0x1e6: {  	[hbm4b:s3+s2] =	stream.linear.scatter [tilespmem:s5], [sflag:$0x4], $0x80, $0x38;
	[tilespmem:$0x19080] =	vst v63  }
0x1e7: {  	s6 =	sadd.s32 $0x30, s0;
	s15 =	simm.s32 $0x145B0  }
0x1e8: {  	[hbm4b:s6+s2] =	stream.linear.scatter [tilespmem:s15], [sflag:$0x4], $0x80, $0x38;
	[tilespmem:$0x19080] =	vst v63  }
0x1e9: {  	s16 =	sadd.s32 $0x40, s0;
	s17 =	simm.s32 $0x14640  }
0x1ea: {  	[hbm4b:s16+s2] =	stream.linear.scatter [tilespmem:s17], [sflag:$0x4], $0x80, $0x38;
	[tilespmem:$0x19080] =	vst v63  }
0x1eb: {  	s5 =	sadd.s32 $0x50, s0;
	s6 =	simm.s32 $0x146D0  }
0x1ec: {  	[hbm4b:s5+s2] =	stream.linear.scatter [tilespmem:s6], [sflag:$0x4], $0x80, $0x38;
	[tilespmem:$0x19080] =	vst v63  }
0x1ed: {  	s15 =	sadd.s32 $0x60, s0;
	s16 =	simm.s32 $0x14760  }
0x1ee: {  	[hbm4b:s15+s2] =	stream.linear.scatter [tilespmem:s16], [sflag:$0x4], $0x80, $0x38;
	[tilespmem:$0x19080] =	vst v63  }
0x1ef: {  	s0 =	sadd.s32 $0x70, s0;
	s17 =	simm.s32 $0x147F0  }
0x1f0: {  	[hbm4b:s0+s2] =	stream.linear.scatter [tilespmem:s17], [sflag:$0x4], $0x80, $0x38;
	[tilespmem:$0x19080] =	vst v63  }
0x1f1: {  	s0 =	simm.s32 @!p0 $0x6  }
0x1f2: {  	_ =	swait.ge @!p0 [sflag:s0], $0x400  }
0x1f3: {  	[sflag:s0] =	ssyncset.done @!p0 $0x0  }
0x1f4: {  	[sflag:s0] =	ssyncadd.s32 @!p0 $0xFFFFFC00  }
0x1f5: {  	_ =	swait.ge @!p0 [sflag:s0], $0x400  }
0x1f6: {  	[sflag:s0] =	ssyncset.done @!p0 $0x0  }
0x1f7: {  	[sflag:s0] =	ssyncadd.s32 @!p0 $0xFFFFFC00  }
0x1f8: {  	_ =	swait.ge @!p0 [sflag:s0], $0x400  }
0x1f9: {  	[sflag:s0] =	ssyncset.done @!p0 $0x0  }
0x1fa: {  	[sflag:s0] =	ssyncadd.s32 @!p0 $0xFFFFFC00  }
0x1fb: {  	_ =	swait.ge @!p0 [sflag:s0], $0x400  }
0x1fc: {  	[sflag:s0] =	ssyncset.done @!p0 $0x0  }
0x1fd: {  	[sflag:s0] =	ssyncadd.s32 @!p0 $0xFFFFFC00  }
0x1fe: {  	_ =	swait.ge @!p0 [sflag:s0], $0x400  }
0x1ff: {  	[sflag:s0] =	ssyncset.done @!p0 $0x0  }
0x200: {  	[sflag:s0] =	ssyncadd.s32 @!p0 $0xFFFFFC00  }
0x201: {  	_ =	swait.ge @!p0 [sflag:s0], $0x400  }
0x202: {  	[sflag:s0] =	ssyncset.done @!p0 $0x0  }
0x203: {  	[sflag:s0] =	ssyncadd.s32 @!p0 $0xFFFFFC00  }
0x204: {  	_ =	swait.ge @!p0 [sflag:s0], $0x400  }
0x205: {  	[sflag:s0] =	ssyncset.done @!p0 $0x0  }
0x206: {  	[sflag:s0] =	ssyncadd.s32 @!p0 $0xFFFFFC00  }
0x207: {  	_ =	swait.ge @!p0 [sflag:s0], $0x400  }
0x208: {  	[sflag:s0] =	ssyncset.done @!p0 $0x0  }
0x209: {  	[sflag:s0] =	ssyncadd.s32 @!p0 $0xFFFFFC00  }
0x20a: {  	_ =	swait.ge [sflag:s13], $0x80  }
0x20b: {  	[sflag:s13] =	ssyncset.done $0x0  }
0x20c: {  	[sflag:s13] =	ssyncadd.s32 $0xFFFFFF80  }
0x20d: {  	_ =	swait.ge [sflag:s13], $0x80  }
0x20e: {  	[sflag:s13] =	ssyncset.done $0x0  }
0x20f: {  	[sflag:s13] =	ssyncadd.s32 $0xFFFFFF80  }
0x210: {  	_ =	swait.ge [sflag:s13], $0x80  }
0x211: {  	s3 =	simm.s32 $0x300;
	[sflag:s13] =	ssyncset.done $0x0  }
0x212: {  	s5 =	simm.s32 $0xC480;
	s0 =	smul.u32 $0x3000, s24;
	[sflag:s13] =	ssyncadd.s32 $0xFFFFFF80  }
0x213: {  	[tilespmem:s5], [sflag:$0x3] =	stream.indirect.gather [hbm4b:s7+s23], $0x40, s3, s23, $0xb8;
	[tilespmem:$0x19080] =	vst v63  }
0x214: {  	s5 =	rddreg [dreg:$0x1c]  }
0x215: {  	s6 =	simm.s32 $0x380;
	s15 =	simm.s32 $0xE480;
	s1 =	sadd.s32 s5, s0  }
0x216: {  	[tilespmem:s15], [sflag:$0x3] =	stream.indirect.gather [hbm4b:s8+s23], $0x40, s6, s23, $0xb8;
	[tilespmem:$0x19080] =	vst v63  }
0x217: {  	s16 =	simm.s32 $0x400;
	s17 =	simm.s32 $0x10480;
	s6 =	sshrl.u32 s1, $0x3  }
0x218: {  	[tilespmem:s17], [sflag:$0x3] =	stream.indirect.gather [hbm4b:s9+s23], $0x40, s16, s23, $0xb8;
	[tilespmem:$0x19080] =	vst v63  }
0x219: {  	s1 =	simm.s32 $0x0;
	s15 =	sadd.s32 s12, s6  }
0x21a: {  	[tilespmem:s1], [sflag:$0x7] =	stream.linear.gather [hbm4b:s15+s1], $0x80, $0x38;
	[tilespmem:$0x19080] =	vst v63  }
0x21b: {  	s16 =	sadd.s32 s18, s6  }
0x21c: {  	[tilespmem:s23], [sflag:$0x7] =	stream.linear.gather [hbm4b:s16+s1], $0x80, $0x38;
	[tilespmem:$0x19080] =	vst v63  }
0x21d: {  	s3 =	sadd.s32 s19, s6;
	s17 =	simm.s32 $0x100  }
0x21e: {  	[tilespmem:s17], [sflag:$0x7] =	stream.linear.gather [hbm4b:s3+s1], $0x80, $0x38;
	[tilespmem:$0x19080] =	vst v63  }
0x21f: {  	_ =	swait.ge [sflag:s14], $0x2000  }
0x220: {  	[sflag:s14] =	ssyncset.done $0x0  }
0x221: {  	[sflag:s14] =	ssyncadd.s32 $0xFFFFE000  }
0x222: {  	_ =	swait.ge [sflag:s14], $0x2000  }
0x223: {  	[sflag:s14] =	ssyncset.done $0x0  }
0x224: {  	[sflag:s14] =	ssyncadd.s32 $0xFFFFE000  }
0x225: {  	_ =	swait.ge [sflag:s14], $0x2000  }
0x226: {  	[sflag:s14] =	ssyncset.done $0x0  }
0x227: {  	[sflag:s14] =	ssyncadd.s32 $0xFFFFE000  }
.LBB2_5:
0x228: {  	s6 =	sshll.u32 s1, $0x6  }
0x229: {  	v0 =	vmov s1;
	v2 =	vld [tilespmem:s6+$0x6480]  }
0x22a: {  	s5 =	sor.u32 $0x1, s1;
	v3 =	vld [tilespmem:s6+$0x8480];
	v0 =	vshrl.u32 v0, $0x3  }
0x22b: {  	v4 =	vld [tilespmem:s6+$0xA480];
	s3 =	sshll.u32 s5, $0x6;
	v0 =	vshll.u32 v0, v1  }
0x22c: {  	v5 =	vld [tilespmem:s3+$0x6480];
	v33 =	vbroadcast v0, $0x0;
	v0 =	vmov s5  }
0x22d: {  	v6 =	vld [tilespmem:s3+$0x8480];
	v0 =	vshrl.u32 v0, $0x3  }
0x22e: {  	v7 =	vadd.s32 v13, v33;
	v0 =	vshll.u32 v0, v1  }
0x22f: {  	v2 =	vadd.f32 v3, v2;
	v3 =	vld [tilespmem:s3+$0xA480];
	v34 =	vbroadcast v0, $0x0;
	_ =	sdelay $0x1  }
0x230: {  	v0 =	vadd.f32 v4, v2;
	v2 =	vadd.s32 v16, v34  }
0x231: {  	v48 =	vadd.f32 v6, v5  }
0x232: {  	[tilespmem:v7+s22+$0x0] =	vst.idx.msk $0xffff, v0  }
0x233: {  	v0 =	vld [tilespmem:s6+$0x6490];
	v3 =	vadd.f32 v3, v48  }
0x234: {  	v49 =	vld [tilespmem:s6+$0x8490]  }
0x235: {  	v50 =	vld [tilespmem:s6+$0xA490];
	[tilespmem:v2+s22+$0x0] =	vst.idx.msk $0xffff, v3  }
0x236: {  	v2 =	vld [tilespmem:s3+$0x6490]  }
0x237: {  	v3 =	vld [tilespmem:s3+$0x8490]  }
0x238: {  	v51 =	vadd.s32 v14, v33  }
0x239: {  	v53 =	vld [tilespmem:s3+$0xA490];
	v0 =	vadd.f32 v49, v0  }
0x23a: {  	s15 =	sor.u32 $0x2, s1  }
0x23b: {  	s17 =	sshll.u32 s15, $0x6;
	v54 =	vadd.s32 v17, v34;
	v0 =	vadd.f32 v50, v0  }
0x23c: {  	v8 =	vld [tilespmem:s17+$0x6480];
	v2 =	vadd.f32 v3, v2  }
0x23d: {  	v10 =	vld [tilespmem:s17+$0x8480];
	[tilespmem:v51+s22+$0x0] =	vst.idx.msk $0xffff, v0  }
0x23e: {  	v0 =	vld [tilespmem:s6+$0x64A0];
	v2 =	vadd.f32 v53, v2  }
0x23f: {  	v3 =	vld [tilespmem:s6+$0x84A0]  }
0x240: {  	v55 =	vld [tilespmem:s6+$0xA4A0];
	[tilespmem:v54+s22+$0x0] =	vst.idx.msk $0xffff, v2  }
0x241: {  	v57 =	vmov s15;
	s15 =	sor.u32 $0x3, s1;
	v2 =	vld [tilespmem:s3+$0x64A0]  }
0x242: {  	s5 =	sshll.u32 s15, $0x6;
	v5 =	vld [tilespmem:s3+$0x84A0]  }
0x243: {  	v11 =	vld [tilespmem:s5+$0x6480];
	v9 =	vadd.s32 v15, v33;
	v7 =	vshrl.u32 v57, $0x3  }
0x244: {  	v7 =	vshll.u32 v7, v1;
	v56 =	vld [tilespmem:s3+$0xA4A0];
	v0 =	vadd.f32 v3, v0  }
0x245: {  	v58 =	vmov s15;
	v35 =	vbroadcast v7, $0x0;
	v3 =	vld [tilespmem:s17+$0xA480]  }
0x246: {  	s16 =	sor.u32 $0x4, s1;
	v12 =	vld [tilespmem:s5+$0x8480];
	v61 =	vadd.s32 v18, v34;
	v7 =	vshrl.u32 v58, $0x3;
	v0 =	vadd.f32 v55, v0  }
0x247: {  	s15 =	sshll.u32 s16, $0x6;
	v44 =	vld [tilespmem:s5+$0xA480];
	v7 =	vshll.u32 v7, v1;
	v63 =	vadd.s32 v19, v35;
	v2 =	vadd.f32 v5, v2  }
0x248: {  	v36 =	vbroadcast v7, $0x0;
	v49 =	vld [tilespmem:s15+$0x6480];
	[tilespmem:v9+s22+$0x0] =	vst.idx.msk $0xffff, v0;
	v0 =	vadd.f32 v10, v8  }
0x249: {  	v50 =	vld [tilespmem:s15+$0x8480];
	v2 =	vadd.f32 v56, v2  }
0x24a: {  	v39 =	vld [tilespmem:s6+$0x64B0];
	v0 =	vadd.f32 v3, v0;
	v3 =	vadd.s32 v22, v36  }
0x24b: {  	v40 =	vld [tilespmem:s6+$0x84B0];
	[tilespmem:v61+s22+$0x0] =	vst.idx.msk $0xffff, v2;
	v2 =	vadd.f32 v12, v11  }
0x24c: {  	v38 =	vld [tilespmem:s6+$0xA4B0];
	[tilespmem:v63+s22+$0x0] =	vst.idx.msk $0xffff, v0  }
0x24d: {  	v0 =	vld [tilespmem:s17+$0x6490];
	v2 =	vadd.f32 v44, v2  }
0x24e: {  	v45 =	vld [tilespmem:s17+$0x8490]  }
0x24f: {  	v5 =	vld [tilespmem:s17+$0xA490];
	[tilespmem:v3+s22+$0x0] =	vst.idx.msk $0xffff, v2  }
0x250: {  	v2 =	vld [tilespmem:s5+$0x6490]  }
0x251: {  	v3 =	vld [tilespmem:s5+$0x8490]  }
0x252: {  	v46 =	vadd.s32 v20, v35;
	v41 =	vld [tilespmem:s3+$0x64B0]  }
0x253: {  	v48 =	vmov s16;
	v47 =	vld [tilespmem:s5+$0xA490];
	v0 =	vadd.f32 v45, v0  }
0x254: {  	v4 =	vshrl.u32 v48, $0x3;
	v42 =	vld [tilespmem:s3+$0x84B0]  }
0x255: {  	s16 =	sor.u32 $0x5, s1;
	v4 =	vshll.u32 v4, v1;
	v51 =	vadd.s32 v23, v36;
	v43 =	vld [tilespmem:s3+$0xA4B0];
	v0 =	vadd.f32 v5, v0  }
0x256: {  	v37 =	vbroadcast v4, $0x0;
	s6 =	sshll.u32 s16, $0x6;
	v2 =	vadd.f32 v3, v2;
	v3 =	vld [tilespmem:s15+$0xA480]  }
0x257: {  	v63 =	vld [tilespmem:s6+$0x6480];
	[tilespmem:v46+s22+$0x0] =	vst.idx.msk $0xffff, v0  }
0x258: {  	v4 =	vadd.s32 v25, v37;
	v0 =	vld [tilespmem:s17+$0x64A0];
	v2 =	vadd.f32 v47, v2  }
0x259: {  	v53 =	vadd.f32 v50, v49;
	v6 =	vld [tilespmem:s17+$0x84A0]  }
0x25a: {  	v54 =	vld [tilespmem:s17+$0xA4A0];
	[tilespmem:v51+s22+$0x0] =	vst.idx.msk $0xffff, v2  }
0x25b: {  	v2 =	vld [tilespmem:s5+$0x64A0];
	v3 =	vadd.f32 v3, v53  }
0x25c: {  	v5 =	vld [tilespmem:s5+$0x84A0]  }
0x25d: {  	v55 =	vadd.s32 v21, v35;
	v56 =	vld [tilespmem:s5+$0xA4A0];
	[tilespmem:v4+s22+$0x0] =	vst.idx.msk $0xffff, v3  }
0x25e: {  	v0 =	vadd.f32 v6, v0;
	v3 =	vld [tilespmem:s15+$0x6490]  }
0x25f: {  	v4 =	vld [tilespmem:s15+$0x8490]  }
0x260: {  	v57 =	vld [tilespmem:s15+$0xA490];
	v0 =	vadd.f32 v54, v0  }
0x261: {  	v54 =	vadd.s32 v27, v37;
	v27 =	vld [tilespmem:$0x1FF10]  }
0x262: {  	[tilespmem:v55+s22+$0x0] =	vst.idx.msk $0xffff, v0;
	v0 =	vadd.f32 v5, v2;
	v2 =	vld [tilespmem:s6+$0x8480]  }
0x263: {  	v45 =	vld [tilespmem:s17+$0x64B0]  }
0x264: {  	v49 =	vld [tilespmem:s17+$0x84B0]  }
0x265: {  	v58 =	vadd.s32 v24, v36;
	v61 =	vmov s16;
	v47 =	vld [tilespmem:s17+$0xA4B0];
	s17 =	sor.u32 $0x6, s1  }
0x266: {  	v53 =	vshrl.u32 v61, $0x3;
	v55 =	vld [tilespmem:s6+$0xA480];
	s16 =	sshll.u32 s17, $0x6  }
0x267: {  	v5 =	vshll.u32 v53, v1;
	v61 =	vmov s17;
	s17 =	sor.u32 $0x7, s1;
	v53 =	vld [tilespmem:s16+$0x8480]  }
0x268: {  	v44 =	vbroadcast v5, $0x0;
	v0 =	vadd.f32 v56, v0;
	v3 =	vadd.f32 v4, v3;
	v4 =	vld [tilespmem:s16+$0xA480];
	s3 =	sshll.u32 s17, $0x6  }
0x269: {  	v11 =	vld [tilespmem:s3+$0x6480]  }
0x26a: {  	[tilespmem:v58+s22+$0x0] =	vst.idx.msk $0xffff, v0;
	v0 =	vadd.f32 v57, v3;
	v3 =	vadd.s32 v28, v44;
	v12 =	vld [tilespmem:s3+$0x8480]  }
0x26b: {  	v50 =	vld [tilespmem:s5+$0x64B0];
	v2 =	vadd.f32 v2, v63  }
0x26c: {  	v51 =	vld [tilespmem:s5+$0x84B0];
	[tilespmem:v54+s22+$0x0] =	vst.idx.msk $0xffff, v0  }
0x26d: {  	v0 =	vld [tilespmem:s15+$0x64A0];
	v2 =	vadd.f32 v55, v2  }
0x26e: {  	v56 =	vld [tilespmem:s15+$0x84A0]  }
0x26f: {  	v57 =	vld [tilespmem:s15+$0xA4A0];
	[tilespmem:v3+s22+$0x0] =	vst.idx.msk $0xffff, v2  }
0x270: {  	v2 =	vld [tilespmem:s6+$0x6490]  }
0x271: {  	v3 =	vld [tilespmem:s6+$0x8490]  }
0x272: {  	v46 =	vadd.s32 v26, v37;
	v7 =	vshrl.u32 v61, $0x3;
	v63 =	vld [tilespmem:s16+$0x6480]  }
0x273: {  	v7 =	vshll.u32 v7, v1;
	v58 =	vmov s17;
	v6 =	vld [tilespmem:s6+$0xA490];
	v0 =	vadd.f32 v56, v0  }
0x274: {  	v48 =	vbroadcast v7, $0x0;
	v7 =	vshrl.u32 v58, $0x3;
	v58 =	vld [tilespmem:$0x1FF90]  }
0x275: {  	v61 =	vadd.s32 v29, v44;
	v54 =	vld [tilespmem:$0x1FFD0];
	v0 =	vadd.f32 v57, v0  }
0x276: {  	s17 =	sor.u32 $0x8, s1;
	v7 =	vshll.u32 v7, v1;
	v56 =	vld [tilespmem:s5+$0xA4B0];
	v2 =	vadd.f32 v3, v2;
	v3 =	vadd.s32 v31, v48  }
0x277: {  	s5 =	sshll.u32 s17, $0x6;
	[tilespmem:v46+s22+$0x0] =	vst.idx.msk $0xffff, v0;
	v0 =	vadd.f32 v53, v63;
	v63 =	vld [tilespmem:s3+$0xA480];
	v46 =	vbroadcast v7, $0x0  }
0x278: {  	v9 =	vld [tilespmem:s5+$0x6480];
	v2 =	vadd.f32 v6, v2  }
0x279: {  	v53 =	vld [tilespmem:s15+$0x64B0];
	v0 =	vadd.f32 v4, v0;
	v10 =	vadd.s32 v52, v46  }
0x27a: {  	v55 =	vld [tilespmem:s15+$0x84B0];
	[tilespmem:v61+s22+$0x0] =	vst.idx.msk $0xffff, v2;
	v2 =	vadd.f32 v12, v11  }
0x27b: {  	v52 =	vld [tilespmem:s15+$0xA4B0];
	[tilespmem:v3+s22+$0x0] =	vst.idx.msk $0xffff, v0  }
0x27c: {  	v0 =	vld [tilespmem:s16+$0x6490];
	v2 =	vadd.f32 v63, v2  }
0x27d: {  	v3 =	vld [tilespmem:s16+$0x8490]  }
0x27e: {  	v57 =	vld [tilespmem:s16+$0xA490];
	[tilespmem:v10+s22+$0x0] =	vst.idx.msk $0xffff, v2  }
0x27f: {  	v2 =	vld [tilespmem:s3+$0x6490]  }
0x280: {  	v4 =	vld [tilespmem:s3+$0x8490]  }
0x281: {  	v7 =	vadd.s32 v58, v48;
	v5 =	vld [tilespmem:s6+$0x64A0]  }
0x282: {  	v61 =	vld [tilespmem:s3+$0xA490];
	v0 =	vadd.f32 v3, v0;
	v3 =	vmov s17  }
0x283: {  	v63 =	vld [tilespmem:s5+$0x8480];
	v3 =	vshrl.u32 v3, $0x3  }
0x284: {  	v6 =	vadd.s32 v54, v46;
	v11 =	vld [tilespmem:s6+$0x84A0];
	v0 =	vadd.f32 v57, v0;
	v3 =	vshll.u32 v3, v1  }
0x285: {  	v57 =	vld [tilespmem:s5+$0xA480];
	v2 =	vadd.f32 v4, v2;
	v54 =	vbroadcast v3, $0x0  }
0x286: {  	v3 =	vld [tilespmem:s6+$0xA4A0];
	[tilespmem:v7+s22+$0x0] =	vst.idx.msk $0xffff, v0  }
0x287: {  	v0 =	vld [tilespmem:s16+$0x64A0];
	v2 =	vadd.f32 v61, v2;
	v58 =	vadd.s32 v13, v54  }
0x288: {  	v9 =	vadd.f32 v63, v9;
	v61 =	vld [tilespmem:s16+$0x84A0]  }
0x289: {  	v12 =	vld [tilespmem:s16+$0xA4A0];
	[tilespmem:v6+s22+$0x0] =	vst.idx.msk $0xffff, v2  }
0x28a: {  	v63 =	vadd.s32 v62, v44;
	v2 =	vadd.f32 v11, v5;
	v4 =	vadd.f32 v57, v9;
	v5 =	vld [tilespmem:s3+$0x64A0]  }
0x28b: {  	v6 =	vld [tilespmem:s3+$0x84A0]  }
0x28c: {  	v57 =	vadd.s32 v60, v48;
	v2 =	vadd.f32 v3, v2;
	v3 =	vld [tilespmem:s3+$0xA4A0];
	[tilespmem:v58+s22+$0x0] =	vst.idx.msk $0xffff, v4  }
0x28d: {  	v0 =	vadd.f32 v61, v0;
	v7 =	vld [tilespmem:s5+$0x6490]  }
0x28e: {  	v58 =	vld [tilespmem:s5+$0x8490]  }
0x28f: {  	[tilespmem:v63+s22+$0x0] =	vst.idx.msk $0xffff, v2;
	v10 =	vld [tilespmem:s5+$0xA490];
	v0 =	vadd.f32 v12, v0  }
0x290: {  	v62 =	vld [tilespmem:s6+$0x64B0]  }
0x291: {  	v2 =	vld [tilespmem:s6+$0x84B0];
	[tilespmem:v57+s22+$0x0] =	vst.idx.msk $0xffff, v0  }
0x292: {  	v63 =	vld [tilespmem:s16+$0x64B0]  }
0x293: {  	v9 =	vadd.s32 v59, v46;
	v0 =	vld [tilespmem:s16+$0x84B0]  }
0x294: {  	v5 =	vadd.f32 v6, v5;
	v59 =	vld [tilespmem:s16+$0xA4B0];
	s16 =	sor.u32 $0x9, s1  }
0x295: {  	v60 =	vld [tilespmem:s6+$0xA4B0];
	s6 =	sshll.u32 s16, $0x6  }
0x296: {  	v3 =	vadd.f32 v3, v5;
	v11 =	vadd.f32 v58, v7;
	v7 =	vld [tilespmem:s6+$0x6480]  }
0x297: {  	s17 =	sor.u32 $0xA, s1;
	v4 =	vadd.s32 v14, v54;
	v8 =	vld [tilespmem:s6+$0x8480]  }
0x298: {  	v61 =	vmov s16;
	s16 =	sshll.u32 s17, $0x6;
	[tilespmem:v9+s22+$0x0] =	vst.idx.msk $0xffff, v3;
	v9 =	vld [tilespmem:s6+$0xA480]  }
0x299: {  	v12 =	vld [tilespmem:s16+$0x8480]  }
0x29a: {  	v14 =	vld [tilespmem:s16+$0xA480];
	v3 =	vadd.f32 v10, v11  }
0x29b: {  	v2 =	vadd.f32 v2, v62;
	v62 =	vld [tilespmem:$0x1FF60]  }
0x29c: {  	v57 =	vld [tilespmem:s3+$0x64B0];
	[tilespmem:v4+s22+$0x0] =	vst.idx.msk $0xffff, v3  }
0x29d: {  	v3 =	vld [tilespmem:s5+$0x64A0]  }
0x29e: {  	v6 =	vshrl.u32 v61, $0x3;
	v4 =	vld [tilespmem:s5+$0x84A0]  }
0x29f: {  	v58 =	vld [tilespmem:s3+$0x84B0];
	v6 =	vshll.u32 v6, v1  }
0x2a0: {  	v10 =	vld [tilespmem:s16+$0x6480];
	v61 =	vbroadcast v6, $0x0  }
0x2a1: {  	v11 =	vadd.s32 v15, v54;
	v6 =	vmov s17;
	s17 =	sor.u32 $0xB, s1;
	v2 =	vadd.f32 v60, v2;
	v5 =	vld [tilespmem:s5+$0xA4A0]  }
0x2a2: {  	v60 =	vld [tilespmem:$0x1FFA0];
	v6 =	vshrl.u32 v6, $0x3;
	s15 =	sshll.u32 s17, $0x6;
	v0 =	vadd.f32 v0, v63;
	v13 =	vadd.s32 v16, v61  }
0x2a3: {  	v15 =	vld [tilespmem:s15+$0x8480];
	v4 =	vadd.f32 v4, v3;
	v3 =	vshll.u32 v6, v1;
	v6 =	vadd.f32 v8, v7  }
0x2a4: {  	v0 =	vadd.f32 v59, v0;
	v59 =	vld [tilespmem:$0x1FFE0];
	v3 =	vbroadcast v3, $0x0  }
0x2a5: {  	v7 =	vmov s17;
	v8 =	vld [tilespmem:s15+$0x6480];
	v9 =	vadd.f32 v9, v6  }
0x2a6: {  	v7 =	vshrl.u32 v7, $0x3;
	v4 =	vadd.f32 v5, v4;
	v5 =	vld [tilespmem:s3+$0xA4B0];
	v16 =	vadd.s32 v19, v3  }
0x2a7: {  	v6 =	vshll.u32 v7, v1;
	v7 =	vadd.f32 v12, v10;
	v10 =	vld [tilespmem:s15+$0xA480];
	[tilespmem:v13+s22+$0x0] =	vst.idx.msk $0xffff, v9  }
0x2a8: {  	[tilespmem:v11+s22+$0x0] =	vst.idx.msk $0xffff, v4;
	v4 =	vbroadcast v6, $0x0;
	v9 =	vld [tilespmem:s6+$0x6490]  }
0x2a9: {  	v7 =	vadd.f32 v14, v7;
	v12 =	vld [tilespmem:s6+$0x8490]  }
0x2aa: {  	v6 =	vld [tilespmem:s5+$0x64B0];
	v11 =	vadd.s32 v22, v4  }
0x2ab: {  	v8 =	vadd.f32 v15, v8;
	v13 =	vld [tilespmem:s6+$0xA490];
	[tilespmem:v16+s22+$0x0] =	vst.idx.msk $0xffff, v7  }
0x2ac: {  	v7 =	vld [tilespmem:s16+$0x6490]  }
0x2ad: {  	v14 =	vadd.s32 v17, v61;
	v8 =	vadd.f32 v10, v8;
	v10 =	vld [tilespmem:s16+$0x8490]  }
0x2ae: {  	v15 =	vld [tilespmem:s16+$0xA490];
	v9 =	vadd.f32 v12, v9  }
0x2af: {  	[tilespmem:v11+s22+$0x0] =	vst.idx.msk $0xffff, v8;
	v8 =	vld [tilespmem:s5+$0x84B0]  }
0x2b0: {  	v11 =	vld [tilespmem:s15+$0x6490];
	v9 =	vadd.f32 v13, v9  }
0x2b1: {  	v12 =	vld [tilespmem:s15+$0x8490];
	v13 =	vadd.s32 v20, v3  }
0x2b2: {  	v16 =	vld [tilespmem:s15+$0xA490];
	v10 =	vadd.f32 v10, v7;
	[tilespmem:v14+s22+$0x0] =	vst.idx.msk $0xffff, v9  }
0x2b3: {  	v9 =	vld [tilespmem:s6+$0x64A0]  }
0x2b4: {  	v10 =	vadd.f32 v15, v10;
	v15 =	vld [tilespmem:s6+$0x84A0]  }
0x2b5: {  	v7 =	vld [tilespmem:s5+$0xA4B0];
	v14 =	vadd.s32 v23, v4  }
0x2b6: {  	v11 =	vadd.f32 v12, v11;
	v12 =	vld [tilespmem:s6+$0xA4A0];
	[tilespmem:v13+s22+$0x0] =	vst.idx.msk $0xffff, v10  }
0x2b7: {  	s5 =	sor.u32 $0xC, s1;
	v10 =	vld [tilespmem:s16+$0x64A0]  }
0x2b8: {  	s17 =	sshll.u32 s5, $0x6;
	v11 =	vadd.f32 v16, v11;
	v13 =	vld [tilespmem:s16+$0x84A0];
	v16 =	vadd.s32 v18, v61  }
0x2b9: {  	v19 =	vld [tilespmem:s17+$0x6480];
	v9 =	vadd.f32 v15, v9  }
0x2ba: {  	v17 =	vld [tilespmem:s16+$0xA4A0];
	[tilespmem:v14+s22+$0x0] =	vst.idx.msk $0xffff, v11  }
0x2bb: {  	v11 =	vld [tilespmem:s15+$0x64A0];
	v9 =	vadd.f32 v12, v9  }
0x2bc: {  	v18 =	vadd.s32 v21, v3;
	v15 =	vmov s5;
	v14 =	vld [tilespmem:s15+$0x84A0]  }
0x2bd: {  	v15 =	vshrl.u32 v15, $0x3;
	[tilespmem:v16+s22+$0x0] =	vst.idx.msk $0xffff, v9;
	v9 =	vadd.f32 v13, v10;
	v13 =	vld [tilespmem:s17+$0x8480]  }
0x2be: {  	v21 =	vld [tilespmem:s17+$0xA480];
	v15 =	vshll.u32 v15, v1  }
0x2bf: {  	v12 =	vld [tilespmem:s15+$0xA4A0];
	v16 =	vadd.f32 v17, v9;
	v9 =	vbroadcast v15, $0x0  }
0x2c0: {  	v10 =	vld [tilespmem:s6+$0x64B0]  }
0x2c1: {  	s5 =	sor.u32 $0xD, s1;
	v15 =	vld [tilespmem:s6+$0x84B0];
	[tilespmem:v18+s22+$0x0] =	vst.idx.msk $0xffff, v16;
	v18 =	vadd.s32 v25, v9  }
0x2c2: {  	v14 =	vadd.f32 v14, v11;
	v11 =	vld [tilespmem:s6+$0xA4B0];
	s6 =	sshll.u32 s5, $0x6;
	v13 =	vadd.f32 v13, v19  }
0x2c3: {  	v20 =	vadd.s32 v24, v4;
	v22 =	vld [tilespmem:s6+$0x6480]  }
0x2c4: {  	v23 =	vld [tilespmem:s6+$0x8480];
	v19 =	vadd.f32 v21, v13  }
0x2c5: {  	v24 =	vld [tilespmem:s6+$0xA480]  }
0x2c6: {  	v12 =	vadd.f32 v12, v14;
	v16 =	vld [tilespmem:s16+$0x64B0];
	[tilespmem:v18+s22+$0x0] =	vst.idx.msk $0xffff, v19  }
0x2c7: {  	v19 =	vld [tilespmem:s17+$0x6490]  }
0x2c8: {  	[tilespmem:v20+s22+$0x0] =	vst.idx.msk $0xffff, v12;
	v20 =	vld [tilespmem:s17+$0x8490]  }
0x2c9: {  	v17 =	vld [tilespmem:s16+$0x84B0]  }
0x2ca: {  	v14 =	vld [tilespmem:s16+$0xA4B0]  }
0x2cb: {  	v12 =	vld [tilespmem:s15+$0x64B0]  }
0x2cc: {  	v13 =	vld [tilespmem:s15+$0x84B0]  }
0x2cd: {  	s16 =	sor.u32 $0xE, s1;
	v18 =	vmov s5;
	v20 =	vadd.f32 v20, v19;
	v19 =	vld [tilespmem:$0x1FF40]  }
0x2ce: {  	s3 =	sshll.u32 s16, $0x6;
	v21 =	vld [tilespmem:s17+$0xA490];
	v18 =	vshrl.u32 v18, $0x3  }
0x2cf: {  	v26 =	vld [tilespmem:s3+$0x6480];
	v18 =	vshll.u32 v18, v1  }
0x2d0: {  	v27 =	vadd.s32 v27, v9;
	v28 =	vld [tilespmem:s3+$0x8480];
	v18 =	vbroadcast v18, $0x0  }
0x2d1: {  	v25 =	vmov s16;
	s16 =	sor.u32 $0xF, s1;
	v30 =	vld [tilespmem:s3+$0xA480]  }
0x2d2: {  	v31 =	vld [tilespmem:s15+$0xA4B0];
	s5 =	sshll.u32 s16, $0x6;
	v29 =	vadd.s32 v19, v18  }
0x2d3: {  	v25 =	vshrl.u32 v25, $0x3;
	v22 =	vadd.f32 v23, v22;
	v23 =	vld [tilespmem:s5+$0x6480];
	v20 =	vadd.f32 v21, v20  }
0x2d4: {  	v21 =	vld [tilespmem:s5+$0x8480];
	v19 =	vshll.u32 v25, v1  }
0x2d5: {  	v22 =	vadd.f32 v24, v22;
	[tilespmem:v27+s22+$0x0] =	vst.idx.msk $0xffff, v20;
	v20 =	vadd.f32 v28, v26;
	v26 =	vld [tilespmem:s5+$0xA480];
	v19 =	vbroadcast v19, $0x0  }
0x2d6: {  	v28 =	vld [tilespmem:$0x1FFC0]  }
0x2d7: {  	v25 =	vmov s16;
	v24 =	vadd.s32 v32, v19;
	[tilespmem:v29+s22+$0x0] =	vst.idx.msk $0xffff, v22;
	v22 =	vld [tilespmem:s17+$0x64A0]  }
0x2d8: {  	v25 =	vshrl.u32 v25, $0x3;
	v29 =	vadd.f32 v40, v39;
	v40 =	vld [tilespmem:$0x1FEB0]  }
0x2d9: {  	v25 =	vshll.u32 v25, v1;
	v39 =	vld [tilespmem:$0x1FE70]  }
0x2da: {  	v20 =	vadd.f32 v30, v20;
	v25 =	vbroadcast v25, $0x0;
	v27 =	vld [tilespmem:s6+$0x6490]  }
0x2db: {  	v21 =	vadd.f32 v21, v23;
	v23 =	vld [tilespmem:s6+$0x8490]  }
0x2dc: {  	v28 =	vadd.s32 v28, v25;
	[tilespmem:v24+s22+$0x0] =	vst.idx.msk $0xffff, v20;
	v20 =	vld [tilespmem:s6+$0xA490]  }
0x2dd: {  	v24 =	vld [tilespmem:$0x1FF80]  }
0x2de: {  	v21 =	vadd.f32 v26, v21;
	v26 =	vld [tilespmem:s3+$0x6490]  }
0x2df: {  	v30 =	vadd.s32 v39, v34;
	v34 =	vadd.f32 v42, v41;
	v42 =	vld [tilespmem:$0x1FF70]  }
0x2e0: {  	v41 =	vld [tilespmem:$0x1FEF0]  }
0x2e1: {  	[tilespmem:v28+s22+$0x0] =	vst.idx.msk $0xffff, v21;
	v21 =	vld [tilespmem:$0x1FF50]  }
0x2e2: {  	v28 =	vld [tilespmem:s3+$0xA490];
	v23 =	vadd.f32 v23, v27  }
0x2e3: {  	v24 =	vadd.s32 v24, v33;
	v33 =	vld [tilespmem:s3+$0x8490]  }
0x2e4: {  	v20 =	vadd.f32 v20, v23;
	v23 =	vld [tilespmem:$0x1FF90]  }
0x2e5: {  	v27 =	vld [tilespmem:s5+$0x6490];
	v34 =	vadd.f32 v43, v34  }
0x2e6: {  	v29 =	vadd.f32 v38, v29;
	v38 =	vld [tilespmem:s5+$0x8490];
	v21 =	vadd.s32 v21, v18  }
0x2e7: {  	[tilespmem:v30+s22+$0x0] =	vst.idx.msk $0xffff, v34;
	v30 =	vld [tilespmem:s5+$0xA490]  }
0x2e8: {  	[tilespmem:v24+s22+$0x0] =	vst.idx.msk $0xffff, v29;
	v24 =	vld [tilespmem:s17+$0x84A0];
	v26 =	vadd.f32 v33, v26  }
0x2e9: {  	v23 =	vadd.s32 v23, v19;
	v33 =	vld [tilespmem:s17+$0xA4A0]  }
0x2ea: {  	v29 =	vadd.s32 v40, v35;
	v26 =	vadd.f32 v28, v26;
	v28 =	vld [tilespmem:$0x1FFD0]  }
0x2eb: {  	[tilespmem:v21+s22+$0x0] =	vst.idx.msk $0xffff, v20;
	v20 =	vadd.f32 v49, v45;
	v21 =	vadd.s32 v41, v36;
	v49 =	vld [tilespmem:$0x1FF20]  }
0x2ec: {  	v43 =	vadd.f32 v51, v50;
	v45 =	vld [tilespmem:s6+$0x64A0]  }
0x2ed: {  	v27 =	vadd.f32 v38, v27;
	v50 =	vld [tilespmem:s6+$0x84A0];
	v20 =	vadd.f32 v47, v20  }
0x2ee: {  	[tilespmem:v23+s22+$0x0] =	vst.idx.msk $0xffff, v26;
	v23 =	vadd.f32 v56, v43;
	v22 =	vadd.f32 v24, v22;
	v24 =	vld [tilespmem:s6+$0xA4A0]  }
0x2ef: {  	[tilespmem:v29+s22+$0x0] =	vst.idx.msk $0xffff, v20;
	v20 =	vadd.f32 v30, v27;
	v26 =	vld [tilespmem:s3+$0x64A0];
	v27 =	vadd.s32 v42, v44  }
0x2f0: {  	[tilespmem:v21+s22+$0x0] =	vst.idx.msk $0xffff, v23;
	v21 =	vld [tilespmem:$0x1FF30]  }
0x2f1: {  	v28 =	vadd.s32 v28, v25;
	v23 =	vld [tilespmem:s3+$0x84A0]  }
0x2f2: {  	v43 =	vadd.f32 v50, v45;
	v50 =	vadd.f32 v17, v16;
	v17 =	vld [tilespmem:$0x1FE50]  }
0x2f3: {  	v36 =	vadd.s32 v49, v9;
	v16 =	vld [tilespmem:$0x1FE40]  }
0x2f4: {  	[tilespmem:v27+s22+$0x0] =	vst.idx.msk $0xffff, v2;
	v27 =	vadd.f32 v58, v57;
	v57 =	vld [tilespmem:$0x1FF30]  }
0x2f5: {  	v21 =	vadd.s32 v21, v37;
	v37 =	vld [tilespmem:$0x1FFB0]  }
0x2f6: {  	v22 =	vadd.f32 v33, v22;
	[tilespmem:v28+s22+$0x0] =	vst.idx.msk $0xffff, v20;
	v28 =	vld [tilespmem:s3+$0xA4A0]  }
0x2f7: {  	v29 =	vld [tilespmem:s5+$0x64A0]  }
0x2f8: {  	[tilespmem:v36+s22+$0x0] =	vst.idx.msk $0xffff, v22;
	v44 =	vld [tilespmem:s5+$0x84A0]  }
0x2f9: {  	v45 =	vld [tilespmem:s17+$0x64B0]  }
0x2fa: {  	v20 =	vadd.f32 v55, v53;
	v2 =	vld [tilespmem:s17+$0x84B0]  }
0x2fb: {  	v22 =	vadd.s32 v62, v18;
	v5 =	vadd.f32 v5, v27;
	v27 =	vld [tilespmem:$0x1FF10]  }
0x2fc: {  	v20 =	vadd.f32 v52, v20;
	v52 =	vld [tilespmem:$0x1FFC0]  }
0x2fd: {  	v47 =	vadd.s32 v60, v19;
	v30 =	vadd.s32 v37, v48;
	v48 =	vld [tilespmem:$0x1FFF0]  }
0x2fe: {  	[tilespmem:v21+s22+$0x0] =	vst.idx.msk $0xffff, v20;
	v20 =	vadd.f32 v24, v43;
	v21 =	vadd.f32 v23, v26;
	v23 =	vld [tilespmem:s5+$0xA4A0]  }
0x2ff: {  	v24 =	vld [tilespmem:s17+$0xA4B0]  }
0x300: {  	[tilespmem:v22+s22+$0x0] =	vst.idx.msk $0xffff, v20;
	v20 =	vadd.f32 v28, v21;
	v28 =	vld [tilespmem:$0x1FF80]  }
0x301: {  	v26 =	vld [tilespmem:s6+$0x64B0]  }
0x302: {  	v22 =	vadd.f32 v44, v29;
	v29 =	vld [tilespmem:s6+$0xA4B0]  }
0x303: {  	[tilespmem:v47+s22+$0x0] =	vst.idx.msk $0xffff, v20;
	v20 =	vld [tilespmem:s6+$0x84B0]  }
0x304: {  	v21 =	vadd.s32 v59, v25;
	v49 =	vadd.f32 v23, v22;
	v23 =	vld [tilespmem:$0x1FED0]  }
0x305: {  	v10 =	vadd.f32 v15, v10;
	v15 =	vld [tilespmem:s3+$0x64B0]  }
0x306: {  	v2 =	vadd.f32 v2, v45;
	v51 =	vld [tilespmem:s3+$0x84B0]  }
0x307: {  	v56 =	vld [tilespmem:s3+$0xA4B0]  }
0x308: {  	[tilespmem:v30+s22+$0x0] =	vst.idx.msk $0xffff, v0;
	v0 =	vadd.s32 v48, v46;
	v2 =	vadd.f32 v24, v2;
	v24 =	vld [tilespmem:$0x1FEE0]  }
0x309: {  	v3 =	vadd.s32 v40, v3;
	[tilespmem:v21+s22+$0x0] =	vst.idx.msk $0xffff, v49;
	v21 =	vld [tilespmem:$0x1FEA0]  }
0x30a: {  	v22 =	vadd.s32 v39, v61;
	v28 =	vadd.s32 v28, v54;
	v54 =	vadd.f32 v14, v50;
	v14 =	vld [tilespmem:$0x1FE20]  }
0x30b: {  	v53 =	vld [tilespmem:s5+$0x64B0]  }
0x30c: {  	v55 =	vld [tilespmem:s5+$0x84B0]  }
0x30d: {  	v9 =	vadd.s32 v57, v9;
	v58 =	vld [tilespmem:s5+$0xA4B0];
	[tilespmem:v0+s22+$0x0] =	vst.idx.msk $0xffff, v5;
	v0 =	vadd.f32 v11, v10  }
0x30e: {  	v4 =	vadd.s32 v41, v4;
	[tilespmem:v3+s22+$0x0] =	vst.idx.msk $0xffff, v54;
	v3 =	vadd.s32 v42, v18;
	v18 =	vld [tilespmem:$0x1FE60]  }
0x30f: {  	v61 =	vadd.f32 v20, v26;
	v26 =	vld [tilespmem:$0x1FF20];
	[tilespmem:v22+s22+$0x0] =	vst.idx.msk $0xffff, v0;
	v0 =	vadd.f32 v13, v12  }
0x310: {  	v6 =	vadd.f32 v8, v6;
	v20 =	vld [tilespmem:$0x1FE90]  }
0x311: {  	v8 =	vadd.f32 v51, v15;
	v15 =	vld [tilespmem:$0x1FE30];
	v12 =	vadd.s32 v37, v19;
	v0 =	vadd.f32 v31, v0  }
0x312: {  	p0 =	slt.u32 s1, $0x70;
	v6 =	vadd.f32 v7, v6;
	[tilespmem:v9+s22+$0x0] =	vst.idx.msk $0xffff, v2;
	v22 =	vld [tilespmem:$0x1FEC0];
	v13 =	vadd.s32 v48, v25  }
.Ltmp1:
0x313: {  	v19 =	vld [tilespmem:$0x1FE80];
	v63 =	vadd.f32 v55, v53;
	[tilespmem:v4+s22+$0x0] =	vst.idx.msk $0xffff, v0;
	v0 =	vadd.f32 v29, v61;
	(pc) =	sbr.rel @p0 .LBB2_5-.Ltmp1, $4  }
0x314: {  	[tilespmem:v28+s22+$0x0] =	vst.idx.msk $0xffff, v6;
	v25 =	vld [tilespmem:$0x1FF00];
	v2 =	vadd.f32 v56, v8  }
0x315: {  	v28 =	vld [tilespmem:$0x1FF40];
	[tilespmem:v3+s22+$0x0] =	vst.idx.msk $0xffff, v0;
	v0 =	vadd.f32 v58, v63  }
0x316: {  	s17 =	sadd.s32 $0x10, s1;
	v29 =	vld [tilespmem:$0x1FF50];
	[tilespmem:v12+s22+$0x0] =	vst.idx.msk $0xffff, v2  }
0x317: {  	s1 =	smov.u32 s17;
	v31 =	vmov v32;
	[tilespmem:v13+s22+$0x0] =	vst.idx.msk $0xffff, v0;
	v13 =	vld [tilespmem:$0x1FE10]  }
0x318: {  	s1 =	sld [smem:$0x7FD];
	_ =	sdelay $0x2  }
0x319: {  	s1 =	sadd.s32 s1, s31  }
0x31a: {  	s3 =	rddreg [dreg:$0x1];
	s1 =	sshrl.u32 s1, $0x3  }
0x31b: {  	s31 =	simm.s32 $0x0;
	s3 =	sadd.s32 s3, s1  }
0x31c: {  	[hbm4b:s3+s31] =	stream.linear.scatter [tilespmem:s22], [sflag:$0x5], $0x80, $0x38;
	[tilespmem:$0x19080] =	vst v63  }
0x31d: {  	s6 =	simm.s32 $0x14910;
	s5 =	sadd.s32 $0x10, s3  }
0x31e: {  	[hbm4b:s5+s31] =	stream.linear.scatter [tilespmem:s6], [sflag:$0x5], $0x80, $0x38;
	[tilespmem:$0x19080] =	vst v63  }
0x31f: {  	s17 =	simm.s32 $0x149A0;
	s16 =	sadd.s32 $0x20, s3  }
0x320: {  	[hbm4b:s16+s31] =	stream.linear.scatter [tilespmem:s17], [sflag:$0x5], $0x80, $0x38;
	[tilespmem:$0x19080] =	vst v63  }
0x321: {  	s15 =	simm.s32 $0x14A30;
	s6 =	sadd.s32 $0x30, s3  }
0x322: {  	[hbm4b:s6+s31] =	stream.linear.scatter [tilespmem:s15], [sflag:$0x5], $0x80, $0x38;
	[tilespmem:$0x19080] =	vst v63  }
0x323: {  	s16 =	sadd.s32 $0x40, s3;
	s17 =	simm.s32 $0x14AC0  }
0x324: {  	[hbm4b:s16+s31] =	stream.linear.scatter [tilespmem:s17], [sflag:$0x5], $0x80, $0x38;
	[tilespmem:$0x19080] =	vst v63  }
0x325: {  	s6 =	sadd.s32 $0x50, s3;
	s15 =	simm.s32 $0x14B50  }
0x326: {  	[hbm4b:s6+s31] =	stream.linear.scatter [tilespmem:s15], [sflag:$0x5], $0x80, $0x38;
	[tilespmem:$0x19080] =	vst v63  }
0x327: {  	s16 =	sadd.s32 $0x60, s3;
	s17 =	simm.s32 $0x14BE0  }
0x328: {  	[hbm4b:s16+s31] =	stream.linear.scatter [tilespmem:s17], [sflag:$0x5], $0x80, $0x38;
	[tilespmem:$0x19080] =	vst v63  }
0x329: {  	s3 =	sadd.s32 $0x70, s3;
	s15 =	simm.s32 $0x14C70;
	s16 =	rddreg [dreg:$0x1e]  }
0x32a: {  	[hbm4b:s3+s31] =	stream.linear.scatter [tilespmem:s15], [sflag:$0x5], $0x80, $0x38;
	[tilespmem:$0x19080] =	vst v63  }
0x32b: {  	s17 =	simm.s32 $0x14D00;
	s3 =	sadd.s32 s1, s16  }
0x32c: {  	[hbm4b:s3+s31] =	stream.linear.scatter [tilespmem:s17], [sflag:$0x5], $0x80, $0x38;
	[tilespmem:$0x19080] =	vst v63  }
0x32d: {  	s15 =	simm.s32 $0x14D90;
	s6 =	sadd.s32 $0x10, s3  }
0x32e: {  	[hbm4b:s6+s31] =	stream.linear.scatter [tilespmem:s15], [sflag:$0x5], $0x80, $0x38;
	[tilespmem:$0x19080] =	vst v63  }
0x32f: {  	s16 =	sadd.s32 $0x20, s3;
	s17 =	simm.s32 $0x14E20  }
0x330: {  	[hbm4b:s16+s31] =	stream.linear.scatter [tilespmem:s17], [sflag:$0x5], $0x80, $0x38;
	[tilespmem:$0x19080] =	vst v63  }
0x331: {  	s6 =	sadd.s32 $0x30, s3;
	s15 =	simm.s32 $0x14EB0  }
0x332: {  	[hbm4b:s6+s31] =	stream.linear.scatter [tilespmem:s15], [sflag:$0x5], $0x80, $0x38;
	[tilespmem:$0x19080] =	vst v63  }
0x333: {  	s16 =	sadd.s32 $0x40, s3;
	s17 =	simm.s32 $0x14F40  }
0x334: {  	[hbm4b:s16+s31] =	stream.linear.scatter [tilespmem:s17], [sflag:$0x5], $0x80, $0x38;
	[tilespmem:$0x19080] =	vst v63  }
0x335: {  	s6 =	sadd.s32 $0x50, s3;
	s15 =	simm.s32 $0x14FD0  }
0x336: {  	[hbm4b:s6+s31] =	stream.linear.scatter [tilespmem:s15], [sflag:$0x5], $0x80, $0x38;
	[tilespmem:$0x19080] =	vst v63  }
0x337: {  	s16 =	sadd.s32 $0x60, s3;
	s17 =	simm.s32 $0x15060  }
0x338: {  	[hbm4b:s16+s31] =	stream.linear.scatter [tilespmem:s17], [sflag:$0x5], $0x80, $0x38;
	[tilespmem:$0x19080] =	vst v63  }
0x339: {  	s3 =	sadd.s32 $0x70, s3;
	s15 =	simm.s32 $0x150F0;
	s16 =	rddreg [dreg:$0x1f]  }
0x33a: {  	[hbm4b:s3+s31] =	stream.linear.scatter [tilespmem:s15], [sflag:$0x5], $0x80, $0x38;
	[tilespmem:$0x19080] =	vst v63  }
0x33b: {  	s17 =	simm.s32 $0x15180;
	s3 =	sadd.s32 s1, s16  }
0x33c: {  	[hbm4b:s3+s31] =	stream.linear.scatter [tilespmem:s17], [sflag:$0x5], $0x80, $0x38;
	[tilespmem:$0x19080] =	vst v63  }
0x33d: {  	s15 =	simm.s32 $0x15210;
	s6 =	sadd.s32 $0x10, s3  }
0x33e: {  	[hbm4b:s6+s31] =	stream.linear.scatter [tilespmem:s15], [sflag:$0x5], $0x80, $0x38;
	[tilespmem:$0x19080] =	vst v63  }
0x33f: {  	s16 =	sadd.s32 $0x20, s3;
	s17 =	simm.s32 $0x152A0  }
0x340: {  	[hbm4b:s16+s31] =	stream.linear.scatter [tilespmem:s17], [sflag:$0x5], $0x80, $0x38;
	[tilespmem:$0x19080] =	vst v63  }
0x341: {  	s6 =	sadd.s32 $0x30, s3;
	s15 =	simm.s32 $0x15330  }
0x342: {  	[hbm4b:s6+s31] =	stream.linear.scatter [tilespmem:s15], [sflag:$0x5], $0x80, $0x38;
	[tilespmem:$0x19080] =	vst v63  }
0x343: {  	s16 =	sadd.s32 $0x40, s3;
	s17 =	simm.s32 $0x153C0  }
0x344: {  	[hbm4b:s16+s31] =	stream.linear.scatter [tilespmem:s17], [sflag:$0x5], $0x80, $0x38;
	[tilespmem:$0x19080] =	vst v63  }
0x345: {  	s6 =	sadd.s32 $0x50, s3;
	s15 =	simm.s32 $0x15450  }
0x346: {  	[hbm4b:s6+s31] =	stream.linear.scatter [tilespmem:s15], [sflag:$0x5], $0x80, $0x38;
	[tilespmem:$0x19080] =	vst v63  }
0x347: {  	s16 =	sadd.s32 $0x60, s3;
	s17 =	simm.s32 $0x154E0  }
0x348: {  	[hbm4b:s16+s31] =	stream.linear.scatter [tilespmem:s17], [sflag:$0x5], $0x80, $0x38;
	[tilespmem:$0x19080] =	vst v63  }
0x349: {  	s16 =	sld [smem:$0x7FA]  }
0x34a: {  	s3 =	sadd.s32 $0x70, s3;
	s15 =	simm.s32 $0x15570  }
0x34b: {  	[hbm4b:s3+s31] =	stream.linear.scatter [tilespmem:s15], [sflag:$0x5], $0x80, $0x38;
	[tilespmem:$0x19080] =	vst v63  }
0x34c: {  	s17 =	simm.s32 $0x15600;
	s3 =	sadd.s32 s1, s16  }
0x34d: {  	[hbm4b:s3+s31] =	stream.linear.scatter [tilespmem:s17], [sflag:$0x5], $0x80, $0x38;
	[tilespmem:$0x19080] =	vst v63  }
0x34e: {  	s15 =	simm.s32 $0x15690;
	s6 =	sadd.s32 $0x10, s3  }
0x34f: {  	[hbm4b:s6+s31] =	stream.linear.scatter [tilespmem:s15], [sflag:$0x5], $0x80, $0x38;
	[tilespmem:$0x19080] =	vst v63  }
0x350: {  	s16 =	sadd.s32 $0x20, s3;
	s17 =	simm.s32 $0x15720  }
0x351: {  	[hbm4b:s16+s31] =	stream.linear.scatter [tilespmem:s17], [sflag:$0x5], $0x80, $0x38;
	[tilespmem:$0x19080] =	vst v63  }
0x352: {  	s6 =	sadd.s32 $0x30, s3;
	s15 =	simm.s32 $0x157B0  }
0x353: {  	[hbm4b:s6+s31] =	stream.linear.scatter [tilespmem:s15], [sflag:$0x5], $0x80, $0x38;
	[tilespmem:$0x19080] =	vst v63  }
0x354: {  	s16 =	sadd.s32 $0x40, s3;
	s17 =	simm.s32 $0x15840  }
0x355: {  	[hbm4b:s16+s31] =	stream.linear.scatter [tilespmem:s17], [sflag:$0x5], $0x80, $0x38;
	[tilespmem:$0x19080] =	vst v63  }
0x356: {  	s6 =	sadd.s32 $0x50, s3;
	s15 =	simm.s32 $0x158D0  }
0x357: {  	[hbm4b:s6+s31] =	stream.linear.scatter [tilespmem:s15], [sflag:$0x5], $0x80, $0x38;
	[tilespmem:$0x19080] =	vst v63  }
0x358: {  	s16 =	sadd.s32 $0x60, s3;
	s17 =	simm.s32 $0x15960  }
0x359: {  	[hbm4b:s16+s31] =	stream.linear.scatter [tilespmem:s17], [sflag:$0x5], $0x80, $0x38;
	[tilespmem:$0x19080] =	vst v63  }
0x35a: {  	s16 =	sld [smem:$0x7FB]  }
0x35b: {  	s3 =	sadd.s32 $0x70, s3;
	s15 =	simm.s32 $0x159F0  }
0x35c: {  	[hbm4b:s3+s31] =	stream.linear.scatter [tilespmem:s15], [sflag:$0x5], $0x80, $0x38;
	[tilespmem:$0x19080] =	vst v63  }
0x35d: {  	s17 =	simm.s32 $0x15A80;
	s3 =	sadd.s32 s1, s16  }
0x35e: {  	[hbm4b:s3+s31] =	stream.linear.scatter [tilespmem:s17], [sflag:$0x5], $0x80, $0x38;
	[tilespmem:$0x19080] =	vst v63  }
0x35f: {  	s15 =	simm.s32 $0x15B10;
	s6 =	sadd.s32 $0x10, s3  }
0x360: {  	[hbm4b:s6+s31] =	stream.linear.scatter [tilespmem:s15], [sflag:$0x5], $0x80, $0x38;
	[tilespmem:$0x19080] =	vst v63  }
0x361: {  	s16 =	sadd.s32 $0x20, s3;
	s17 =	simm.s32 $0x15BA0  }
0x362: {  	[hbm4b:s16+s31] =	stream.linear.scatter [tilespmem:s17], [sflag:$0x5], $0x80, $0x38;
	[tilespmem:$0x19080] =	vst v63  }
0x363: {  	s6 =	sadd.s32 $0x30, s3;
	s15 =	simm.s32 $0x15C30  }
0x364: {  	[hbm4b:s6+s31] =	stream.linear.scatter [tilespmem:s15], [sflag:$0x5], $0x80, $0x38;
	[tilespmem:$0x19080] =	vst v63  }
0x365: {  	s16 =	sadd.s32 $0x40, s3;
	s17 =	simm.s32 $0x15CC0  }
0x366: {  	[hbm4b:s16+s31] =	stream.linear.scatter [tilespmem:s17], [sflag:$0x5], $0x80, $0x38;
	[tilespmem:$0x19080] =	vst v63  }
0x367: {  	s6 =	sadd.s32 $0x50, s3;
	s15 =	simm.s32 $0x15D50  }
0x368: {  	[hbm4b:s6+s31] =	stream.linear.scatter [tilespmem:s15], [sflag:$0x5], $0x80, $0x38;
	[tilespmem:$0x19080] =	vst v63  }
0x369: {  	s16 =	sadd.s32 $0x60, s3;
	s17 =	simm.s32 $0x15DE0  }
0x36a: {  	[hbm4b:s16+s31] =	stream.linear.scatter [tilespmem:s17], [sflag:$0x5], $0x80, $0x38;
	[tilespmem:$0x19080] =	vst v63  }
0x36b: {  	s16 =	sld [smem:$0x7FC]  }
0x36c: {  	s3 =	sadd.s32 $0x70, s3;
	s15 =	simm.s32 $0x15E70  }
0x36d: {  	[hbm4b:s3+s31] =	stream.linear.scatter [tilespmem:s15], [sflag:$0x5], $0x80, $0x38;
	[tilespmem:$0x19080] =	vst v63  }
0x36e: {  	s17 =	simm.s32 $0x15F00;
	s3 =	sadd.s32 s1, s16  }
0x36f: {  	[hbm4b:s3+s31] =	stream.linear.scatter [tilespmem:s17], [sflag:$0x5], $0x80, $0x38;
	[tilespmem:$0x19080] =	vst v63  }
0x370: {  	s15 =	simm.s32 $0x15F90;
	s6 =	sadd.s32 $0x10, s3  }
0x371: {  	[hbm4b:s6+s31] =	stream.linear.scatter [tilespmem:s15], [sflag:$0x5], $0x80, $0x38;
	[tilespmem:$0x19080] =	vst v63  }
0x372: {  	s16 =	sadd.s32 $0x20, s3;
	s17 =	simm.s32 $0x16020  }
0x373: {  	[hbm4b:s16+s31] =	stream.linear.scatter [tilespmem:s17], [sflag:$0x5], $0x80, $0x38;
	[tilespmem:$0x19080] =	vst v63  }
0x374: {  	s6 =	sadd.s32 $0x30, s3;
	s15 =	simm.s32 $0x160B0  }
0x375: {  	[hbm4b:s6+s31] =	stream.linear.scatter [tilespmem:s15], [sflag:$0x5], $0x80, $0x38;
	[tilespmem:$0x19080] =	vst v63  }
0x376: {  	s16 =	sadd.s32 $0x40, s3;
	s17 =	simm.s32 $0x16140  }
0x377: {  	[hbm4b:s16+s31] =	stream.linear.scatter [tilespmem:s17], [sflag:$0x5], $0x80, $0x38;
	[tilespmem:$0x19080] =	vst v63  }
0x378: {  	s6 =	sadd.s32 $0x50, s3;
	s15 =	simm.s32 $0x161D0  }
0x379: {  	[hbm4b:s6+s31] =	stream.linear.scatter [tilespmem:s15], [sflag:$0x5], $0x80, $0x38;
	[tilespmem:$0x19080] =	vst v63  }
0x37a: {  	s16 =	sadd.s32 $0x60, s3;
	s17 =	simm.s32 $0x16260  }
0x37b: {  	[hbm4b:s16+s31] =	stream.linear.scatter [tilespmem:s17], [sflag:$0x5], $0x80, $0x38;
	[tilespmem:$0x19080] =	vst v63  }
0x37c: {  	s3 =	sadd.s32 $0x70, s3;
	s6 =	simm.s32 $0x162F0  }
0x37d: {  	[hbm4b:s3+s31] =	stream.linear.scatter [tilespmem:s6], [sflag:$0x5], $0x80, $0x38;
	[tilespmem:$0x19080] =	vst v63  }
0x37e: {  	s15 =	simm.s32 $0x16380;
	s3 =	sadd.s32 s1, s20  }
0x37f: {  	[hbm4b:s3+s31] =	stream.linear.scatter [tilespmem:s15], [sflag:$0x5], $0x80, $0x38;
	[tilespmem:$0x19080] =	vst v63  }
0x380: {  	s17 =	simm.s32 $0x16410;
	s16 =	sadd.s32 $0x10, s3  }
0x381: {  	[hbm4b:s16+s31] =	stream.linear.scatter [tilespmem:s17], [sflag:$0x5], $0x80, $0x38;
	[tilespmem:$0x19080] =	vst v63  }
0x382: {  	s6 =	sadd.s32 $0x20, s3;
	s15 =	simm.s32 $0x164A0  }
0x383: {  	[hbm4b:s6+s31] =	stream.linear.scatter [tilespmem:s15], [sflag:$0x5], $0x80, $0x38;
	[tilespmem:$0x19080] =	vst v63  }
0x384: {  	s16 =	sadd.s32 $0x30, s3;
	s17 =	simm.s32 $0x16530  }
0x385: {  	[hbm4b:s16+s31] =	stream.linear.scatter [tilespmem:s17], [sflag:$0x5], $0x80, $0x38;
	[tilespmem:$0x19080] =	vst v63  }
0x386: {  	s6 =	sadd.s32 $0x40, s3;
	s15 =	simm.s32 $0x165C0  }
0x387: {  	[hbm4b:s6+s31] =	stream.linear.scatter [tilespmem:s15], [sflag:$0x5], $0x80, $0x38;
	[tilespmem:$0x19080] =	vst v63  }
0x388: {  	s16 =	sadd.s32 $0x50, s3;
	s17 =	simm.s32 $0x16650  }
0x389: {  	[hbm4b:s16+s31] =	stream.linear.scatter [tilespmem:s17], [sflag:$0x5], $0x80, $0x38;
	[tilespmem:$0x19080] =	vst v63  }
0x38a: {  	s15 =	sadd.s32 $0x60, s3;
	s16 =	simm.s32 $0x166E0  }
0x38b: {  	[hbm4b:s15+s31] =	stream.linear.scatter [tilespmem:s16], [sflag:$0x5], $0x80, $0x38;
	[tilespmem:$0x19080] =	vst v63  }
0x38c: {  	s3 =	sadd.s32 $0x70, s3;
	s17 =	simm.s32 $0x16770  }
0x38d: {  	[hbm4b:s3+s31] =	stream.linear.scatter [tilespmem:s17], [sflag:$0x5], $0x80, $0x38;
	[tilespmem:$0x19080] =	vst v63  }
0x38e: {  	s5 =	simm.s32 $0x16800;
	s1 =	sadd.s32 s1, s21  }
0x38f: {  	[hbm4b:s1+s31] =	stream.linear.scatter [tilespmem:s5], [sflag:$0x5], $0x80, $0x38;
	[tilespmem:$0x19080] =	vst v63  }
0x390: {  	s6 =	sadd.s32 $0x10, s1;
	s15 =	simm.s32 $0x16890  }
0x391: {  	[hbm4b:s6+s31] =	stream.linear.scatter [tilespmem:s15], [sflag:$0x5], $0x80, $0x38;
	[tilespmem:$0x19080] =	vst v63  }
0x392: {  	s16 =	sadd.s32 $0x20, s1;
	s17 =	simm.s32 $0x16920  }
0x393: {  	[hbm4b:s16+s31] =	stream.linear.scatter [tilespmem:s17], [sflag:$0x5], $0x80, $0x38;
	[tilespmem:$0x19080] =	vst v63  }
0x394: {  	s6 =	sadd.s32 $0x30, s1;
	s15 =	simm.s32 $0x169B0  }
0x395: {  	[hbm4b:s6+s31] =	stream.linear.scatter [tilespmem:s15], [sflag:$0x5], $0x80, $0x38;
	[tilespmem:$0x19080] =	vst v63  }
0x396: {  	s16 =	sadd.s32 $0x40, s1;
	s17 =	simm.s32 $0x16A40  }
0x397: {  	[hbm4b:s16+s31] =	stream.linear.scatter [tilespmem:s17], [sflag:$0x5], $0x80, $0x38;
	[tilespmem:$0x19080] =	vst v63  }
0x398: {  	s6 =	sadd.s32 $0x50, s1;
	s15 =	simm.s32 $0x16AD0  }
0x399: {  	[hbm4b:s6+s31] =	stream.linear.scatter [tilespmem:s15], [sflag:$0x5], $0x80, $0x38;
	[tilespmem:$0x19080] =	vst v63  }
0x39a: {  	s16 =	sadd.s32 $0x60, s1;
	s17 =	simm.s32 $0x16B60  }
0x39b: {  	[hbm4b:s16+s31] =	stream.linear.scatter [tilespmem:s17], [sflag:$0x5], $0x80, $0x38;
	[tilespmem:$0x19080] =	vst v63  }
0x39c: {  	s5 =	simm.s32 $0x16BF0;
	s1 =	sadd.s32 $0x70, s1  }
0x39d: {  	[hbm4b:s1+s31] =	stream.linear.scatter [tilespmem:s5], [sflag:$0x5], $0x80, $0x38;
	[tilespmem:$0x19080] =	vst v63  }
0x39e: {  	_ =	swait.ge [sflag:s29], $0x400  }
0x39f: {  	[sflag:s29] =	ssyncset.done $0x0  }
0x3a0: {  	[sflag:s29] =	ssyncadd.s32 $0xFFFFFC00  }
0x3a1: {  	_ =	swait.ge [sflag:s29], $0x400  }
0x3a2: {  	[sflag:s29] =	ssyncset.done $0x0  }
0x3a3: {  	[sflag:s29] =	ssyncadd.s32 $0xFFFFFC00  }
0x3a4: {  	_ =	swait.ge [sflag:s29], $0x400  }
0x3a5: {  	[sflag:s29] =	ssyncset.done $0x0  }
0x3a6: {  	[sflag:s29] =	ssyncadd.s32 $0xFFFFFC00  }
0x3a7: {  	_ =	swait.ge [sflag:s29], $0x400  }
0x3a8: {  	[sflag:s29] =	ssyncset.done $0x0  }
0x3a9: {  	[sflag:s29] =	ssyncadd.s32 $0xFFFFFC00  }
0x3aa: {  	_ =	swait.ge [sflag:s29], $0x400  }
0x3ab: {  	[sflag:s29] =	ssyncset.done $0x0  }
0x3ac: {  	[sflag:s29] =	ssyncadd.s32 $0xFFFFFC00  }
0x3ad: {  	_ =	swait.ge [sflag:s29], $0x400  }
0x3ae: {  	[sflag:s29] =	ssyncset.done $0x0  }
0x3af: {  	[sflag:s29] =	ssyncadd.s32 $0xFFFFFC00  }
0x3b0: {  	_ =	swait.ge [sflag:s29], $0x400  }
0x3b1: {  	[sflag:s29] =	ssyncset.done $0x0  }
0x3b2: {  	[sflag:s29] =	ssyncadd.s32 $0xFFFFFC00  }
0x3b3: {  	_ =	swait.ge [sflag:s29], $0x400  }
0x3b4: {  	[sflag:s29] =	ssyncset.done $0x0  }
0x3b5: {  	[sflag:s29] =	ssyncadd.s32 $0xFFFFFC00  }
0x3b6: {  	_ =	swait.ge [sflag:s25], $0x80  }
0x3b7: {  	[sflag:s25] =	ssyncset.done $0x0  }
0x3b8: {  	[sflag:s25] =	ssyncadd.s32 $0xFFFFFF80  }
0x3b9: {  	_ =	swait.ge [sflag:s25], $0x80  }
0x3ba: {  	[sflag:s25] =	ssyncset.done $0x0  }
0x3bb: {  	[sflag:s25] =	ssyncadd.s32 $0xFFFFFF80  }
0x3bc: {  	_ =	swait.ge [sflag:s25], $0x80  }
0x3bd: {  	[sflag:s25] =	ssyncset.done $0x0  }
0x3be: {  	s6 =	simm.s32 $0x480;
	s3 =	rddreg [dreg:$0x1d];
	[sflag:s25] =	ssyncadd.s32 $0xFFFFFF80  }
0x3bf: {  	[tilespmem:s6], [sflag:$0x1] =	stream.indirect.gather [hbm4b:s7+s23], $0x40, s31, s23, $0xb8;
	[tilespmem:$0x19080] =	vst v63  }
0x3c0: {  	s15 =	simm.s32 $0x2480;
	s0 =	sadd.s32 s3, s0  }
0x3c1: {  	[tilespmem:s15], [sflag:$0x1] =	stream.indirect.gather [hbm4b:s8+s23], $0x40, s23, s23, $0xb8;
	[tilespmem:$0x19080] =	vst v63  }
0x3c2: {  	s16 =	simm.s32 $0x100;
	s17 =	simm.s32 $0x4480;
	s0 =	sshrl.u32 s0, $0x3  }
0x3c3: {  	[tilespmem:s17], [sflag:$0x1] =	stream.indirect.gather [hbm4b:s9+s23], $0x40, s16, s23, $0xb8;
	[tilespmem:$0x19080] =	vst v63  }
0x3c4: {  	s5 =	sadd.s32 s12, s0;
	s17 =	simm.s32 $0x180  }
0x3c5: {  	[tilespmem:s17], [sflag:$0x8] =	stream.linear.gather [hbm4b:s5+s31], $0x80, $0x38;
	[tilespmem:$0x19080] =	vst v63  }
0x3c6: {  	s6 =	sadd.s32 s18, s0;
	s16 =	simm.s32 $0x200  }
0x3c7: {  	[tilespmem:s16], [sflag:$0x8] =	stream.linear.gather [hbm4b:s6+s31], $0x80, $0x38;
	[tilespmem:$0x19080] =	vst v63  }
0x3c8: {  	s0 =	sadd.s32 s19, s0;
	s15 =	simm.s32 $0x280  }
0x3c9: {  	[tilespmem:s15], [sflag:$0x8] =	stream.linear.gather [hbm4b:s0+s31], $0x80, $0x38;
	[tilespmem:$0x19080] =	vst v63  }
0x3ca: {  	_ =	swait.ge [sflag:s11], $0x2000  }
0x3cb: {  	[sflag:s11] =	ssyncset.done $0x0  }
0x3cc: {  	[sflag:s11] =	ssyncadd.s32 $0xFFFFE000  }
0x3cd: {  	_ =	swait.ge [sflag:s11], $0x2000  }
0x3ce: {  	[sflag:s11] =	ssyncset.done $0x0  }
0x3cf: {  	[sflag:s11] =	ssyncadd.s32 $0xFFFFE000  }
0x3d0: {  	_ =	swait.ge [sflag:s11], $0x2000  }
0x3d1: {  	[sflag:s11] =	ssyncset.done $0x0  }
0x3d2: {  	[sflag:s11] =	ssyncadd.s32 $0xFFFFE000  }
.LBB2_7:
0x3d3: {  	s3 =	sshll.u32 s31, $0x6  }
0x3d4: {  	v0 =	vmov s31;
	v2 =	vld [tilespmem:s3+$0xC480]  }
0x3d5: {  	s1 =	sor.u32 $0x1, s31;
	v3 =	vld [tilespmem:s3+$0xE480];
	v0 =	vshrl.u32 v0, $0x3  }
0x3d6: {  	v4 =	vld [tilespmem:s3+$0x10480];
	s0 =	sshll.u32 s1, $0x6;
	v0 =	vshll.u32 v0, v1  }
0x3d7: {  	v5 =	vld [tilespmem:s0+$0xC480];
	v33 =	vbroadcast v0, $0x0;
	v0 =	vmov s1  }
0x3d8: {  	v6 =	vld [tilespmem:s0+$0xE480];
	v0 =	vshrl.u32 v0, $0x3  }
0x3d9: {  	v7 =	vadd.s32 v13, v33;
	v0 =	vshll.u32 v0, v1  }
0x3da: {  	v2 =	vadd.f32 v3, v2;
	v3 =	vld [tilespmem:s0+$0x10480];
	v34 =	vbroadcast v0, $0x0;
	_ =	sdelay $0x1  }
0x3db: {  	v0 =	vadd.f32 v4, v2;
	v2 =	vadd.s32 v16, v34  }
0x3dc: {  	v48 =	vadd.f32 v6, v5  }
0x3dd: {  	[tilespmem:v7+s26+$0x0] =	vst.idx.msk $0xffff, v0  }
0x3de: {  	v0 =	vld [tilespmem:s3+$0xC490];
	v3 =	vadd.f32 v3, v48  }
0x3df: {  	v49 =	vld [tilespmem:s3+$0xE490]  }
0x3e0: {  	v50 =	vld [tilespmem:s3+$0x10490];
	[tilespmem:v2+s26+$0x0] =	vst.idx.msk $0xffff, v3  }
0x3e1: {  	v2 =	vld [tilespmem:s0+$0xC490]  }
0x3e2: {  	v3 =	vld [tilespmem:s0+$0xE490]  }
0x3e3: {  	v51 =	vadd.s32 v14, v33  }
0x3e4: {  	v53 =	vld [tilespmem:s0+$0x10490];
	v0 =	vadd.f32 v49, v0  }
0x3e5: {  	s5 =	sor.u32 $0x2, s31  }
0x3e6: {  	s6 =	sshll.u32 s5, $0x6;
	v54 =	vadd.s32 v17, v34;
	v0 =	vadd.f32 v50, v0  }
0x3e7: {  	v8 =	vld [tilespmem:s6+$0xC480];
	v2 =	vadd.f32 v3, v2  }
0x3e8: {  	v10 =	vld [tilespmem:s6+$0xE480];
	[tilespmem:v51+s26+$0x0] =	vst.idx.msk $0xffff, v0  }
0x3e9: {  	v0 =	vld [tilespmem:s3+$0xC4A0];
	v2 =	vadd.f32 v53, v2  }
0x3ea: {  	v3 =	vld [tilespmem:s3+$0xE4A0]  }
0x3eb: {  	v55 =	vld [tilespmem:s3+$0x104A0];
	[tilespmem:v54+s26+$0x0] =	vst.idx.msk $0xffff, v2  }
0x3ec: {  	v57 =	vmov s5;
	s5 =	sor.u32 $0x3, s31;
	v2 =	vld [tilespmem:s0+$0xC4A0]  }
0x3ed: {  	s1 =	sshll.u32 s5, $0x6;
	v5 =	vld [tilespmem:s0+$0xE4A0]  }
0x3ee: {  	v11 =	vld [tilespmem:s1+$0xC480];
	v9 =	vadd.s32 v15, v33;
	v7 =	vshrl.u32 v57, $0x3  }
0x3ef: {  	v7 =	vshll.u32 v7, v1;
	v56 =	vld [tilespmem:s0+$0x104A0];
	v0 =	vadd.f32 v3, v0  }
0x3f0: {  	v58 =	vmov s5;
	v35 =	vbroadcast v7, $0x0;
	v3 =	vld [tilespmem:s6+$0x10480]  }
0x3f1: {  	s15 =	sor.u32 $0x4, s31;
	v12 =	vld [tilespmem:s1+$0xE480];
	v61 =	vadd.s32 v18, v34;
	v7 =	vshrl.u32 v58, $0x3;
	v0 =	vadd.f32 v55, v0  }
0x3f2: {  	s5 =	sshll.u32 s15, $0x6;
	v44 =	vld [tilespmem:s1+$0x10480];
	v7 =	vshll.u32 v7, v1;
	v63 =	vadd.s32 v19, v35;
	v2 =	vadd.f32 v5, v2  }
0x3f3: {  	v36 =	vbroadcast v7, $0x0;
	v49 =	vld [tilespmem:s5+$0xC480];
	[tilespmem:v9+s26+$0x0] =	vst.idx.msk $0xffff, v0;
	v0 =	vadd.f32 v10, v8  }
0x3f4: {  	v50 =	vld [tilespmem:s5+$0xE480];
	v2 =	vadd.f32 v56, v2  }
0x3f5: {  	v39 =	vld [tilespmem:s3+$0xC4B0];
	v0 =	vadd.f32 v3, v0;
	v3 =	vadd.s32 v22, v36  }
0x3f6: {  	v40 =	vld [tilespmem:s3+$0xE4B0];
	[tilespmem:v61+s26+$0x0] =	vst.idx.msk $0xffff, v2;
	v2 =	vadd.f32 v12, v11  }
0x3f7: {  	v38 =	vld [tilespmem:s3+$0x104B0];
	[tilespmem:v63+s26+$0x0] =	vst.idx.msk $0xffff, v0  }
0x3f8: {  	v0 =	vld [tilespmem:s6+$0xC490];
	v2 =	vadd.f32 v44, v2  }
0x3f9: {  	v45 =	vld [tilespmem:s6+$0xE490]  }
0x3fa: {  	v5 =	vld [tilespmem:s6+$0x10490];
	[tilespmem:v3+s26+$0x0] =	vst.idx.msk $0xffff, v2  }
0x3fb: {  	v2 =	vld [tilespmem:s1+$0xC490]  }
0x3fc: {  	v3 =	vld [tilespmem:s1+$0xE490]  }
0x3fd: {  	v46 =	vadd.s32 v20, v35;
	v41 =	vld [tilespmem:s0+$0xC4B0]  }
0x3fe: {  	v48 =	vmov s15;
	v47 =	vld [tilespmem:s1+$0x10490];
	v0 =	vadd.f32 v45, v0  }
0x3ff: {  	v4 =	vshrl.u32 v48, $0x3;
	v42 =	vld [tilespmem:s0+$0xE4B0]  }
0x400: {  	s15 =	sor.u32 $0x5, s31;
	v4 =	vshll.u32 v4, v1;
	v51 =	vadd.s32 v23, v36;
	v43 =	vld [tilespmem:s0+$0x104B0];
	v0 =	vadd.f32 v5, v0  }
0x401: {  	v37 =	vbroadcast v4, $0x0;
	s3 =	sshll.u32 s15, $0x6;
	v2 =	vadd.f32 v3, v2;
	v3 =	vld [tilespmem:s5+$0x10480]  }
0x402: {  	v63 =	vld [tilespmem:s3+$0xC480];
	[tilespmem:v46+s26+$0x0] =	vst.idx.msk $0xffff, v0  }
0x403: {  	v4 =	vadd.s32 v25, v37;
	v0 =	vld [tilespmem:s6+$0xC4A0];
	v2 =	vadd.f32 v47, v2  }
0x404: {  	v53 =	vadd.f32 v50, v49;
	v6 =	vld [tilespmem:s6+$0xE4A0]  }
0x405: {  	v54 =	vld [tilespmem:s6+$0x104A0];
	[tilespmem:v51+s26+$0x0] =	vst.idx.msk $0xffff, v2  }
0x406: {  	v2 =	vld [tilespmem:s1+$0xC4A0];
	v3 =	vadd.f32 v3, v53  }
0x407: {  	v5 =	vld [tilespmem:s1+$0xE4A0]  }
0x408: {  	v55 =	vadd.s32 v21, v35;
	v56 =	vld [tilespmem:s1+$0x104A0];
	[tilespmem:v4+s26+$0x0] =	vst.idx.msk $0xffff, v3  }
0x409: {  	v0 =	vadd.f32 v6, v0;
	v3 =	vld [tilespmem:s5+$0xC490]  }
0x40a: {  	v4 =	vld [tilespmem:s5+$0xE490]  }
0x40b: {  	v57 =	vld [tilespmem:s5+$0x10490];
	v0 =	vadd.f32 v54, v0  }
0x40c: {  	v54 =	vadd.s32 v27, v37;
	v27 =	vld [tilespmem:$0x1FF10]  }
0x40d: {  	[tilespmem:v55+s26+$0x0] =	vst.idx.msk $0xffff, v0;
	v0 =	vadd.f32 v5, v2;
	v2 =	vld [tilespmem:s3+$0xE480]  }
0x40e: {  	v55 =	vld [tilespmem:s3+$0x10480]  }
0x40f: {  	v45 =	vld [tilespmem:s6+$0xC4B0]  }
0x410: {  	v58 =	vadd.s32 v24, v36;
	v61 =	vmov s15;
	s15 =	sor.u32 $0x6, s31;
	v49 =	vld [tilespmem:s6+$0xE4B0]  }
0x411: {  	v53 =	vshrl.u32 v61, $0x3;
	v47 =	vld [tilespmem:s6+$0x104B0];
	s6 =	sshll.u32 s15, $0x6  }
0x412: {  	v61 =	vmov s15;
	v5 =	vshll.u32 v53, v1;
	s15 =	sor.u32 $0x7, s31;
	v53 =	vld [tilespmem:s6+$0xE480]  }
0x413: {  	v44 =	vbroadcast v5, $0x0;
	v0 =	vadd.f32 v56, v0;
	v3 =	vadd.f32 v4, v3;
	v4 =	vld [tilespmem:s6+$0x10480];
	s0 =	sshll.u32 s15, $0x6  }
0x414: {  	v11 =	vld [tilespmem:s0+$0xC480]  }
0x415: {  	v12 =	vld [tilespmem:s0+$0xE480];
	[tilespmem:v58+s26+$0x0] =	vst.idx.msk $0xffff, v0;
	v0 =	vadd.f32 v57, v3;
	v3 =	vadd.s32 v28, v44  }
0x416: {  	v50 =	vld [tilespmem:s1+$0xC4B0];
	v2 =	vadd.f32 v2, v63  }
0x417: {  	v51 =	vld [tilespmem:s1+$0xE4B0];
	[tilespmem:v54+s26+$0x0] =	vst.idx.msk $0xffff, v0  }
0x418: {  	v0 =	vld [tilespmem:s5+$0xC4A0];
	v2 =	vadd.f32 v55, v2  }
0x419: {  	v56 =	vld [tilespmem:s5+$0xE4A0]  }
0x41a: {  	v57 =	vld [tilespmem:s5+$0x104A0];
	[tilespmem:v3+s26+$0x0] =	vst.idx.msk $0xffff, v2  }
0x41b: {  	v2 =	vld [tilespmem:s3+$0xC490]  }
0x41c: {  	v3 =	vld [tilespmem:s3+$0xE490]  }
0x41d: {  	v46 =	vadd.s32 v26, v37;
	v7 =	vshrl.u32 v61, $0x3;
	v63 =	vld [tilespmem:s6+$0xC480]  }
0x41e: {  	v7 =	vshll.u32 v7, v1;
	v58 =	vmov s15;
	v6 =	vld [tilespmem:s3+$0x10490];
	v0 =	vadd.f32 v56, v0  }
0x41f: {  	v48 =	vbroadcast v7, $0x0;
	v7 =	vshrl.u32 v58, $0x3;
	v58 =	vld [tilespmem:$0x1FF90]  }
0x420: {  	v61 =	vadd.s32 v29, v44;
	v54 =	vld [tilespmem:$0x1FFD0];
	v0 =	vadd.f32 v57, v0  }
0x421: {  	s15 =	sor.u32 $0x8, s31;
	v7 =	vshll.u32 v7, v1;
	v56 =	vld [tilespmem:s1+$0x104B0];
	v2 =	vadd.f32 v3, v2;
	v3 =	vadd.s32 v31, v48  }
0x422: {  	s1 =	sshll.u32 s15, $0x6;
	[tilespmem:v46+s26+$0x0] =	vst.idx.msk $0xffff, v0;
	v0 =	vadd.f32 v53, v63;
	v63 =	vld [tilespmem:s0+$0x10480];
	v46 =	vbroadcast v7, $0x0  }
0x423: {  	v9 =	vld [tilespmem:s1+$0xC480];
	v2 =	vadd.f32 v6, v2  }
0x424: {  	v53 =	vld [tilespmem:s5+$0xC4B0];
	v0 =	vadd.f32 v4, v0;
	v10 =	vadd.s32 v52, v46  }
0x425: {  	v55 =	vld [tilespmem:s5+$0xE4B0];
	[tilespmem:v61+s26+$0x0] =	vst.idx.msk $0xffff, v2;
	v2 =	vadd.f32 v12, v11  }
0x426: {  	v52 =	vld [tilespmem:s5+$0x104B0];
	[tilespmem:v3+s26+$0x0] =	vst.idx.msk $0xffff, v0  }
0x427: {  	v0 =	vld [tilespmem:s6+$0xC490];
	v2 =	vadd.f32 v63, v2  }
0x428: {  	v3 =	vld [tilespmem:s6+$0xE490]  }
0x429: {  	v57 =	vld [tilespmem:s6+$0x10490];
	[tilespmem:v10+s26+$0x0] =	vst.idx.msk $0xffff, v2  }
0x42a: {  	v2 =	vld [tilespmem:s0+$0xC490]  }
0x42b: {  	v4 =	vld [tilespmem:s0+$0xE490]  }
0x42c: {  	v7 =	vadd.s32 v58, v48;
	v5 =	vld [tilespmem:s3+$0xC4A0]  }
0x42d: {  	v61 =	vld [tilespmem:s0+$0x10490];
	v0 =	vadd.f32 v3, v0  }
0x42e: {  	v11 =	vld [tilespmem:s3+$0xE4A0];
	v3 =	vmov s15  }
0x42f: {  	v6 =	vadd.s32 v54, v46;
	v63 =	vld [tilespmem:s1+$0xE480];
	v3 =	vshrl.u32 v3, $0x3;
	v0 =	vadd.f32 v57, v0  }
0x430: {  	v3 =	vshll.u32 v3, v1;
	v57 =	vld [tilespmem:s1+$0x10480];
	v2 =	vadd.f32 v4, v2  }
0x431: {  	v54 =	vbroadcast v3, $0x0;
	v3 =	vld [tilespmem:s3+$0x104A0];
	[tilespmem:v7+s26+$0x0] =	vst.idx.msk $0xffff, v0  }
0x432: {  	v0 =	vld [tilespmem:s6+$0xC4A0];
	v2 =	vadd.f32 v61, v2  }
0x433: {  	v58 =	vadd.s32 v13, v54;
	v61 =	vld [tilespmem:s6+$0xE4A0]  }
0x434: {  	v9 =	vadd.f32 v63, v9;
	v12 =	vld [tilespmem:s6+$0x104A0];
	[tilespmem:v6+s26+$0x0] =	vst.idx.msk $0xffff, v2  }
0x435: {  	v2 =	vadd.f32 v11, v5;
	v5 =	vld [tilespmem:s0+$0xC4A0]  }
0x436: {  	v63 =	vadd.s32 v62, v44;
	s15 =	sor.u32 $0xA, s31;
	v4 =	vadd.f32 v57, v9;
	v6 =	vld [tilespmem:s0+$0xE4A0]  }
0x437: {  	s5 =	sshll.u32 s15, $0x6;
	v2 =	vadd.f32 v3, v2;
	v3 =	vld [tilespmem:s0+$0x104A0]  }
0x438: {  	[tilespmem:v58+s26+$0x0] =	vst.idx.msk $0xffff, v4;
	v4 =	vadd.s32 v14, v54;
	v14 =	vld [tilespmem:s5+$0x10480]  }
0x439: {  	v57 =	vadd.s32 v60, v48;
	v7 =	vld [tilespmem:s1+$0xC490]  }
0x43a: {  	v0 =	vadd.f32 v61, v0;
	v58 =	vld [tilespmem:s1+$0xE490]  }
0x43b: {  	[tilespmem:v63+s26+$0x0] =	vst.idx.msk $0xffff, v2;
	v10 =	vld [tilespmem:s1+$0x10490]  }
0x43c: {  	v62 =	vld [tilespmem:s3+$0xC4B0];
	v0 =	vadd.f32 v12, v0  }
0x43d: {  	v2 =	vld [tilespmem:s3+$0xE4B0]  }
0x43e: {  	v60 =	vld [tilespmem:s3+$0x104B0];
	[tilespmem:v57+s26+$0x0] =	vst.idx.msk $0xffff, v0  }
0x43f: {  	v63 =	vld [tilespmem:s6+$0xC4B0]  }
0x440: {  	v9 =	vadd.s32 v59, v46;
	v0 =	vld [tilespmem:s6+$0xE4B0]  }
0x441: {  	v5 =	vadd.f32 v6, v5;
	v59 =	vld [tilespmem:s6+$0x104B0];
	s6 =	sor.u32 $0x9, s31  }
0x442: {  	v12 =	vld [tilespmem:s5+$0xE480];
	s3 =	sshll.u32 s6, $0x6  }
0x443: {  	v3 =	vadd.f32 v3, v5;
	v11 =	vadd.f32 v58, v7;
	v7 =	vld [tilespmem:s3+$0xC480]  }
0x444: {  	v8 =	vld [tilespmem:s3+$0xE480]  }
0x445: {  	[tilespmem:v9+s26+$0x0] =	vst.idx.msk $0xffff, v3;
	v9 =	vld [tilespmem:s3+$0x10480];
	v3 =	vadd.f32 v10, v11  }
0x446: {  	v2 =	vadd.f32 v2, v62;
	v62 =	vld [tilespmem:$0x1FF60]  }
0x447: {  	v57 =	vld [tilespmem:s0+$0xC4B0];
	[tilespmem:v4+s26+$0x0] =	vst.idx.msk $0xffff, v3  }
0x448: {  	v61 =	vmov s6;
	v3 =	vld [tilespmem:s1+$0xC4A0]  }
0x449: {  	v6 =	vshrl.u32 v61, $0x3;
	v4 =	vld [tilespmem:s1+$0xE4A0]  }
0x44a: {  	v58 =	vld [tilespmem:s0+$0xE4B0];
	v6 =	vshll.u32 v6, v1  }
0x44b: {  	v10 =	vld [tilespmem:s5+$0xC480];
	v61 =	vbroadcast v6, $0x0  }
0x44c: {  	v11 =	vadd.s32 v15, v54;
	v6 =	vmov s15;
	s15 =	sor.u32 $0xB, s31;
	v2 =	vadd.f32 v60, v2;
	v5 =	vld [tilespmem:s1+$0x104A0]  }
0x44d: {  	v60 =	vld [tilespmem:$0x1FFA0];
	v6 =	vshrl.u32 v6, $0x3;
	s6 =	sshll.u32 s15, $0x6;
	v0 =	vadd.f32 v0, v63;
	v13 =	vadd.s32 v16, v61  }
0x44e: {  	v15 =	vld [tilespmem:s6+$0xE480];
	v4 =	vadd.f32 v4, v3;
	v3 =	vshll.u32 v6, v1;
	v6 =	vadd.f32 v8, v7  }
0x44f: {  	v0 =	vadd.f32 v59, v0;
	v59 =	vld [tilespmem:$0x1FFE0];
	v3 =	vbroadcast v3, $0x0  }
0x450: {  	v7 =	vmov s15;
	v8 =	vld [tilespmem:s6+$0xC480];
	v9 =	vadd.f32 v9, v6  }
0x451: {  	v7 =	vshrl.u32 v7, $0x3;
	v4 =	vadd.f32 v5, v4;
	v5 =	vld [tilespmem:s0+$0x104B0];
	v16 =	vadd.s32 v19, v3  }
0x452: {  	v6 =	vshll.u32 v7, v1;
	v7 =	vadd.f32 v12, v10;
	v10 =	vld [tilespmem:s6+$0x10480];
	[tilespmem:v13+s26+$0x0] =	vst.idx.msk $0xffff, v9  }
0x453: {  	s15 =	sor.u32 $0xC, s31;
	[tilespmem:v11+s26+$0x0] =	vst.idx.msk $0xffff, v4;
	v4 =	vbroadcast v6, $0x0;
	v9 =	vld [tilespmem:s3+$0xC490]  }
0x454: {  	s0 =	sshll.u32 s15, $0x6;
	v7 =	vadd.f32 v14, v7;
	v12 =	vld [tilespmem:s3+$0xE490]  }
0x455: {  	v19 =	vld [tilespmem:s0+$0xC480];
	v11 =	vadd.s32 v22, v4  }
0x456: {  	v8 =	vadd.f32 v15, v8;
	v13 =	vld [tilespmem:s3+$0x10490];
	[tilespmem:v16+s26+$0x0] =	vst.idx.msk $0xffff, v7  }
0x457: {  	v7 =	vld [tilespmem:s5+$0xC490]  }
0x458: {  	v14 =	vadd.s32 v17, v61;
	v8 =	vadd.f32 v10, v8;
	v10 =	vld [tilespmem:s5+$0xE490]  }
0x459: {  	v6 =	vld [tilespmem:s1+$0xC4B0];
	v9 =	vadd.f32 v12, v9  }
0x45a: {  	v15 =	vld [tilespmem:s5+$0x10490];
	[tilespmem:v11+s26+$0x0] =	vst.idx.msk $0xffff, v8  }
0x45b: {  	v11 =	vld [tilespmem:s6+$0xC490];
	v9 =	vadd.f32 v13, v9  }
0x45c: {  	v12 =	vld [tilespmem:s6+$0xE490];
	v13 =	vadd.s32 v20, v3  }
0x45d: {  	v16 =	vld [tilespmem:s6+$0x10490];
	v10 =	vadd.f32 v10, v7;
	[tilespmem:v14+s26+$0x0] =	vst.idx.msk $0xffff, v9  }
0x45e: {  	v9 =	vld [tilespmem:s3+$0xC4A0]  }
0x45f: {  	v10 =	vadd.f32 v15, v10;
	v15 =	vld [tilespmem:s3+$0xE4A0]  }
0x460: {  	v8 =	vld [tilespmem:s1+$0xE4B0]  }
0x461: {  	v14 =	vadd.s32 v23, v4;
	v11 =	vadd.f32 v12, v11;
	v12 =	vld [tilespmem:s3+$0x104A0];
	[tilespmem:v13+s26+$0x0] =	vst.idx.msk $0xffff, v10  }
0x462: {  	v10 =	vld [tilespmem:s5+$0xC4A0]  }
0x463: {  	v11 =	vadd.f32 v16, v11;
	v13 =	vld [tilespmem:s5+$0xE4A0];
	v16 =	vadd.s32 v18, v61  }
0x464: {  	v7 =	vld [tilespmem:s1+$0x104B0];
	v9 =	vadd.f32 v15, v9  }
0x465: {  	v17 =	vld [tilespmem:s5+$0x104A0]  }
0x466: {  	v18 =	vadd.s32 v21, v3;
	v21 =	vld [tilespmem:s0+$0x10480];
	[tilespmem:v14+s26+$0x0] =	vst.idx.msk $0xffff, v11;
	v9 =	vadd.f32 v12, v9  }
0x467: {  	v15 =	vmov s15;
	v11 =	vld [tilespmem:s6+$0xC4A0]  }
0x468: {  	v15 =	vshrl.u32 v15, $0x3;
	[tilespmem:v16+s26+$0x0] =	vst.idx.msk $0xffff, v9;
	v9 =	vadd.f32 v13, v10;
	v13 =	vld [tilespmem:s0+$0xE480]  }
0x469: {  	s15 =	sor.u32 $0xE, s31;
	v14 =	vld [tilespmem:s6+$0xE4A0];
	v15 =	vshll.u32 v15, v1  }
0x46a: {  	s1 =	sshll.u32 s15, $0x6;
	v12 =	vld [tilespmem:s6+$0x104A0];
	v16 =	vadd.f32 v17, v9;
	v9 =	vbroadcast v15, $0x0  }
0x46b: {  	v26 =	vld [tilespmem:s1+$0xC480]  }
0x46c: {  	v28 =	vld [tilespmem:s1+$0xE480];
	[tilespmem:v18+s26+$0x0] =	vst.idx.msk $0xffff, v16;
	v18 =	vadd.s32 v25, v9  }
0x46d: {  	v30 =	vld [tilespmem:s1+$0x10480];
	v13 =	vadd.f32 v13, v19  }
0x46e: {  	v20 =	vadd.s32 v24, v4;
	v10 =	vld [tilespmem:s3+$0xC4B0]  }
0x46f: {  	v15 =	vld [tilespmem:s3+$0xE4B0];
	v14 =	vadd.f32 v14, v11;
	v19 =	vadd.f32 v21, v13  }
0x470: {  	v11 =	vld [tilespmem:s3+$0x104B0]  }
0x471: {  	v12 =	vadd.f32 v12, v14;
	v16 =	vld [tilespmem:s5+$0xC4B0];
	[tilespmem:v18+s26+$0x0] =	vst.idx.msk $0xffff, v19  }
0x472: {  	v19 =	vld [tilespmem:s0+$0xC490]  }
0x473: {  	[tilespmem:v20+s26+$0x0] =	vst.idx.msk $0xffff, v12;
	v20 =	vld [tilespmem:s0+$0xE490]  }
0x474: {  	s3 =	sor.u32 $0xD, s31;
	v17 =	vld [tilespmem:s5+$0xE4B0]  }
0x475: {  	v14 =	vld [tilespmem:s5+$0x104B0];
	s5 =	sshll.u32 s3, $0x6  }
0x476: {  	v22 =	vld [tilespmem:s5+$0xC480]  }
0x477: {  	v23 =	vld [tilespmem:s5+$0xE480]  }
0x478: {  	v18 =	vmov s3;
	v20 =	vadd.f32 v20, v19;
	v19 =	vld [tilespmem:$0x1FF40]  }
0x479: {  	v21 =	vld [tilespmem:s0+$0x10490];
	v18 =	vshrl.u32 v18, $0x3  }
0x47a: {  	v24 =	vld [tilespmem:s5+$0x10480];
	v18 =	vshll.u32 v18, v1  }
0x47b: {  	v27 =	vadd.s32 v27, v9;
	v12 =	vld [tilespmem:s6+$0xC4B0];
	v18 =	vbroadcast v18, $0x0  }
0x47c: {  	v25 =	vmov s15;
	s15 =	sor.u32 $0xF, s31;
	v13 =	vld [tilespmem:s6+$0xE4B0]  }
0x47d: {  	v31 =	vld [tilespmem:s6+$0x104B0];
	s3 =	sshll.u32 s15, $0x6;
	v29 =	vadd.s32 v19, v18  }
0x47e: {  	v25 =	vshrl.u32 v25, $0x3;
	v22 =	vadd.f32 v23, v22;
	v23 =	vld [tilespmem:s3+$0xC480];
	v20 =	vadd.f32 v21, v20  }
0x47f: {  	v21 =	vld [tilespmem:s3+$0xE480];
	v19 =	vshll.u32 v25, v1  }
0x480: {  	v22 =	vadd.f32 v24, v22;
	[tilespmem:v27+s26+$0x0] =	vst.idx.msk $0xffff, v20;
	v20 =	vadd.f32 v28, v26;
	v26 =	vld [tilespmem:s3+$0x10480];
	v19 =	vbroadcast v19, $0x0  }
0x481: {  	v28 =	vld [tilespmem:$0x1FFC0]  }
0x482: {  	v25 =	vmov s15;
	v24 =	vadd.s32 v32, v19;
	[tilespmem:v29+s26+$0x0] =	vst.idx.msk $0xffff, v22;
	v22 =	vld [tilespmem:s0+$0xC4A0]  }
0x483: {  	v25 =	vshrl.u32 v25, $0x3;
	v29 =	vadd.f32 v40, v39;
	v40 =	vld [tilespmem:$0x1FEB0]  }
0x484: {  	v25 =	vshll.u32 v25, v1;
	v39 =	vld [tilespmem:$0x1FE70]  }
0x485: {  	v20 =	vadd.f32 v30, v20;
	v25 =	vbroadcast v25, $0x0;
	v27 =	vld [tilespmem:s5+$0xC490]  }
0x486: {  	v21 =	vadd.f32 v21, v23;
	v23 =	vld [tilespmem:s5+$0xE490]  }
0x487: {  	v28 =	vadd.s32 v28, v25;
	[tilespmem:v24+s26+$0x0] =	vst.idx.msk $0xffff, v20;
	v20 =	vld [tilespmem:s5+$0x10490]  }
0x488: {  	v24 =	vld [tilespmem:$0x1FF80]  }
0x489: {  	v21 =	vadd.f32 v26, v21;
	v26 =	vld [tilespmem:s1+$0xC490]  }
0x48a: {  	v30 =	vadd.s32 v39, v34;
	v34 =	vadd.f32 v42, v41;
	v42 =	vld [tilespmem:$0x1FF70]  }
0x48b: {  	v41 =	vld [tilespmem:$0x1FEF0]  }
0x48c: {  	[tilespmem:v28+s26+$0x0] =	vst.idx.msk $0xffff, v21;
	v21 =	vld [tilespmem:$0x1FF50]  }
0x48d: {  	v28 =	vld [tilespmem:s1+$0x10490]  }
0x48e: {  	v34 =	vadd.f32 v43, v34;
	v43 =	vld [tilespmem:$0x1FF90]  }
0x48f: {  	v23 =	vadd.f32 v23, v27;
	v27 =	vld [tilespmem:s3+$0xC490]  }
0x490: {  	v24 =	vadd.s32 v24, v33;
	v33 =	vld [tilespmem:s1+$0xE490]  }
0x491: {  	v29 =	vadd.f32 v38, v29;
	v38 =	vld [tilespmem:s3+$0xE490];
	v21 =	vadd.s32 v21, v18  }
0x492: {  	v20 =	vadd.f32 v20, v23;
	[tilespmem:v30+s26+$0x0] =	vst.idx.msk $0xffff, v34;
	v30 =	vld [tilespmem:s3+$0x10490]  }
0x493: {  	v23 =	vadd.s32 v43, v19;
	v43 =	vadd.f32 v51, v50;
	v51 =	vadd.f32 v17, v16;
	v17 =	vld [tilespmem:$0x1FE50]  }
0x494: {  	v16 =	vld [tilespmem:$0x1FE40]  }
0x495: {  	[tilespmem:v24+s26+$0x0] =	vst.idx.msk $0xffff, v29;
	v24 =	vld [tilespmem:s0+$0xE4A0];
	v29 =	vadd.s32 v40, v35;
	v26 =	vadd.f32 v33, v26  }
0x496: {  	v33 =	vld [tilespmem:s0+$0x104A0];
	[tilespmem:v21+s26+$0x0] =	vst.idx.msk $0xffff, v20;
	v20 =	vadd.f32 v49, v45;
	v21 =	vadd.s32 v41, v36  }
0x497: {  	v49 =	vld [tilespmem:$0x1FFD0];
	v26 =	vadd.f32 v28, v26  }
0x498: {  	v35 =	vld [tilespmem:s5+$0xC4A0];
	v20 =	vadd.f32 v47, v20  }
0x499: {  	v50 =	vld [tilespmem:s5+$0xE4A0];
	[tilespmem:v23+s26+$0x0] =	vst.idx.msk $0xffff, v26;
	v23 =	vadd.f32 v56, v43  }
0x49a: {  	v27 =	vadd.f32 v38, v27;
	v22 =	vadd.f32 v24, v22;
	v24 =	vld [tilespmem:s5+$0x104A0];
	[tilespmem:v29+s26+$0x0] =	vst.idx.msk $0xffff, v20  }
0x49b: {  	[tilespmem:v21+s26+$0x0] =	vst.idx.msk $0xffff, v23;
	v21 =	vld [tilespmem:$0x1FF30]  }
0x49c: {  	v20 =	vadd.f32 v30, v27;
	v27 =	vadd.s32 v42, v44;
	v44 =	vld [tilespmem:$0x1FFB0];
	v28 =	vadd.s32 v49, v25  }
0x49d: {  	v49 =	vld [tilespmem:$0x1FF20]  }
0x49e: {  	v26 =	vld [tilespmem:s1+$0xC4A0]  }
0x49f: {  	v23 =	vld [tilespmem:s1+$0xE4A0]  }
0x4a0: {  	v21 =	vadd.s32 v21, v37;
	v37 =	vld [tilespmem:$0x1FF30]  }
0x4a1: {  	[tilespmem:v28+s26+$0x0] =	vst.idx.msk $0xffff, v20;
	v28 =	vld [tilespmem:s1+$0x104A0]  }
0x4a2: {  	v30 =	vadd.s32 v44, v48;
	v36 =	vadd.s32 v49, v9;
	v49 =	vld [tilespmem:$0x1FFF0]  }
0x4a3: {  	v20 =	vadd.f32 v55, v53;
	v55 =	vadd.f32 v14, v51;
	v14 =	vld [tilespmem:$0x1FE20]  }
0x4a4: {  	[tilespmem:v27+s26+$0x0] =	vst.idx.msk $0xffff, v2;
	v27 =	vadd.f32 v58, v57;
	v29 =	vld [tilespmem:s3+$0xC4A0]  }
0x4a5: {  	v3 =	vadd.s32 v40, v3;
	v45 =	vld [tilespmem:s3+$0xE4A0]  }
0x4a6: {  	v22 =	vadd.f32 v33, v22;
	v5 =	vadd.f32 v5, v27;
	v27 =	vld [tilespmem:$0x1FF10]  }
0x4a7: {  	v20 =	vadd.f32 v52, v20;
	v52 =	vld [tilespmem:$0x1FFC0];
	[tilespmem:v30+s26+$0x0] =	vst.idx.msk $0xffff, v0  }
0x4a8: {  	v30 =	vld [tilespmem:$0x1FF80];
	[tilespmem:v36+s26+$0x0] =	vst.idx.msk $0xffff, v22;
	v22 =	vadd.s32 v62, v18  }
0x4a9: {  	v43 =	vadd.f32 v50, v35;
	[tilespmem:v21+s26+$0x0] =	vst.idx.msk $0xffff, v20;
	v21 =	vadd.f32 v23, v26;
	v23 =	vld [tilespmem:s3+$0x104A0]  }
0x4aa: {  	[tilespmem:v3+s26+$0x0] =	vst.idx.msk $0xffff, v55;
	v3 =	vadd.s32 v42, v18;
	v18 =	vld [tilespmem:$0x1FE60]  }
0x4ab: {  	v48 =	vadd.s32 v60, v19;
	v20 =	vadd.f32 v24, v43;
	v47 =	vld [tilespmem:s0+$0xC4B0]  }
0x4ac: {  	v2 =	vld [tilespmem:s0+$0xE4B0]  }
0x4ad: {  	v24 =	vld [tilespmem:s0+$0x104B0];
	[tilespmem:v22+s26+$0x0] =	vst.idx.msk $0xffff, v20  }
0x4ae: {  	v20 =	vadd.f32 v28, v21;
	v26 =	vld [tilespmem:s5+$0xC4B0]  }
0x4af: {  	v22 =	vadd.f32 v45, v29;
	v29 =	vld [tilespmem:s5+$0x104B0]  }
0x4b0: {  	[tilespmem:v48+s26+$0x0] =	vst.idx.msk $0xffff, v20;
	v20 =	vld [tilespmem:s5+$0xE4B0]  }
0x4b1: {  	v21 =	vadd.s32 v59, v25;
	v50 =	vadd.f32 v23, v22;
	v23 =	vld [tilespmem:$0x1FED0]  }
0x4b2: {  	v10 =	vadd.f32 v15, v10;
	v28 =	vadd.s32 v30, v54;
	v15 =	vld [tilespmem:s1+$0xC4B0]  }
0x4b3: {  	v6 =	vadd.f32 v8, v6;
	v0 =	vadd.s32 v49, v46;
	v2 =	vadd.f32 v2, v47;
	v53 =	vld [tilespmem:s1+$0xE4B0]  }
0x4b4: {  	v57 =	vld [tilespmem:s1+$0x104B0]  }
0x4b5: {  	v6 =	vadd.f32 v7, v6;
	v22 =	vadd.s32 v39, v61;
	v2 =	vadd.f32 v24, v2;
	v24 =	vld [tilespmem:$0x1FEE0]  }
0x4b6: {  	[tilespmem:v21+s26+$0x0] =	vst.idx.msk $0xffff, v50;
	v21 =	vld [tilespmem:$0x1FEA0]  }
0x4b7: {  	[tilespmem:v28+s26+$0x0] =	vst.idx.msk $0xffff, v6;
	v28 =	vld [tilespmem:$0x1FF40]  }
0x4b8: {  	[tilespmem:v0+s26+$0x0] =	vst.idx.msk $0xffff, v5;
	v0 =	vadd.f32 v11, v10;
	v54 =	vld [tilespmem:s3+$0xC4B0]  }
0x4b9: {  	v4 =	vadd.s32 v41, v4;
	v56 =	vld [tilespmem:s3+$0xE4B0]  }
0x4ba: {  	v9 =	vadd.s32 v37, v9;
	v58 =	vld [tilespmem:s3+$0x104B0];
	[tilespmem:v22+s26+$0x0] =	vst.idx.msk $0xffff, v0;
	v0 =	vadd.f32 v13, v12  }
0x4bb: {  	v22 =	vld [tilespmem:$0x1FEC0]  }
0x4bc: {  	v61 =	vadd.f32 v20, v26;
	v26 =	vld [tilespmem:$0x1FF20];
	v12 =	vadd.s32 v44, v19;
	v0 =	vadd.f32 v31, v0  }
0x4bd: {  	p0 =	slt.u32 s31, $0x70;
	v20 =	vld [tilespmem:$0x1FE90];
	v13 =	vadd.s32 v49, v25;
	v8 =	vadd.f32 v53, v15  }
.Ltmp2:
0x4be: {  	v19 =	vld [tilespmem:$0x1FE80];
	[tilespmem:v4+s26+$0x0] =	vst.idx.msk $0xffff, v0;
	v0 =	vadd.f32 v29, v61;
	v63 =	vadd.f32 v56, v54;
	(pc) =	sbr.rel @p0 .LBB2_7-.Ltmp2, $4  }
0x4bf: {  	[tilespmem:v9+s26+$0x0] =	vst.idx.msk $0xffff, v2;
	v25 =	vld [tilespmem:$0x1FF00];
	v2 =	vadd.f32 v57, v8  }
0x4c0: {  	v15 =	vld [tilespmem:$0x1FE30];
	[tilespmem:v3+s26+$0x0] =	vst.idx.msk $0xffff, v0;
	v0 =	vadd.f32 v58, v63  }
0x4c1: {  	s15 =	sadd.s32 $0x10, s31;
	v29 =	vld [tilespmem:$0x1FF50];
	[tilespmem:v12+s26+$0x0] =	vst.idx.msk $0xffff, v2  }
0x4c2: {  	s31 =	smov.u32 s15;
	v31 =	vmov v32;
	[tilespmem:v13+s26+$0x0] =	vst.idx.msk $0xffff, v0;
	v13 =	vld [tilespmem:$0x1FE10]  }
0x4c3: {  	s0 =	sshll.u32 s30, $0x12;
	s1 =	rddreg [dreg:$0xa]  }
0x4c4: {  	s0 =	sor.u32 s1, s0  }
0x4c5: {  	s15 =	rddreg [dreg:$0x1];
	s0 =	sshrl.u32 s0, $0x3  }
0x4c6: {  	s1 =	sadd.s32 s15, s0  }
0x4c7: {  	[hbm4b:s1+s2] =	stream.linear.scatter [tilespmem:s26], [sflag:$0x6], $0x80, $0x38;
	[tilespmem:$0x19080] =	vst v63  }
0x4c8: {  	s5 =	simm.s32 $0x16D10;
	s3 =	sadd.s32 $0x10, s1  }
0x4c9: {  	[hbm4b:s3+s2] =	stream.linear.scatter [tilespmem:s5], [sflag:$0x6], $0x80, $0x38;
	[tilespmem:$0x19080] =	vst v63  }
0x4ca: {  	s31 =	simm.s32 $0x16DA0;
	s30 =	sadd.s32 $0x20, s1  }
0x4cb: {  	[hbm4b:s30+s2] =	stream.linear.scatter [tilespmem:s31], [sflag:$0x6], $0x80, $0x38;
	[tilespmem:$0x19080] =	vst v63  }
0x4cc: {  	s15 =	simm.s32 $0x16E30;
	s6 =	sadd.s32 $0x30, s1  }
0x4cd: {  	[hbm4b:s6+s2] =	stream.linear.scatter [tilespmem:s15], [sflag:$0x6], $0x80, $0x38;
	[tilespmem:$0x19080] =	vst v63  }
0x4ce: {  	s30 =	sadd.s32 $0x40, s1;
	s31 =	simm.s32 $0x16EC0  }
0x4cf: {  	[hbm4b:s30+s2] =	stream.linear.scatter [tilespmem:s31], [sflag:$0x6], $0x80, $0x38;
	[tilespmem:$0x19080] =	vst v63  }
0x4d0: {  	s5 =	sadd.s32 $0x50, s1;
	s6 =	simm.s32 $0x16F50  }
0x4d1: {  	[hbm4b:s5+s2] =	stream.linear.scatter [tilespmem:s6], [sflag:$0x6], $0x80, $0x38;
	[tilespmem:$0x19080] =	vst v63  }
0x4d2: {  	s15 =	sadd.s32 $0x60, s1;
	s30 =	simm.s32 $0x16FE0  }
0x4d3: {  	[hbm4b:s15+s2] =	stream.linear.scatter [tilespmem:s30], [sflag:$0x6], $0x80, $0x38;
	[tilespmem:$0x19080] =	vst v63  }
0x4d4: {  	s3 =	rddreg [dreg:$0x1e];
	s1 =	sadd.s32 $0x70, s1;
	s31 =	simm.s32 $0x17070  }
0x4d5: {  	[hbm4b:s1+s2] =	stream.linear.scatter [tilespmem:s31], [sflag:$0x6], $0x80, $0x38;
	[tilespmem:$0x19080] =	vst v63  }
0x4d6: {  	s5 =	simm.s32 $0x17100;
	s1 =	sadd.s32 s0, s3  }
0x4d7: {  	[hbm4b:s1+s2] =	stream.linear.scatter [tilespmem:s5], [sflag:$0x6], $0x80, $0x38;
	[tilespmem:$0x19080] =	vst v63  }
0x4d8: {  	s15 =	simm.s32 $0x17190;
	s6 =	sadd.s32 $0x10, s1  }
0x4d9: {  	[hbm4b:s6+s2] =	stream.linear.scatter [tilespmem:s15], [sflag:$0x6], $0x80, $0x38;
	[tilespmem:$0x19080] =	vst v63  }
0x4da: {  	s31 =	simm.s32 $0x17220;
	s30 =	sadd.s32 $0x20, s1  }
0x4db: {  	[hbm4b:s30+s2] =	stream.linear.scatter [tilespmem:s31], [sflag:$0x6], $0x80, $0x38;
	[tilespmem:$0x19080] =	vst v63  }
0x4dc: {  	s6 =	sadd.s32 $0x30, s1;
	s15 =	simm.s32 $0x172B0  }
0x4dd: {  	[hbm4b:s6+s2] =	stream.linear.scatter [tilespmem:s15], [sflag:$0x6], $0x80, $0x38;
	[tilespmem:$0x19080] =	vst v63  }
0x4de: {  	s30 =	sadd.s32 $0x40, s1;
	s31 =	simm.s32 $0x17340  }
0x4df: {  	[hbm4b:s30+s2] =	stream.linear.scatter [tilespmem:s31], [sflag:$0x6], $0x80, $0x38;
	[tilespmem:$0x19080] =	vst v63  }
0x4e0: {  	s5 =	sadd.s32 $0x50, s1;
	s6 =	simm.s32 $0x173D0  }
0x4e1: {  	[hbm4b:s5+s2] =	stream.linear.scatter [tilespmem:s6], [sflag:$0x6], $0x80, $0x38;
	[tilespmem:$0x19080] =	vst v63  }
0x4e2: {  	s15 =	sadd.s32 $0x60, s1;
	s30 =	simm.s32 $0x17460  }
0x4e3: {  	[hbm4b:s15+s2] =	stream.linear.scatter [tilespmem:s30], [sflag:$0x6], $0x80, $0x38;
	[tilespmem:$0x19080] =	vst v63  }
0x4e4: {  	s3 =	rddreg [dreg:$0x1f];
	s1 =	sadd.s32 $0x70, s1;
	s31 =	simm.s32 $0x174F0  }
0x4e5: {  	[hbm4b:s1+s2] =	stream.linear.scatter [tilespmem:s31], [sflag:$0x6], $0x80, $0x38;
	[tilespmem:$0x19080] =	vst v63  }
0x4e6: {  	s5 =	simm.s32 $0x17580;
	s1 =	sadd.s32 s0, s3  }
0x4e7: {  	[hbm4b:s1+s2] =	stream.linear.scatter [tilespmem:s5], [sflag:$0x6], $0x80, $0x38;
	[tilespmem:$0x19080] =	vst v63  }
0x4e8: {  	s15 =	simm.s32 $0x17610;
	s6 =	sadd.s32 $0x10, s1  }
0x4e9: {  	[hbm4b:s6+s2] =	stream.linear.scatter [tilespmem:s15], [sflag:$0x6], $0x80, $0x38;
	[tilespmem:$0x19080] =	vst v63  }
0x4ea: {  	s31 =	simm.s32 $0x176A0;
	s30 =	sadd.s32 $0x20, s1  }
0x4eb: {  	[hbm4b:s30+s2] =	stream.linear.scatter [tilespmem:s31], [sflag:$0x6], $0x80, $0x38;
	[tilespmem:$0x19080] =	vst v63  }
0x4ec: {  	s6 =	sadd.s32 $0x30, s1;
	s15 =	simm.s32 $0x17730  }
0x4ed: {  	[hbm4b:s6+s2] =	stream.linear.scatter [tilespmem:s15], [sflag:$0x6], $0x80, $0x38;
	[tilespmem:$0x19080] =	vst v63  }
0x4ee: {  	s30 =	sadd.s32 $0x40, s1;
	s31 =	simm.s32 $0x177C0  }
0x4ef: {  	[hbm4b:s30+s2] =	stream.linear.scatter [tilespmem:s31], [sflag:$0x6], $0x80, $0x38;
	[tilespmem:$0x19080] =	vst v63  }
0x4f0: {  	s5 =	sadd.s32 $0x50, s1;
	s6 =	simm.s32 $0x17850  }
0x4f1: {  	[hbm4b:s5+s2] =	stream.linear.scatter [tilespmem:s6], [sflag:$0x6], $0x80, $0x38;
	[tilespmem:$0x19080] =	vst v63  }
0x4f2: {  	s3 =	sld [smem:$0x7FA];
	s15 =	sadd.s32 $0x60, s1;
	s30 =	simm.s32 $0x178E0  }
0x4f3: {  	[hbm4b:s15+s2] =	stream.linear.scatter [tilespmem:s30], [sflag:$0x6], $0x80, $0x38;
	[tilespmem:$0x19080] =	vst v63  }
0x4f4: {  	s1 =	sadd.s32 $0x70, s1;
	s31 =	simm.s32 $0x17970  }
0x4f5: {  	[hbm4b:s1+s2] =	stream.linear.scatter [tilespmem:s31], [sflag:$0x6], $0x80, $0x38;
	[tilespmem:$0x19080] =	vst v63  }
0x4f6: {  	s5 =	simm.s32 $0x17A00;
	s1 =	sadd.s32 s0, s3  }
0x4f7: {  	[hbm4b:s1+s2] =	stream.linear.scatter [tilespmem:s5], [sflag:$0x6], $0x80, $0x38;
	[tilespmem:$0x19080] =	vst v63  }
0x4f8: {  	s15 =	simm.s32 $0x17A90;
	s6 =	sadd.s32 $0x10, s1  }
0x4f9: {  	[hbm4b:s6+s2] =	stream.linear.scatter [tilespmem:s15], [sflag:$0x6], $0x80, $0x38;
	[tilespmem:$0x19080] =	vst v63  }
0x4fa: {  	s31 =	simm.s32 $0x17B20;
	s30 =	sadd.s32 $0x20, s1  }
0x4fb: {  	[hbm4b:s30+s2] =	stream.linear.scatter [tilespmem:s31], [sflag:$0x6], $0x80, $0x38;
	[tilespmem:$0x19080] =	vst v63  }
0x4fc: {  	s6 =	sadd.s32 $0x30, s1;
	s15 =	simm.s32 $0x17BB0  }
0x4fd: {  	[hbm4b:s6+s2] =	stream.linear.scatter [tilespmem:s15], [sflag:$0x6], $0x80, $0x38;
	[tilespmem:$0x19080] =	vst v63  }
0x4fe: {  	s30 =	sadd.s32 $0x40, s1;
	s31 =	simm.s32 $0x17C40  }
0x4ff: {  	[hbm4b:s30+s2] =	stream.linear.scatter [tilespmem:s31], [sflag:$0x6], $0x80, $0x38;
	[tilespmem:$0x19080] =	vst v63  }
0x500: {  	s5 =	sadd.s32 $0x50, s1;
	s6 =	simm.s32 $0x17CD0  }
0x501: {  	[hbm4b:s5+s2] =	stream.linear.scatter [tilespmem:s6], [sflag:$0x6], $0x80, $0x38;
	[tilespmem:$0x19080] =	vst v63  }
0x502: {  	s3 =	sld [smem:$0x7FB];
	s15 =	sadd.s32 $0x60, s1;
	s30 =	simm.s32 $0x17D60  }
0x503: {  	[hbm4b:s15+s2] =	stream.linear.scatter [tilespmem:s30], [sflag:$0x6], $0x80, $0x38;
	[tilespmem:$0x19080] =	vst v63  }
0x504: {  	s1 =	sadd.s32 $0x70, s1;
	s31 =	simm.s32 $0x17DF0  }
0x505: {  	[hbm4b:s1+s2] =	stream.linear.scatter [tilespmem:s31], [sflag:$0x6], $0x80, $0x38;
	[tilespmem:$0x19080] =	vst v63  }
0x506: {  	s5 =	simm.s32 $0x17E80;
	s1 =	sadd.s32 s0, s3  }
0x507: {  	[hbm4b:s1+s2] =	stream.linear.scatter [tilespmem:s5], [sflag:$0x6], $0x80, $0x38;
	[tilespmem:$0x19080] =	vst v63  }
0x508: {  	s15 =	simm.s32 $0x17F10;
	s6 =	sadd.s32 $0x10, s1  }
0x509: {  	[hbm4b:s6+s2] =	stream.linear.scatter [tilespmem:s15], [sflag:$0x6], $0x80, $0x38;
	[tilespmem:$0x19080] =	vst v63  }
0x50a: {  	s31 =	simm.s32 $0x17FA0;
	s30 =	sadd.s32 $0x20, s1  }
0x50b: {  	[hbm4b:s30+s2] =	stream.linear.scatter [tilespmem:s31], [sflag:$0x6], $0x80, $0x38;
	[tilespmem:$0x19080] =	vst v63  }
0x50c: {  	s6 =	sadd.s32 $0x30, s1;
	s15 =	simm.s32 $0x18030  }
0x50d: {  	[hbm4b:s6+s2] =	stream.linear.scatter [tilespmem:s15], [sflag:$0x6], $0x80, $0x38;
	[tilespmem:$0x19080] =	vst v63  }
0x50e: {  	s30 =	sadd.s32 $0x40, s1;
	s31 =	simm.s32 $0x180C0  }
0x50f: {  	[hbm4b:s30+s2] =	stream.linear.scatter [tilespmem:s31], [sflag:$0x6], $0x80, $0x38;
	[tilespmem:$0x19080] =	vst v63  }
0x510: {  	s5 =	sadd.s32 $0x50, s1;
	s6 =	simm.s32 $0x18150  }
0x511: {  	[hbm4b:s5+s2] =	stream.linear.scatter [tilespmem:s6], [sflag:$0x6], $0x80, $0x38;
	[tilespmem:$0x19080] =	vst v63  }
0x512: {  	s3 =	sld [smem:$0x7FC];
	s15 =	sadd.s32 $0x60, s1;
	s30 =	simm.s32 $0x181E0  }
0x513: {  	[hbm4b:s15+s2] =	stream.linear.scatter [tilespmem:s30], [sflag:$0x6], $0x80, $0x38;
	[tilespmem:$0x19080] =	vst v63  }
0x514: {  	s1 =	sadd.s32 $0x70, s1;
	s31 =	simm.s32 $0x18270  }
0x515: {  	[hbm4b:s1+s2] =	stream.linear.scatter [tilespmem:s31], [sflag:$0x6], $0x80, $0x38;
	[tilespmem:$0x19080] =	vst v63  }
0x516: {  	s5 =	simm.s32 $0x18300;
	s1 =	sadd.s32 s0, s3  }
0x517: {  	[hbm4b:s1+s2] =	stream.linear.scatter [tilespmem:s5], [sflag:$0x6], $0x80, $0x38;
	[tilespmem:$0x19080] =	vst v63  }
0x518: {  	s15 =	simm.s32 $0x18390;
	s6 =	sadd.s32 $0x10, s1  }
0x519: {  	[hbm4b:s6+s2] =	stream.linear.scatter [tilespmem:s15], [sflag:$0x6], $0x80, $0x38;
	[tilespmem:$0x19080] =	vst v63  }
0x51a: {  	s31 =	simm.s32 $0x18420;
	s30 =	sadd.s32 $0x20, s1  }
0x51b: {  	[hbm4b:s30+s2] =	stream.linear.scatter [tilespmem:s31], [sflag:$0x6], $0x80, $0x38;
	[tilespmem:$0x19080] =	vst v63  }
0x51c: {  	s6 =	sadd.s32 $0x30, s1;
	s15 =	simm.s32 $0x184B0  }
0x51d: {  	[hbm4b:s6+s2] =	stream.linear.scatter [tilespmem:s15], [sflag:$0x6], $0x80, $0x38;
	[tilespmem:$0x19080] =	vst v63  }
0x51e: {  	s30 =	sadd.s32 $0x40, s1;
	s31 =	simm.s32 $0x18540  }
0x51f: {  	[hbm4b:s30+s2] =	stream.linear.scatter [tilespmem:s31], [sflag:$0x6], $0x80, $0x38;
	[tilespmem:$0x19080] =	vst v63  }
0x520: {  	s5 =	sadd.s32 $0x50, s1;
	s6 =	simm.s32 $0x185D0  }
0x521: {  	[hbm4b:s5+s2] =	stream.linear.scatter [tilespmem:s6], [sflag:$0x6], $0x80, $0x38;
	[tilespmem:$0x19080] =	vst v63  }
0x522: {  	s15 =	sadd.s32 $0x60, s1;
	s30 =	simm.s32 $0x18660  }
0x523: {  	[hbm4b:s15+s2] =	stream.linear.scatter [tilespmem:s30], [sflag:$0x6], $0x80, $0x38;
	[tilespmem:$0x19080] =	vst v63  }
0x524: {  	s1 =	sadd.s32 $0x70, s1;
	s31 =	simm.s32 $0x186F0  }
0x525: {  	[hbm4b:s1+s2] =	stream.linear.scatter [tilespmem:s31], [sflag:$0x6], $0x80, $0x38;
	[tilespmem:$0x19080] =	vst v63  }
0x526: {  	s5 =	simm.s32 $0x18780;
	s1 =	sadd.s32 s0, s20  }
0x527: {  	[hbm4b:s1+s2] =	stream.linear.scatter [tilespmem:s5], [sflag:$0x6], $0x80, $0x38;
	[tilespmem:$0x19080] =	vst v63  }
0x528: {  	s15 =	simm.s32 $0x18810;
	s6 =	sadd.s32 $0x10, s1  }
0x529: {  	[hbm4b:s6+s2] =	stream.linear.scatter [tilespmem:s15], [sflag:$0x6], $0x80, $0x38;
	[tilespmem:$0x19080] =	vst v63  }
0x52a: {  	s31 =	simm.s32 $0x188A0;
	s30 =	sadd.s32 $0x20, s1  }
0x52b: {  	[hbm4b:s30+s2] =	stream.linear.scatter [tilespmem:s31], [sflag:$0x6], $0x80, $0x38;
	[tilespmem:$0x19080] =	vst v63  }
0x52c: {  	s6 =	sadd.s32 $0x30, s1;
	s15 =	simm.s32 $0x18930  }
0x52d: {  	[hbm4b:s6+s2] =	stream.linear.scatter [tilespmem:s15], [sflag:$0x6], $0x80, $0x38;
	[tilespmem:$0x19080] =	vst v63  }
0x52e: {  	s30 =	sadd.s32 $0x40, s1;
	s31 =	simm.s32 $0x189C0  }
0x52f: {  	[hbm4b:s30+s2] =	stream.linear.scatter [tilespmem:s31], [sflag:$0x6], $0x80, $0x38;
	[tilespmem:$0x19080] =	vst v63  }
0x530: {  	s6 =	sadd.s32 $0x50, s1;
	s15 =	simm.s32 $0x18A50  }
0x531: {  	[hbm4b:s6+s2] =	stream.linear.scatter [tilespmem:s15], [sflag:$0x6], $0x80, $0x38;
	[tilespmem:$0x19080] =	vst v63  }
0x532: {  	s30 =	sadd.s32 $0x60, s1;
	s31 =	simm.s32 $0x18AE0  }
0x533: {  	[hbm4b:s30+s2] =	stream.linear.scatter [tilespmem:s31], [sflag:$0x6], $0x80, $0x38;
	[tilespmem:$0x19080] =	vst v63  }
0x534: {  	s1 =	sadd.s32 $0x70, s1;
	s6 =	simm.s32 $0x18B70  }
0x535: {  	[hbm4b:s1+s2] =	stream.linear.scatter [tilespmem:s6], [sflag:$0x6], $0x80, $0x38;
	[tilespmem:$0x19080] =	vst v63  }
0x536: {  	s0 =	sadd.s32 s0, s21;
	s15 =	simm.s32 $0x18C00  }
0x537: {  	[hbm4b:s0+s2] =	stream.linear.scatter [tilespmem:s15], [sflag:$0x6], $0x80, $0x38;
	[tilespmem:$0x19080] =	vst v63  }
0x538: {  	s30 =	sadd.s32 $0x10, s0;
	s31 =	simm.s32 $0x18C90  }
0x539: {  	[hbm4b:s30+s2] =	stream.linear.scatter [tilespmem:s31], [sflag:$0x6], $0x80, $0x38;
	[tilespmem:$0x19080] =	vst v63  }
0x53a: {  	s3 =	sadd.s32 $0x20, s0;
	s5 =	simm.s32 $0x18D20  }
0x53b: {  	[hbm4b:s3+s2] =	stream.linear.scatter [tilespmem:s5], [sflag:$0x6], $0x80, $0x38;
	[tilespmem:$0x19080] =	vst v63  }
0x53c: {  	s6 =	sadd.s32 $0x30, s0;
	s15 =	simm.s32 $0x18DB0  }
0x53d: {  	[hbm4b:s6+s2] =	stream.linear.scatter [tilespmem:s15], [sflag:$0x6], $0x80, $0x38;
	[tilespmem:$0x19080] =	vst v63  }
0x53e: {  	s24 =	sadd.s32 $0x1, s24;
	s30 =	sadd.s32 $0x40, s0;
	s31 =	simm.s32 $0x18E40  }
0x53f: {  	[hbm4b:s30+s2] =	stream.linear.scatter [tilespmem:s31], [sflag:$0x6], $0x80, $0x38;
	[tilespmem:$0x19080] =	vst v63  }
0x540: {  	p0 =	sne.s32 s24, $0x42;
	s5 =	sadd.s32 $0x50, s0;
	s6 =	simm.s32 $0x18ED0  }
0x541: {  	[hbm4b:s5+s2] =	stream.linear.scatter [tilespmem:s6], [sflag:$0x6], $0x80, $0x38;
	[tilespmem:$0x19080] =	vst v63  }
.Ltmp3:
0x542: {  	_ = 	snop;
	(pc) =	sbr.rel @p0 .LBB2_2-.Ltmp3, $4  }
0x543: {  	s15 =	sadd.s32 $0x60, s0;
	s30 =	simm.s32 $0x18F60  }
0x544: {  	[hbm4b:s15+s2] =	stream.linear.scatter [tilespmem:s30], [sflag:$0x6], $0x80, $0x38;
	[tilespmem:$0x19080] =	vst v63  }
0x545: {  	s0 =	sadd.s32 $0x70, s0;
	s31 =	simm.s32 $0x18FF0  }
0x546: {  	[hbm4b:s0+s2] =	stream.linear.scatter [tilespmem:s31], [sflag:$0x6], $0x80, $0x38;
	[tilespmem:$0x19080] =	vst v63  }
0x547: {  	s24 =	simm.s32 $0x5  }
0x548: {  	_ =	swait.ge [sflag:s24], $0x400  }
0x549: {  	[sflag:s24] =	ssyncset.done $0x0  }
0x54a: {  	[sflag:s24] =	ssyncadd.s32 $0xFFFFFC00  }
0x54b: {  	_ =	swait.ge [sflag:s24], $0x400  }
0x54c: {  	[sflag:s24] =	ssyncset.done $0x0  }
0x54d: {  	[sflag:s24] =	ssyncadd.s32 $0xFFFFFC00  }
0x54e: {  	_ =	swait.ge [sflag:s24], $0x400  }
0x54f: {  	[sflag:s24] =	ssyncset.done $0x0  }
0x550: {  	[sflag:s24] =	ssyncadd.s32 $0xFFFFFC00  }
0x551: {  	_ =	swait.ge [sflag:s24], $0x400  }
0x552: {  	[sflag:s24] =	ssyncset.done $0x0  }
0x553: {  	[sflag:s24] =	ssyncadd.s32 $0xFFFFFC00  }
0x554: {  	_ =	swait.ge [sflag:s24], $0x400  }
0x555: {  	[sflag:s24] =	ssyncset.done $0x0  }
0x556: {  	[sflag:s24] =	ssyncadd.s32 $0xFFFFFC00  }
0x557: {  	_ =	swait.ge [sflag:s24], $0x400  }
0x558: {  	[sflag:s24] =	ssyncset.done $0x0  }
0x559: {  	[sflag:s24] =	ssyncadd.s32 $0xFFFFFC00  }
0x55a: {  	_ =	swait.ge [sflag:s24], $0x400  }
0x55b: {  	[sflag:s24] =	ssyncset.done $0x0  }
0x55c: {  	[sflag:s24] =	ssyncadd.s32 $0xFFFFFC00  }
0x55d: {  	_ =	swait.ge [sflag:s24], $0x400  }
0x55e: {  	[sflag:s24] =	ssyncset.done $0x0  }
0x55f: {  	[sflag:s24] =	ssyncadd.s32 $0xFFFFFC00  }
0x560: {  	_ =	swait.ge [sflag:s4], $0x80  }
0x561: {  	[sflag:s4] =	ssyncset.done $0x0  }
0x562: {  	[sflag:s4] =	ssyncadd.s32 $0xFFFFFF80  }
0x563: {  	_ =	swait.ge [sflag:s4], $0x80  }
0x564: {  	[sflag:s4] =	ssyncset.done $0x0  }
0x565: {  	[sflag:s4] =	ssyncadd.s32 $0xFFFFFF80  }
0x566: {  	_ =	swait.ge [sflag:s4], $0x80  }
0x567: {  	[sflag:s4] =	ssyncset.done $0x0  }
0x568: {  	s0 =	simm.s32 $0x6480;
	[sflag:s4] =	ssyncadd.s32 $0xFFFFFF80  }
0x569: {  	[tilespmem:s0], [sflag:$0x2] =	stream.indirect.gather [hbm4b:s7+s23], $0x40, s17, s23, $0xb8;
	[tilespmem:$0x19080] =	vst v63  }
0x56a: {  	s30 =	simm.s32 $0x8480  }
0x56b: {  	[tilespmem:s30], [sflag:$0x2] =	stream.indirect.gather [hbm4b:s8+s23], $0x40, s16, s23, $0xb8;
	[tilespmem:$0x19080] =	vst v63  }
0x56c: {  	s31 =	simm.s32 $0x280;
	s1 =	simm.s32 $0xA480  }
0x56d: {  	[tilespmem:s1], [sflag:$0x2] =	stream.indirect.gather [hbm4b:s9+s23], $0x40, s31, s23, $0xb8;
	[tilespmem:$0x19080] =	vst v63  }
0x56e: {  	_ =	swait.ge [sflag:s28], $0x2000  }
0x56f: {  	[sflag:s28] =	ssyncset.done $0x0  }
0x570: {  	[sflag:s28] =	ssyncadd.s32 $0xFFFFE000  }
0x571: {  	_ =	swait.ge [sflag:s28], $0x2000  }
0x572: {  	[sflag:s28] =	ssyncset.done $0x0  }
0x573: {  	[sflag:s28] =	ssyncadd.s32 $0xFFFFE000  }
0x574: {  	_ =	swait.ge [sflag:s28], $0x2000  }
0x575: {  	[sflag:s28] =	ssyncset.done $0x0  }
0x576: {  	s0 =	simm.s32 $0x0;
	[sflag:s28] =	ssyncadd.s32 $0xFFFFE000  }
.LBB2_10:
0x577: {  	s5 =	sshll.u32 s0, $0x6  }
0x578: {  	v0 =	vmov s0;
	v2 =	vld [tilespmem:s5+$0x480]  }
0x579: {  	s3 =	sor.u32 $0x1, s0;
	v3 =	vld [tilespmem:s5+$0x2480];
	v0 =	vshrl.u32 v0, $0x3  }
0x57a: {  	v4 =	vld [tilespmem:s5+$0x4480];
	s1 =	sshll.u32 s3, $0x6;
	v0 =	vshll.u32 v0, v1  }
0x57b: {  	v5 =	vld [tilespmem:s1+$0x480];
	v33 =	vbroadcast v0, $0x0;
	v0 =	vmov s3  }
0x57c: {  	v6 =	vld [tilespmem:s1+$0x2480];
	v0 =	vshrl.u32 v0, $0x3  }
0x57d: {  	v7 =	vadd.s32 v13, v33;
	v0 =	vshll.u32 v0, v1  }
0x57e: {  	v2 =	vadd.f32 v3, v2;
	v3 =	vld [tilespmem:s1+$0x4480];
	v34 =	vbroadcast v0, $0x0;
	_ =	sdelay $0x1  }
0x57f: {  	v0 =	vadd.f32 v4, v2;
	v2 =	vadd.s32 v16, v34  }
0x580: {  	v48 =	vadd.f32 v6, v5  }
0x581: {  	[tilespmem:v7+s10+$0x0] =	vst.idx.msk $0xffff, v0  }
0x582: {  	v0 =	vld [tilespmem:s5+$0x490];
	v3 =	vadd.f32 v3, v48  }
0x583: {  	v49 =	vld [tilespmem:s5+$0x2490]  }
0x584: {  	v50 =	vld [tilespmem:s5+$0x4490];
	[tilespmem:v2+s10+$0x0] =	vst.idx.msk $0xffff, v3  }
0x585: {  	v2 =	vld [tilespmem:s1+$0x490]  }
0x586: {  	v3 =	vld [tilespmem:s1+$0x2490]  }
0x587: {  	v51 =	vadd.s32 v14, v33  }
0x588: {  	v53 =	vld [tilespmem:s1+$0x4490];
	v0 =	vadd.f32 v49, v0  }
0x589: {  	s6 =	sor.u32 $0x2, s0  }
0x58a: {  	s15 =	sshll.u32 s6, $0x6;
	v54 =	vadd.s32 v17, v34;
	v0 =	vadd.f32 v50, v0  }
0x58b: {  	v8 =	vld [tilespmem:s15+$0x480];
	v2 =	vadd.f32 v3, v2  }
0x58c: {  	v10 =	vld [tilespmem:s15+$0x2480];
	[tilespmem:v51+s10+$0x0] =	vst.idx.msk $0xffff, v0  }
0x58d: {  	v0 =	vld [tilespmem:s5+$0x4A0];
	v2 =	vadd.f32 v53, v2  }
0x58e: {  	v3 =	vld [tilespmem:s5+$0x24A0]  }
0x58f: {  	v55 =	vld [tilespmem:s5+$0x44A0];
	[tilespmem:v54+s10+$0x0] =	vst.idx.msk $0xffff, v2  }
0x590: {  	v57 =	vmov s6;
	s6 =	sor.u32 $0x3, s0;
	v2 =	vld [tilespmem:s1+$0x4A0]  }
0x591: {  	s3 =	sshll.u32 s6, $0x6;
	v5 =	vld [tilespmem:s1+$0x24A0]  }
0x592: {  	v11 =	vld [tilespmem:s3+$0x480];
	v9 =	vadd.s32 v15, v33;
	v7 =	vshrl.u32 v57, $0x3  }
0x593: {  	v7 =	vshll.u32 v7, v1;
	v56 =	vld [tilespmem:s1+$0x44A0];
	v0 =	vadd.f32 v3, v0  }
0x594: {  	v58 =	vmov s6;
	v35 =	vbroadcast v7, $0x0;
	v3 =	vld [tilespmem:s15+$0x4480]  }
0x595: {  	s16 =	sor.u32 $0x4, s0;
	v12 =	vld [tilespmem:s3+$0x2480];
	v61 =	vadd.s32 v18, v34;
	v7 =	vshrl.u32 v58, $0x3;
	v0 =	vadd.f32 v55, v0  }
0x596: {  	s30 =	sshll.u32 s16, $0x6;
	v44 =	vld [tilespmem:s3+$0x4480];
	v7 =	vshll.u32 v7, v1;
	v63 =	vadd.s32 v19, v35;
	v2 =	vadd.f32 v5, v2  }
0x597: {  	v36 =	vbroadcast v7, $0x0;
	v49 =	vld [tilespmem:s30+$0x480];
	[tilespmem:v9+s10+$0x0] =	vst.idx.msk $0xffff, v0;
	v0 =	vadd.f32 v10, v8  }
0x598: {  	v50 =	vld [tilespmem:s30+$0x2480];
	v2 =	vadd.f32 v56, v2  }
0x599: {  	v39 =	vld [tilespmem:s5+$0x4B0];
	v0 =	vadd.f32 v3, v0;
	v3 =	vadd.s32 v22, v36  }
0x59a: {  	v40 =	vld [tilespmem:s5+$0x24B0];
	[tilespmem:v61+s10+$0x0] =	vst.idx.msk $0xffff, v2;
	v2 =	vadd.f32 v12, v11  }
0x59b: {  	v38 =	vld [tilespmem:s5+$0x44B0];
	[tilespmem:v63+s10+$0x0] =	vst.idx.msk $0xffff, v0  }
0x59c: {  	v0 =	vld [tilespmem:s15+$0x490];
	v2 =	vadd.f32 v44, v2  }
0x59d: {  	v45 =	vld [tilespmem:s15+$0x2490]  }
0x59e: {  	v5 =	vld [tilespmem:s15+$0x4490];
	[tilespmem:v3+s10+$0x0] =	vst.idx.msk $0xffff, v2  }
0x59f: {  	v2 =	vld [tilespmem:s3+$0x490]  }
0x5a0: {  	v3 =	vld [tilespmem:s3+$0x2490]  }
0x5a1: {  	v46 =	vadd.s32 v20, v35;
	v41 =	vld [tilespmem:s1+$0x4B0]  }
0x5a2: {  	v48 =	vmov s16;
	v47 =	vld [tilespmem:s3+$0x4490];
	v0 =	vadd.f32 v45, v0  }
0x5a3: {  	v4 =	vshrl.u32 v48, $0x3;
	v42 =	vld [tilespmem:s1+$0x24B0]  }
0x5a4: {  	s31 =	sor.u32 $0x5, s0;
	v4 =	vshll.u32 v4, v1;
	v51 =	vadd.s32 v23, v36;
	v43 =	vld [tilespmem:s1+$0x44B0];
	v0 =	vadd.f32 v5, v0  }
0x5a5: {  	v37 =	vbroadcast v4, $0x0;
	s5 =	sshll.u32 s31, $0x6;
	v2 =	vadd.f32 v3, v2;
	v3 =	vld [tilespmem:s30+$0x4480]  }
0x5a6: {  	v63 =	vld [tilespmem:s5+$0x480];
	[tilespmem:v46+s10+$0x0] =	vst.idx.msk $0xffff, v0  }
0x5a7: {  	v4 =	vadd.s32 v25, v37;
	v0 =	vld [tilespmem:s15+$0x4A0];
	v2 =	vadd.f32 v47, v2  }
0x5a8: {  	v53 =	vadd.f32 v50, v49;
	v6 =	vld [tilespmem:s15+$0x24A0]  }
0x5a9: {  	v54 =	vld [tilespmem:s15+$0x44A0];
	[tilespmem:v51+s10+$0x0] =	vst.idx.msk $0xffff, v2  }
0x5aa: {  	v2 =	vld [tilespmem:s3+$0x4A0];
	v3 =	vadd.f32 v3, v53  }
0x5ab: {  	v5 =	vld [tilespmem:s3+$0x24A0]  }
0x5ac: {  	v55 =	vadd.s32 v21, v35;
	v56 =	vld [tilespmem:s3+$0x44A0];
	[tilespmem:v4+s10+$0x0] =	vst.idx.msk $0xffff, v3  }
0x5ad: {  	v0 =	vadd.f32 v6, v0;
	v3 =	vld [tilespmem:s30+$0x490]  }
0x5ae: {  	v4 =	vld [tilespmem:s30+$0x2490]  }
0x5af: {  	v57 =	vld [tilespmem:s30+$0x4490];
	v0 =	vadd.f32 v54, v0  }
0x5b0: {  	v54 =	vadd.s32 v27, v37;
	v27 =	vld [tilespmem:$0x1FF10]  }
0x5b1: {  	[tilespmem:v55+s10+$0x0] =	vst.idx.msk $0xffff, v0;
	v0 =	vadd.f32 v5, v2;
	v2 =	vld [tilespmem:s5+$0x2480]  }
0x5b2: {  	v55 =	vld [tilespmem:s5+$0x4480]  }
0x5b3: {  	v45 =	vld [tilespmem:s15+$0x4B0]  }
0x5b4: {  	s16 =	sor.u32 $0x6, s0;
	v58 =	vadd.s32 v24, v36;
	v61 =	vmov s31;
	v49 =	vld [tilespmem:s15+$0x24B0]  }
0x5b5: {  	v53 =	vshrl.u32 v61, $0x3;
	v47 =	vld [tilespmem:s15+$0x44B0];
	s15 =	sshll.u32 s16, $0x6  }
0x5b6: {  	v61 =	vmov s16;
	v5 =	vshll.u32 v53, v1;
	s16 =	sor.u32 $0x7, s0;
	v53 =	vld [tilespmem:s15+$0x2480]  }
0x5b7: {  	v44 =	vbroadcast v5, $0x0;
	v0 =	vadd.f32 v56, v0;
	v3 =	vadd.f32 v4, v3;
	v4 =	vld [tilespmem:s15+$0x4480];
	s1 =	sshll.u32 s16, $0x6  }
0x5b8: {  	v11 =	vld [tilespmem:s1+$0x480]  }
0x5b9: {  	v12 =	vld [tilespmem:s1+$0x2480];
	[tilespmem:v58+s10+$0x0] =	vst.idx.msk $0xffff, v0;
	v0 =	vadd.f32 v57, v3;
	v3 =	vadd.s32 v28, v44  }
0x5ba: {  	v50 =	vld [tilespmem:s3+$0x4B0];
	v2 =	vadd.f32 v2, v63  }
0x5bb: {  	v51 =	vld [tilespmem:s3+$0x24B0];
	[tilespmem:v54+s10+$0x0] =	vst.idx.msk $0xffff, v0  }
0x5bc: {  	v0 =	vld [tilespmem:s30+$0x4A0];
	v2 =	vadd.f32 v55, v2  }
0x5bd: {  	v56 =	vld [tilespmem:s30+$0x24A0]  }
0x5be: {  	v57 =	vld [tilespmem:s30+$0x44A0];
	[tilespmem:v3+s10+$0x0] =	vst.idx.msk $0xffff, v2  }
0x5bf: {  	v2 =	vld [tilespmem:s5+$0x490]  }
0x5c0: {  	v3 =	vld [tilespmem:s5+$0x2490]  }
0x5c1: {  	v46 =	vadd.s32 v26, v37;
	v7 =	vshrl.u32 v61, $0x3;
	v63 =	vld [tilespmem:s15+$0x480]  }
0x5c2: {  	v7 =	vshll.u32 v7, v1;
	v58 =	vmov s16;
	v6 =	vld [tilespmem:s5+$0x4490];
	v0 =	vadd.f32 v56, v0  }
0x5c3: {  	v48 =	vbroadcast v7, $0x0;
	v7 =	vshrl.u32 v58, $0x3;
	v58 =	vld [tilespmem:$0x1FF90]  }
0x5c4: {  	v61 =	vadd.s32 v29, v44;
	v54 =	vld [tilespmem:$0x1FFD0];
	v0 =	vadd.f32 v57, v0  }
0x5c5: {  	v7 =	vshll.u32 v7, v1;
	v56 =	vld [tilespmem:s3+$0x44B0];
	v2 =	vadd.f32 v3, v2;
	v3 =	vadd.s32 v31, v48  }
0x5c6: {  	[tilespmem:v46+s10+$0x0] =	vst.idx.msk $0xffff, v0;
	v0 =	vadd.f32 v53, v63;
	v63 =	vld [tilespmem:s1+$0x4480];
	v46 =	vbroadcast v7, $0x0  }
0x5c7: {  	v53 =	vld [tilespmem:s30+$0x4B0];
	v2 =	vadd.f32 v6, v2  }
0x5c8: {  	v55 =	vld [tilespmem:s30+$0x24B0];
	v0 =	vadd.f32 v4, v0;
	v10 =	vadd.s32 v52, v46  }
0x5c9: {  	v52 =	vld [tilespmem:s30+$0x44B0];
	[tilespmem:v61+s10+$0x0] =	vst.idx.msk $0xffff, v2;
	v2 =	vadd.f32 v12, v11  }
0x5ca: {  	v5 =	vld [tilespmem:s5+$0x4A0];
	[tilespmem:v3+s10+$0x0] =	vst.idx.msk $0xffff, v0  }
0x5cb: {  	v0 =	vld [tilespmem:s15+$0x490];
	v2 =	vadd.f32 v63, v2  }
0x5cc: {  	v3 =	vld [tilespmem:s15+$0x2490]  }
0x5cd: {  	v57 =	vld [tilespmem:s15+$0x4490];
	[tilespmem:v10+s10+$0x0] =	vst.idx.msk $0xffff, v2  }
0x5ce: {  	s30 =	sor.u32 $0x8, s0;
	v2 =	vld [tilespmem:s1+$0x490]  }
0x5cf: {  	s31 =	sshll.u32 s30, $0x6;
	v4 =	vld [tilespmem:s1+$0x2490]  }
0x5d0: {  	v7 =	vadd.s32 v58, v48;
	v9 =	vld [tilespmem:s31+$0x480]  }
0x5d1: {  	v61 =	vld [tilespmem:s1+$0x4490];
	v0 =	vadd.f32 v3, v0  }
0x5d2: {  	v11 =	vld [tilespmem:s5+$0x24A0];
	v3 =	vmov s30  }
0x5d3: {  	v6 =	vadd.s32 v54, v46;
	v63 =	vld [tilespmem:s31+$0x2480];
	v3 =	vshrl.u32 v3, $0x3;
	v0 =	vadd.f32 v57, v0  }
0x5d4: {  	v3 =	vshll.u32 v3, v1;
	v57 =	vld [tilespmem:s31+$0x4480];
	v2 =	vadd.f32 v4, v2  }
0x5d5: {  	v54 =	vbroadcast v3, $0x0;
	v3 =	vld [tilespmem:s5+$0x44A0];
	[tilespmem:v7+s10+$0x0] =	vst.idx.msk $0xffff, v0  }
0x5d6: {  	v0 =	vld [tilespmem:s15+$0x4A0];
	v2 =	vadd.f32 v61, v2  }
0x5d7: {  	v58 =	vadd.s32 v13, v54;
	v61 =	vld [tilespmem:s15+$0x24A0]  }
0x5d8: {  	v9 =	vadd.f32 v63, v9;
	v12 =	vld [tilespmem:s15+$0x44A0];
	[tilespmem:v6+s10+$0x0] =	vst.idx.msk $0xffff, v2  }
0x5d9: {  	v2 =	vadd.f32 v11, v5;
	v5 =	vld [tilespmem:s1+$0x4A0]  }
0x5da: {  	s16 =	sor.u32 $0xA, s0;
	v63 =	vadd.s32 v62, v44;
	v4 =	vadd.f32 v57, v9;
	v6 =	vld [tilespmem:s1+$0x24A0]  }
0x5db: {  	s6 =	sshll.u32 s16, $0x6;
	v2 =	vadd.f32 v3, v2;
	v3 =	vld [tilespmem:s1+$0x44A0]  }
0x5dc: {  	[tilespmem:v58+s10+$0x0] =	vst.idx.msk $0xffff, v4;
	v4 =	vadd.s32 v14, v54;
	v14 =	vld [tilespmem:s6+$0x4480]  }
0x5dd: {  	v57 =	vadd.s32 v60, v48;
	v7 =	vld [tilespmem:s31+$0x490]  }
0x5de: {  	v0 =	vadd.f32 v61, v0;
	v58 =	vld [tilespmem:s31+$0x2490]  }
0x5df: {  	[tilespmem:v63+s10+$0x0] =	vst.idx.msk $0xffff, v2;
	v10 =	vld [tilespmem:s31+$0x4490]  }
0x5e0: {  	v62 =	vld [tilespmem:s5+$0x4B0];
	v0 =	vadd.f32 v12, v0  }
0x5e1: {  	v2 =	vld [tilespmem:s5+$0x24B0]  }
0x5e2: {  	v60 =	vld [tilespmem:s5+$0x44B0];
	[tilespmem:v57+s10+$0x0] =	vst.idx.msk $0xffff, v0  }
0x5e3: {  	v63 =	vld [tilespmem:s15+$0x4B0]  }
0x5e4: {  	v9 =	vadd.s32 v59, v46;
	v0 =	vld [tilespmem:s15+$0x24B0]  }
0x5e5: {  	v5 =	vadd.f32 v6, v5;
	v59 =	vld [tilespmem:s15+$0x44B0];
	s15 =	sor.u32 $0x9, s0  }
0x5e6: {  	v12 =	vld [tilespmem:s6+$0x2480];
	s5 =	sshll.u32 s15, $0x6  }
0x5e7: {  	v3 =	vadd.f32 v3, v5;
	v11 =	vadd.f32 v58, v7;
	v7 =	vld [tilespmem:s5+$0x480]  }
0x5e8: {  	v8 =	vld [tilespmem:s5+$0x2480]  }
0x5e9: {  	[tilespmem:v9+s10+$0x0] =	vst.idx.msk $0xffff, v3;
	v9 =	vld [tilespmem:s5+$0x4480];
	v3 =	vadd.f32 v10, v11  }
0x5ea: {  	v2 =	vadd.f32 v2, v62;
	v62 =	vld [tilespmem:$0x1FF60]  }
0x5eb: {  	v57 =	vld [tilespmem:s1+$0x4B0];
	[tilespmem:v4+s10+$0x0] =	vst.idx.msk $0xffff, v3  }
0x5ec: {  	v61 =	vmov s15;
	v3 =	vld [tilespmem:s31+$0x4A0]  }
0x5ed: {  	v6 =	vshrl.u32 v61, $0x3;
	v4 =	vld [tilespmem:s31+$0x24A0]  }
0x5ee: {  	v58 =	vld [tilespmem:s1+$0x24B0];
	v6 =	vshll.u32 v6, v1  }
0x5ef: {  	s30 =	sor.u32 $0xB, s0;
	v10 =	vld [tilespmem:s6+$0x480];
	v61 =	vbroadcast v6, $0x0  }
0x5f0: {  	s15 =	sshll.u32 s30, $0x6;
	v11 =	vadd.s32 v15, v54;
	v6 =	vmov s16;
	v2 =	vadd.f32 v60, v2;
	v5 =	vld [tilespmem:s31+$0x44A0]  }
0x5f1: {  	v15 =	vld [tilespmem:s15+$0x2480];
	v6 =	vshrl.u32 v6, $0x3;
	v0 =	vadd.f32 v0, v63;
	v13 =	vadd.s32 v16, v61  }
0x5f2: {  	v60 =	vld [tilespmem:$0x1FFA0];
	v4 =	vadd.f32 v4, v3;
	v3 =	vshll.u32 v6, v1;
	v6 =	vadd.f32 v8, v7  }
0x5f3: {  	v0 =	vadd.f32 v59, v0;
	v59 =	vld [tilespmem:$0x1FFE0];
	v3 =	vbroadcast v3, $0x0  }
0x5f4: {  	v7 =	vmov s30;
	v8 =	vld [tilespmem:s15+$0x480];
	v9 =	vadd.f32 v9, v6  }
0x5f5: {  	v7 =	vshrl.u32 v7, $0x3;
	v4 =	vadd.f32 v5, v4;
	v5 =	vld [tilespmem:s1+$0x44B0];
	v16 =	vadd.s32 v19, v3  }
0x5f6: {  	v6 =	vshll.u32 v7, v1;
	v7 =	vadd.f32 v12, v10;
	v10 =	vld [tilespmem:s15+$0x4480];
	[tilespmem:v13+s10+$0x0] =	vst.idx.msk $0xffff, v9  }
0x5f7: {  	[tilespmem:v11+s10+$0x0] =	vst.idx.msk $0xffff, v4;
	v4 =	vbroadcast v6, $0x0;
	v9 =	vld [tilespmem:s5+$0x490]  }
0x5f8: {  	v7 =	vadd.f32 v14, v7;
	v12 =	vld [tilespmem:s5+$0x2490]  }
0x5f9: {  	v6 =	vld [tilespmem:s31+$0x4B0];
	v11 =	vadd.s32 v22, v4  }
0x5fa: {  	v8 =	vadd.f32 v15, v8;
	v13 =	vld [tilespmem:s5+$0x4490];
	[tilespmem:v16+s10+$0x0] =	vst.idx.msk $0xffff, v7  }
0x5fb: {  	v7 =	vld [tilespmem:s6+$0x490]  }
0x5fc: {  	v14 =	vadd.s32 v17, v61;
	v8 =	vadd.f32 v10, v8;
	v10 =	vld [tilespmem:s6+$0x2490]  }
0x5fd: {  	v15 =	vld [tilespmem:s6+$0x4490];
	v9 =	vadd.f32 v12, v9  }
0x5fe: {  	[tilespmem:v11+s10+$0x0] =	vst.idx.msk $0xffff, v8;
	v8 =	vld [tilespmem:s31+$0x24B0]  }
0x5ff: {  	v11 =	vld [tilespmem:s15+$0x490];
	v9 =	vadd.f32 v13, v9  }
0x600: {  	v12 =	vld [tilespmem:s15+$0x2490];
	v13 =	vadd.s32 v20, v3  }
0x601: {  	v16 =	vld [tilespmem:s15+$0x4490];
	v10 =	vadd.f32 v10, v7;
	[tilespmem:v14+s10+$0x0] =	vst.idx.msk $0xffff, v9  }
0x602: {  	v9 =	vld [tilespmem:s5+$0x4A0]  }
0x603: {  	v10 =	vadd.f32 v15, v10;
	v15 =	vld [tilespmem:s5+$0x24A0]  }
0x604: {  	v7 =	vld [tilespmem:s31+$0x44B0]  }
0x605: {  	v14 =	vadd.s32 v23, v4;
	v11 =	vadd.f32 v12, v11;
	v12 =	vld [tilespmem:s5+$0x44A0];
	[tilespmem:v13+s10+$0x0] =	vst.idx.msk $0xffff, v10  }
0x606: {  	s31 =	sor.u32 $0xC, s0;
	v10 =	vld [tilespmem:s6+$0x4A0]  }
0x607: {  	s1 =	sshll.u32 s31, $0x6;
	v11 =	vadd.f32 v16, v11;
	v13 =	vld [tilespmem:s6+$0x24A0];
	v16 =	vadd.s32 v18, v61  }
0x608: {  	v19 =	vld [tilespmem:s1+$0x480];
	v9 =	vadd.f32 v15, v9  }
0x609: {  	v17 =	vld [tilespmem:s6+$0x44A0]  }
0x60a: {  	v18 =	vadd.s32 v21, v3;
	v21 =	vld [tilespmem:s1+$0x4480];
	[tilespmem:v14+s10+$0x0] =	vst.idx.msk $0xffff, v11;
	v9 =	vadd.f32 v12, v9  }
0x60b: {  	v15 =	vmov s31;
	v11 =	vld [tilespmem:s15+$0x4A0]  }
0x60c: {  	s30 =	sor.u32 $0xE, s0;
	v15 =	vshrl.u32 v15, $0x3;
	[tilespmem:v16+s10+$0x0] =	vst.idx.msk $0xffff, v9;
	v9 =	vadd.f32 v13, v10;
	v13 =	vld [tilespmem:s1+$0x2480]  }
0x60d: {  	s31 =	sshll.u32 s30, $0x6;
	v14 =	vld [tilespmem:s15+$0x24A0];
	v15 =	vshll.u32 v15, v1  }
0x60e: {  	v26 =	vld [tilespmem:s31+$0x480];
	v16 =	vadd.f32 v17, v9;
	v9 =	vbroadcast v15, $0x0  }
0x60f: {  	v28 =	vld [tilespmem:s31+$0x2480]  }
0x610: {  	v12 =	vld [tilespmem:s15+$0x44A0];
	[tilespmem:v18+s10+$0x0] =	vst.idx.msk $0xffff, v16;
	v18 =	vadd.s32 v25, v9  }
0x611: {  	v30 =	vld [tilespmem:s31+$0x4480];
	v13 =	vadd.f32 v13, v19  }
0x612: {  	v20 =	vadd.s32 v24, v4;
	v10 =	vld [tilespmem:s5+$0x4B0]  }
0x613: {  	v15 =	vld [tilespmem:s5+$0x24B0];
	v14 =	vadd.f32 v14, v11;
	v19 =	vadd.f32 v21, v13  }
0x614: {  	v11 =	vld [tilespmem:s5+$0x44B0]  }
0x615: {  	v12 =	vadd.f32 v12, v14;
	v16 =	vld [tilespmem:s6+$0x4B0];
	[tilespmem:v18+s10+$0x0] =	vst.idx.msk $0xffff, v19  }
0x616: {  	v19 =	vld [tilespmem:s1+$0x490]  }
0x617: {  	[tilespmem:v20+s10+$0x0] =	vst.idx.msk $0xffff, v12;
	v20 =	vld [tilespmem:s1+$0x2490]  }
0x618: {  	s16 =	sor.u32 $0xD, s0;
	v17 =	vld [tilespmem:s6+$0x24B0]  }
0x619: {  	v14 =	vld [tilespmem:s6+$0x44B0];
	s6 =	sshll.u32 s16, $0x6  }
0x61a: {  	v22 =	vld [tilespmem:s6+$0x480]  }
0x61b: {  	v23 =	vld [tilespmem:s6+$0x2480]  }
0x61c: {  	v18 =	vmov s16;
	v20 =	vadd.f32 v20, v19;
	v19 =	vld [tilespmem:$0x1FF40]  }
0x61d: {  	v21 =	vld [tilespmem:s1+$0x4490];
	v18 =	vshrl.u32 v18, $0x3  }
0x61e: {  	v24 =	vld [tilespmem:s6+$0x4480];
	v18 =	vshll.u32 v18, v1  }
0x61f: {  	v27 =	vadd.s32 v27, v9;
	v12 =	vld [tilespmem:s15+$0x4B0];
	v18 =	vbroadcast v18, $0x0  }
0x620: {  	s5 =	sor.u32 $0xF, s0;
	v13 =	vld [tilespmem:s15+$0x24B0]  }
0x621: {  	v25 =	vmov s30;
	s30 =	sshll.u32 s5, $0x6;
	v31 =	vld [tilespmem:s15+$0x44B0];
	v29 =	vadd.s32 v19, v18  }
0x622: {  	v25 =	vshrl.u32 v25, $0x3;
	v22 =	vadd.f32 v23, v22;
	v23 =	vld [tilespmem:s30+$0x480];
	v20 =	vadd.f32 v21, v20  }
0x623: {  	v21 =	vld [tilespmem:s30+$0x2480];
	v19 =	vshll.u32 v25, v1  }
0x624: {  	v22 =	vadd.f32 v24, v22;
	[tilespmem:v27+s10+$0x0] =	vst.idx.msk $0xffff, v20;
	v20 =	vadd.f32 v28, v26;
	v26 =	vld [tilespmem:s30+$0x4480];
	v19 =	vbroadcast v19, $0x0  }
0x625: {  	v28 =	vld [tilespmem:$0x1FFC0]  }
0x626: {  	v25 =	vmov s5;
	v24 =	vadd.s32 v32, v19;
	[tilespmem:v29+s10+$0x0] =	vst.idx.msk $0xffff, v22;
	v22 =	vld [tilespmem:s1+$0x4A0]  }
0x627: {  	v25 =	vshrl.u32 v25, $0x3;
	v29 =	vadd.f32 v40, v39;
	v40 =	vld [tilespmem:$0x1FEB0]  }
0x628: {  	v25 =	vshll.u32 v25, v1;
	v39 =	vld [tilespmem:$0x1FE70]  }
0x629: {  	v20 =	vadd.f32 v30, v20;
	v25 =	vbroadcast v25, $0x0;
	v27 =	vld [tilespmem:s6+$0x490]  }
0x62a: {  	v21 =	vadd.f32 v21, v23;
	v23 =	vld [tilespmem:s6+$0x2490]  }
0x62b: {  	v28 =	vadd.s32 v28, v25;
	[tilespmem:v24+s10+$0x0] =	vst.idx.msk $0xffff, v20;
	v20 =	vld [tilespmem:s6+$0x4490]  }
0x62c: {  	v24 =	vld [tilespmem:$0x1FF80]  }
0x62d: {  	v21 =	vadd.f32 v26, v21;
	v26 =	vld [tilespmem:s31+$0x490]  }
0x62e: {  	v30 =	vadd.s32 v39, v34;
	v34 =	vadd.f32 v42, v41;
	v42 =	vld [tilespmem:$0x1FF70]  }
0x62f: {  	v41 =	vld [tilespmem:$0x1FEF0]  }
0x630: {  	[tilespmem:v28+s10+$0x0] =	vst.idx.msk $0xffff, v21;
	v21 =	vld [tilespmem:$0x1FF50]  }
0x631: {  	v28 =	vld [tilespmem:s31+$0x4490];
	v23 =	vadd.f32 v23, v27  }
0x632: {  	v24 =	vadd.s32 v24, v33;
	v33 =	vld [tilespmem:s31+$0x2490]  }
0x633: {  	v20 =	vadd.f32 v20, v23;
	v23 =	vld [tilespmem:$0x1FF90]  }
0x634: {  	v27 =	vld [tilespmem:s30+$0x490];
	v34 =	vadd.f32 v43, v34  }
0x635: {  	v29 =	vadd.f32 v38, v29;
	v38 =	vld [tilespmem:s30+$0x2490];
	v21 =	vadd.s32 v21, v18  }
0x636: {  	[tilespmem:v30+s10+$0x0] =	vst.idx.msk $0xffff, v34;
	v30 =	vld [tilespmem:s30+$0x4490]  }
0x637: {  	[tilespmem:v24+s10+$0x0] =	vst.idx.msk $0xffff, v29;
	v24 =	vld [tilespmem:s1+$0x24A0];
	v26 =	vadd.f32 v33, v26  }
0x638: {  	v23 =	vadd.s32 v23, v19;
	v33 =	vld [tilespmem:s1+$0x44A0]  }
0x639: {  	v29 =	vadd.s32 v40, v35;
	v26 =	vadd.f32 v28, v26;
	v28 =	vld [tilespmem:$0x1FFD0]  }
0x63a: {  	[tilespmem:v21+s10+$0x0] =	vst.idx.msk $0xffff, v20;
	v20 =	vadd.f32 v49, v45;
	v21 =	vadd.s32 v41, v36;
	v49 =	vld [tilespmem:$0x1FF20]  }
0x63b: {  	v43 =	vadd.f32 v51, v50;
	v45 =	vld [tilespmem:s6+$0x4A0]  }
0x63c: {  	v27 =	vadd.f32 v38, v27;
	v50 =	vld [tilespmem:s6+$0x24A0];
	v20 =	vadd.f32 v47, v20  }
0x63d: {  	[tilespmem:v23+s10+$0x0] =	vst.idx.msk $0xffff, v26;
	v23 =	vadd.f32 v56, v43;
	v22 =	vadd.f32 v24, v22;
	v24 =	vld [tilespmem:s6+$0x44A0]  }
0x63e: {  	[tilespmem:v29+s10+$0x0] =	vst.idx.msk $0xffff, v20;
	v20 =	vadd.f32 v30, v27;
	v26 =	vld [tilespmem:s31+$0x4A0];
	v27 =	vadd.s32 v42, v44  }
0x63f: {  	[tilespmem:v21+s10+$0x0] =	vst.idx.msk $0xffff, v23;
	v21 =	vld [tilespmem:$0x1FF30]  }
0x640: {  	v28 =	vadd.s32 v28, v25;
	v23 =	vld [tilespmem:s31+$0x24A0]  }
0x641: {  	v43 =	vadd.f32 v50, v45;
	v50 =	vadd.f32 v17, v16;
	v17 =	vld [tilespmem:$0x1FE50]  }
0x642: {  	v36 =	vadd.s32 v49, v9;
	v16 =	vld [tilespmem:$0x1FE40]  }
0x643: {  	[tilespmem:v27+s10+$0x0] =	vst.idx.msk $0xffff, v2;
	v27 =	vadd.f32 v58, v57;
	v57 =	vld [tilespmem:$0x1FF30]  }
0x644: {  	v21 =	vadd.s32 v21, v37;
	v37 =	vld [tilespmem:$0x1FFB0]  }
0x645: {  	v22 =	vadd.f32 v33, v22;
	[tilespmem:v28+s10+$0x0] =	vst.idx.msk $0xffff, v20;
	v28 =	vld [tilespmem:s31+$0x44A0]  }
0x646: {  	v29 =	vld [tilespmem:s30+$0x4A0]  }
0x647: {  	[tilespmem:v36+s10+$0x0] =	vst.idx.msk $0xffff, v22;
	v44 =	vld [tilespmem:s30+$0x24A0]  }
0x648: {  	v45 =	vld [tilespmem:s1+$0x4B0]  }
0x649: {  	v20 =	vadd.f32 v55, v53;
	v2 =	vld [tilespmem:s1+$0x24B0]  }
0x64a: {  	v22 =	vadd.s32 v62, v18;
	v5 =	vadd.f32 v5, v27;
	v27 =	vld [tilespmem:$0x1FF10]  }
0x64b: {  	v20 =	vadd.f32 v52, v20;
	v52 =	vld [tilespmem:$0x1FFC0]  }
0x64c: {  	v47 =	vadd.s32 v60, v19;
	v30 =	vadd.s32 v37, v48;
	v48 =	vld [tilespmem:$0x1FFF0]  }
0x64d: {  	[tilespmem:v21+s10+$0x0] =	vst.idx.msk $0xffff, v20;
	v20 =	vadd.f32 v24, v43;
	v21 =	vadd.f32 v23, v26;
	v23 =	vld [tilespmem:s30+$0x44A0]  }
0x64e: {  	v24 =	vld [tilespmem:s1+$0x44B0]  }
0x64f: {  	[tilespmem:v22+s10+$0x0] =	vst.idx.msk $0xffff, v20;
	v20 =	vadd.f32 v28, v21;
	v28 =	vld [tilespmem:$0x1FF80]  }
0x650: {  	v26 =	vld [tilespmem:s6+$0x4B0]  }
0x651: {  	v22 =	vadd.f32 v44, v29;
	v29 =	vld [tilespmem:s6+$0x44B0]  }
0x652: {  	[tilespmem:v47+s10+$0x0] =	vst.idx.msk $0xffff, v20;
	v20 =	vld [tilespmem:s6+$0x24B0]  }
0x653: {  	v21 =	vadd.s32 v59, v25;
	v49 =	vadd.f32 v23, v22;
	v23 =	vld [tilespmem:$0x1FED0]  }
0x654: {  	v10 =	vadd.f32 v15, v10;
	v15 =	vld [tilespmem:s31+$0x4B0]  }
0x655: {  	v2 =	vadd.f32 v2, v45;
	v51 =	vld [tilespmem:s31+$0x24B0]  }
0x656: {  	v56 =	vld [tilespmem:s31+$0x44B0]  }
0x657: {  	[tilespmem:v30+s10+$0x0] =	vst.idx.msk $0xffff, v0;
	v0 =	vadd.s32 v48, v46;
	v2 =	vadd.f32 v24, v2;
	v24 =	vld [tilespmem:$0x1FEE0]  }
0x658: {  	v3 =	vadd.s32 v40, v3;
	[tilespmem:v21+s10+$0x0] =	vst.idx.msk $0xffff, v49;
	v21 =	vld [tilespmem:$0x1FEA0]  }
0x659: {  	v22 =	vadd.s32 v39, v61;
	v28 =	vadd.s32 v28, v54;
	v54 =	vadd.f32 v14, v50;
	v14 =	vld [tilespmem:$0x1FE20]  }
0x65a: {  	v53 =	vld [tilespmem:s30+$0x4B0]  }
0x65b: {  	v55 =	vld [tilespmem:s30+$0x24B0]  }
0x65c: {  	v9 =	vadd.s32 v57, v9;
	v58 =	vld [tilespmem:s30+$0x44B0];
	[tilespmem:v0+s10+$0x0] =	vst.idx.msk $0xffff, v5;
	v0 =	vadd.f32 v11, v10  }
0x65d: {  	v4 =	vadd.s32 v41, v4;
	[tilespmem:v3+s10+$0x0] =	vst.idx.msk $0xffff, v54;
	v3 =	vadd.s32 v42, v18;
	v18 =	vld [tilespmem:$0x1FE60]  }
0x65e: {  	v61 =	vadd.f32 v20, v26;
	v26 =	vld [tilespmem:$0x1FF20];
	[tilespmem:v22+s10+$0x0] =	vst.idx.msk $0xffff, v0;
	v0 =	vadd.f32 v13, v12  }
0x65f: {  	v6 =	vadd.f32 v8, v6;
	v20 =	vld [tilespmem:$0x1FE90]  }
0x660: {  	v8 =	vadd.f32 v51, v15;
	v15 =	vld [tilespmem:$0x1FE30];
	v12 =	vadd.s32 v37, v19;
	v0 =	vadd.f32 v31, v0  }
0x661: {  	p0 =	slt.u32 s0, $0x70;
	v6 =	vadd.f32 v7, v6;
	[tilespmem:v9+s10+$0x0] =	vst.idx.msk $0xffff, v2;
	v22 =	vld [tilespmem:$0x1FEC0];
	v13 =	vadd.s32 v48, v25  }
.Ltmp4:
0x662: {  	v19 =	vld [tilespmem:$0x1FE80];
	v63 =	vadd.f32 v55, v53;
	[tilespmem:v4+s10+$0x0] =	vst.idx.msk $0xffff, v0;
	v0 =	vadd.f32 v29, v61;
	(pc) =	sbr.rel @p0 .LBB2_10-.Ltmp4, $4  }
0x663: {  	[tilespmem:v28+s10+$0x0] =	vst.idx.msk $0xffff, v6;
	v25 =	vld [tilespmem:$0x1FF00];
	v2 =	vadd.f32 v56, v8  }
0x664: {  	v28 =	vld [tilespmem:$0x1FF40];
	[tilespmem:v3+s10+$0x0] =	vst.idx.msk $0xffff, v0;
	v0 =	vadd.f32 v58, v63  }
0x665: {  	s31 =	sadd.s32 $0x10, s0;
	v29 =	vld [tilespmem:$0x1FF50];
	[tilespmem:v12+s10+$0x0] =	vst.idx.msk $0xffff, v2  }
0x666: {  	s0 =	smov.u32 s31;
	v31 =	vmov v32;
	[tilespmem:v13+s10+$0x0] =	vst.idx.msk $0xffff, v0;
	v13 =	vld [tilespmem:$0x1FE10]  }
0x667: {  	s0 =	simm.s32 $0x0;
	s3 =	rddreg [dreg:$0xb]  }
0x668: {  	[hbm4b:s3+s0] =	stream.linear.scatter [tilespmem:s10], [sflag:$0x4], $0x80, $0x38;
	[tilespmem:$0x19080] =	vst v63  }
0x669: {  	s5 =	simm.s32 $0x12510;
	s1 =	sadd.s32 $0x10, s3  }
0x66a: {  	[hbm4b:s1+s0] =	stream.linear.scatter [tilespmem:s5], [sflag:$0x4], $0x80, $0x38;
	[tilespmem:$0x19080] =	vst v63  }
0x66b: {  	s16 =	simm.s32 $0x125A0;
	s15 =	sadd.s32 $0x20, s3  }
0x66c: {  	[hbm4b:s15+s0] =	stream.linear.scatter [tilespmem:s16], [sflag:$0x4], $0x80, $0x38;
	[tilespmem:$0x19080] =	vst v63  }
0x66d: {  	s31 =	simm.s32 $0x12630;
	s30 =	sadd.s32 $0x30, s3  }
0x66e: {  	[hbm4b:s30+s0] =	stream.linear.scatter [tilespmem:s31], [sflag:$0x4], $0x80, $0x38;
	[tilespmem:$0x19080] =	vst v63  }
0x66f: {  	s6 =	simm.s32 $0x126C0;
	s5 =	sadd.s32 $0x40, s3  }
0x670: {  	[hbm4b:s5+s0] =	stream.linear.scatter [tilespmem:s6], [sflag:$0x4], $0x80, $0x38;
	[tilespmem:$0x19080] =	vst v63  }
0x671: {  	s15 =	sadd.s32 $0x50, s3;
	s16 =	simm.s32 $0x12750  }
0x672: {  	[hbm4b:s15+s0] =	stream.linear.scatter [tilespmem:s16], [sflag:$0x4], $0x80, $0x38;
	[tilespmem:$0x19080] =	vst v63  }
0x673: {  	s30 =	sadd.s32 $0x60, s3;
	s31 =	simm.s32 $0x127E0  }
0x674: {  	[hbm4b:s30+s0] =	stream.linear.scatter [tilespmem:s31], [sflag:$0x4], $0x80, $0x38;
	[tilespmem:$0x19080] =	vst v63  }
0x675: {  	s3 =	sadd.s32 $0x70, s3;
	s5 =	simm.s32 $0x12870  }
0x676: {  	[hbm4b:s3+s0] =	stream.linear.scatter [tilespmem:s5], [sflag:$0x4], $0x80, $0x38;
	[tilespmem:$0x19080] =	vst v63  }
0x677: {  	s6 =	simm.s32 $0x12900;
	s3 =	rddreg [dreg:$0xc]  }
0x678: {  	[hbm4b:s3+s0] =	stream.linear.scatter [tilespmem:s6], [sflag:$0x4], $0x80, $0x38;
	[tilespmem:$0x19080] =	vst v63  }
0x679: {  	s16 =	simm.s32 $0x12990;
	s15 =	sadd.s32 $0x10, s3  }
0x67a: {  	[hbm4b:s15+s0] =	stream.linear.scatter [tilespmem:s16], [sflag:$0x4], $0x80, $0x38;
	[tilespmem:$0x19080] =	vst v63  }
0x67b: {  	s31 =	simm.s32 $0x12A20;
	s30 =	sadd.s32 $0x20, s3  }
0x67c: {  	[hbm4b:s30+s0] =	stream.linear.scatter [tilespmem:s31], [sflag:$0x4], $0x80, $0x38;
	[tilespmem:$0x19080] =	vst v63  }
0x67d: {  	s5 =	sadd.s32 $0x30, s3;
	s6 =	simm.s32 $0x12AB0  }
0x67e: {  	[hbm4b:s5+s0] =	stream.linear.scatter [tilespmem:s6], [sflag:$0x4], $0x80, $0x38;
	[tilespmem:$0x19080] =	vst v63  }
0x67f: {  	s15 =	sadd.s32 $0x40, s3;
	s16 =	simm.s32 $0x12B40  }
0x680: {  	[hbm4b:s15+s0] =	stream.linear.scatter [tilespmem:s16], [sflag:$0x4], $0x80, $0x38;
	[tilespmem:$0x19080] =	vst v63  }
0x681: {  	s30 =	sadd.s32 $0x50, s3;
	s31 =	simm.s32 $0x12BD0  }
0x682: {  	[hbm4b:s30+s0] =	stream.linear.scatter [tilespmem:s31], [sflag:$0x4], $0x80, $0x38;
	[tilespmem:$0x19080] =	vst v63  }
0x683: {  	s6 =	sadd.s32 $0x60, s3;
	s15 =	simm.s32 $0x12C60  }
0x684: {  	[hbm4b:s6+s0] =	stream.linear.scatter [tilespmem:s15], [sflag:$0x4], $0x80, $0x38;
	[tilespmem:$0x19080] =	vst v63  }
0x685: {  	s16 =	sadd.s32 $0x70, s3;
	s30 =	simm.s32 $0x12CF0  }
0x686: {  	[hbm4b:s16+s0] =	stream.linear.scatter [tilespmem:s30], [sflag:$0x4], $0x80, $0x38;
	[tilespmem:$0x19080] =	vst v63  }
0x687: {  	s3 =	rddreg [dreg:$0xd];
	s31 =	simm.s32 $0x12D80  }
0x688: {  	[hbm4b:s3+s0] =	stream.linear.scatter [tilespmem:s31], [sflag:$0x4], $0x80, $0x38;
	[tilespmem:$0x19080] =	vst v63  }
0x689: {  	s5 =	sadd.s32 $0x10, s3;
	s6 =	simm.s32 $0x12E10  }
0x68a: {  	[hbm4b:s5+s0] =	stream.linear.scatter [tilespmem:s6], [sflag:$0x4], $0x80, $0x38;
	[tilespmem:$0x19080] =	vst v63  }
0x68b: {  	s15 =	sadd.s32 $0x20, s3;
	s16 =	simm.s32 $0x12EA0  }
0x68c: {  	[hbm4b:s15+s0] =	stream.linear.scatter [tilespmem:s16], [sflag:$0x4], $0x80, $0x38;
	[tilespmem:$0x19080] =	vst v63  }
0x68d: {  	s30 =	sadd.s32 $0x30, s3;
	s31 =	simm.s32 $0x12F30  }
0x68e: {  	[hbm4b:s30+s0] =	stream.linear.scatter [tilespmem:s31], [sflag:$0x4], $0x80, $0x38;
	[tilespmem:$0x19080] =	vst v63  }
0x68f: {  	s5 =	sadd.s32 $0x40, s3;
	s6 =	simm.s32 $0x12FC0  }
0x690: {  	[hbm4b:s5+s0] =	stream.linear.scatter [tilespmem:s6], [sflag:$0x4], $0x80, $0x38;
	[tilespmem:$0x19080] =	vst v63  }
0x691: {  	s15 =	sadd.s32 $0x50, s3;
	s16 =	simm.s32 $0x13050  }
0x692: {  	[hbm4b:s15+s0] =	stream.linear.scatter [tilespmem:s16], [sflag:$0x4], $0x80, $0x38;
	[tilespmem:$0x19080] =	vst v63  }
0x693: {  	s30 =	sadd.s32 $0x60, s3;
	s31 =	simm.s32 $0x130E0  }
0x694: {  	[hbm4b:s30+s0] =	stream.linear.scatter [tilespmem:s31], [sflag:$0x4], $0x80, $0x38;
	[tilespmem:$0x19080] =	vst v63  }
0x695: {  	s3 =	sadd.s32 $0x70, s3;
	s5 =	simm.s32 $0x13170  }
0x696: {  	[hbm4b:s3+s0] =	stream.linear.scatter [tilespmem:s5], [sflag:$0x4], $0x80, $0x38;
	[tilespmem:$0x19080] =	vst v63  }
0x697: {  	s6 =	simm.s32 $0x13200;
	s3 =	rddreg [dreg:$0xe]  }
0x698: {  	[hbm4b:s3+s0] =	stream.linear.scatter [tilespmem:s6], [sflag:$0x4], $0x80, $0x38;
	[tilespmem:$0x19080] =	vst v63  }
0x699: {  	s16 =	simm.s32 $0x13290;
	s15 =	sadd.s32 $0x10, s3  }
0x69a: {  	[hbm4b:s15+s0] =	stream.linear.scatter [tilespmem:s16], [sflag:$0x4], $0x80, $0x38;
	[tilespmem:$0x19080] =	vst v63  }
0x69b: {  	s31 =	simm.s32 $0x13320;
	s30 =	sadd.s32 $0x20, s3  }
0x69c: {  	[hbm4b:s30+s0] =	stream.linear.scatter [tilespmem:s31], [sflag:$0x4], $0x80, $0x38;
	[tilespmem:$0x19080] =	vst v63  }
0x69d: {  	s5 =	sadd.s32 $0x30, s3;
	s6 =	simm.s32 $0x133B0  }
0x69e: {  	[hbm4b:s5+s0] =	stream.linear.scatter [tilespmem:s6], [sflag:$0x4], $0x80, $0x38;
	[tilespmem:$0x19080] =	vst v63  }
0x69f: {  	s15 =	sadd.s32 $0x40, s3;
	s16 =	simm.s32 $0x13440  }
0x6a0: {  	[hbm4b:s15+s0] =	stream.linear.scatter [tilespmem:s16], [sflag:$0x4], $0x80, $0x38;
	[tilespmem:$0x19080] =	vst v63  }
0x6a1: {  	s30 =	sadd.s32 $0x50, s3;
	s31 =	simm.s32 $0x134D0  }
0x6a2: {  	[hbm4b:s30+s0] =	stream.linear.scatter [tilespmem:s31], [sflag:$0x4], $0x80, $0x38;
	[tilespmem:$0x19080] =	vst v63  }
0x6a3: {  	s6 =	sadd.s32 $0x60, s3;
	s15 =	simm.s32 $0x13560  }
0x6a4: {  	[hbm4b:s6+s0] =	stream.linear.scatter [tilespmem:s15], [sflag:$0x4], $0x80, $0x38;
	[tilespmem:$0x19080] =	vst v63  }
0x6a5: {  	s16 =	sadd.s32 $0x70, s3;
	s30 =	simm.s32 $0x135F0  }
0x6a6: {  	[hbm4b:s16+s0] =	stream.linear.scatter [tilespmem:s30], [sflag:$0x4], $0x80, $0x38;
	[tilespmem:$0x19080] =	vst v63  }
0x6a7: {  	s3 =	rddreg [dreg:$0xf];
	s31 =	simm.s32 $0x13680  }
0x6a8: {  	[hbm4b:s3+s0] =	stream.linear.scatter [tilespmem:s31], [sflag:$0x4], $0x80, $0x38;
	[tilespmem:$0x19080] =	vst v63  }
0x6a9: {  	s5 =	sadd.s32 $0x10, s3;
	s6 =	simm.s32 $0x13710  }
0x6aa: {  	[hbm4b:s5+s0] =	stream.linear.scatter [tilespmem:s6], [sflag:$0x4], $0x80, $0x38;
	[tilespmem:$0x19080] =	vst v63  }
0x6ab: {  	s15 =	sadd.s32 $0x20, s3;
	s16 =	simm.s32 $0x137A0  }
0x6ac: {  	[hbm4b:s15+s0] =	stream.linear.scatter [tilespmem:s16], [sflag:$0x4], $0x80, $0x38;
	[tilespmem:$0x19080] =	vst v63  }
0x6ad: {  	s30 =	sadd.s32 $0x30, s3;
	s31 =	simm.s32 $0x13830  }
0x6ae: {  	[hbm4b:s30+s0] =	stream.linear.scatter [tilespmem:s31], [sflag:$0x4], $0x80, $0x38;
	[tilespmem:$0x19080] =	vst v63  }
0x6af: {  	s5 =	sadd.s32 $0x40, s3;
	s6 =	simm.s32 $0x138C0  }
0x6b0: {  	[hbm4b:s5+s0] =	stream.linear.scatter [tilespmem:s6], [sflag:$0x4], $0x80, $0x38;
	[tilespmem:$0x19080] =	vst v63  }
0x6b1: {  	s15 =	sadd.s32 $0x50, s3;
	s16 =	simm.s32 $0x13950  }
0x6b2: {  	[hbm4b:s15+s0] =	stream.linear.scatter [tilespmem:s16], [sflag:$0x4], $0x80, $0x38;
	[tilespmem:$0x19080] =	vst v63  }
0x6b3: {  	s30 =	sadd.s32 $0x60, s3;
	s31 =	simm.s32 $0x139E0  }
0x6b4: {  	[hbm4b:s30+s0] =	stream.linear.scatter [tilespmem:s31], [sflag:$0x4], $0x80, $0x38;
	[tilespmem:$0x19080] =	vst v63  }
0x6b5: {  	s3 =	sadd.s32 $0x70, s3;
	s5 =	simm.s32 $0x13A70  }
0x6b6: {  	[hbm4b:s3+s0] =	stream.linear.scatter [tilespmem:s5], [sflag:$0x4], $0x80, $0x38;
	[tilespmem:$0x19080] =	vst v63  }
0x6b7: {  	s6 =	simm.s32 $0x13B00;
	s3 =	rddreg [dreg:$0x10]  }
0x6b8: {  	[hbm4b:s3+s0] =	stream.linear.scatter [tilespmem:s6], [sflag:$0x4], $0x80, $0x38;
	[tilespmem:$0x19080] =	vst v63  }
0x6b9: {  	s16 =	simm.s32 $0x13B90;
	s15 =	sadd.s32 $0x10, s3  }
0x6ba: {  	[hbm4b:s15+s0] =	stream.linear.scatter [tilespmem:s16], [sflag:$0x4], $0x80, $0x38;
	[tilespmem:$0x19080] =	vst v63  }
0x6bb: {  	s31 =	simm.s32 $0x13C20;
	s30 =	sadd.s32 $0x20, s3  }
0x6bc: {  	[hbm4b:s30+s0] =	stream.linear.scatter [tilespmem:s31], [sflag:$0x4], $0x80, $0x38;
	[tilespmem:$0x19080] =	vst v63  }
0x6bd: {  	s5 =	sadd.s32 $0x30, s3;
	s6 =	simm.s32 $0x13CB0  }
0x6be: {  	[hbm4b:s5+s0] =	stream.linear.scatter [tilespmem:s6], [sflag:$0x4], $0x80, $0x38;
	[tilespmem:$0x19080] =	vst v63  }
0x6bf: {  	s15 =	sadd.s32 $0x40, s3;
	s16 =	simm.s32 $0x13D40  }
0x6c0: {  	[hbm4b:s15+s0] =	stream.linear.scatter [tilespmem:s16], [sflag:$0x4], $0x80, $0x38;
	[tilespmem:$0x19080] =	vst v63  }
0x6c1: {  	s30 =	sadd.s32 $0x50, s3;
	s31 =	simm.s32 $0x13DD0  }
0x6c2: {  	[hbm4b:s30+s0] =	stream.linear.scatter [tilespmem:s31], [sflag:$0x4], $0x80, $0x38;
	[tilespmem:$0x19080] =	vst v63  }
0x6c3: {  	s6 =	sadd.s32 $0x60, s3;
	s15 =	simm.s32 $0x13E60  }
0x6c4: {  	[hbm4b:s6+s0] =	stream.linear.scatter [tilespmem:s15], [sflag:$0x4], $0x80, $0x38;
	[tilespmem:$0x19080] =	vst v63  }
0x6c5: {  	s16 =	sadd.s32 $0x70, s3;
	s30 =	simm.s32 $0x13EF0  }
0x6c6: {  	[hbm4b:s16+s0] =	stream.linear.scatter [tilespmem:s30], [sflag:$0x4], $0x80, $0x38;
	[tilespmem:$0x19080] =	vst v63  }
0x6c7: {  	s3 =	rddreg [dreg:$0x11];
	s31 =	simm.s32 $0x13F80  }
0x6c8: {  	[hbm4b:s3+s0] =	stream.linear.scatter [tilespmem:s31], [sflag:$0x4], $0x80, $0x38;
	[tilespmem:$0x19080] =	vst v63  }
0x6c9: {  	s5 =	sadd.s32 $0x10, s3;
	s6 =	simm.s32 $0x14010  }
0x6ca: {  	[hbm4b:s5+s0] =	stream.linear.scatter [tilespmem:s6], [sflag:$0x4], $0x80, $0x38;
	[tilespmem:$0x19080] =	vst v63  }
0x6cb: {  	s15 =	sadd.s32 $0x20, s3;
	s16 =	simm.s32 $0x140A0  }
0x6cc: {  	[hbm4b:s15+s0] =	stream.linear.scatter [tilespmem:s16], [sflag:$0x4], $0x80, $0x38;
	[tilespmem:$0x19080] =	vst v63  }
0x6cd: {  	s30 =	sadd.s32 $0x30, s3;
	s31 =	simm.s32 $0x14130  }
0x6ce: {  	[hbm4b:s30+s0] =	stream.linear.scatter [tilespmem:s31], [sflag:$0x4], $0x80, $0x38;
	[tilespmem:$0x19080] =	vst v63  }
0x6cf: {  	s5 =	sadd.s32 $0x40, s3;
	s6 =	simm.s32 $0x141C0  }
0x6d0: {  	[hbm4b:s5+s0] =	stream.linear.scatter [tilespmem:s6], [sflag:$0x4], $0x80, $0x38;
	[tilespmem:$0x19080] =	vst v63  }
0x6d1: {  	s15 =	sadd.s32 $0x50, s3;
	s16 =	simm.s32 $0x14250  }
0x6d2: {  	[hbm4b:s15+s0] =	stream.linear.scatter [tilespmem:s16], [sflag:$0x4], $0x80, $0x38;
	[tilespmem:$0x19080] =	vst v63  }
0x6d3: {  	s30 =	sadd.s32 $0x60, s3;
	s31 =	simm.s32 $0x142E0  }
0x6d4: {  	[hbm4b:s30+s0] =	stream.linear.scatter [tilespmem:s31], [sflag:$0x4], $0x80, $0x38;
	[tilespmem:$0x19080] =	vst v63  }
0x6d5: {  	s3 =	sadd.s32 $0x70, s3;
	s5 =	simm.s32 $0x14370  }
0x6d6: {  	[hbm4b:s3+s0] =	stream.linear.scatter [tilespmem:s5], [sflag:$0x4], $0x80, $0x38;
	[tilespmem:$0x19080] =	vst v63  }
0x6d7: {  	s6 =	simm.s32 $0x14400;
	s3 =	rddreg [dreg:$0x12]  }
0x6d8: {  	[hbm4b:s3+s0] =	stream.linear.scatter [tilespmem:s6], [sflag:$0x4], $0x80, $0x38;
	[tilespmem:$0x19080] =	vst v63  }
0x6d9: {  	s16 =	simm.s32 $0x14490;
	s15 =	sadd.s32 $0x10, s3  }
0x6da: {  	[hbm4b:s15+s0] =	stream.linear.scatter [tilespmem:s16], [sflag:$0x4], $0x80, $0x38;
	[tilespmem:$0x19080] =	vst v63  }
0x6db: {  	s31 =	simm.s32 $0x14520;
	s30 =	sadd.s32 $0x20, s3  }
0x6dc: {  	[hbm4b:s30+s0] =	stream.linear.scatter [tilespmem:s31], [sflag:$0x4], $0x80, $0x38;
	[tilespmem:$0x19080] =	vst v63  }
0x6dd: {  	s5 =	sadd.s32 $0x30, s3;
	s6 =	simm.s32 $0x145B0  }
0x6de: {  	[hbm4b:s5+s0] =	stream.linear.scatter [tilespmem:s6], [sflag:$0x4], $0x80, $0x38;
	[tilespmem:$0x19080] =	vst v63  }
0x6df: {  	s15 =	sadd.s32 $0x40, s3;
	s16 =	simm.s32 $0x14640  }
0x6e0: {  	[hbm4b:s15+s0] =	stream.linear.scatter [tilespmem:s16], [sflag:$0x4], $0x80, $0x38;
	[tilespmem:$0x19080] =	vst v63  }
0x6e1: {  	s30 =	sadd.s32 $0x50, s3;
	s31 =	simm.s32 $0x146D0  }
0x6e2: {  	[hbm4b:s30+s0] =	stream.linear.scatter [tilespmem:s31], [sflag:$0x4], $0x80, $0x38;
	[tilespmem:$0x19080] =	vst v63  }
0x6e3: {  	s6 =	sadd.s32 $0x60, s3;
	s15 =	simm.s32 $0x14760  }
0x6e4: {  	[hbm4b:s6+s0] =	stream.linear.scatter [tilespmem:s15], [sflag:$0x4], $0x80, $0x38;
	[tilespmem:$0x19080] =	vst v63  }
0x6e5: {  	s16 =	sadd.s32 $0x70, s3;
	s30 =	simm.s32 $0x147F0;
	s31 =	simm.s32 $0x6  }
0x6e6: {  	[hbm4b:s16+s0] =	stream.linear.scatter [tilespmem:s30], [sflag:$0x4], $0x80, $0x38;
	[tilespmem:$0x19080] =	vst v63  }
0x6e7: {  	_ =	swait.ge [sflag:s31], $0x400  }
0x6e8: {  	[sflag:s31] =	ssyncset.done $0x0  }
0x6e9: {  	[sflag:s31] =	ssyncadd.s32 $0xFFFFFC00  }
0x6ea: {  	_ =	swait.ge [sflag:s31], $0x400  }
0x6eb: {  	[sflag:s31] =	ssyncset.done $0x0  }
0x6ec: {  	[sflag:s31] =	ssyncadd.s32 $0xFFFFFC00  }
0x6ed: {  	_ =	swait.ge [sflag:s31], $0x400  }
0x6ee: {  	[sflag:s31] =	ssyncset.done $0x0  }
0x6ef: {  	[sflag:s31] =	ssyncadd.s32 $0xFFFFFC00  }
0x6f0: {  	_ =	swait.ge [sflag:s31], $0x400  }
0x6f1: {  	[sflag:s31] =	ssyncset.done $0x0  }
0x6f2: {  	[sflag:s31] =	ssyncadd.s32 $0xFFFFFC00  }
0x6f3: {  	_ =	swait.ge [sflag:s31], $0x400  }
0x6f4: {  	[sflag:s31] =	ssyncset.done $0x0  }
0x6f5: {  	[sflag:s31] =	ssyncadd.s32 $0xFFFFFC00  }
0x6f6: {  	_ =	swait.ge [sflag:s31], $0x400  }
0x6f7: {  	[sflag:s31] =	ssyncset.done $0x0  }
0x6f8: {  	[sflag:s31] =	ssyncadd.s32 $0xFFFFFC00  }
0x6f9: {  	_ =	swait.ge [sflag:s31], $0x400  }
0x6fa: {  	[sflag:s31] =	ssyncset.done $0x0  }
0x6fb: {  	[sflag:s31] =	ssyncadd.s32 $0xFFFFFC00  }
0x6fc: {  	_ =	swait.ge [sflag:s31], $0x400  }
0x6fd: {  	[sflag:s31] =	ssyncset.done $0x0  }
0x6fe: {  	[sflag:s31] =	ssyncadd.s32 $0xFFFFFC00  }
0x6ff: {  	_ =	swait.ge [sflag:s14], $0x2000  }
0x700: {  	[sflag:s14] =	ssyncset.done $0x0  }
0x701: {  	[sflag:s14] =	ssyncadd.s32 $0xFFFFE000  }
0x702: {  	_ =	swait.ge [sflag:s14], $0x2000  }
0x703: {  	[sflag:s14] =	ssyncset.done $0x0  }
0x704: {  	[sflag:s14] =	ssyncadd.s32 $0xFFFFE000  }
0x705: {  	_ =	swait.ge [sflag:s14], $0x2000  }
0x706: {  	[sflag:s14] =	ssyncset.done $0x0  }
0x707: {  	[sflag:s14] =	ssyncadd.s32 $0xFFFFE000  }
.LBB2_12:
0x708: {  	s5 =	sshll.u32 s0, $0x6  }
0x709: {  	v0 =	vmov s0;
	v2 =	vld [tilespmem:s5+$0x6480]  }
0x70a: {  	s3 =	sor.u32 $0x1, s0;
	v3 =	vld [tilespmem:s5+$0x8480];
	v0 =	vshrl.u32 v0, $0x3  }
0x70b: {  	v4 =	vld [tilespmem:s5+$0xA480];
	s1 =	sshll.u32 s3, $0x6;
	v0 =	vshll.u32 v0, v1  }
0x70c: {  	v5 =	vld [tilespmem:s1+$0x6480];
	v33 =	vbroadcast v0, $0x0;
	v0 =	vmov s3  }
0x70d: {  	v6 =	vld [tilespmem:s1+$0x8480];
	v0 =	vshrl.u32 v0, $0x3  }
0x70e: {  	v7 =	vadd.s32 v13, v33;
	v0 =	vshll.u32 v0, v1  }
0x70f: {  	v2 =	vadd.f32 v3, v2;
	v3 =	vld [tilespmem:s1+$0xA480];
	v34 =	vbroadcast v0, $0x0;
	_ =	sdelay $0x1  }
0x710: {  	v0 =	vadd.f32 v4, v2;
	v2 =	vadd.s32 v16, v34  }
0x711: {  	v48 =	vadd.f32 v6, v5  }
0x712: {  	[tilespmem:v7+s22+$0x0] =	vst.idx.msk $0xffff, v0  }
0x713: {  	v0 =	vld [tilespmem:s5+$0x6490];
	v3 =	vadd.f32 v3, v48  }
0x714: {  	v49 =	vld [tilespmem:s5+$0x8490]  }
0x715: {  	v50 =	vld [tilespmem:s5+$0xA490];
	[tilespmem:v2+s22+$0x0] =	vst.idx.msk $0xffff, v3  }
0x716: {  	v2 =	vld [tilespmem:s1+$0x6490]  }
0x717: {  	v3 =	vld [tilespmem:s1+$0x8490]  }
0x718: {  	v51 =	vadd.s32 v14, v33  }
0x719: {  	v53 =	vld [tilespmem:s1+$0xA490];
	v0 =	vadd.f32 v49, v0  }
0x71a: {  	s6 =	sor.u32 $0x2, s0  }
0x71b: {  	s15 =	sshll.u32 s6, $0x6;
	v54 =	vadd.s32 v17, v34;
	v0 =	vadd.f32 v50, v0  }
0x71c: {  	v8 =	vld [tilespmem:s15+$0x6480];
	v2 =	vadd.f32 v3, v2  }
0x71d: {  	v10 =	vld [tilespmem:s15+$0x8480];
	[tilespmem:v51+s22+$0x0] =	vst.idx.msk $0xffff, v0  }
0x71e: {  	v0 =	vld [tilespmem:s5+$0x64A0];
	v2 =	vadd.f32 v53, v2  }
0x71f: {  	v3 =	vld [tilespmem:s5+$0x84A0]  }
0x720: {  	v55 =	vld [tilespmem:s5+$0xA4A0];
	[tilespmem:v54+s22+$0x0] =	vst.idx.msk $0xffff, v2  }
0x721: {  	v57 =	vmov s6;
	s6 =	sor.u32 $0x3, s0;
	v2 =	vld [tilespmem:s1+$0x64A0]  }
0x722: {  	s3 =	sshll.u32 s6, $0x6;
	v5 =	vld [tilespmem:s1+$0x84A0]  }
0x723: {  	v11 =	vld [tilespmem:s3+$0x6480];
	v9 =	vadd.s32 v15, v33;
	v7 =	vshrl.u32 v57, $0x3  }
0x724: {  	v7 =	vshll.u32 v7, v1;
	v56 =	vld [tilespmem:s1+$0xA4A0];
	v0 =	vadd.f32 v3, v0  }
0x725: {  	v58 =	vmov s6;
	v35 =	vbroadcast v7, $0x0;
	v3 =	vld [tilespmem:s15+$0xA480]  }
0x726: {  	s16 =	sor.u32 $0x4, s0;
	v12 =	vld [tilespmem:s3+$0x8480];
	v61 =	vadd.s32 v18, v34;
	v7 =	vshrl.u32 v58, $0x3;
	v0 =	vadd.f32 v55, v0  }
0x727: {  	s30 =	sshll.u32 s16, $0x6;
	v44 =	vld [tilespmem:s3+$0xA480];
	v7 =	vshll.u32 v7, v1;
	v63 =	vadd.s32 v19, v35;
	v2 =	vadd.f32 v5, v2  }
0x728: {  	v36 =	vbroadcast v7, $0x0;
	v49 =	vld [tilespmem:s30+$0x6480];
	[tilespmem:v9+s22+$0x0] =	vst.idx.msk $0xffff, v0;
	v0 =	vadd.f32 v10, v8  }
0x729: {  	v50 =	vld [tilespmem:s30+$0x8480];
	v2 =	vadd.f32 v56, v2  }
0x72a: {  	v39 =	vld [tilespmem:s5+$0x64B0];
	v0 =	vadd.f32 v3, v0;
	v3 =	vadd.s32 v22, v36  }
0x72b: {  	v40 =	vld [tilespmem:s5+$0x84B0];
	[tilespmem:v61+s22+$0x0] =	vst.idx.msk $0xffff, v2;
	v2 =	vadd.f32 v12, v11  }
0x72c: {  	v38 =	vld [tilespmem:s5+$0xA4B0];
	[tilespmem:v63+s22+$0x0] =	vst.idx.msk $0xffff, v0  }
0x72d: {  	v0 =	vld [tilespmem:s15+$0x6490];
	v2 =	vadd.f32 v44, v2  }
0x72e: {  	v45 =	vld [tilespmem:s15+$0x8490]  }
0x72f: {  	v5 =	vld [tilespmem:s15+$0xA490];
	[tilespmem:v3+s22+$0x0] =	vst.idx.msk $0xffff, v2  }
0x730: {  	v2 =	vld [tilespmem:s3+$0x6490]  }
0x731: {  	v3 =	vld [tilespmem:s3+$0x8490]  }
0x732: {  	v46 =	vadd.s32 v20, v35;
	v41 =	vld [tilespmem:s1+$0x64B0]  }
0x733: {  	v48 =	vmov s16;
	v47 =	vld [tilespmem:s3+$0xA490];
	v0 =	vadd.f32 v45, v0  }
0x734: {  	v4 =	vshrl.u32 v48, $0x3;
	v42 =	vld [tilespmem:s1+$0x84B0]  }
0x735: {  	s31 =	sor.u32 $0x5, s0;
	v4 =	vshll.u32 v4, v1;
	v51 =	vadd.s32 v23, v36;
	v43 =	vld [tilespmem:s1+$0xA4B0];
	v0 =	vadd.f32 v5, v0  }
0x736: {  	v37 =	vbroadcast v4, $0x0;
	s5 =	sshll.u32 s31, $0x6;
	v2 =	vadd.f32 v3, v2;
	v3 =	vld [tilespmem:s30+$0xA480]  }
0x737: {  	v63 =	vld [tilespmem:s5+$0x6480];
	[tilespmem:v46+s22+$0x0] =	vst.idx.msk $0xffff, v0  }
0x738: {  	v4 =	vadd.s32 v25, v37;
	v0 =	vld [tilespmem:s15+$0x64A0];
	v2 =	vadd.f32 v47, v2  }
0x739: {  	v53 =	vadd.f32 v50, v49;
	v6 =	vld [tilespmem:s15+$0x84A0]  }
0x73a: {  	v54 =	vld [tilespmem:s15+$0xA4A0];
	[tilespmem:v51+s22+$0x0] =	vst.idx.msk $0xffff, v2  }
0x73b: {  	v2 =	vld [tilespmem:s3+$0x64A0];
	v3 =	vadd.f32 v3, v53  }
0x73c: {  	v5 =	vld [tilespmem:s3+$0x84A0]  }
0x73d: {  	v55 =	vadd.s32 v21, v35;
	v56 =	vld [tilespmem:s3+$0xA4A0];
	[tilespmem:v4+s22+$0x0] =	vst.idx.msk $0xffff, v3  }
0x73e: {  	v0 =	vadd.f32 v6, v0;
	v3 =	vld [tilespmem:s30+$0x6490]  }
0x73f: {  	v4 =	vld [tilespmem:s30+$0x8490]  }
0x740: {  	v57 =	vld [tilespmem:s30+$0xA490];
	v0 =	vadd.f32 v54, v0  }
0x741: {  	v54 =	vadd.s32 v27, v37;
	v27 =	vld [tilespmem:$0x1FF10]  }
0x742: {  	[tilespmem:v55+s22+$0x0] =	vst.idx.msk $0xffff, v0;
	v0 =	vadd.f32 v5, v2;
	v2 =	vld [tilespmem:s5+$0x8480]  }
0x743: {  	v55 =	vld [tilespmem:s5+$0xA480]  }
0x744: {  	v45 =	vld [tilespmem:s15+$0x64B0]  }
0x745: {  	s16 =	sor.u32 $0x6, s0;
	v58 =	vadd.s32 v24, v36;
	v61 =	vmov s31;
	v49 =	vld [tilespmem:s15+$0x84B0]  }
0x746: {  	v53 =	vshrl.u32 v61, $0x3;
	v47 =	vld [tilespmem:s15+$0xA4B0];
	s15 =	sshll.u32 s16, $0x6  }
0x747: {  	v61 =	vmov s16;
	v5 =	vshll.u32 v53, v1;
	s16 =	sor.u32 $0x7, s0;
	v53 =	vld [tilespmem:s15+$0x8480]  }
0x748: {  	v44 =	vbroadcast v5, $0x0;
	v0 =	vadd.f32 v56, v0;
	v3 =	vadd.f32 v4, v3;
	v4 =	vld [tilespmem:s15+$0xA480];
	s1 =	sshll.u32 s16, $0x6  }
0x749: {  	v11 =	vld [tilespmem:s1+$0x6480]  }
0x74a: {  	v12 =	vld [tilespmem:s1+$0x8480];
	[tilespmem:v58+s22+$0x0] =	vst.idx.msk $0xffff, v0;
	v0 =	vadd.f32 v57, v3;
	v3 =	vadd.s32 v28, v44  }
0x74b: {  	v50 =	vld [tilespmem:s3+$0x64B0];
	v2 =	vadd.f32 v2, v63  }
0x74c: {  	v51 =	vld [tilespmem:s3+$0x84B0];
	[tilespmem:v54+s22+$0x0] =	vst.idx.msk $0xffff, v0  }
0x74d: {  	v0 =	vld [tilespmem:s30+$0x64A0];
	v2 =	vadd.f32 v55, v2  }
0x74e: {  	v56 =	vld [tilespmem:s30+$0x84A0]  }
0x74f: {  	v57 =	vld [tilespmem:s30+$0xA4A0];
	[tilespmem:v3+s22+$0x0] =	vst.idx.msk $0xffff, v2  }
0x750: {  	v2 =	vld [tilespmem:s5+$0x6490]  }
0x751: {  	v3 =	vld [tilespmem:s5+$0x8490]  }
0x752: {  	v46 =	vadd.s32 v26, v37;
	v7 =	vshrl.u32 v61, $0x3;
	v63 =	vld [tilespmem:s15+$0x6480]  }
0x753: {  	v7 =	vshll.u32 v7, v1;
	v58 =	vmov s16;
	v6 =	vld [tilespmem:s5+$0xA490];
	v0 =	vadd.f32 v56, v0  }
0x754: {  	v48 =	vbroadcast v7, $0x0;
	v7 =	vshrl.u32 v58, $0x3;
	v58 =	vld [tilespmem:$0x1FF90]  }
0x755: {  	v61 =	vadd.s32 v29, v44;
	v54 =	vld [tilespmem:$0x1FFD0];
	v0 =	vadd.f32 v57, v0  }
0x756: {  	v7 =	vshll.u32 v7, v1;
	v56 =	vld [tilespmem:s3+$0xA4B0];
	v2 =	vadd.f32 v3, v2;
	v3 =	vadd.s32 v31, v48  }
0x757: {  	[tilespmem:v46+s22+$0x0] =	vst.idx.msk $0xffff, v0;
	v0 =	vadd.f32 v53, v63;
	v63 =	vld [tilespmem:s1+$0xA480];
	v46 =	vbroadcast v7, $0x0  }
0x758: {  	v53 =	vld [tilespmem:s30+$0x64B0];
	v2 =	vadd.f32 v6, v2  }
0x759: {  	v55 =	vld [tilespmem:s30+$0x84B0];
	v0 =	vadd.f32 v4, v0;
	v10 =	vadd.s32 v52, v46  }
0x75a: {  	v52 =	vld [tilespmem:s30+$0xA4B0];
	[tilespmem:v61+s22+$0x0] =	vst.idx.msk $0xffff, v2;
	v2 =	vadd.f32 v12, v11  }
0x75b: {  	v5 =	vld [tilespmem:s5+$0x64A0];
	[tilespmem:v3+s22+$0x0] =	vst.idx.msk $0xffff, v0  }
0x75c: {  	v0 =	vld [tilespmem:s15+$0x6490];
	v2 =	vadd.f32 v63, v2  }
0x75d: {  	v3 =	vld [tilespmem:s15+$0x8490]  }
0x75e: {  	v57 =	vld [tilespmem:s15+$0xA490];
	[tilespmem:v10+s22+$0x0] =	vst.idx.msk $0xffff, v2  }
0x75f: {  	s30 =	sor.u32 $0x8, s0;
	v2 =	vld [tilespmem:s1+$0x6490]  }
0x760: {  	s31 =	sshll.u32 s30, $0x6;
	v4 =	vld [tilespmem:s1+$0x8490]  }
0x761: {  	v7 =	vadd.s32 v58, v48;
	v9 =	vld [tilespmem:s31+$0x6480]  }
0x762: {  	v61 =	vld [tilespmem:s1+$0xA490];
	v0 =	vadd.f32 v3, v0  }
0x763: {  	v11 =	vld [tilespmem:s5+$0x84A0];
	v3 =	vmov s30  }
0x764: {  	v6 =	vadd.s32 v54, v46;
	v63 =	vld [tilespmem:s31+$0x8480];
	v3 =	vshrl.u32 v3, $0x3;
	v0 =	vadd.f32 v57, v0  }
0x765: {  	v3 =	vshll.u32 v3, v1;
	v57 =	vld [tilespmem:s31+$0xA480];
	v2 =	vadd.f32 v4, v2  }
0x766: {  	v54 =	vbroadcast v3, $0x0;
	v3 =	vld [tilespmem:s5+$0xA4A0];
	[tilespmem:v7+s22+$0x0] =	vst.idx.msk $0xffff, v0  }
0x767: {  	v0 =	vld [tilespmem:s15+$0x64A0];
	v2 =	vadd.f32 v61, v2  }
0x768: {  	v58 =	vadd.s32 v13, v54;
	v61 =	vld [tilespmem:s15+$0x84A0]  }
0x769: {  	v9 =	vadd.f32 v63, v9;
	v12 =	vld [tilespmem:s15+$0xA4A0];
	[tilespmem:v6+s22+$0x0] =	vst.idx.msk $0xffff, v2  }
0x76a: {  	v2 =	vadd.f32 v11, v5;
	v5 =	vld [tilespmem:s1+$0x64A0]  }
0x76b: {  	s16 =	sor.u32 $0xA, s0;
	v63 =	vadd.s32 v62, v44;
	v4 =	vadd.f32 v57, v9;
	v6 =	vld [tilespmem:s1+$0x84A0]  }
0x76c: {  	s6 =	sshll.u32 s16, $0x6;
	v2 =	vadd.f32 v3, v2;
	v3 =	vld [tilespmem:s1+$0xA4A0]  }
0x76d: {  	[tilespmem:v58+s22+$0x0] =	vst.idx.msk $0xffff, v4;
	v4 =	vadd.s32 v14, v54;
	v14 =	vld [tilespmem:s6+$0xA480]  }
0x76e: {  	v57 =	vadd.s32 v60, v48;
	v7 =	vld [tilespmem:s31+$0x6490]  }
0x76f: {  	v0 =	vadd.f32 v61, v0;
	v58 =	vld [tilespmem:s31+$0x8490]  }
0x770: {  	[tilespmem:v63+s22+$0x0] =	vst.idx.msk $0xffff, v2;
	v10 =	vld [tilespmem:s31+$0xA490]  }
0x771: {  	v62 =	vld [tilespmem:s5+$0x64B0];
	v0 =	vadd.f32 v12, v0  }
0x772: {  	v2 =	vld [tilespmem:s5+$0x84B0]  }
0x773: {  	v60 =	vld [tilespmem:s5+$0xA4B0];
	[tilespmem:v57+s22+$0x0] =	vst.idx.msk $0xffff, v0  }
0x774: {  	v63 =	vld [tilespmem:s15+$0x64B0]  }
0x775: {  	v9 =	vadd.s32 v59, v46;
	v0 =	vld [tilespmem:s15+$0x84B0]  }
0x776: {  	v5 =	vadd.f32 v6, v5;
	v59 =	vld [tilespmem:s15+$0xA4B0];
	s15 =	sor.u32 $0x9, s0  }
0x777: {  	v12 =	vld [tilespmem:s6+$0x8480];
	s5 =	sshll.u32 s15, $0x6  }
0x778: {  	v3 =	vadd.f32 v3, v5;
	v11 =	vadd.f32 v58, v7;
	v7 =	vld [tilespmem:s5+$0x6480]  }
0x779: {  	v8 =	vld [tilespmem:s5+$0x8480]  }
0x77a: {  	[tilespmem:v9+s22+$0x0] =	vst.idx.msk $0xffff, v3;
	v9 =	vld [tilespmem:s5+$0xA480];
	v3 =	vadd.f32 v10, v11  }
0x77b: {  	v2 =	vadd.f32 v2, v62;
	v62 =	vld [tilespmem:$0x1FF60]  }
0x77c: {  	v57 =	vld [tilespmem:s1+$0x64B0];
	[tilespmem:v4+s22+$0x0] =	vst.idx.msk $0xffff, v3  }
0x77d: {  	v61 =	vmov s15;
	v3 =	vld [tilespmem:s31+$0x64A0]  }
0x77e: {  	v6 =	vshrl.u32 v61, $0x3;
	v4 =	vld [tilespmem:s31+$0x84A0]  }
0x77f: {  	v58 =	vld [tilespmem:s1+$0x84B0];
	v6 =	vshll.u32 v6, v1  }
0x780: {  	s30 =	sor.u32 $0xB, s0;
	v10 =	vld [tilespmem:s6+$0x6480];
	v61 =	vbroadcast v6, $0x0  }
0x781: {  	s15 =	sshll.u32 s30, $0x6;
	v11 =	vadd.s32 v15, v54;
	v6 =	vmov s16;
	v2 =	vadd.f32 v60, v2;
	v5 =	vld [tilespmem:s31+$0xA4A0]  }
0x782: {  	v15 =	vld [tilespmem:s15+$0x8480];
	v6 =	vshrl.u32 v6, $0x3;
	v0 =	vadd.f32 v0, v63;
	v13 =	vadd.s32 v16, v61  }
0x783: {  	v60 =	vld [tilespmem:$0x1FFA0];
	v4 =	vadd.f32 v4, v3;
	v3 =	vshll.u32 v6, v1;
	v6 =	vadd.f32 v8, v7  }
0x784: {  	v0 =	vadd.f32 v59, v0;
	v59 =	vld [tilespmem:$0x1FFE0];
	v3 =	vbroadcast v3, $0x0  }
0x785: {  	v7 =	vmov s30;
	v8 =	vld [tilespmem:s15+$0x6480];
	v9 =	vadd.f32 v9, v6  }
0x786: {  	v7 =	vshrl.u32 v7, $0x3;
	v4 =	vadd.f32 v5, v4;
	v5 =	vld [tilespmem:s1+$0xA4B0];
	v16 =	vadd.s32 v19, v3  }
0x787: {  	v6 =	vshll.u32 v7, v1;
	v7 =	vadd.f32 v12, v10;
	v10 =	vld [tilespmem:s15+$0xA480];
	[tilespmem:v13+s22+$0x0] =	vst.idx.msk $0xffff, v9  }
0x788: {  	[tilespmem:v11+s22+$0x0] =	vst.idx.msk $0xffff, v4;
	v4 =	vbroadcast v6, $0x0;
	v9 =	vld [tilespmem:s5+$0x6490]  }
0x789: {  	v7 =	vadd.f32 v14, v7;
	v12 =	vld [tilespmem:s5+$0x8490]  }
0x78a: {  	v6 =	vld [tilespmem:s31+$0x64B0];
	v11 =	vadd.s32 v22, v4  }
0x78b: {  	v8 =	vadd.f32 v15, v8;
	v13 =	vld [tilespmem:s5+$0xA490];
	[tilespmem:v16+s22+$0x0] =	vst.idx.msk $0xffff, v7  }
0x78c: {  	v7 =	vld [tilespmem:s6+$0x6490]  }
0x78d: {  	v14 =	vadd.s32 v17, v61;
	v8 =	vadd.f32 v10, v8;
	v10 =	vld [tilespmem:s6+$0x8490]  }
0x78e: {  	v15 =	vld [tilespmem:s6+$0xA490];
	v9 =	vadd.f32 v12, v9  }
0x78f: {  	[tilespmem:v11+s22+$0x0] =	vst.idx.msk $0xffff, v8;
	v8 =	vld [tilespmem:s31+$0x84B0]  }
0x790: {  	v11 =	vld [tilespmem:s15+$0x6490];
	v9 =	vadd.f32 v13, v9  }
0x791: {  	v12 =	vld [tilespmem:s15+$0x8490];
	v13 =	vadd.s32 v20, v3  }
0x792: {  	v16 =	vld [tilespmem:s15+$0xA490];
	v10 =	vadd.f32 v10, v7;
	[tilespmem:v14+s22+$0x0] =	vst.idx.msk $0xffff, v9  }
0x793: {  	v9 =	vld [tilespmem:s5+$0x64A0]  }
0x794: {  	v10 =	vadd.f32 v15, v10;
	v15 =	vld [tilespmem:s5+$0x84A0]  }
0x795: {  	v7 =	vld [tilespmem:s31+$0xA4B0]  }
0x796: {  	v14 =	vadd.s32 v23, v4;
	v11 =	vadd.f32 v12, v11;
	v12 =	vld [tilespmem:s5+$0xA4A0];
	[tilespmem:v13+s22+$0x0] =	vst.idx.msk $0xffff, v10  }
0x797: {  	s31 =	sor.u32 $0xC, s0;
	v10 =	vld [tilespmem:s6+$0x64A0]  }
0x798: {  	s1 =	sshll.u32 s31, $0x6;
	v11 =	vadd.f32 v16, v11;
	v13 =	vld [tilespmem:s6+$0x84A0];
	v16 =	vadd.s32 v18, v61  }
0x799: {  	v19 =	vld [tilespmem:s1+$0x6480];
	v9 =	vadd.f32 v15, v9  }
0x79a: {  	v17 =	vld [tilespmem:s6+$0xA4A0]  }
0x79b: {  	v18 =	vadd.s32 v21, v3;
	v21 =	vld [tilespmem:s1+$0xA480];
	[tilespmem:v14+s22+$0x0] =	vst.idx.msk $0xffff, v11;
	v9 =	vadd.f32 v12, v9  }
0x79c: {  	v15 =	vmov s31;
	v11 =	vld [tilespmem:s15+$0x64A0]  }
0x79d: {  	s30 =	sor.u32 $0xE, s0;
	v15 =	vshrl.u32 v15, $0x3;
	[tilespmem:v16+s22+$0x0] =	vst.idx.msk $0xffff, v9;
	v9 =	vadd.f32 v13, v10;
	v13 =	vld [tilespmem:s1+$0x8480]  }
0x79e: {  	s31 =	sshll.u32 s30, $0x6;
	v14 =	vld [tilespmem:s15+$0x84A0];
	v15 =	vshll.u32 v15, v1  }
0x79f: {  	v26 =	vld [tilespmem:s31+$0x6480];
	v16 =	vadd.f32 v17, v9;
	v9 =	vbroadcast v15, $0x0  }
0x7a0: {  	v28 =	vld [tilespmem:s31+$0x8480]  }
0x7a1: {  	v12 =	vld [tilespmem:s15+$0xA4A0];
	[tilespmem:v18+s22+$0x0] =	vst.idx.msk $0xffff, v16;
	v18 =	vadd.s32 v25, v9  }
0x7a2: {  	v30 =	vld [tilespmem:s31+$0xA480];
	v13 =	vadd.f32 v13, v19  }
0x7a3: {  	v20 =	vadd.s32 v24, v4;
	v10 =	vld [tilespmem:s5+$0x64B0]  }
0x7a4: {  	v15 =	vld [tilespmem:s5+$0x84B0];
	v14 =	vadd.f32 v14, v11;
	v19 =	vadd.f32 v21, v13  }
0x7a5: {  	v11 =	vld [tilespmem:s5+$0xA4B0]  }
0x7a6: {  	v12 =	vadd.f32 v12, v14;
	v16 =	vld [tilespmem:s6+$0x64B0];
	[tilespmem:v18+s22+$0x0] =	vst.idx.msk $0xffff, v19  }
0x7a7: {  	v19 =	vld [tilespmem:s1+$0x6490]  }
0x7a8: {  	[tilespmem:v20+s22+$0x0] =	vst.idx.msk $0xffff, v12;
	v20 =	vld [tilespmem:s1+$0x8490]  }
0x7a9: {  	s16 =	sor.u32 $0xD, s0;
	v17 =	vld [tilespmem:s6+$0x84B0]  }
0x7aa: {  	v14 =	vld [tilespmem:s6+$0xA4B0];
	s6 =	sshll.u32 s16, $0x6  }
0x7ab: {  	v22 =	vld [tilespmem:s6+$0x6480]  }
0x7ac: {  	v23 =	vld [tilespmem:s6+$0x8480]  }
0x7ad: {  	v18 =	vmov s16;
	v20 =	vadd.f32 v20, v19;
	v19 =	vld [tilespmem:$0x1FF40]  }
0x7ae: {  	v21 =	vld [tilespmem:s1+$0xA490];
	v18 =	vshrl.u32 v18, $0x3  }
0x7af: {  	v24 =	vld [tilespmem:s6+$0xA480];
	v18 =	vshll.u32 v18, v1  }
0x7b0: {  	v27 =	vadd.s32 v27, v9;
	v12 =	vld [tilespmem:s15+$0x64B0];
	v18 =	vbroadcast v18, $0x0  }
0x7b1: {  	s5 =	sor.u32 $0xF, s0;
	v13 =	vld [tilespmem:s15+$0x84B0]  }
0x7b2: {  	v25 =	vmov s30;
	s30 =	sshll.u32 s5, $0x6;
	v31 =	vld [tilespmem:s15+$0xA4B0];
	v29 =	vadd.s32 v19, v18  }
0x7b3: {  	v25 =	vshrl.u32 v25, $0x3;
	v22 =	vadd.f32 v23, v22;
	v23 =	vld [tilespmem:s30+$0x6480];
	v20 =	vadd.f32 v21, v20  }
0x7b4: {  	v21 =	vld [tilespmem:s30+$0x8480];
	v19 =	vshll.u32 v25, v1  }
0x7b5: {  	v22 =	vadd.f32 v24, v22;
	[tilespmem:v27+s22+$0x0] =	vst.idx.msk $0xffff, v20;
	v20 =	vadd.f32 v28, v26;
	v26 =	vld [tilespmem:s30+$0xA480];
	v19 =	vbroadcast v19, $0x0  }
0x7b6: {  	v28 =	vld [tilespmem:$0x1FFC0]  }
0x7b7: {  	v25 =	vmov s5;
	v24 =	vadd.s32 v32, v19;
	[tilespmem:v29+s22+$0x0] =	vst.idx.msk $0xffff, v22;
	v22 =	vld [tilespmem:s1+$0x64A0]  }
0x7b8: {  	v25 =	vshrl.u32 v25, $0x3;
	v29 =	vadd.f32 v40, v39;
	v40 =	vld [tilespmem:$0x1FEB0]  }
0x7b9: {  	v25 =	vshll.u32 v25, v1;
	v39 =	vld [tilespmem:$0x1FE70]  }
0x7ba: {  	v20 =	vadd.f32 v30, v20;
	v25 =	vbroadcast v25, $0x0;
	v27 =	vld [tilespmem:s6+$0x6490]  }
0x7bb: {  	v21 =	vadd.f32 v21, v23;
	v23 =	vld [tilespmem:s6+$0x8490]  }
0x7bc: {  	v28 =	vadd.s32 v28, v25;
	[tilespmem:v24+s22+$0x0] =	vst.idx.msk $0xffff, v20;
	v20 =	vld [tilespmem:s6+$0xA490]  }
0x7bd: {  	v24 =	vld [tilespmem:$0x1FF80]  }
0x7be: {  	v21 =	vadd.f32 v26, v21;
	v26 =	vld [tilespmem:s31+$0x6490]  }
0x7bf: {  	v30 =	vadd.s32 v39, v34;
	v34 =	vadd.f32 v42, v41;
	v42 =	vld [tilespmem:$0x1FF70]  }
0x7c0: {  	v41 =	vld [tilespmem:$0x1FEF0]  }
0x7c1: {  	[tilespmem:v28+s22+$0x0] =	vst.idx.msk $0xffff, v21;
	v21 =	vld [tilespmem:$0x1FF50]  }
0x7c2: {  	v28 =	vld [tilespmem:s31+$0xA490]  }
0x7c3: {  	v34 =	vadd.f32 v43, v34;
	v43 =	vld [tilespmem:$0x1FF90]  }
0x7c4: {  	v23 =	vadd.f32 v23, v27;
	v27 =	vld [tilespmem:s30+$0x6490]  }
0x7c5: {  	v24 =	vadd.s32 v24, v33;
	v33 =	vld [tilespmem:s31+$0x8490]  }
0x7c6: {  	v29 =	vadd.f32 v38, v29;
	v38 =	vld [tilespmem:s30+$0x8490];
	v21 =	vadd.s32 v21, v18  }
0x7c7: {  	v20 =	vadd.f32 v20, v23;
	[tilespmem:v30+s22+$0x0] =	vst.idx.msk $0xffff, v34;
	v30 =	vld [tilespmem:s30+$0xA490]  }
0x7c8: {  	v23 =	vadd.s32 v43, v19;
	v43 =	vadd.f32 v51, v50;
	v51 =	vadd.f32 v17, v16;
	v17 =	vld [tilespmem:$0x1FE50]  }
0x7c9: {  	v16 =	vld [tilespmem:$0x1FE40]  }
0x7ca: {  	[tilespmem:v24+s22+$0x0] =	vst.idx.msk $0xffff, v29;
	v24 =	vld [tilespmem:s1+$0x84A0];
	v29 =	vadd.s32 v40, v35;
	v26 =	vadd.f32 v33, v26  }
0x7cb: {  	v33 =	vld [tilespmem:s1+$0xA4A0];
	[tilespmem:v21+s22+$0x0] =	vst.idx.msk $0xffff, v20;
	v20 =	vadd.f32 v49, v45;
	v21 =	vadd.s32 v41, v36  }
0x7cc: {  	v49 =	vld [tilespmem:$0x1FFD0];
	v26 =	vadd.f32 v28, v26  }
0x7cd: {  	v35 =	vld [tilespmem:s6+$0x64A0];
	v20 =	vadd.f32 v47, v20  }
0x7ce: {  	v50 =	vld [tilespmem:s6+$0x84A0];
	[tilespmem:v23+s22+$0x0] =	vst.idx.msk $0xffff, v26;
	v23 =	vadd.f32 v56, v43  }
0x7cf: {  	v27 =	vadd.f32 v38, v27;
	v22 =	vadd.f32 v24, v22;
	v24 =	vld [tilespmem:s6+$0xA4A0];
	[tilespmem:v29+s22+$0x0] =	vst.idx.msk $0xffff, v20  }
0x7d0: {  	[tilespmem:v21+s22+$0x0] =	vst.idx.msk $0xffff, v23;
	v21 =	vld [tilespmem:$0x1FF30]  }
0x7d1: {  	v20 =	vadd.f32 v30, v27;
	v27 =	vadd.s32 v42, v44;
	v44 =	vld [tilespmem:$0x1FFB0];
	v28 =	vadd.s32 v49, v25  }
0x7d2: {  	v49 =	vld [tilespmem:$0x1FF20]  }
0x7d3: {  	v26 =	vld [tilespmem:s31+$0x64A0]  }
0x7d4: {  	v23 =	vld [tilespmem:s31+$0x84A0]  }
0x7d5: {  	v21 =	vadd.s32 v21, v37;
	v37 =	vld [tilespmem:$0x1FF30]  }
0x7d6: {  	[tilespmem:v28+s22+$0x0] =	vst.idx.msk $0xffff, v20;
	v28 =	vld [tilespmem:s31+$0xA4A0]  }
0x7d7: {  	v30 =	vadd.s32 v44, v48;
	v36 =	vadd.s32 v49, v9;
	v49 =	vld [tilespmem:$0x1FFF0]  }
0x7d8: {  	v20 =	vadd.f32 v55, v53;
	v55 =	vadd.f32 v14, v51;
	v14 =	vld [tilespmem:$0x1FE20]  }
0x7d9: {  	[tilespmem:v27+s22+$0x0] =	vst.idx.msk $0xffff, v2;
	v27 =	vadd.f32 v58, v57;
	v29 =	vld [tilespmem:s30+$0x64A0]  }
0x7da: {  	v3 =	vadd.s32 v40, v3;
	v45 =	vld [tilespmem:s30+$0x84A0]  }
0x7db: {  	v22 =	vadd.f32 v33, v22;
	v5 =	vadd.f32 v5, v27;
	v27 =	vld [tilespmem:$0x1FF10]  }
0x7dc: {  	v20 =	vadd.f32 v52, v20;
	v52 =	vld [tilespmem:$0x1FFC0];
	[tilespmem:v30+s22+$0x0] =	vst.idx.msk $0xffff, v0  }
0x7dd: {  	v30 =	vld [tilespmem:$0x1FF80];
	[tilespmem:v36+s22+$0x0] =	vst.idx.msk $0xffff, v22;
	v22 =	vadd.s32 v62, v18  }
0x7de: {  	v43 =	vadd.f32 v50, v35;
	[tilespmem:v21+s22+$0x0] =	vst.idx.msk $0xffff, v20;
	v21 =	vadd.f32 v23, v26;
	v23 =	vld [tilespmem:s30+$0xA4A0]  }
0x7df: {  	[tilespmem:v3+s22+$0x0] =	vst.idx.msk $0xffff, v55;
	v3 =	vadd.s32 v42, v18;
	v18 =	vld [tilespmem:$0x1FE60]  }
0x7e0: {  	v48 =	vadd.s32 v60, v19;
	v20 =	vadd.f32 v24, v43;
	v47 =	vld [tilespmem:s1+$0x64B0]  }
0x7e1: {  	v2 =	vld [tilespmem:s1+$0x84B0]  }
0x7e2: {  	v24 =	vld [tilespmem:s1+$0xA4B0];
	[tilespmem:v22+s22+$0x0] =	vst.idx.msk $0xffff, v20  }
0x7e3: {  	v20 =	vadd.f32 v28, v21;
	v26 =	vld [tilespmem:s6+$0x64B0]  }
0x7e4: {  	v22 =	vadd.f32 v45, v29;
	v29 =	vld [tilespmem:s6+$0xA4B0]  }
0x7e5: {  	[tilespmem:v48+s22+$0x0] =	vst.idx.msk $0xffff, v20;
	v20 =	vld [tilespmem:s6+$0x84B0]  }
0x7e6: {  	v21 =	vadd.s32 v59, v25;
	v50 =	vadd.f32 v23, v22;
	v23 =	vld [tilespmem:$0x1FED0]  }
0x7e7: {  	v10 =	vadd.f32 v15, v10;
	v28 =	vadd.s32 v30, v54;
	v15 =	vld [tilespmem:s31+$0x64B0]  }
0x7e8: {  	v6 =	vadd.f32 v8, v6;
	v0 =	vadd.s32 v49, v46;
	v2 =	vadd.f32 v2, v47;
	v53 =	vld [tilespmem:s31+$0x84B0]  }
0x7e9: {  	v57 =	vld [tilespmem:s31+$0xA4B0]  }
0x7ea: {  	v6 =	vadd.f32 v7, v6;
	v22 =	vadd.s32 v39, v61;
	v2 =	vadd.f32 v24, v2;
	v24 =	vld [tilespmem:$0x1FEE0]  }
0x7eb: {  	[tilespmem:v21+s22+$0x0] =	vst.idx.msk $0xffff, v50;
	v21 =	vld [tilespmem:$0x1FEA0]  }
0x7ec: {  	[tilespmem:v28+s22+$0x0] =	vst.idx.msk $0xffff, v6;
	v28 =	vld [tilespmem:$0x1FF40]  }
0x7ed: {  	[tilespmem:v0+s22+$0x0] =	vst.idx.msk $0xffff, v5;
	v0 =	vadd.f32 v11, v10;
	v54 =	vld [tilespmem:s30+$0x64B0]  }
0x7ee: {  	v4 =	vadd.s32 v41, v4;
	v56 =	vld [tilespmem:s30+$0x84B0]  }
0x7ef: {  	v9 =	vadd.s32 v37, v9;
	v58 =	vld [tilespmem:s30+$0xA4B0];
	[tilespmem:v22+s22+$0x0] =	vst.idx.msk $0xffff, v0;
	v0 =	vadd.f32 v13, v12  }
0x7f0: {  	v22 =	vld [tilespmem:$0x1FEC0]  }
0x7f1: {  	v61 =	vadd.f32 v20, v26;
	v26 =	vld [tilespmem:$0x1FF20];
	v12 =	vadd.s32 v44, v19;
	v0 =	vadd.f32 v31, v0  }
0x7f2: {  	p0 =	slt.u32 s0, $0x70;
	v20 =	vld [tilespmem:$0x1FE90];
	v13 =	vadd.s32 v49, v25;
	v8 =	vadd.f32 v53, v15  }
.Ltmp5:
0x7f3: {  	v19 =	vld [tilespmem:$0x1FE80];
	[tilespmem:v4+s22+$0x0] =	vst.idx.msk $0xffff, v0;
	v0 =	vadd.f32 v29, v61;
	v63 =	vadd.f32 v56, v54;
	(pc) =	sbr.rel @p0 .LBB2_12-.Ltmp5, $4  }
0x7f4: {  	[tilespmem:v9+s22+$0x0] =	vst.idx.msk $0xffff, v2;
	v25 =	vld [tilespmem:$0x1FF00];
	v2 =	vadd.f32 v57, v8  }
0x7f5: {  	v15 =	vld [tilespmem:$0x1FE30];
	[tilespmem:v3+s22+$0x0] =	vst.idx.msk $0xffff, v0;
	v0 =	vadd.f32 v58, v63  }
0x7f6: {  	s31 =	sadd.s32 $0x10, s0;
	v29 =	vld [tilespmem:$0x1FF50];
	[tilespmem:v12+s22+$0x0] =	vst.idx.msk $0xffff, v2  }
0x7f7: {  	s0 =	smov.u32 s31;
	v31 =	vmov v32;
	[tilespmem:v13+s22+$0x0] =	vst.idx.msk $0xffff, v0;
	v13 =	vld [tilespmem:$0x1FE10]  }
0x7f8: {  	s1 =	rddreg [dreg:$0x13]  }
0x7f9: {  	[hbm4b:s1+s2] =	stream.linear.scatter [tilespmem:s22], [sflag:$0x5], $0x80, $0x38;
	[tilespmem:$0x19080] =	vst v63  }
0x7fa: {  	s3 =	simm.s32 $0x14910;
	s0 =	sadd.s32 $0x10, s1  }
0x7fb: {  	[hbm4b:s0+s2] =	stream.linear.scatter [tilespmem:s3], [sflag:$0x5], $0x80, $0x38;
	[tilespmem:$0x19080] =	vst v63  }
0x7fc: {  	s16 =	simm.s32 $0x149A0;
	s15 =	sadd.s32 $0x20, s1  }
0x7fd: {  	[hbm4b:s15+s2] =	stream.linear.scatter [tilespmem:s16], [sflag:$0x5], $0x80, $0x38;
	[tilespmem:$0x19080] =	vst v63  }
0x7fe: {  	s31 =	simm.s32 $0x14A30;
	s30 =	sadd.s32 $0x30, s1  }
0x7ff: {  	[hbm4b:s30+s2] =	stream.linear.scatter [tilespmem:s31], [sflag:$0x5], $0x80, $0x38;
	[tilespmem:$0x19080] =	vst v63  }
0x800: {  	s6 =	simm.s32 $0x14AC0;
	s5 =	sadd.s32 $0x40, s1  }
0x801: {  	[hbm4b:s5+s2] =	stream.linear.scatter [tilespmem:s6], [sflag:$0x5], $0x80, $0x38;
	[tilespmem:$0x19080] =	vst v63  }
0x802: {  	s15 =	sadd.s32 $0x50, s1;
	s16 =	simm.s32 $0x14B50  }
0x803: {  	[hbm4b:s15+s2] =	stream.linear.scatter [tilespmem:s16], [sflag:$0x5], $0x80, $0x38;
	[tilespmem:$0x19080] =	vst v63  }
0x804: {  	s30 =	sadd.s32 $0x60, s1;
	s31 =	simm.s32 $0x14BE0  }
0x805: {  	[hbm4b:s30+s2] =	stream.linear.scatter [tilespmem:s31], [sflag:$0x5], $0x80, $0x38;
	[tilespmem:$0x19080] =	vst v63  }
0x806: {  	s3 =	sadd.s32 $0x70, s1;
	s5 =	simm.s32 $0x14C70  }
0x807: {  	[hbm4b:s3+s2] =	stream.linear.scatter [tilespmem:s5], [sflag:$0x5], $0x80, $0x38;
	[tilespmem:$0x19080] =	vst v63  }
0x808: {  	s1 =	rddreg [dreg:$0x14];
	s6 =	simm.s32 $0x14D00  }
0x809: {  	[hbm4b:s1+s2] =	stream.linear.scatter [tilespmem:s6], [sflag:$0x5], $0x80, $0x38;
	[tilespmem:$0x19080] =	vst v63  }
0x80a: {  	s15 =	sadd.s32 $0x10, s1;
	s16 =	simm.s32 $0x14D90  }
0x80b: {  	[hbm4b:s15+s2] =	stream.linear.scatter [tilespmem:s16], [sflag:$0x5], $0x80, $0x38;
	[tilespmem:$0x19080] =	vst v63  }
0x80c: {  	s30 =	sadd.s32 $0x20, s1;
	s31 =	simm.s32 $0x14E20  }
0x80d: {  	[hbm4b:s30+s2] =	stream.linear.scatter [tilespmem:s31], [sflag:$0x5], $0x80, $0x38;
	[tilespmem:$0x19080] =	vst v63  }
0x80e: {  	s5 =	sadd.s32 $0x30, s1;
	s6 =	simm.s32 $0x14EB0  }
0x80f: {  	[hbm4b:s5+s2] =	stream.linear.scatter [tilespmem:s6], [sflag:$0x5], $0x80, $0x38;
	[tilespmem:$0x19080] =	vst v63  }
0x810: {  	s15 =	sadd.s32 $0x40, s1;
	s16 =	simm.s32 $0x14F40  }
0x811: {  	[hbm4b:s15+s2] =	stream.linear.scatter [tilespmem:s16], [sflag:$0x5], $0x80, $0x38;
	[tilespmem:$0x19080] =	vst v63  }
0x812: {  	s30 =	sadd.s32 $0x50, s1;
	s31 =	simm.s32 $0x14FD0  }
0x813: {  	[hbm4b:s30+s2] =	stream.linear.scatter [tilespmem:s31], [sflag:$0x5], $0x80, $0x38;
	[tilespmem:$0x19080] =	vst v63  }
0x814: {  	s3 =	sadd.s32 $0x60, s1;
	s5 =	simm.s32 $0x15060  }
0x815: {  	[hbm4b:s3+s2] =	stream.linear.scatter [tilespmem:s5], [sflag:$0x5], $0x80, $0x38;
	[tilespmem:$0x19080] =	vst v63  }
0x816: {  	s6 =	sadd.s32 $0x70, s1;
	s15 =	simm.s32 $0x150F0  }
0x817: {  	[hbm4b:s6+s2] =	stream.linear.scatter [tilespmem:s15], [sflag:$0x5], $0x80, $0x38;
	[tilespmem:$0x19080] =	vst v63  }
0x818: {  	s1 =	rddreg [dreg:$0x15];
	s16 =	simm.s32 $0x15180  }
0x819: {  	[hbm4b:s1+s2] =	stream.linear.scatter [tilespmem:s16], [sflag:$0x5], $0x80, $0x38;
	[tilespmem:$0x19080] =	vst v63  }
0x81a: {  	s30 =	sadd.s32 $0x10, s1;
	s31 =	simm.s32 $0x15210  }
0x81b: {  	[hbm4b:s30+s2] =	stream.linear.scatter [tilespmem:s31], [sflag:$0x5], $0x80, $0x38;
	[tilespmem:$0x19080] =	vst v63  }
0x81c: {  	s5 =	sadd.s32 $0x20, s1;
	s6 =	simm.s32 $0x152A0  }
0x81d: {  	[hbm4b:s5+s2] =	stream.linear.scatter [tilespmem:s6], [sflag:$0x5], $0x80, $0x38;
	[tilespmem:$0x19080] =	vst v63  }
0x81e: {  	s15 =	sadd.s32 $0x30, s1;
	s16 =	simm.s32 $0x15330  }
0x81f: {  	[hbm4b:s15+s2] =	stream.linear.scatter [tilespmem:s16], [sflag:$0x5], $0x80, $0x38;
	[tilespmem:$0x19080] =	vst v63  }
0x820: {  	s30 =	sadd.s32 $0x40, s1;
	s31 =	simm.s32 $0x153C0  }
0x821: {  	[hbm4b:s30+s2] =	stream.linear.scatter [tilespmem:s31], [sflag:$0x5], $0x80, $0x38;
	[tilespmem:$0x19080] =	vst v63  }
0x822: {  	s5 =	sadd.s32 $0x50, s1;
	s6 =	simm.s32 $0x15450  }
0x823: {  	[hbm4b:s5+s2] =	stream.linear.scatter [tilespmem:s6], [sflag:$0x5], $0x80, $0x38;
	[tilespmem:$0x19080] =	vst v63  }
0x824: {  	s15 =	sadd.s32 $0x60, s1;
	s16 =	simm.s32 $0x154E0  }
0x825: {  	[hbm4b:s15+s2] =	stream.linear.scatter [tilespmem:s16], [sflag:$0x5], $0x80, $0x38;
	[tilespmem:$0x19080] =	vst v63  }
0x826: {  	s30 =	sadd.s32 $0x70, s1;
	s31 =	simm.s32 $0x15570  }
0x827: {  	[hbm4b:s30+s2] =	stream.linear.scatter [tilespmem:s31], [sflag:$0x5], $0x80, $0x38;
	[tilespmem:$0x19080] =	vst v63  }
0x828: {  	s3 =	simm.s32 $0x15600;
	s1 =	rddreg [dreg:$0x16]  }
0x829: {  	[hbm4b:s1+s2] =	stream.linear.scatter [tilespmem:s3], [sflag:$0x5], $0x80, $0x38;
	[tilespmem:$0x19080] =	vst v63  }
0x82a: {  	s5 =	sadd.s32 $0x10, s1;
	s6 =	simm.s32 $0x15690  }
0x82b: {  	[hbm4b:s5+s2] =	stream.linear.scatter [tilespmem:s6], [sflag:$0x5], $0x80, $0x38;
	[tilespmem:$0x19080] =	vst v63  }
0x82c: {  	s15 =	sadd.s32 $0x20, s1;
	s16 =	simm.s32 $0x15720  }
0x82d: {  	[hbm4b:s15+s2] =	stream.linear.scatter [tilespmem:s16], [sflag:$0x5], $0x80, $0x38;
	[tilespmem:$0x19080] =	vst v63  }
0x82e: {  	s30 =	sadd.s32 $0x30, s1;
	s31 =	simm.s32 $0x157B0  }
0x82f: {  	[hbm4b:s30+s2] =	stream.linear.scatter [tilespmem:s31], [sflag:$0x5], $0x80, $0x38;
	[tilespmem:$0x19080] =	vst v63  }
0x830: {  	s5 =	sadd.s32 $0x40, s1;
	s6 =	simm.s32 $0x15840  }
0x831: {  	[hbm4b:s5+s2] =	stream.linear.scatter [tilespmem:s6], [sflag:$0x5], $0x80, $0x38;
	[tilespmem:$0x19080] =	vst v63  }
0x832: {  	s15 =	sadd.s32 $0x50, s1;
	s16 =	simm.s32 $0x158D0  }
0x833: {  	[hbm4b:s15+s2] =	stream.linear.scatter [tilespmem:s16], [sflag:$0x5], $0x80, $0x38;
	[tilespmem:$0x19080] =	vst v63  }
0x834: {  	s30 =	sadd.s32 $0x60, s1;
	s31 =	simm.s32 $0x15960  }
0x835: {  	[hbm4b:s30+s2] =	stream.linear.scatter [tilespmem:s31], [sflag:$0x5], $0x80, $0x38;
	[tilespmem:$0x19080] =	vst v63  }
0x836: {  	s3 =	sadd.s32 $0x70, s1;
	s5 =	simm.s32 $0x159F0  }
0x837: {  	[hbm4b:s3+s2] =	stream.linear.scatter [tilespmem:s5], [sflag:$0x5], $0x80, $0x38;
	[tilespmem:$0x19080] =	vst v63  }
0x838: {  	s1 =	rddreg [dreg:$0x17];
	s6 =	simm.s32 $0x15A80  }
0x839: {  	[hbm4b:s1+s2] =	stream.linear.scatter [tilespmem:s6], [sflag:$0x5], $0x80, $0x38;
	[tilespmem:$0x19080] =	vst v63  }
0x83a: {  	s15 =	sadd.s32 $0x10, s1;
	s16 =	simm.s32 $0x15B10  }
0x83b: {  	[hbm4b:s15+s2] =	stream.linear.scatter [tilespmem:s16], [sflag:$0x5], $0x80, $0x38;
	[tilespmem:$0x19080] =	vst v63  }
0x83c: {  	s30 =	sadd.s32 $0x20, s1;
	s31 =	simm.s32 $0x15BA0  }
0x83d: {  	[hbm4b:s30+s2] =	stream.linear.scatter [tilespmem:s31], [sflag:$0x5], $0x80, $0x38;
	[tilespmem:$0x19080] =	vst v63  }
0x83e: {  	s5 =	sadd.s32 $0x30, s1;
	s6 =	simm.s32 $0x15C30  }
0x83f: {  	[hbm4b:s5+s2] =	stream.linear.scatter [tilespmem:s6], [sflag:$0x5], $0x80, $0x38;
	[tilespmem:$0x19080] =	vst v63  }
0x840: {  	s15 =	sadd.s32 $0x40, s1;
	s16 =	simm.s32 $0x15CC0  }
0x841: {  	[hbm4b:s15+s2] =	stream.linear.scatter [tilespmem:s16], [sflag:$0x5], $0x80, $0x38;
	[tilespmem:$0x19080] =	vst v63  }
0x842: {  	s30 =	sadd.s32 $0x50, s1;
	s31 =	simm.s32 $0x15D50  }
0x843: {  	[hbm4b:s30+s2] =	stream.linear.scatter [tilespmem:s31], [sflag:$0x5], $0x80, $0x38;
	[tilespmem:$0x19080] =	vst v63  }
0x844: {  	s3 =	sadd.s32 $0x60, s1;
	s5 =	simm.s32 $0x15DE0  }
0x845: {  	[hbm4b:s3+s2] =	stream.linear.scatter [tilespmem:s5], [sflag:$0x5], $0x80, $0x38;
	[tilespmem:$0x19080] =	vst v63  }
0x846: {  	s6 =	sadd.s32 $0x70, s1;
	s15 =	simm.s32 $0x15E70  }
0x847: {  	[hbm4b:s6+s2] =	stream.linear.scatter [tilespmem:s15], [sflag:$0x5], $0x80, $0x38;
	[tilespmem:$0x19080] =	vst v63  }
0x848: {  	s1 =	rddreg [dreg:$0x18];
	s16 =	simm.s32 $0x15F00  }
0x849: {  	[hbm4b:s1+s2] =	stream.linear.scatter [tilespmem:s16], [sflag:$0x5], $0x80, $0x38;
	[tilespmem:$0x19080] =	vst v63  }
0x84a: {  	s30 =	sadd.s32 $0x10, s1;
	s31 =	simm.s32 $0x15F90  }
0x84b: {  	[hbm4b:s30+s2] =	stream.linear.scatter [tilespmem:s31], [sflag:$0x5], $0x80, $0x38;
	[tilespmem:$0x19080] =	vst v63  }
0x84c: {  	s5 =	sadd.s32 $0x20, s1;
	s6 =	simm.s32 $0x16020  }
0x84d: {  	[hbm4b:s5+s2] =	stream.linear.scatter [tilespmem:s6], [sflag:$0x5], $0x80, $0x38;
	[tilespmem:$0x19080] =	vst v63  }
0x84e: {  	s15 =	sadd.s32 $0x30, s1;
	s16 =	simm.s32 $0x160B0  }
0x84f: {  	[hbm4b:s15+s2] =	stream.linear.scatter [tilespmem:s16], [sflag:$0x5], $0x80, $0x38;
	[tilespmem:$0x19080] =	vst v63  }
0x850: {  	s30 =	sadd.s32 $0x40, s1;
	s31 =	simm.s32 $0x16140  }
0x851: {  	[hbm4b:s30+s2] =	stream.linear.scatter [tilespmem:s31], [sflag:$0x5], $0x80, $0x38;
	[tilespmem:$0x19080] =	vst v63  }
0x852: {  	s5 =	sadd.s32 $0x50, s1;
	s6 =	simm.s32 $0x161D0  }
0x853: {  	[hbm4b:s5+s2] =	stream.linear.scatter [tilespmem:s6], [sflag:$0x5], $0x80, $0x38;
	[tilespmem:$0x19080] =	vst v63  }
0x854: {  	s15 =	sadd.s32 $0x60, s1;
	s16 =	simm.s32 $0x16260  }
0x855: {  	[hbm4b:s15+s2] =	stream.linear.scatter [tilespmem:s16], [sflag:$0x5], $0x80, $0x38;
	[tilespmem:$0x19080] =	vst v63  }
0x856: {  	s30 =	sadd.s32 $0x70, s1;
	s31 =	simm.s32 $0x162F0  }
0x857: {  	[hbm4b:s30+s2] =	stream.linear.scatter [tilespmem:s31], [sflag:$0x5], $0x80, $0x38;
	[tilespmem:$0x19080] =	vst v63  }
0x858: {  	s3 =	simm.s32 $0x16380;
	s1 =	rddreg [dreg:$0x19]  }
0x859: {  	[hbm4b:s1+s2] =	stream.linear.scatter [tilespmem:s3], [sflag:$0x5], $0x80, $0x38;
	[tilespmem:$0x19080] =	vst v63  }
0x85a: {  	s5 =	sadd.s32 $0x10, s1;
	s6 =	simm.s32 $0x16410  }
0x85b: {  	[hbm4b:s5+s2] =	stream.linear.scatter [tilespmem:s6], [sflag:$0x5], $0x80, $0x38;
	[tilespmem:$0x19080] =	vst v63  }
0x85c: {  	s15 =	sadd.s32 $0x20, s1;
	s16 =	simm.s32 $0x164A0  }
0x85d: {  	[hbm4b:s15+s2] =	stream.linear.scatter [tilespmem:s16], [sflag:$0x5], $0x80, $0x38;
	[tilespmem:$0x19080] =	vst v63  }
0x85e: {  	s30 =	sadd.s32 $0x30, s1;
	s31 =	simm.s32 $0x16530  }
0x85f: {  	[hbm4b:s30+s2] =	stream.linear.scatter [tilespmem:s31], [sflag:$0x5], $0x80, $0x38;
	[tilespmem:$0x19080] =	vst v63  }
0x860: {  	s5 =	sadd.s32 $0x40, s1;
	s6 =	simm.s32 $0x165C0  }
0x861: {  	[hbm4b:s5+s2] =	stream.linear.scatter [tilespmem:s6], [sflag:$0x5], $0x80, $0x38;
	[tilespmem:$0x19080] =	vst v63  }
0x862: {  	s15 =	sadd.s32 $0x50, s1;
	s16 =	simm.s32 $0x16650  }
0x863: {  	[hbm4b:s15+s2] =	stream.linear.scatter [tilespmem:s16], [sflag:$0x5], $0x80, $0x38;
	[tilespmem:$0x19080] =	vst v63  }
0x864: {  	s30 =	sadd.s32 $0x60, s1;
	s31 =	simm.s32 $0x166E0  }
0x865: {  	[hbm4b:s30+s2] =	stream.linear.scatter [tilespmem:s31], [sflag:$0x5], $0x80, $0x38;
	[tilespmem:$0x19080] =	vst v63  }
0x866: {  	s3 =	sadd.s32 $0x70, s1;
	s5 =	simm.s32 $0x16770  }
0x867: {  	[hbm4b:s3+s2] =	stream.linear.scatter [tilespmem:s5], [sflag:$0x5], $0x80, $0x38;
	[tilespmem:$0x19080] =	vst v63  }
0x868: {  	s1 =	rddreg [dreg:$0x1a];
	s6 =	simm.s32 $0x16800  }
0x869: {  	[hbm4b:s1+s2] =	stream.linear.scatter [tilespmem:s6], [sflag:$0x5], $0x80, $0x38;
	[tilespmem:$0x19080] =	vst v63  }
0x86a: {  	s15 =	sadd.s32 $0x10, s1;
	s16 =	simm.s32 $0x16890  }
0x86b: {  	[hbm4b:s15+s2] =	stream.linear.scatter [tilespmem:s16], [sflag:$0x5], $0x80, $0x38;
	[tilespmem:$0x19080] =	vst v63  }
0x86c: {  	s30 =	sadd.s32 $0x20, s1;
	s31 =	simm.s32 $0x16920  }
0x86d: {  	[hbm4b:s30+s2] =	stream.linear.scatter [tilespmem:s31], [sflag:$0x5], $0x80, $0x38;
	[tilespmem:$0x19080] =	vst v63  }
0x86e: {  	s5 =	sadd.s32 $0x30, s1;
	s6 =	simm.s32 $0x169B0  }
0x86f: {  	[hbm4b:s5+s2] =	stream.linear.scatter [tilespmem:s6], [sflag:$0x5], $0x80, $0x38;
	[tilespmem:$0x19080] =	vst v63  }
0x870: {  	s15 =	sadd.s32 $0x40, s1;
	s16 =	simm.s32 $0x16A40  }
0x871: {  	[hbm4b:s15+s2] =	stream.linear.scatter [tilespmem:s16], [sflag:$0x5], $0x80, $0x38;
	[tilespmem:$0x19080] =	vst v63  }
0x872: {  	s30 =	sadd.s32 $0x50, s1;
	s31 =	simm.s32 $0x16AD0  }
0x873: {  	[hbm4b:s30+s2] =	stream.linear.scatter [tilespmem:s31], [sflag:$0x5], $0x80, $0x38;
	[tilespmem:$0x19080] =	vst v63  }
0x874: {  	s5 =	sadd.s32 $0x60, s1;
	s6 =	simm.s32 $0x16B60  }
0x875: {  	[hbm4b:s5+s2] =	stream.linear.scatter [tilespmem:s6], [sflag:$0x5], $0x80, $0x38;
	[tilespmem:$0x19080] =	vst v63  }
0x876: {  	s15 =	sadd.s32 $0x70, s1;
	s16 =	simm.s32 $0x16BF0  }
0x877: {  	[hbm4b:s15+s2] =	stream.linear.scatter [tilespmem:s16], [sflag:$0x5], $0x80, $0x38;
	[tilespmem:$0x19080] =	vst v63  }
0x878: {  	_ =	swait.ge [sflag:s29], $0x400  }
0x879: {  	[sflag:s29] =	ssyncset.done $0x0  }
0x87a: {  	[sflag:s29] =	ssyncadd.s32 $0xFFFFFC00  }
0x87b: {  	_ =	swait.ge [sflag:s29], $0x400  }
0x87c: {  	[sflag:s29] =	ssyncset.done $0x0  }
0x87d: {  	[sflag:s29] =	ssyncadd.s32 $0xFFFFFC00  }
0x87e: {  	_ =	swait.ge [sflag:s29], $0x400  }
0x87f: {  	[sflag:s29] =	ssyncset.done $0x0  }
0x880: {  	[sflag:s29] =	ssyncadd.s32 $0xFFFFFC00  }
0x881: {  	_ =	swait.ge [sflag:s29], $0x400  }
0x882: {  	[sflag:s29] =	ssyncset.done $0x0  }
0x883: {  	[sflag:s29] =	ssyncadd.s32 $0xFFFFFC00  }
0x884: {  	_ =	swait.ge [sflag:s29], $0x400  }
0x885: {  	[sflag:s29] =	ssyncset.done $0x0  }
0x886: {  	[sflag:s29] =	ssyncadd.s32 $0xFFFFFC00  }
0x887: {  	_ =	swait.ge [sflag:s29], $0x400  }
0x888: {  	[sflag:s29] =	ssyncset.done $0x0  }
0x889: {  	[sflag:s29] =	ssyncadd.s32 $0xFFFFFC00  }
0x88a: {  	_ =	swait.ge [sflag:s29], $0x400  }
0x88b: {  	[sflag:s29] =	ssyncset.done $0x0  }
0x88c: {  	[sflag:s29] =	ssyncadd.s32 $0xFFFFFC00  }
0x88d: {  	_ =	swait.ge [sflag:s29], $0x400  }
0x88e: {  	[sflag:s29] =	ssyncset.done $0x0  }
0x88f: {  	[sflag:s29] =	ssyncadd.s32 $0xFFFFFC00  }
0x890: {  	_ =	swait.ge [sflag:s24], $0x400  }
0x891: {  	[sflag:s24] =	ssyncset.done $0x0  }
0x892: {  	[sflag:s24] =	ssyncadd.s32 $0xFFFFFC00  }
0x893: {  	_ =	swait.ge [sflag:s24], $0x400  }
0x894: {  	[sflag:s24] =	ssyncset.done $0x0  }
0x895: {  	[sflag:s24] =	ssyncadd.s32 $0xFFFFFC00  }
0x896: {  	_ =	swait.ge [sflag:s24], $0x400  }
0x897: {  	[sflag:s24] =	ssyncset.done $0x0  }
0x898: {  	[sflag:s24] =	ssyncadd.s32 $0xFFFFFC00  }
0x899: {  	_ =	swait.ge [sflag:s24], $0x400  }
0x89a: {  	[sflag:s24] =	ssyncset.done $0x0  }
0x89b: {  	[sflag:s24] =	ssyncadd.s32 $0xFFFFFC00  }
0x89c: {  	_ =	swait.ge [sflag:s24], $0x400  }
0x89d: {  	[sflag:s24] =	ssyncset.done $0x0  }
0x89e: {  	[sflag:s24] =	ssyncadd.s32 $0xFFFFFC00  }
0x89f: {  	_ =	swait.ge [sflag:s24], $0x400  }
0x8a0: {  	[sflag:s24] =	ssyncset.done $0x0  }
0x8a1: {  	[sflag:s24] =	ssyncadd.s32 $0xFFFFFC00  }
0x8a2: {  	_ =	swait.ge [sflag:s24], $0x400  }
0x8a3: {  	[sflag:s24] =	ssyncset.done $0x0  }
0x8a4: {  	[sflag:s24] =	ssyncadd.s32 $0xFFFFFC00  }
0x8a5: {  	_ =	swait.ge [sflag:s24], $0x400  }
0x8a6: {  	s30 =	sld [smem:$0x7F9];
	_ =	sdelay $0x2  }
0x8a7: {  	s31 =	rddreg [dreg:$0x1b];
	s1 =	sadd.s32 $0x1, s30  }
0x8a8: {  	p0 =	sne.s32 s1, s31  }
.Ltmp6:
0x8a9: {  	_ = 	snop;
	(pc) =	sbr.rel @p0 .LBB2_1-.Ltmp6, $3  }
0x8aa: {  	_ =	sdelay $0x1  }
0x8ab: {  	[sflag:s24] =	ssyncset.done $0x0  }
0x8ac: {  	s16 =	simm.s32 $0x200;
	[sflag:s24] =	ssyncadd.s32 $0xFFFFFC00  }
0x8ad: {  	_ =	sfence.sel $0x180000  }
0x8ae: {  	[bflag:$0x0] =	sbarrier.arrive $0xFFFF  }
0x8af: {  	_ =	strace $0x90000047  }
0x8b0: {  	s0 =	stileid.u32;
	[bflag:$0x2] =	sbarrier.arrive $0xFFFF  }
0x8b1: {  	p0 =	sne.s32 s0, $0x0;
	s0 =	rddreg [dreg:$0x2]  }
0x8b2: {  	s0 =	sadd.s32 @!p0 $0x100000, s0  }
0x8b3: {  	[sflag:s0] =	ssyncadd.tile.s32 @!p0 $0x1;
	_ =	shalt  }
.Lfunc_end2:
_tile_overlayer_lowered:
.L_overlay_start_2:
0x8b4: {  	(tag) =	ssettag $0x2  }
0x8b5: {  	s0 =	rddreg [dreg:$0x0];
	s2 =	stileid.u32  }
0x8b6: {  	s1 =	rddreg [dreg:$0x1];
	p0 =	sne.s32 s2, $0x0  }
0x8b7: {  	s3 =	rddreg [dreg:$0x2];
	[bflag:$0x3] =	sbarrier.arrive $0xFFFF;
	s2 =	simm.s32 @!p0 $0x1C0A  }
0x8b8: {  	[timem:s3], [sflag:s2] =	dma.local @!p0 [hbm:s0], s1  }
0x8b9: {  	s0 =	simm.s32 @!p0 $0xA  }
0x8ba: {  	_ =	swait.ge @!p0 [sflag:s0], s1  }
0x8bb: {  	s1 =	ssub.s32 @!p0 $0x0, s1;
	[sflag:s0] =	ssyncset.done @!p0 $0x0  }
0x8bc: {  	[sflag:s0] =	ssyncadd.s32 @!p0 s1  }
0x8bd: {  	[bflag:$0x3] =	sbarrier.arrive $0xFFFF  }
0x8be: {  	_ =	shalt  }

</sc_bundles>
